<compile_context>
chip_gen: v7x
topology: tpu7x:2x2x1
jax: 0.10.2.dev20260603
libtpu: 0.0.44.dev20260713+nightly
codegen_flags: <defaults>
</compile_context>

<pallas_src>
import functools
import jax
import jax.numpy as jnp
from jax import lax
from jax.experimental import pallas as pl
from jax.experimental.pallas import tpu as pltpu, tpu_sc as plsc

N = 10000
K = 32
C = 16
E = N * K
D = 16
NW = 32
B_PER_W = E // NW
CH = 2000

NBLK = 25
EB = E // NBLK
SB = EB // 128



def _k1_body(pT_ref, t_ref):
    p0 = pT_ref[0:1, :]
    p1 = pT_ref[1:2, :]
    p2 = pT_ref[2:3, :]

    def norm3(a, b, c):
        inv = 1.0 / jnp.sqrt(a * a + b * b + c * c + 1e-24)
        return a * inv, b * inv, c * inv

    dx = [p0[:, 1:] - p0[:, :-1],
          p1[:, 1:] - p1[:, :-1],
          p2[:, 1:] - p2[:, :-1]]
    U = norm3(*dx)
    u2 = [U[a][:, :-2] for a in range(3)]
    u1 = [U[a][:, 1:-1] for a in range(3)]
    cr = [u2[1] * u1[2] - u2[2] * u1[1],
          u2[2] * u1[0] - u2[0] * u1[2],
          u2[0] * u1[1] - u2[1] * u1[0]]
    n2 = norm3(*cr)
    o1 = norm3(u2[0] - u1[0], u2[1] - u1[1], u2[2] - u1[2])
    o3 = [o1[1] * n2[2] - o1[2] * n2[1],
          o1[2] * n2[0] - o1[0] * n2[2],
          o1[0] * n2[1] - o1[1] * n2[0]]
    rows = list(o1) + list(n2) + o3
    for c in range(9):
        t_ref[c:c + 1, :] = jnp.pad(rows[c], ((0, 0), (1, 2)))
    t_ref[9:10, :] = p0
    t_ref[10:11, :] = p1
    t_ref[11:12, :] = p2
    t_ref[12:16, :] = jnp.zeros((4, N), jnp.float32)


def _build_table(pT):
    return pl.pallas_call(
        _k1_body,
        out_shape=jax.ShapeDtypeStruct((D, N), jnp.float32),
    )(pT)



def _sc_gather(table, idx_nbr, idx_self):
    mesh = plsc.VectorSubcoreMesh(core_axis_name="c", subcore_axis_name="s")

    @functools.partial(
        pl.kernel,
        mesh=mesh,
        out_type=(
            jax.ShapeDtypeStruct((E, D), jnp.float32),
            jax.ShapeDtypeStruct((E, D), jnp.float32),
        ),
        scratch_types=[
            pltpu.VMEM((CH,), jnp.int32),
            pltpu.VMEM((CH,), jnp.int32),
            pltpu.VMEM((CH, D), jnp.float32),
            pltpu.VMEM((CH, D), jnp.float32),
            pltpu.SemaphoreType.DMA,
            pltpu.SemaphoreType.DMA,
        ],
        compiler_params=pltpu.CompilerParams(use_tc_tiling_on_sc=False),
    )
    def gather_k(table_hbm, idxn_hbm, idxs_hbm, outn_hbm, outs_hbm,
                 idxn_v, idxs_v, rown_v, rows_v, semn, sems):
        wid = lax.axis_index("s") * 2 + lax.axis_index("c")
        base = wid * B_PER_W
        for c in range(B_PER_W // CH):
            off = base + c * CH
            pltpu.sync_copy(idxn_hbm.at[pl.ds(off, CH)], idxn_v)
            pltpu.sync_copy(idxs_hbm.at[pl.ds(off, CH)], idxs_v)
            cpn = pltpu.async_copy(table_hbm.at[idxn_v], rown_v, semn)
            cps = pltpu.async_copy(table_hbm.at[idxs_v], rows_v, sems)
            cpn.wait()
            cps.wait()
            pltpu.sync_copy(rown_v, outn_hbm.at[pl.ds(off, CH)])
            pltpu.sync_copy(rows_v, outs_hbm.at[pl.ds(off, CH)])

    return gather_k(table, idx_nbr, idx_self)



def _k3_body(g_ref, s_ref, ei_ref, tfrq_ref, ts_ref, W_ref, b_ref,
             h_ref, ss_ref):
    pid = pl.program_id(0)

    @pl.when(pid == 0)
    def _():
        ss_ref[...] = jnp.zeros_like(ss_ref)

    G = g_ref[0]
    S = s_ref[0]
    oj = [G[i] for i in range(9)]
    pj = [G[9 + a] for a in range(3)]
    on = [S[i] for i in range(9)]
    pn = [S[9 + a] for a in range(3)]

    def b16(x):
        return x.astype(jnp.bfloat16).astype(jnp.float32)

    onb = [b16(v) for v in on]
    ojb = [b16(v) for v in oj]

    dx = [b16(pj[a] - pn[a]) for a in range(3)]
    t = [onb[3 * i] * dx[0] + onb[3 * i + 1] * dx[1] + onb[3 * i + 2] * dx[2]
         for i in range(3)]
    inv = 1.0 / jnp.sqrt(t[0] * t[0] + t[1] * t[1] + t[2] * t[2] + 1e-24)
    dU = [t[i] * inv for i in range(3)]

    def RR(a, b):
        return (onb[a] * ojb[b] + onb[3 + a] * ojb[3 + b]
                + onb[6 + a] * ojb[6 + b])

    Rxx, Ryy, Rzz = RR(0, 0), RR(1, 1), RR(2, 2)
    d21 = RR(2, 1) - RR(1, 2)
    d02 = RR(0, 2) - RR(2, 0)
    d10 = RR(1, 0) - RR(0, 1)
    mx = 0.5 * jnp.sqrt(jnp.abs(1.0 + Rxx - Ryy - Rzz))
    my = 0.5 * jnp.sqrt(jnp.abs(1.0 - Rxx + Ryy - Rzz))
    mz = 0.5 * jnp.sqrt(jnp.abs(1.0 - Rxx - Ryy + Rzz))
    qx = jnp.sign(d21) * mx
    qy = jnp.sign(d02) * my
    qz = jnp.sign(d10) * mz
    qw = 0.5 * jnp.sqrt(jax.nn.relu(1.0 + Rxx + Ryy + Rzz))
    qinv = 1.0 / jnp.sqrt(qx * qx + qy * qy + qz * qz + qw * qw + 1e-24)
    Q = [qx * qinv, qy * qinv, qz * qinv, qw * qinv]

    j = ei_ref[0].astype(jnp.float32)
    si = lax.broadcasted_iota(jnp.int32, (SB, 128), 0)
    li = lax.broadcasted_iota(jnp.int32, (SB, 128), 1)
    n = (pid * (EB // K) + si * (128 // K) + li // K).astype(jnp.float32)
    d = j - n
    ts = ts_ref[0]
    feats = []
    coss = []
    for f in range(8):
        ang = d * (tfrq_ref[f] * ts)
        feats.append(jnp.sin(ang))
        coss.append(jnp.cos(ang))
    feats = feats + coss + dU + Q

    for c in range(C):
        acc = jnp.full((SB, 128), b_ref[c], jnp.float32)
        for f in range(23):
            acc = acc + W_ref[c, f] * feats[f]
        h_ref[0, c] = acc
        ss_ref[c:c + 1, :] += jnp.sum(acc * acc, axis=0, keepdims=True)


def _k3_call(gt4, st4, ei3, t_frq, t_s, W, b):
    return pl.pallas_call(
        _k3_body,
        grid=(NBLK,),
        in_specs=[
            pl.BlockSpec((1, D, SB, 128), lambda i: (i, 0, 0, 0)),
            pl.BlockSpec((1, D, SB, 128), lambda i: (i, 0, 0, 0)),
            pl.BlockSpec((1, SB, 128), lambda i: (i, 0, 0)),
            pl.BlockSpec(memory_space=pltpu.SMEM),
            pl.BlockSpec(memory_space=pltpu.SMEM),
            pl.BlockSpec(memory_space=pltpu.SMEM),
            pl.BlockSpec(memory_space=pltpu.SMEM),
        ],
        out_specs=[
            pl.BlockSpec((1, C, SB, 128), lambda i: (i, 0, 0, 0)),
            pl.BlockSpec((C, 128), lambda i: (0, 0)),
        ],
        out_shape=[
            jax.ShapeDtypeStruct((NBLK, C, SB, 128), jnp.float32),
            jax.ShapeDtypeStruct((C, 128), jnp.float32),
        ],
    )(gt4, st4, ei3, t_frq, t_s, W, b)



def _k4_body(h_ref, ss_ref, o_ref):
    ss = ss_ref[...]
    ssf = ss[:, 0:32] + ss[:, 32:64] + ss[:, 64:96] + ss[:, 96:128]
    nrm = jnp.sqrt(ssf + 1e-24)
    sc = 1.0 / jnp.maximum(nrm, 1e-12)
    scb = jnp.concatenate([sc, sc, sc, sc], axis=1)
    for c in range(C):
        o_ref[0, c] = h_ref[0, c] * jnp.broadcast_to(scb[c:c + 1, :], (SB, 128))


def _k4_call(ht4, ss):
    return pl.pallas_call(
        _k4_body,
        grid=(NBLK,),
        in_specs=[
            pl.BlockSpec((1, C, SB, 128), lambda i: (i, 0, 0, 0)),
            pl.BlockSpec((C, 128), lambda i: (0, 0)),
        ],
        out_specs=pl.BlockSpec((1, C, SB, 128), lambda i: (i, 0, 0, 0)),
        out_shape=jax.ShapeDtypeStruct((NBLK, C, SB, 128), jnp.float32),
    )(ht4, ss)



def kernel(p, e_idx, mask, t_frq, t_s, W, b):
    pT = jnp.transpose(p[0])
    table = jnp.transpose(_build_table(pT))

    ei = e_idx.reshape(E).astype(jnp.int32)
    ids = (lax.iota(jnp.int32, E) // K)
    g, s = _sc_gather(table, ei, ids)

    def to4(x):
        return jnp.transpose(x).reshape(D, NBLK, SB, 128).transpose(1, 0, 2, 3)

    gt4 = to4(g)
    st4 = to4(s)
    ei3 = ei.reshape(NBLK, SB, 128)

    ht4, ss = _k3_call(gt4, st4, ei3, t_frq.astype(jnp.float32),
                       t_s.reshape(1), W, b)
    out4 = _k4_call(ht4, ss)

    out = out4.transpose(1, 0, 2, 3).reshape(C, E)
    return jnp.transpose(out).reshape(1, N, K, C)

# --- scband reference (transcript-rebuilt; emitter-appended) ---
"""Pipeline reference for scband-edge-features-6339371729570 (READ-ONLY COPY).

The authoritative reference and input builder live on the scoring server;
editing this copy changes nothing except your own understanding.
"""

import jax, jax.numpy as jnp
import numpy as np

B, N, K = 1, 10000, 32
NUM_POS = 16
NUM_FREQ = NUM_POS // 2
NUM_EDGE = 16


def _norm(x, axis=-1, eps=1e-12):
    n = jnp.sqrt(jnp.sum(x * x, axis=axis, keepdims=True) + 1e-24)
    return x / jnp.maximum(n, eps)


def gather_nodes(nodes, idx):
    Bn, Nn, Kn = idx.shape
    flat = idx.reshape(Bn, Nn * Kn)
    g = jnp.take_along_axis(nodes, flat[:, :, None], axis=1)
    return g.reshape(Bn, Nn, Kn, nodes.shape[-1])


def _quaternions(R):
    diag = jnp.diagonal(R, axis1=-2, axis2=-1)
    Rxx, Ryy, Rzz = diag[..., 0], diag[..., 1], diag[..., 2]
    magnitudes = 0.5 * jnp.sqrt(jnp.abs(1.0 + jnp.stack([Rxx - Ryy - Rzz, -Rxx + Ryy - Rzz, -Rxx - Ryy + Rzz], -1)))
    signs = jnp.sign(jnp.stack([R[..., 2, 1] - R[..., 1, 2], R[..., 0, 2] - R[..., 2, 0], R[..., 1, 0] - R[..., 0, 1]], -1))
    xyz = signs * magnitudes
    w = jnp.sqrt(jax.nn.relu(1.0 + jnp.sum(diag, -1, keepdims=True))) / 2.0
    Q = jnp.concatenate([xyz, w], -1)
    return _norm(Q, -1)


def _orientations(X, E_idx):
    dX = X[:, 1:, :] - X[:, :-1, :]
    U = _norm(dX, -1)
    u_2 = U[:, :-2, :]
    u_1 = U[:, 1:-1, :]
    n_2 = _norm(jnp.cross(u_2, u_1), -1)
    o_1 = _norm(u_2 - u_1, -1)
    O = jnp.stack([o_1, n_2, jnp.cross(o_1, n_2)], axis=2)
    O = O.reshape(O.shape[0], O.shape[1], 9)
    O = jnp.pad(O, ((0, 0), (1, 2), (0, 0)))
    O_neighbours = gather_nodes(O, E_idx)
    X_neighbours = gather_nodes(X, E_idx)
    O = O.reshape(O.shape[0], O.shape[1], 3, 3)
    O_neighbours = O_neighbours.reshape(O_neighbours.shape[0], O_neighbours.shape[1], O_neighbours.shape[2], 3, 3)
    dXn = X_neighbours - X[:, :, None, :]
    dU = jnp.matmul(O[:, :, None], dXn[..., None])[..., 0]
    dU = _norm(dU, -1)
    R = jnp.matmul(jnp.swapaxes(O[:, :, None], -1, -2), O_neighbours)
    Q = _quaternions(R)
    return jnp.concatenate([dU, Q], -1)


def _forward(p, mask, t_frq, t_s, W, b, e_idx):
    # eval mode: augment noise branch skipped
    q_feats = _orientations(p, e_idx)
    num_nodes = e_idx.shape[1]
    ii = jnp.arange(num_nodes, dtype=jnp.float32).reshape(1, -1, 1)
    d = (e_idx.astype(jnp.float32) - ii)[..., None]
    FR = t_frq * t_s
    angles = d * FR.reshape(1, 1, 1, -1)
    e_pe = jnp.concatenate([jnp.sin(angles), jnp.cos(angles)], -1)
    e_cat = jnp.concatenate([e_pe, q_feats], -1)
    h_e = jnp.matmul(e_cat, W.T) + b
    # torch F.normalize default dim=1
    return _norm(h_e, axis=1)


def setup_inputs(seed: int = 0):
    key = jax.random.key(seed)
    k1, k2, k3, k4 = jax.random.split(key, 4)
    p = jax.random.normal(k1, (B, N, 3), dtype=jnp.float32)
    e_idx = jax.random.randint(k2, (B, N, K), 0, N)
    mask = jnp.ones((B, N), dtype=jnp.float32)
    t_frq = jnp.exp(jax.random.normal(k3, (NUM_FREQ,), dtype=jnp.float32)) * (-(np.log(10000.0) / NUM_POS))
    t_s = jnp.asarray(1.0, dtype=jnp.float32)
    W = jax.random.normal(k4, (NUM_EDGE, NUM_POS + 7), dtype=jnp.float32) * (1.0 / np.sqrt(NUM_POS + 7))
    b = jnp.zeros((NUM_EDGE,), dtype=jnp.float32)
    return {"p": p, "e_idx": e_idx, "mask": mask, "t_frq": t_frq, "t_s": t_s, "W": W, "b": b}


def reference(p, e_idx, mask, t_frq, t_s, W, b):
    return _forward(p, mask, t_frq, t_s, W, b, e_idx)

if __name__ == "__main__":
    import jax
    _d = setup_inputs()
    print(jax.jit(kernel)(*tuple(_d.values())))

</pallas_src>

<mosaic_0001>
#map = affine_map<(d0, d1) -> (0, 0)>
#map1 = affine_map<(d0, d1) -> (0)>
module attributes {stable_mosaic.version = 14 : i64} {
  func.func @gather_k(%arg0: i32, %arg1: i32, %arg2: memref<10000x16xf32, #tpu.memory_space<hbm>>, %arg3: memref<320000xi32, #tpu.memory_space<hbm>>, %arg4: memref<320000xi32, #tpu.memory_space<hbm>>, %arg5: memref<320000x16xf32, #tpu.memory_space<hbm>>, %arg6: memref<320000x16xf32, #tpu.memory_space<hbm>>, %arg7: memref<2000xi32, #tpu.memory_space<vmem>>, %arg8: memref<2000xi32, #tpu.memory_space<vmem>>, %arg9: memref<2000x16xf32, #tpu.memory_space<vmem>>, %arg10: memref<2000x16xf32, #tpu.memory_space<vmem>>, %arg11: memref<!tpu.dma_semaphore, #tpu.memory_space<semaphore_mem>>, %arg12: memref<!tpu.dma_semaphore, #tpu.memory_space<semaphore_mem>>) attributes {dimension_semantics = [#tpu.dimension_semantics<core_parallel>, #tpu.dimension_semantics<subcore_parallel>], iteration_bounds = array<i64: 2, 16>, scalar_prefetch = 0 : i64, scratch_operands = 6 : i64, tpu.core_type = #tpu.core_type<sc_vector_subcore>, window_params = [{transform_indices = #map}, {transform_indices = #map1}, {transform_indices = #map1}, {transform_indices = #map}, {transform_indices = #map}]} {
    %mul3A = arith.constant 2 : i32
    %mul3A_0 = arith.muli %arg1, %mul3A : i32
    %add3A = arith.addi %mul3A_0, %arg0 : i32
    %mul3A_1 = arith.constant 10000 : i32
    %mul3A_2 = arith.muli %add3A, %mul3A_1 : i32
    %add3A_3 = arith.constant 0 : i32
    %add3A_4 = arith.addi %mul3A_2, %add3A_3 : i32
    "tpu.region"() ({
      %run_scoped3A = tpu.sem_alloc : memref<!tpu.dma_semaphore, #tpu.memory_space<semaphore_mem>>
      %dma_start3A_71 = tpu.memref_slice %arg3[%add3A_4] : memref<320000xi32, #tpu.memory_space<hbm>> -> memref<2000xi32, #tpu.memory_space<hbm>>
      %dma_start3A_72 = tpu.memref_slice %arg3[%add3A_4] : memref<320000xi32, #tpu.memory_space<hbm>> -> memref<2000xi32, #tpu.memory_space<hbm>>
      tpu.enqueue_dma source(%dma_start3A_72 : memref<2000xi32, #tpu.memory_space<hbm>>) target(%arg7 : memref<2000xi32, #tpu.memory_space<vmem>>) target_semaphore(%run_scoped3A : memref<!tpu.dma_semaphore, #tpu.memory_space<semaphore_mem>>)
      %dma_wait3A_73 = tpu.memref_slice %arg3[%add3A_4] : memref<320000xi32, #tpu.memory_space<hbm>> -> memref<2000xi32, #tpu.memory_space<hbm>>
      %dma_wait3A_74 = tpu.memref_slice %arg3[%add3A_4] : memref<320000xi32, #tpu.memory_space<hbm>> -> memref<2000xi32, #tpu.memory_space<hbm>>
      tpu.wait_dma2 semaphore(%run_scoped3A : memref<!tpu.dma_semaphore, #tpu.memory_space<semaphore_mem>>) src(%dma_wait3A_74 : memref<2000xi32, #tpu.memory_space<hbm>>) dst(%arg7 : memref<2000xi32, #tpu.memory_space<vmem>>)
      tpu.yield
    }) : () -> ()
    "tpu.region"() ({
      %run_scoped3A = tpu.sem_alloc : memref<!tpu.dma_semaphore, #tpu.memory_space<semaphore_mem>>
      %dma_start3A_71 = tpu.memref_slice %arg4[%add3A_4] : memref<320000xi32, #tpu.memory_space<hbm>> -> memref<2000xi32, #tpu.memory_space<hbm>>
      %dma_start3A_72 = tpu.memref_slice %arg4[%add3A_4] : memref<320000xi32, #tpu.memory_space<hbm>> -> memref<2000xi32, #tpu.memory_space<hbm>>
      tpu.enqueue_dma source(%dma_start3A_72 : memref<2000xi32, #tpu.memory_space<hbm>>) target(%arg8 : memref<2000xi32, #tpu.memory_space<vmem>>) target_semaphore(%run_scoped3A : memref<!tpu.dma_semaphore, #tpu.memory_space<semaphore_mem>>)
      %dma_wait3A_73 = tpu.memref_slice %arg4[%add3A_4] : memref<320000xi32, #tpu.memory_space<hbm>> -> memref<2000xi32, #tpu.memory_space<hbm>>
      %dma_wait3A_74 = tpu.memref_slice %arg4[%add3A_4] : memref<320000xi32, #tpu.memory_space<hbm>> -> memref<2000xi32, #tpu.memory_space<hbm>>
      tpu.wait_dma2 semaphore(%run_scoped3A : memref<!tpu.dma_semaphore, #tpu.memory_space<semaphore_mem>>) src(%dma_wait3A_74 : memref<2000xi32, #tpu.memory_space<hbm>>) dst(%arg8 : memref<2000xi32, #tpu.memory_space<vmem>>)
      tpu.yield
    }) : () -> ()
    %dma_start3A = arith.constant 0 : i32
    %dma_start3A_5 = arith.constant 0 : i32
    %dma_start3A_6 = tpu.memref_slice %arg2[%dma_start3A, %dma_start3A_5] : memref<10000x16xf32, #tpu.memory_space<hbm>> -> memref<10000x16xf32, #tpu.memory_space<hbm>>
    tpu.enqueue_indirect_dma source(%dma_start3A_6 : memref<10000x16xf32, #tpu.memory_space<hbm>>) target(%arg9 : memref<2000x16xf32, #tpu.memory_space<vmem>>) offsets(%arg7 : memref<2000xi32, #tpu.memory_space<vmem>>) semaphore(%arg11 : memref<!tpu.dma_semaphore, #tpu.memory_space<semaphore_mem>>)
    %dma_start3A_7 = arith.constant 0 : i32
    %dma_start3A_8 = arith.constant 0 : i32
    %dma_start3A_9 = tpu.memref_slice %arg2[%dma_start3A_7, %dma_start3A_8] : memref<10000x16xf32, #tpu.memory_space<hbm>> -> memref<10000x16xf32, #tpu.memory_space<hbm>>
    tpu.enqueue_indirect_dma source(%dma_start3A_9 : memref<10000x16xf32, #tpu.memory_space<hbm>>) target(%arg10 : memref<2000x16xf32, #tpu.memory_space<vmem>>) offsets(%arg8 : memref<2000xi32, #tpu.memory_space<vmem>>) semaphore(%arg12 : memref<!tpu.dma_semaphore, #tpu.memory_space<semaphore_mem>>)
    %dma_wait3A = arith.constant 0 : i32
    %dma_wait3A_10 = arith.constant 0 : i32
    %dma_wait3A_11 = tpu.memref_slice %arg2[%dma_wait3A, %dma_wait3A_10] : memref<10000x16xf32, #tpu.memory_space<hbm>> -> memref<10000x16xf32, #tpu.memory_space<hbm>>
    tpu.wait_indirect_dma semaphore(%arg11 : memref<!tpu.dma_semaphore, #tpu.memory_space<semaphore_mem>>) src(%dma_wait3A_11 : memref<10000x16xf32, #tpu.memory_space<hbm>>) dst(%arg9 : memref<2000x16xf32, #tpu.memory_space<vmem>>)
    %dma_wait3A_12 = arith.constant 0 : i32
    %dma_wait3A_13 = arith.constant 0 : i32
    %dma_wait3A_14 = tpu.memref_slice %arg2[%dma_wait3A_12, %dma_wait3A_13] : memref<10000x16xf32, #tpu.memory_space<hbm>> -> memref<10000x16xf32, #tpu.memory_space<hbm>>
    tpu.wait_indirect_dma semaphore(%arg12 : memref<!tpu.dma_semaphore, #tpu.memory_space<semaphore_mem>>) src(%dma_wait3A_14 : memref<10000x16xf32, #tpu.memory_space<hbm>>) dst(%arg10 : memref<2000x16xf32, #tpu.memory_space<vmem>>)
    "tpu.region"() ({
      %run_scoped3A = tpu.sem_alloc : memref<!tpu.dma_semaphore, #tpu.memory_space<semaphore_mem>>
      %dma_start3A_71 = arith.constant 0 : i32
      %dma_start3A_72 = tpu.memref_slice %arg5[%add3A_4, %dma_start3A_71] : memref<320000x16xf32, #tpu.memory_space<hbm>> -> memref<2000x16xf32, #tpu.memory_space<hbm>>
      %dma_start3A_73 = arith.constant 0 : i32
      %dma_start3A_74 = tpu.memref_slice %arg5[%add3A_4, %dma_start3A_73] : memref<320000x16xf32, #tpu.memory_space<hbm>> -> memref<2000x16xf32, #tpu.memory_space<hbm>>
      tpu.enqueue_dma source(%arg9 : memref<2000x16xf32, #tpu.memory_space<vmem>>) target(%dma_start3A_74 : memref<2000x16xf32, #tpu.memory_space<hbm>>) target_semaphore(%run_scoped3A : memref<!tpu.dma_semaphore, #tpu.memory_space<semaphore_mem>>)
      %dma_wait3A_75 = arith.constant 0 : i32
      %dma_wait3A_76 = tpu.memref_slice %arg5[%add3A_4, %dma_wait3A_75] : memref<320000x16xf32, #tpu.memory_space<hbm>> -> memref<2000x16xf32, #tpu.memory_space<hbm>>
      %dma_wait3A_77 = arith.constant 0 : i32
      %dma_wait3A_78 = tpu.memref_slice %arg5[%add3A_4, %dma_wait3A_77] : memref<320000x16xf32, #tpu.memory_space<hbm>> -> memref<2000x16xf32, #tpu.memory_space<hbm>>
      tpu.wait_dma2 semaphore(%run_scoped3A : memref<!tpu.dma_semaphore, #tpu.memory_space<semaphore_mem>>) src(%arg9 : memref<2000x16xf32, #tpu.memory_space<vmem>>) dst(%dma_wait3A_78 : memref<2000x16xf32, #tpu.memory_space<hbm>>)
      tpu.yield
    }) : () -> ()
    "tpu.region"() ({
      %run_scoped3A = tpu.sem_alloc : memref<!tpu.dma_semaphore, #tpu.memory_space<semaphore_mem>>
      %dma_start3A_71 = arith.constant 0 : i32
      %dma_start3A_72 = tpu.memref_slice %arg6[%add3A_4, %dma_start3A_71] : memref<320000x16xf32, #tpu.memory_space<hbm>> -> memref<2000x16xf32, #tpu.memory_space<hbm>>
      %dma_start3A_73 = arith.constant 0 : i32
      %dma_start3A_74 = tpu.memref_slice %arg6[%add3A_4, %dma_start3A_73] : memref<320000x16xf32, #tpu.memory_space<hbm>> -> memref<2000x16xf32, #tpu.memory_space<hbm>>
      tpu.enqueue_dma source(%arg10 : memref<2000x16xf32, #tpu.memory_space<vmem>>) target(%dma_start3A_74 : memref<2000x16xf32, #tpu.memory_space<hbm>>) target_semaphore(%run_scoped3A : memref<!tpu.dma_semaphore, #tpu.memory_space<semaphore_mem>>)
      %dma_wait3A_75 = arith.constant 0 : i32
      %dma_wait3A_76 = tpu.memref_slice %arg6[%add3A_4, %dma_wait3A_75] : memref<320000x16xf32, #tpu.memory_space<hbm>> -> memref<2000x16xf32, #tpu.memory_space<hbm>>
      %dma_wait3A_77 = arith.constant 0 : i32
      %dma_wait3A_78 = tpu.memref_slice %arg6[%add3A_4, %dma_wait3A_77] : memref<320000x16xf32, #tpu.memory_space<hbm>> -> memref<2000x16xf32, #tpu.memory_space<hbm>>
      tpu.wait_dma2 semaphore(%run_scoped3A : memref<!tpu.dma_semaphore, #tpu.memory_space<semaphore_mem>>) src(%arg10 : memref<2000x16xf32, #tpu.memory_space<vmem>>) dst(%dma_wait3A_78 : memref<2000x16xf32, #tpu.memory_space<hbm>>)
      tpu.yield
    }) : () -> ()
    %add3A_15 = arith.constant 2000 : i32
    %add3A_16 = arith.addi %mul3A_2, %add3A_15 : i32
    "tpu.region"() ({
      %run_scoped3A = tpu.sem_alloc : memref<!tpu.dma_semaphore, #tpu.memory_space<semaphore_mem>>
      %dma_start3A_71 = tpu.memref_slice %arg3[%add3A_16] : memref<320000xi32, #tpu.memory_space<hbm>> -> memref<2000xi32, #tpu.memory_space<hbm>>
      %dma_start3A_72 = tpu.memref_slice %arg3[%add3A_16] : memref<320000xi32, #tpu.memory_space<hbm>> -> memref<2000xi32, #tpu.memory_space<hbm>>
      tpu.enqueue_dma source(%dma_start3A_72 : memref<2000xi32, #tpu.memory_space<hbm>>) target(%arg7 : memref<2000xi32, #tpu.memory_space<vmem>>) target_semaphore(%run_scoped3A : memref<!tpu.dma_semaphore, #tpu.memory_space<semaphore_mem>>)
      %dma_wait3A_73 = tpu.memref_slice %arg3[%add3A_16] : memref<320000xi32, #tpu.memory_space<hbm>> -> memref<2000xi32, #tpu.memory_space<hbm>>
      %dma_wait3A_74 = tpu.memref_slice %arg3[%add3A_16] : memref<320000xi32, #tpu.memory_space<hbm>> -> memref<2000xi32, #tpu.memory_space<hbm>>
      tpu.wait_dma2 semaphore(%run_scoped3A : memref<!tpu.dma_semaphore, #tpu.memory_space<semaphore_mem>>) src(%dma_wait3A_74 : memref<2000xi32, #tpu.memory_space<hbm>>) dst(%arg7 : memref<2000xi32, #tpu.memory_space<vmem>>)
      tpu.yield
    }) : () -> ()
    "tpu.region"() ({
      %run_scoped3A = tpu.sem_alloc : memref<!tpu.dma_semaphore, #tpu.memory_space<semaphore_mem>>
      %dma_start3A_71 = tpu.memref_slice %arg4[%add3A_16] : memref<320000xi32, #tpu.memory_space<hbm>> -> memref<2000xi32, #tpu.memory_space<hbm>>
      %dma_start3A_72 = tpu.memref_slice %arg4[%add3A_16] : memref<320000xi32, #tpu.memory_space<hbm>> -> memref<2000xi32, #tpu.memory_space<hbm>>
      tpu.enqueue_dma source(%dma_start3A_72 : memref<2000xi32, #tpu.memory_space<hbm>>) target(%arg8 : memref<2000xi32, #tpu.memory_space<vmem>>) target_semaphore(%run_scoped3A : memref<!tpu.dma_semaphore, #tpu.memory_space<semaphore_mem>>)
      %dma_wait3A_73 = tpu.memref_slice %arg4[%add3A_16] : memref<320000xi32, #tpu.memory_space<hbm>> -> memref<2000xi32, #tpu.memory_space<hbm>>
      %dma_wait3A_74 = tpu.memref_slice %arg4[%add3A_16] : memref<320000xi32, #tpu.memory_space<hbm>> -> memref<2000xi32, #tpu.memory_space<hbm>>
      tpu.wait_dma2 semaphore(%run_scoped3A : memref<!tpu.dma_semaphore, #tpu.memory_space<semaphore_mem>>) src(%dma_wait3A_74 : memref<2000xi32, #tpu.memory_space<hbm>>) dst(%arg8 : memref<2000xi32, #tpu.memory_space<vmem>>)
      tpu.yield
    }) : () -> ()
    %dma_start3A_17 = arith.constant 0 : i32
    %dma_start3A_18 = arith.constant 0 : i32
    %dma_start3A_19 = tpu.memref_slice %arg2[%dma_start3A_17, %dma_start3A_18] : memref<10000x16xf32, #tpu.memory_space<hbm>> -> memref<10000x16xf32, #tpu.memory_space<hbm>>
    tpu.enqueue_indirect_dma source(%dma_start3A_19 : memref<10000x16xf32, #tpu.memory_space<hbm>>) target(%arg9 : memref<2000x16xf32, #tpu.memory_space<vmem>>) offsets(%arg7 : memref<2000xi32, #tpu.memory_space<vmem>>) semaphore(%arg11 : memref<!tpu.dma_semaphore, #tpu.memory_space<semaphore_mem>>)
    %dma_start3A_20 = arith.constant 0 : i32
    %dma_start3A_21 = arith.constant 0 : i32
    %dma_start3A_22 = tpu.memref_slice %arg2[%dma_start3A_20, %dma_start3A_21] : memref<10000x16xf32, #tpu.memory_space<hbm>> -> memref<10000x16xf32, #tpu.memory_space<hbm>>
    tpu.enqueue_indirect_dma source(%dma_start3A_22 : memref<10000x16xf32, #tpu.memory_space<hbm>>) target(%arg10 : memref<2000x16xf32, #tpu.memory_space<vmem>>) offsets(%arg8 : memref<2000xi32, #tpu.memory_space<vmem>>) semaphore(%arg12 : memref<!tpu.dma_semaphore, #tpu.memory_space<semaphore_mem>>)
    %dma_wait3A_23 = arith.constant 0 : i32
    %dma_wait3A_24 = arith.constant 0 : i32
    %dma_wait3A_25 = tpu.memref_slice %arg2[%dma_wait3A_23, %dma_wait3A_24] : memref<10000x16xf32, #tpu.memory_space<hbm>> -> memref<10000x16xf32, #tpu.memory_space<hbm>>
    tpu.wait_indirect_dma semaphore(%arg11 : memref<!tpu.dma_semaphore, #tpu.memory_space<semaphore_mem>>) src(%dma_wait3A_25 : memref<10000x16xf32, #tpu.memory_space<hbm>>) dst(%arg9 : memref<2000x16xf32, #tpu.memory_space<vmem>>)
    %dma_wait3A_26 = arith.constant 0 : i32
    %dma_wait3A_27 = arith.constant 0 : i32
    %dma_wait3A_28 = tpu.memref_slice %arg2[%dma_wait3A_26, %dma_wait3A_27] : memref<10000x16xf32, #tpu.memory_space<hbm>> -> memref<10000x16xf32, #tpu.memory_space<hbm>>
    tpu.wait_indirect_dma semaphore(%arg12 : memref<!tpu.dma_semaphore, #tpu.memory_space<semaphore_mem>>) src(%dma_wait3A_28 : memref<10000x16xf32, #tpu.memory_space<hbm>>) dst(%arg10 : memref<2000x16xf32, #tpu.memory_space<vmem>>)
    "tpu.region"() ({
      %run_scoped3A = tpu.sem_alloc : memref<!tpu.dma_semaphore, #tpu.memory_space<semaphore_mem>>
      %dma_start3A_71 = arith.constant 0 : i32
      %dma_start3A_72 = tpu.memref_slice %arg5[%add3A_16, %dma_start3A_71] : memref<320000x16xf32, #tpu.memory_space<hbm>> -> memref<2000x16xf32, #tpu.memory_space<hbm>>
      %dma_start3A_73 = arith.constant 0 : i32
      %dma_start3A_74 = tpu.memref_slice %arg5[%add3A_16, %dma_start3A_73] : memref<320000x16xf32, #tpu.memory_space<hbm>> -> memref<2000x16xf32, #tpu.memory_space<hbm>>
      tpu.enqueue_dma source(%arg9 : memref<2000x16xf32, #tpu.memory_space<vmem>>) target(%dma_start3A_74 : memref<2000x16xf32, #tpu.memory_space<hbm>>) target_semaphore(%run_scoped3A : memref<!tpu.dma_semaphore, #tpu.memory_space<semaphore_mem>>)
      %dma_wait3A_75 = arith.constant 0 : i32
      %dma_wait3A_76 = tpu.memref_slice %arg5[%add3A_16, %dma_wait3A_75] : memref<320000x16xf32, #tpu.memory_space<hbm>> -> memref<2000x16xf32, #tpu.memory_space<hbm>>
      %dma_wait3A_77 = arith.constant 0 : i32
      %dma_wait3A_78 = tpu.memref_slice %arg5[%add3A_16, %dma_wait3A_77] : memref<320000x16xf32, #tpu.memory_space<hbm>> -> memref<2000x16xf32, #tpu.memory_space<hbm>>
      tpu.wait_dma2 semaphore(%run_scoped3A : memref<!tpu.dma_semaphore, #tpu.memory_space<semaphore_mem>>) src(%arg9 : memref<2000x16xf32, #tpu.memory_space<vmem>>) dst(%dma_wait3A_78 : memref<2000x16xf32, #tpu.memory_space<hbm>>)
      tpu.yield
    }) : () -> ()
    "tpu.region"() ({
      %run_scoped3A = tpu.sem_alloc : memref<!tpu.dma_semaphore, #tpu.memory_space<semaphore_mem>>
      %dma_start3A_71 = arith.constant 0 : i32
      %dma_start3A_72 = tpu.memref_slice %arg6[%add3A_16, %dma_start3A_71] : memref<320000x16xf32, #tpu.memory_space<hbm>> -> memref<2000x16xf32, #tpu.memory_space<hbm>>
      %dma_start3A_73 = arith.constant 0 : i32
      %dma_start3A_74 = tpu.memref_slice %arg6[%add3A_16, %dma_start3A_73] : memref<320000x16xf32, #tpu.memory_space<hbm>> -> memref<2000x16xf32, #tpu.memory_space<hbm>>
      tpu.enqueue_dma source(%arg10 : memref<2000x16xf32, #tpu.memory_space<vmem>>) target(%dma_start3A_74 : memref<2000x16xf32, #tpu.memory_space<hbm>>) target_semaphore(%run_scoped3A : memref<!tpu.dma_semaphore, #tpu.memory_space<semaphore_mem>>)
      %dma_wait3A_75 = arith.constant 0 : i32
      %dma_wait3A_76 = tpu.memref_slice %arg6[%add3A_16, %dma_wait3A_75] : memref<320000x16xf32, #tpu.memory_space<hbm>> -> memref<2000x16xf32, #tpu.memory_space<hbm>>
      %dma_wait3A_77 = arith.constant 0 : i32
      %dma_wait3A_78 = tpu.memref_slice %arg6[%add3A_16, %dma_wait3A_77] : memref<320000x16xf32, #tpu.memory_space<hbm>> -> memref<2000x16xf32, #tpu.memory_space<hbm>>
      tpu.wait_dma2 semaphore(%run_scoped3A : memref<!tpu.dma_semaphore, #tpu.memory_space<semaphore_mem>>) src(%arg10 : memref<2000x16xf32, #tpu.memory_space<vmem>>) dst(%dma_wait3A_78 : memref<2000x16xf32, #tpu.memory_space<hbm>>)
      tpu.yield
    }) : () -> ()
    %add3A_29 = arith.constant 4000 : i32
    %add3A_30 = arith.addi %mul3A_2, %add3A_29 : i32
    "tpu.region"() ({
      %run_scoped3A = tpu.sem_alloc : memref<!tpu.dma_semaphore, #tpu.memory_space<semaphore_mem>>
      %dma_start3A_71 = tpu.memref_slice %arg3[%add3A_30] : memref<320000xi32, #tpu.memory_space<hbm>> -> memref<2000xi32, #tpu.memory_space<hbm>>
      %dma_start3A_72 = tpu.memref_slice %arg3[%add3A_30] : memref<320000xi32, #tpu.memory_space<hbm>> -> memref<2000xi32, #tpu.memory_space<hbm>>
      tpu.enqueue_dma source(%dma_start3A_72 : memref<2000xi32, #tpu.memory_space<hbm>>) target(%arg7 : memref<2000xi32, #tpu.memory_space<vmem>>) target_semaphore(%run_scoped3A : memref<!tpu.dma_semaphore, #tpu.memory_space<semaphore_mem>>)
      %dma_wait3A_73 = tpu.memref_slice %arg3[%add3A_30] : memref<320000xi32, #tpu.memory_space<hbm>> -> memref<2000xi32, #tpu.memory_space<hbm>>
      %dma_wait3A_74 = tpu.memref_slice %arg3[%add3A_30] : memref<320000xi32, #tpu.memory_space<hbm>> -> memref<2000xi32, #tpu.memory_space<hbm>>
      tpu.wait_dma2 semaphore(%run_scoped3A : memref<!tpu.dma_semaphore, #tpu.memory_space<semaphore_mem>>) src(%dma_wait3A_74 : memref<2000xi32, #tpu.memory_space<hbm>>) dst(%arg7 : memref<2000xi32, #tpu.memory_space<vmem>>)
      tpu.yield
    }) : () -> ()
    "tpu.region"() ({
      %run_scoped3A = tpu.sem_alloc : memref<!tpu.dma_semaphore, #tpu.memory_space<semaphore_mem>>
      %dma_start3A_71 = tpu.memref_slice %arg4[%add3A_30] : memref<320000xi32, #tpu.memory_space<hbm>> -> memref<2000xi32, #tpu.memory_space<hbm>>
      %dma_start3A_72 = tpu.memref_slice %arg4[%add3A_30] : memref<320000xi32, #tpu.memory_space<hbm>> -> memref<2000xi32, #tpu.memory_space<hbm>>
      tpu.enqueue_dma source(%dma_start3A_72 : memref<2000xi32, #tpu.memory_space<hbm>>) target(%arg8 : memref<2000xi32, #tpu.memory_space<vmem>>) target_semaphore(%run_scoped3A : memref<!tpu.dma_semaphore, #tpu.memory_space<semaphore_mem>>)
      %dma_wait3A_73 = tpu.memref_slice %arg4[%add3A_30] : memref<320000xi32, #tpu.memory_space<hbm>> -> memref<2000xi32, #tpu.memory_space<hbm>>
      %dma_wait3A_74 = tpu.memref_slice %arg4[%add3A_30] : memref<320000xi32, #tpu.memory_space<hbm>> -> memref<2000xi32, #tpu.memory_space<hbm>>
      tpu.wait_dma2 semaphore(%run_scoped3A : memref<!tpu.dma_semaphore, #tpu.memory_space<semaphore_mem>>) src(%dma_wait3A_74 : memref<2000xi32, #tpu.memory_space<hbm>>) dst(%arg8 : memref<2000xi32, #tpu.memory_space<vmem>>)
      tpu.yield
    }) : () -> ()
    %dma_start3A_31 = arith.constant 0 : i32
    %dma_start3A_32 = arith.constant 0 : i32
    %dma_start3A_33 = tpu.memref_slice %arg2[%dma_start3A_31, %dma_start3A_32] : memref<10000x16xf32, #tpu.memory_space<hbm>> -> memref<10000x16xf32, #tpu.memory_space<hbm>>
    tpu.enqueue_indirect_dma source(%dma_start3A_33 : memref<10000x16xf32, #tpu.memory_space<hbm>>) target(%arg9 : memref<2000x16xf32, #tpu.memory_space<vmem>>) offsets(%arg7 : memref<2000xi32, #tpu.memory_space<vmem>>) semaphore(%arg11 : memref<!tpu.dma_semaphore, #tpu.memory_space<semaphore_mem>>)
    %dma_start3A_34 = arith.constant 0 : i32
    %dma_start3A_35 = arith.constant 0 : i32
    %dma_start3A_36 = tpu.memref_slice %arg2[%dma_start3A_34, %dma_start3A_35] : memref<10000x16xf32, #tpu.memory_space<hbm>> -> memref<10000x16xf32, #tpu.memory_space<hbm>>
    tpu.enqueue_indirect_dma source(%dma_start3A_36 : memref<10000x16xf32, #tpu.memory_space<hbm>>) target(%arg10 : memref<2000x16xf32, #tpu.memory_space<vmem>>) offsets(%arg8 : memref<2000xi32, #tpu.memory_space<vmem>>) semaphore(%arg12 : memref<!tpu.dma_semaphore, #tpu.memory_space<semaphore_mem>>)
    %dma_wait3A_37 = arith.constant 0 : i32
    %dma_wait3A_38 = arith.constant 0 : i32
    %dma_wait3A_39 = tpu.memref_slice %arg2[%dma_wait3A_37, %dma_wait3A_38] : memref<10000x16xf32, #tpu.memory_space<hbm>> -> memref<10000x16xf32, #tpu.memory_space<hbm>>
    tpu.wait_indirect_dma semaphore(%arg11 : memref<!tpu.dma_semaphore, #tpu.memory_space<semaphore_mem>>) src(%dma_wait3A_39 : memref<10000x16xf32, #tpu.memory_space<hbm>>) dst(%arg9 : memref<2000x16xf32, #tpu.memory_space<vmem>>)
    %dma_wait3A_40 = arith.constant 0 : i32
    %dma_wait3A_41 = arith.constant 0 : i32
    %dma_wait3A_42 = tpu.memref_slice %arg2[%dma_wait3A_40, %dma_wait3A_41] : memref<10000x16xf32, #tpu.memory_space<hbm>> -> memref<10000x16xf32, #tpu.memory_space<hbm>>
    tpu.wait_indirect_dma semaphore(%arg12 : memref<!tpu.dma_semaphore, #tpu.memory_space<semaphore_mem>>) src(%dma_wait3A_42 : memref<10000x16xf32, #tpu.memory_space<hbm>>) dst(%arg10 : memref<2000x16xf32, #tpu.memory_space<vmem>>)
    "tpu.region"() ({
      %run_scoped3A = tpu.sem_alloc : memref<!tpu.dma_semaphore, #tpu.memory_space<semaphore_mem>>
      %dma_start3A_71 = arith.constant 0 : i32
      %dma_start3A_72 = tpu.memref_slice %arg5[%add3A_30, %dma_start3A_71] : memref<320000x16xf32, #tpu.memory_space<hbm>> -> memref<2000x16xf32, #tpu.memory_space<hbm>>
      %dma_start3A_73 = arith.constant 0 : i32
      %dma_start3A_74 = tpu.memref_slice %arg5[%add3A_30, %dma_start3A_73] : memref<320000x16xf32, #tpu.memory_space<hbm>> -> memref<2000x16xf32, #tpu.memory_space<hbm>>
      tpu.enqueue_dma source(%arg9 : memref<2000x16xf32, #tpu.memory_space<vmem>>) target(%dma_start3A_74 : memref<2000x16xf32, #tpu.memory_space<hbm>>) target_semaphore(%run_scoped3A : memref<!tpu.dma_semaphore, #tpu.memory_space<semaphore_mem>>)
      %dma_wait3A_75 = arith.constant 0 : i32
      %dma_wait3A_76 = tpu.memref_slice %arg5[%add3A_30, %dma_wait3A_75] : memref<320000x16xf32, #tpu.memory_space<hbm>> -> memref<2000x16xf32, #tpu.memory_space<hbm>>
      %dma_wait3A_77 = arith.constant 0 : i32
      %dma_wait3A_78 = tpu.memref_slice %arg5[%add3A_30, %dma_wait3A_77] : memref<320000x16xf32, #tpu.memory_space<hbm>> -> memref<2000x16xf32, #tpu.memory_space<hbm>>
      tpu.wait_dma2 semaphore(%run_scoped3A : memref<!tpu.dma_semaphore, #tpu.memory_space<semaphore_mem>>) src(%arg9 : memref<2000x16xf32, #tpu.memory_space<vmem>>) dst(%dma_wait3A_78 : memref<2000x16xf32, #tpu.memory_space<hbm>>)
      tpu.yield
    }) : () -> ()
    "tpu.region"() ({
      %run_scoped3A = tpu.sem_alloc : memref<!tpu.dma_semaphore, #tpu.memory_space<semaphore_mem>>
      %dma_start3A_71 = arith.constant 0 : i32
      %dma_start3A_72 = tpu.memref_slice %arg6[%add3A_30, %dma_start3A_71] : memref<320000x16xf32, #tpu.memory_space<hbm>> -> memref<2000x16xf32, #tpu.memory_space<hbm>>
      %dma_start3A_73 = arith.constant 0 : i32
      %dma_start3A_74 = tpu.memref_slice %arg6[%add3A_30, %dma_start3A_73] : memref<320000x16xf32, #tpu.memory_space<hbm>> -> memref<2000x16xf32, #tpu.memory_space<hbm>>
      tpu.enqueue_dma source(%arg10 : memref<2000x16xf32, #tpu.memory_space<vmem>>) target(%dma_start3A_74 : memref<2000x16xf32, #tpu.memory_space<hbm>>) target_semaphore(%run_scoped3A : memref<!tpu.dma_semaphore, #tpu.memory_space<semaphore_mem>>)
      %dma_wait3A_75 = arith.constant 0 : i32
      %dma_wait3A_76 = tpu.memref_slice %arg6[%add3A_30, %dma_wait3A_75] : memref<320000x16xf32, #tpu.memory_space<hbm>> -> memref<2000x16xf32, #tpu.memory_space<hbm>>
      %dma_wait3A_77 = arith.constant 0 : i32
      %dma_wait3A_78 = tpu.memref_slice %arg6[%add3A_30, %dma_wait3A_77] : memref<320000x16xf32, #tpu.memory_space<hbm>> -> memref<2000x16xf32, #tpu.memory_space<hbm>>
      tpu.wait_dma2 semaphore(%run_scoped3A : memref<!tpu.dma_semaphore, #tpu.memory_space<semaphore_mem>>) src(%arg10 : memref<2000x16xf32, #tpu.memory_space<vmem>>) dst(%dma_wait3A_78 : memref<2000x16xf32, #tpu.memory_space<hbm>>)
      tpu.yield
    }) : () -> ()
    %add3A_43 = arith.constant 6000 : i32
    %add3A_44 = arith.addi %mul3A_2, %add3A_43 : i32
    "tpu.region"() ({
      %run_scoped3A = tpu.sem_alloc : memref<!tpu.dma_semaphore, #tpu.memory_space<semaphore_mem>>
      %dma_start3A_71 = tpu.memref_slice %arg3[%add3A_44] : memref<320000xi32, #tpu.memory_space<hbm>> -> memref<2000xi32, #tpu.memory_space<hbm>>
      %dma_start3A_72 = tpu.memref_slice %arg3[%add3A_44] : memref<320000xi32, #tpu.memory_space<hbm>> -> memref<2000xi32, #tpu.memory_space<hbm>>
      tpu.enqueue_dma source(%dma_start3A_72 : memref<2000xi32, #tpu.memory_space<hbm>>) target(%arg7 : memref<2000xi32, #tpu.memory_space<vmem>>) target_semaphore(%run_scoped3A : memref<!tpu.dma_semaphore, #tpu.memory_space<semaphore_mem>>)
      %dma_wait3A_73 = tpu.memref_slice %arg3[%add3A_44] : memref<320000xi32, #tpu.memory_space<hbm>> -> memref<2000xi32, #tpu.memory_space<hbm>>
      %dma_wait3A_74 = tpu.memref_slice %arg3[%add3A_44] : memref<320000xi32, #tpu.memory_space<hbm>> -> memref<2000xi32, #tpu.memory_space<hbm>>
      tpu.wait_dma2 semaphore(%run_scoped3A : memref<!tpu.dma_semaphore, #tpu.memory_space<semaphore_mem>>) src(%dma_wait3A_74 : memref<2000xi32, #tpu.memory_space<hbm>>) dst(%arg7 : memref<2000xi32, #tpu.memory_space<vmem>>)
      tpu.yield
    }) : () -> ()
    "tpu.region"() ({
      %run_scoped3A = tpu.sem_alloc : memref<!tpu.dma_semaphore, #tpu.memory_space<semaphore_mem>>
      %dma_start3A_71 = tpu.memref_slice %arg4[%add3A_44] : memref<320000xi32, #tpu.memory_space<hbm>> -> memref<2000xi32, #tpu.memory_space<hbm>>
      %dma_start3A_72 = tpu.memref_slice %arg4[%add3A_44] : memref<320000xi32, #tpu.memory_space<hbm>> -> memref<2000xi32, #tpu.memory_space<hbm>>
      tpu.enqueue_dma source(%dma_start3A_72 : memref<2000xi32, #tpu.memory_space<hbm>>) target(%arg8 : memref<2000xi32, #tpu.memory_space<vmem>>) target_semaphore(%run_scoped3A : memref<!tpu.dma_semaphore, #tpu.memory_space<semaphore_mem>>)
      %dma_wait3A_73 = tpu.memref_slice %arg4[%add3A_44] : memref<320000xi32, #tpu.memory_space<hbm>> -> memref<2000xi32, #tpu.memory_space<hbm>>
      %dma_wait3A_74 = tpu.memref_slice %arg4[%add3A_44] : memref<320000xi32, #tpu.memory_space<hbm>> -> memref<2000xi32, #tpu.memory_space<hbm>>
      tpu.wait_dma2 semaphore(%run_scoped3A : memref<!tpu.dma_semaphore, #tpu.memory_space<semaphore_mem>>) src(%dma_wait3A_74 : memref<2000xi32, #tpu.memory_space<hbm>>) dst(%arg8 : memref<2000xi32, #tpu.memory_space<vmem>>)
      tpu.yield
    }) : () -> ()
    %dma_start3A_45 = arith.constant 0 : i32
    %dma_start3A_46 = arith.constant 0 : i32
    %dma_start3A_47 = tpu.memref_slice %arg2[%dma_start3A_45, %dma_start3A_46] : memref<10000x16xf32, #tpu.memory_space<hbm>> -> memref<10000x16xf32, #tpu.memory_space<hbm>>
    tpu.enqueue_indirect_dma source(%dma_start3A_47 : memref<10000x16xf32, #tpu.memory_space<hbm>>) target(%arg9 : memref<2000x16xf32, #tpu.memory_space<vmem>>) offsets(%arg7 : memref<2000xi32, #tpu.memory_space<vmem>>) semaphore(%arg11 : memref<!tpu.dma_semaphore, #tpu.memory_space<semaphore_mem>>)
    %dma_start3A_48 = arith.constant 0 : i32
    %dma_start3A_49 = arith.constant 0 : i32
    %dma_start3A_50 = tpu.memref_slice %arg2[%dma_start3A_48, %dma_start3A_49] : memref<10000x16xf32, #tpu.memory_space<hbm>> -> memref<10000x16xf32, #tpu.memory_space<hbm>>
    tpu.enqueue_indirect_dma source(%dma_start3A_50 : memref<10000x16xf32, #tpu.memory_space<hbm>>) target(%arg10 : memref<2000x16xf32, #tpu.memory_space<vmem>>) offsets(%arg8 : memref<2000xi32, #tpu.memory_space<vmem>>) semaphore(%arg12 : memref<!tpu.dma_semaphore, #tpu.memory_space<semaphore_mem>>)
    %dma_wait3A_51 = arith.constant 0 : i32
    %dma_wait3A_52 = arith.constant 0 : i32
    %dma_wait3A_53 = tpu.memref_slice %arg2[%dma_wait3A_51, %dma_wait3A_52] : memref<10000x16xf32, #tpu.memory_space<hbm>> -> memref<10000x16xf32, #tpu.memory_space<hbm>>
    tpu.wait_indirect_dma semaphore(%arg11 : memref<!tpu.dma_semaphore, #tpu.memory_space<semaphore_mem>>) src(%dma_wait3A_53 : memref<10000x16xf32, #tpu.memory_space<hbm>>) dst(%arg9 : memref<2000x16xf32, #tpu.memory_space<vmem>>)
    %dma_wait3A_54 = arith.constant 0 : i32
    %dma_wait3A_55 = arith.constant 0 : i32
    %dma_wait3A_56 = tpu.memref_slice %arg2[%dma_wait3A_54, %dma_wait3A_55] : memref<10000x16xf32, #tpu.memory_space<hbm>> -> memref<10000x16xf32, #tpu.memory_space<hbm>>
    tpu.wait_indirect_dma semaphore(%arg12 : memref<!tpu.dma_semaphore, #tpu.memory_space<semaphore_mem>>) src(%dma_wait3A_56 : memref<10000x16xf32, #tpu.memory_space<hbm>>) dst(%arg10 : memref<2000x16xf32, #tpu.memory_space<vmem>>)
    "tpu.region"() ({
      %run_scoped3A = tpu.sem_alloc : memref<!tpu.dma_semaphore, #tpu.memory_space<semaphore_mem>>
      %dma_start3A_71 = arith.constant 0 : i32
      %dma_start3A_72 = tpu.memref_slice %arg5[%add3A_44, %dma_start3A_71] : memref<320000x16xf32, #tpu.memory_space<hbm>> -> memref<2000x16xf32, #tpu.memory_space<hbm>>
      %dma_start3A_73 = arith.constant 0 : i32
      %dma_start3A_74 = tpu.memref_slice %arg5[%add3A_44, %dma_start3A_73] : memref<320000x16xf32, #tpu.memory_space<hbm>> -> memref<2000x16xf32, #tpu.memory_space<hbm>>
      tpu.enqueue_dma source(%arg9 : memref<2000x16xf32, #tpu.memory_space<vmem>>) target(%dma_start3A_74 : memref<2000x16xf32, #tpu.memory_space<hbm>>) target_semaphore(%run_scoped3A : memref<!tpu.dma_semaphore, #tpu.memory_space<semaphore_mem>>)
      %dma_wait3A_75 = arith.constant 0 : i32
      %dma_wait3A_76 = tpu.memref_slice %arg5[%add3A_44, %dma_wait3A_75] : memref<320000x16xf32, #tpu.memory_space<hbm>> -> memref<2000x16xf32, #tpu.memory_space<hbm>>
      %dma_wait3A_77 = arith.constant 0 : i32
      %dma_wait3A_78 = tpu.memref_slice %arg5[%add3A_44, %dma_wait3A_77] : memref<320000x16xf32, #tpu.memory_space<hbm>> -> memref<2000x16xf32, #tpu.memory_space<hbm>>
      tpu.wait_dma2 semaphore(%run_scoped3A : memref<!tpu.dma_semaphore, #tpu.memory_space<semaphore_mem>>) src(%arg9 : memref<2000x16xf32, #tpu.memory_space<vmem>>) dst(%dma_wait3A_78 : memref<2000x16xf32, #tpu.memory_space<hbm>>)
      tpu.yield
    }) : () -> ()
    "tpu.region"() ({
      %run_scoped3A = tpu.sem_alloc : memref<!tpu.dma_semaphore, #tpu.memory_space<semaphore_mem>>
      %dma_start3A_71 = arith.constant 0 : i32
      %dma_start3A_72 = tpu.memref_slice %arg6[%add3A_44, %dma_start3A_71] : memref<320000x16xf32, #tpu.memory_space<hbm>> -> memref<2000x16xf32, #tpu.memory_space<hbm>>
      %dma_start3A_73 = arith.constant 0 : i32
      %dma_start3A_74 = tpu.memref_slice %arg6[%add3A_44, %dma_start3A_73] : memref<320000x16xf32, #tpu.memory_space<hbm>> -> memref<2000x16xf32, #tpu.memory_space<hbm>>
      tpu.enqueue_dma source(%arg10 : memref<2000x16xf32, #tpu.memory_space<vmem>>) target(%dma_start3A_74 : memref<2000x16xf32, #tpu.memory_space<hbm>>) target_semaphore(%run_scoped3A : memref<!tpu.dma_semaphore, #tpu.memory_space<semaphore_mem>>)
      %dma_wait3A_75 = arith.constant 0 : i32
      %dma_wait3A_76 = tpu.memref_slice %arg6[%add3A_44, %dma_wait3A_75] : memref<320000x16xf32, #tpu.memory_space<hbm>> -> memref<2000x16xf32, #tpu.memory_space<hbm>>
      %dma_wait3A_77 = arith.constant 0 : i32
      %dma_wait3A_78 = tpu.memref_slice %arg6[%add3A_44, %dma_wait3A_77] : memref<320000x16xf32, #tpu.memory_space<hbm>> -> memref<2000x16xf32, #tpu.memory_space<hbm>>
      tpu.wait_dma2 semaphore(%run_scoped3A : memref<!tpu.dma_semaphore, #tpu.memory_space<semaphore_mem>>) src(%arg10 : memref<2000x16xf32, #tpu.memory_space<vmem>>) dst(%dma_wait3A_78 : memref<2000x16xf32, #tpu.memory_space<hbm>>)
      tpu.yield
    }) : () -> ()
    %add3A_57 = arith.constant 8000 : i32
    %add3A_58 = arith.addi %mul3A_2, %add3A_57 : i32
    "tpu.region"() ({
      %run_scoped3A = tpu.sem_alloc : memref<!tpu.dma_semaphore, #tpu.memory_space<semaphore_mem>>
      %dma_start3A_71 = tpu.memref_slice %arg3[%add3A_58] : memref<320000xi32, #tpu.memory_space<hbm>> -> memref<2000xi32, #tpu.memory_space<hbm>>
      %dma_start3A_72 = tpu.memref_slice %arg3[%add3A_58] : memref<320000xi32, #tpu.memory_space<hbm>> -> memref<2000xi32, #tpu.memory_space<hbm>>
      tpu.enqueue_dma source(%dma_start3A_72 : memref<2000xi32, #tpu.memory_space<hbm>>) target(%arg7 : memref<2000xi32, #tpu.memory_space<vmem>>) target_semaphore(%run_scoped3A : memref<!tpu.dma_semaphore, #tpu.memory_space<semaphore_mem>>)
      %dma_wait3A_73 = tpu.memref_slice %arg3[%add3A_58] : memref<320000xi32, #tpu.memory_space<hbm>> -> memref<2000xi32, #tpu.memory_space<hbm>>
      %dma_wait3A_74 = tpu.memref_slice %arg3[%add3A_58] : memref<320000xi32, #tpu.memory_space<hbm>> -> memref<2000xi32, #tpu.memory_space<hbm>>
      tpu.wait_dma2 semaphore(%run_scoped3A : memref<!tpu.dma_semaphore, #tpu.memory_space<semaphore_mem>>) src(%dma_wait3A_74 : memref<2000xi32, #tpu.memory_space<hbm>>) dst(%arg7 : memref<2000xi32, #tpu.memory_space<vmem>>)
      tpu.yield
    }) : () -> ()
    "tpu.region"() ({
      %run_scoped3A = tpu.sem_alloc : memref<!tpu.dma_semaphore, #tpu.memory_space<semaphore_mem>>
      %dma_start3A_71 = tpu.memref_slice %arg4[%add3A_58] : memref<320000xi32, #tpu.memory_space<hbm>> -> memref<2000xi32, #tpu.memory_space<hbm>>
      %dma_start3A_72 = tpu.memref_slice %arg4[%add3A_58] : memref<320000xi32, #tpu.memory_space<hbm>> -> memref<2000xi32, #tpu.memory_space<hbm>>
      tpu.enqueue_dma source(%dma_start3A_72 : memref<2000xi32, #tpu.memory_space<hbm>>) target(%arg8 : memref<2000xi32, #tpu.memory_space<vmem>>) target_semaphore(%run_scoped3A : memref<!tpu.dma_semaphore, #tpu.memory_space<semaphore_mem>>)
      %dma_wait3A_73 = tpu.memref_slice %arg4[%add3A_58] : memref<320000xi32, #tpu.memory_space<hbm>> -> memref<2000xi32, #tpu.memory_space<hbm>>
      %dma_wait3A_74 = tpu.memref_slice %arg4[%add3A_58] : memref<320000xi32, #tpu.memory_space<hbm>> -> memref<2000xi32, #tpu.memory_space<hbm>>
      tpu.wait_dma2 semaphore(%run_scoped3A : memref<!tpu.dma_semaphore, #tpu.memory_space<semaphore_mem>>) src(%dma_wait3A_74 : memref<2000xi32, #tpu.memory_space<hbm>>) dst(%arg8 : memref<2000xi32, #tpu.memory_space<vmem>>)
      tpu.yield
    }) : () -> ()
    %dma_start3A_59 = arith.constant 0 : i32
    %dma_start3A_60 = arith.constant 0 : i32
    %dma_start3A_61 = tpu.memref_slice %arg2[%dma_start3A_59, %dma_start3A_60] : memref<10000x16xf32, #tpu.memory_space<hbm>> -> memref<10000x16xf32, #tpu.memory_space<hbm>>
    tpu.enqueue_indirect_dma source(%dma_start3A_61 : memref<10000x16xf32, #tpu.memory_space<hbm>>) target(%arg9 : memref<2000x16xf32, #tpu.memory_space<vmem>>) offsets(%arg7 : memref<2000xi32, #tpu.memory_space<vmem>>) semaphore(%arg11 : memref<!tpu.dma_semaphore, #tpu.memory_space<semaphore_mem>>)
    %dma_start3A_62 = arith.constant 0 : i32
    %dma_start3A_63 = arith.constant 0 : i32
    %dma_start3A_64 = tpu.memref_slice %arg2[%dma_start3A_62, %dma_start3A_63] : memref<10000x16xf32, #tpu.memory_space<hbm>> -> memref<10000x16xf32, #tpu.memory_space<hbm>>
    tpu.enqueue_indirect_dma source(%dma_start3A_64 : memref<10000x16xf32, #tpu.memory_space<hbm>>) target(%arg10 : memref<2000x16xf32, #tpu.memory_space<vmem>>) offsets(%arg8 : memref<2000xi32, #tpu.memory_space<vmem>>) semaphore(%arg12 : memref<!tpu.dma_semaphore, #tpu.memory_space<semaphore_mem>>)
    %dma_wait3A_65 = arith.constant 0 : i32
    %dma_wait3A_66 = arith.constant 0 : i32
    %dma_wait3A_67 = tpu.memref_slice %arg2[%dma_wait3A_65, %dma_wait3A_66] : memref<10000x16xf32, #tpu.memory_space<hbm>> -> memref<10000x16xf32, #tpu.memory_space<hbm>>
    tpu.wait_indirect_dma semaphore(%arg11 : memref<!tpu.dma_semaphore, #tpu.memory_space<semaphore_mem>>) src(%dma_wait3A_67 : memref<10000x16xf32, #tpu.memory_space<hbm>>) dst(%arg9 : memref<2000x16xf32, #tpu.memory_space<vmem>>)
    %dma_wait3A_68 = arith.constant 0 : i32
    %dma_wait3A_69 = arith.constant 0 : i32
    %dma_wait3A_70 = tpu.memref_slice %arg2[%dma_wait3A_68, %dma_wait3A_69] : memref<10000x16xf32, #tpu.memory_space<hbm>> -> memref<10000x16xf32, #tpu.memory_space<hbm>>
    tpu.wait_indirect_dma semaphore(%arg12 : memref<!tpu.dma_semaphore, #tpu.memory_space<semaphore_mem>>) src(%dma_wait3A_70 : memref<10000x16xf32, #tpu.memory_space<hbm>>) dst(%arg10 : memref<2000x16xf32, #tpu.memory_space<vmem>>)
    "tpu.region"() ({
      %run_scoped3A = tpu.sem_alloc : memref<!tpu.dma_semaphore, #tpu.memory_space<semaphore_mem>>
      %dma_start3A_71 = arith.constant 0 : i32
      %dma_start3A_72 = tpu.memref_slice %arg5[%add3A_58, %dma_start3A_71] : memref<320000x16xf32, #tpu.memory_space<hbm>> -> memref<2000x16xf32, #tpu.memory_space<hbm>>
      %dma_start3A_73 = arith.constant 0 : i32
      %dma_start3A_74 = tpu.memref_slice %arg5[%add3A_58, %dma_start3A_73] : memref<320000x16xf32, #tpu.memory_space<hbm>> -> memref<2000x16xf32, #tpu.memory_space<hbm>>
      tpu.enqueue_dma source(%arg9 : memref<2000x16xf32, #tpu.memory_space<vmem>>) target(%dma_start3A_74 : memref<2000x16xf32, #tpu.memory_space<hbm>>) target_semaphore(%run_scoped3A : memref<!tpu.dma_semaphore, #tpu.memory_space<semaphore_mem>>)
      %dma_wait3A_75 = arith.constant 0 : i32
      %dma_wait3A_76 = tpu.memref_slice %arg5[%add3A_58, %dma_wait3A_75] : memref<320000x16xf32, #tpu.memory_space<hbm>> -> memref<2000x16xf32, #tpu.memory_space<hbm>>
      %dma_wait3A_77 = arith.constant 0 : i32
      %dma_wait3A_78 = tpu.memref_slice %arg5[%add3A_58, %dma_wait3A_77] : memref<320000x16xf32, #tpu.memory_space<hbm>> -> memref<2000x16xf32, #tpu.memory_space<hbm>>
      tpu.wait_dma2 semaphore(%run_scoped3A : memref<!tpu.dma_semaphore, #tpu.memory_space<semaphore_mem>>) src(%arg9 : memref<2000x16xf32, #tpu.memory_space<vmem>>) dst(%dma_wait3A_78 : memref<2000x16xf32, #tpu.memory_space<hbm>>)
      tpu.yield
    }) : () -> ()
    "tpu.region"() ({
      %run_scoped3A = tpu.sem_alloc : memref<!tpu.dma_semaphore, #tpu.memory_space<semaphore_mem>>
      %dma_start3A_71 = arith.constant 0 : i32
      %dma_start3A_72 = tpu.memref_slice %arg6[%add3A_58, %dma_start3A_71] : memref<320000x16xf32, #tpu.memory_space<hbm>> -> memref<2000x16xf32, #tpu.memory_space<hbm>>
      %dma_start3A_73 = arith.constant 0 : i32
      %dma_start3A_74 = tpu.memref_slice %arg6[%add3A_58, %dma_start3A_73] : memref<320000x16xf32, #tpu.memory_space<hbm>> -> memref<2000x16xf32, #tpu.memory_space<hbm>>
      tpu.enqueue_dma source(%arg10 : memref<2000x16xf32, #tpu.memory_space<vmem>>) target(%dma_start3A_74 : memref<2000x16xf32, #tpu.memory_space<hbm>>) target_semaphore(%run_scoped3A : memref<!tpu.dma_semaphore, #tpu.memory_space<semaphore_mem>>)
      %dma_wait3A_75 = arith.constant 0 : i32
      %dma_wait3A_76 = tpu.memref_slice %arg6[%add3A_58, %dma_wait3A_75] : memref<320000x16xf32, #tpu.memory_space<hbm>> -> memref<2000x16xf32, #tpu.memory_space<hbm>>
      %dma_wait3A_77 = arith.constant 0 : i32
      %dma_wait3A_78 = tpu.memref_slice %arg6[%add3A_58, %dma_wait3A_77] : memref<320000x16xf32, #tpu.memory_space<hbm>> -> memref<2000x16xf32, #tpu.memory_space<hbm>>
      tpu.wait_dma2 semaphore(%run_scoped3A : memref<!tpu.dma_semaphore, #tpu.memory_space<semaphore_mem>>) src(%arg10 : memref<2000x16xf32, #tpu.memory_space<vmem>>) dst(%dma_wait3A_78 : memref<2000x16xf32, #tpu.memory_space<hbm>>)
      tpu.yield
    }) : () -> ()
    return
  }
}

module attributes {stable_mosaic.version = 14 : i64} {
  func.func @_k1_body(%arg0: memref<3x10000xf32, #tpu.memory_space<vmem>>, %arg1: memref<16x10000xf32, #tpu.memory_space<vmem>>) attributes {dimension_semantics = [], scalar_prefetch = 0 : i64, scratch_operands = 0 : i64, tpu.core_type = #tpu.core_type<tc>} {
    %get3A = arith.constant 0 : index
    %get3A_0 = arith.constant 0 : index
    %get3A_1 = vector.load %arg0[%get3A, %get3A_0] : memref<3x10000xf32, #tpu.memory_space<vmem>>, vector<1x10000xf32>
    %get3A_2 = arith.constant 1 : index
    %get3A_3 = arith.constant 0 : index
    %get3A_4 = vector.load %arg0[%get3A_2, %get3A_3] : memref<3x10000xf32, #tpu.memory_space<vmem>>, vector<1x10000xf32>
    %get3A_5 = arith.constant 2 : index
    %get3A_6 = arith.constant 0 : index
    %get3A_7 = vector.load %arg0[%get3A_5, %get3A_6] : memref<3x10000xf32, #tpu.memory_space<vmem>>, vector<1x10000xf32>
    %slice3A = vector.extract_strided_slice %get3A_1 {offsets = [0, 1], sizes = [1, 9999], strides = [1, 1]} : vector<1x10000xf32> to vector<1x9999xf32>
    %slice3A_8 = vector.extract_strided_slice %get3A_1 {offsets = [0, 0], sizes = [1, 9999], strides = [1, 1]} : vector<1x10000xf32> to vector<1x9999xf32>
    %sub3A = arith.subf %slice3A, %slice3A_8 : vector<1x9999xf32>
    %slice3A_9 = vector.extract_strided_slice %get3A_4 {offsets = [0, 1], sizes = [1, 9999], strides = [1, 1]} : vector<1x10000xf32> to vector<1x9999xf32>
    %slice3A_10 = vector.extract_strided_slice %get3A_4 {offsets = [0, 0], sizes = [1, 9999], strides = [1, 1]} : vector<1x10000xf32> to vector<1x9999xf32>
    %sub3A_11 = arith.subf %slice3A_9, %slice3A_10 : vector<1x9999xf32>
    %slice3A_12 = vector.extract_strided_slice %get3A_7 {offsets = [0, 1], sizes = [1, 9999], strides = [1, 1]} : vector<1x10000xf32> to vector<1x9999xf32>
    %slice3A_13 = vector.extract_strided_slice %get3A_7 {offsets = [0, 0], sizes = [1, 9999], strides = [1, 1]} : vector<1x10000xf32> to vector<1x9999xf32>
    %sub3A_14 = arith.subf %slice3A_12, %slice3A_13 : vector<1x9999xf32>
    %mul3A = arith.mulf %sub3A, %sub3A : vector<1x9999xf32>
    %mul3A_15 = arith.mulf %sub3A_11, %sub3A_11 : vector<1x9999xf32>
    %add3A = arith.addf %mul3A, %mul3A_15 : vector<1x9999xf32>
    %mul3A_16 = arith.mulf %sub3A_14, %sub3A_14 : vector<1x9999xf32>
    %add3A_17 = arith.addf %add3A, %mul3A_16 : vector<1x9999xf32>
    %add3A_18 = arith.constant 1.000000e-24 : f32
    %add3A_19 = vector.broadcast %add3A_18 : f32 to vector<1x9999xf32>
    %add3A_20 = arith.addf %add3A_17, %add3A_19 : vector<1x9999xf32>
    %sqrt3A = math.sqrt %add3A_20 : vector<1x9999xf32>
    %div3A = arith.constant 1.000000e+00 : f32
    %div3A_21 = vector.broadcast %div3A : f32 to vector<1x9999xf32>
    %div3A_22 = arith.divf %div3A_21, %sqrt3A : vector<1x9999xf32>
    %mul3A_23 = arith.mulf %sub3A, %div3A_22 : vector<1x9999xf32>
    %mul3A_24 = arith.mulf %sub3A_11, %div3A_22 : vector<1x9999xf32>
    %mul3A_25 = arith.mulf %sub3A_14, %div3A_22 : vector<1x9999xf32>
    %slice3A_26 = vector.extract_strided_slice %mul3A_23 {offsets = [0, 0], sizes = [1, 9997], strides = [1, 1]} : vector<1x9999xf32> to vector<1x9997xf32>
    %slice3A_27 = vector.extract_strided_slice %mul3A_24 {offsets = [0, 0], sizes = [1, 9997], strides = [1, 1]} : vector<1x9999xf32> to vector<1x9997xf32>
    %slice3A_28 = vector.extract_strided_slice %mul3A_25 {offsets = [0, 0], sizes = [1, 9997], strides = [1, 1]} : vector<1x9999xf32> to vector<1x9997xf32>
    %slice3A_29 = vector.extract_strided_slice %mul3A_23 {offsets = [0, 1], sizes = [1, 9997], strides = [1, 1]} : vector<1x9999xf32> to vector<1x9997xf32>
    %slice3A_30 = vector.extract_strided_slice %mul3A_24 {offsets = [0, 1], sizes = [1, 9997], strides = [1, 1]} : vector<1x9999xf32> to vector<1x9997xf32>
    %slice3A_31 = vector.extract_strided_slice %mul3A_25 {offsets = [0, 1], sizes = [1, 9997], strides = [1, 1]} : vector<1x9999xf32> to vector<1x9997xf32>
    %mul3A_32 = arith.mulf %slice3A_27, %slice3A_31 : vector<1x9997xf32>
    %mul3A_33 = arith.mulf %slice3A_28, %slice3A_30 : vector<1x9997xf32>
    %sub3A_34 = arith.subf %mul3A_32, %mul3A_33 : vector<1x9997xf32>
    %mul3A_35 = arith.mulf %slice3A_28, %slice3A_29 : vector<1x9997xf32>
    %mul3A_36 = arith.mulf %slice3A_26, %slice3A_31 : vector<1x9997xf32>
    %sub3A_37 = arith.subf %mul3A_35, %mul3A_36 : vector<1x9997xf32>
    %mul3A_38 = arith.mulf %slice3A_26, %slice3A_30 : vector<1x9997xf32>
    %mul3A_39 = arith.mulf %slice3A_27, %slice3A_29 : vector<1x9997xf32>
    %sub3A_40 = arith.subf %mul3A_38, %mul3A_39 : vector<1x9997xf32>
    %mul3A_41 = arith.mulf %sub3A_34, %sub3A_34 : vector<1x9997xf32>
    %mul3A_42 = arith.mulf %sub3A_37, %sub3A_37 : vector<1x9997xf32>
    %add3A_43 = arith.addf %mul3A_41, %mul3A_42 : vector<1x9997xf32>
    %mul3A_44 = arith.mulf %sub3A_40, %sub3A_40 : vector<1x9997xf32>
    %add3A_45 = arith.addf %add3A_43, %mul3A_44 : vector<1x9997xf32>
    %add3A_46 = arith.constant 1.000000e-24 : f32
    %add3A_47 = vector.broadcast %add3A_46 : f32 to vector<1x9997xf32>
    %add3A_48 = arith.addf %add3A_45, %add3A_47 : vector<1x9997xf32>
    %sqrt3A_49 = math.sqrt %add3A_48 : vector<1x9997xf32>
    %div3A_50 = arith.constant 1.000000e+00 : f32
    %div3A_51 = vector.broadcast %div3A_50 : f32 to vector<1x9997xf32>
    %div3A_52 = arith.divf %div3A_51, %sqrt3A_49 : vector<1x9997xf32>
    %mul3A_53 = arith.mulf %sub3A_34, %div3A_52 : vector<1x9997xf32>
    %mul3A_54 = arith.mulf %sub3A_37, %div3A_52 : vector<1x9997xf32>
    %mul3A_55 = arith.mulf %sub3A_40, %div3A_52 : vector<1x9997xf32>
    %sub3A_56 = arith.subf %slice3A_26, %slice3A_29 : vector<1x9997xf32>
    %sub3A_57 = arith.subf %slice3A_27, %slice3A_30 : vector<1x9997xf32>
    %sub3A_58 = arith.subf %slice3A_28, %slice3A_31 : vector<1x9997xf32>
    %mul3A_59 = arith.mulf %sub3A_56, %sub3A_56 : vector<1x9997xf32>
    %mul3A_60 = arith.mulf %sub3A_57, %sub3A_57 : vector<1x9997xf32>
    %add3A_61 = arith.addf %mul3A_59, %mul3A_60 : vector<1x9997xf32>
    %mul3A_62 = arith.mulf %sub3A_58, %sub3A_58 : vector<1x9997xf32>
    %add3A_63 = arith.addf %add3A_61, %mul3A_62 : vector<1x9997xf32>
    %add3A_64 = arith.constant 1.000000e-24 : f32
    %add3A_65 = vector.broadcast %add3A_64 : f32 to vector<1x9997xf32>
    %add3A_66 = arith.addf %add3A_63, %add3A_65 : vector<1x9997xf32>
    %sqrt3A_67 = math.sqrt %add3A_66 : vector<1x9997xf32>
    %div3A_68 = arith.constant 1.000000e+00 : f32
    %div3A_69 = vector.broadcast %div3A_68 : f32 to vector<1x9997xf32>
    %div3A_70 = arith.divf %div3A_69, %sqrt3A_67 : vector<1x9997xf32>
    %mul3A_71 = arith.mulf %sub3A_56, %div3A_70 : vector<1x9997xf32>
    %mul3A_72 = arith.mulf %sub3A_57, %div3A_70 : vector<1x9997xf32>
    %mul3A_73 = arith.mulf %sub3A_58, %div3A_70 : vector<1x9997xf32>
    %mul3A_74 = arith.mulf %mul3A_72, %mul3A_55 : vector<1x9997xf32>
    %mul3A_75 = arith.mulf %mul3A_73, %mul3A_54 : vector<1x9997xf32>
    %sub3A_76 = arith.subf %mul3A_74, %mul3A_75 : vector<1x9997xf32>
    %mul3A_77 = arith.mulf %mul3A_73, %mul3A_53 : vector<1x9997xf32>
    %mul3A_78 = arith.mulf %mul3A_71, %mul3A_55 : vector<1x9997xf32>
    %sub3A_79 = arith.subf %mul3A_77, %mul3A_78 : vector<1x9997xf32>
    %mul3A_80 = arith.mulf %mul3A_71, %mul3A_54 : vector<1x9997xf32>
    %mul3A_81 = arith.mulf %mul3A_72, %mul3A_53 : vector<1x9997xf32>
    %sub3A_82 = arith.subf %mul3A_80, %mul3A_81 : vector<1x9997xf32>
    %jit3A = arith.constant 0 : i32
    %convert_element_type3A = arith.sitofp %jit3A : i32 to f32
    %pad3A = vector.broadcast %convert_element_type3A : f32 to vector<1x1xf32>
    %pad3A_83 = tpu.concatenate %pad3A, %mul3A_71 in 1 : vector<1x1xf32>, vector<1x9997xf32> -> vector<1x9998xf32>
    %pad3A_84 = vector.broadcast %convert_element_type3A : f32 to vector<1x2xf32>
    %pad3A_85 = tpu.concatenate %pad3A_83, %pad3A_84 in 1 : vector<1x9998xf32>, vector<1x2xf32> -> vector<1x10000xf32>
    %swap3A = arith.constant 0 : index
    %swap3A_86 = arith.constant 0 : index
    %swap3A_87 = vector.load %arg1[%swap3A, %swap3A_86] : memref<16x10000xf32, #tpu.memory_space<vmem>>, vector<1x10000xf32>
    tpu.vector_store %arg1[%swap3A, %swap3A_86], %pad3A_85 {strides = array<i32>} : memref<16x10000xf32, #tpu.memory_space<vmem>>, vector<1x10000xf32>,
    %jit3A_88 = arith.constant 0 : i32
    %convert_element_type3A_89 = arith.sitofp %jit3A_88 : i32 to f32
    %pad3A_90 = vector.broadcast %convert_element_type3A_89 : f32 to vector<1x1xf32>
    %pad3A_91 = tpu.concatenate %pad3A_90, %mul3A_72 in 1 : vector<1x1xf32>, vector<1x9997xf32> -> vector<1x9998xf32>
    %pad3A_92 = vector.broadcast %convert_element_type3A_89 : f32 to vector<1x2xf32>
    %pad3A_93 = tpu.concatenate %pad3A_91, %pad3A_92 in 1 : vector<1x9998xf32>, vector<1x2xf32> -> vector<1x10000xf32>
    %swap3A_94 = arith.constant 1 : index
    %swap3A_95 = arith.constant 0 : index
    %swap3A_96 = vector.load %arg1[%swap3A_94, %swap3A_95] : memref<16x10000xf32, #tpu.memory_space<vmem>>, vector<1x10000xf32>
    tpu.vector_store %arg1[%swap3A_94, %swap3A_95], %pad3A_93 {strides = array<i32>} : memref<16x10000xf32, #tpu.memory_space<vmem>>, vector<1x10000xf32>,
    %jit3A_97 = arith.constant 0 : i32
    %convert_element_type3A_98 = arith.sitofp %jit3A_97 : i32 to f32
    %pad3A_99 = vector.broadcast %convert_element_type3A_98 : f32 to vector<1x1xf32>
    %pad3A_100 = tpu.concatenate %pad3A_99, %mul3A_73 in 1 : vector<1x1xf32>, vector<1x9997xf32> -> vector<1x9998xf32>
    %pad3A_101 = vector.broadcast %convert_element_type3A_98 : f32 to vector<1x2xf32>
    %pad3A_102 = tpu.concatenate %pad3A_100, %pad3A_101 in 1 : vector<1x9998xf32>, vector<1x2xf32> -> vector<1x10000xf32>
    %swap3A_103 = arith.constant 2 : index
    %swap3A_104 = arith.constant 0 : index
    %swap3A_105 = vector.load %arg1[%swap3A_103, %swap3A_104] : memref<16x10000xf32, #tpu.memory_space<vmem>>, vector<1x10000xf32>
    tpu.vector_store %arg1[%swap3A_103, %swap3A_104], %pad3A_102 {strides = array<i32>} : memref<16x10000xf32, #tpu.memory_space<vmem>>, vector<1x10000xf32>,
    %jit3A_106 = arith.constant 0 : i32
    %convert_element_type3A_107 = arith.sitofp %jit3A_106 : i32 to f32
    %pad3A_108 = vector.broadcast %convert_element_type3A_107 : f32 to vector<1x1xf32>
    %pad3A_109 = tpu.concatenate %pad3A_108, %mul3A_53 in 1 : vector<1x1xf32>, vector<1x9997xf32> -> vector<1x9998xf32>
    %pad3A_110 = vector.broadcast %convert_element_type3A_107 : f32 to vector<1x2xf32>
    %pad3A_111 = tpu.concatenate %pad3A_109, %pad3A_110 in 1 : vector<1x9998xf32>, vector<1x2xf32> -> vector<1x10000xf32>
    %swap3A_112 = arith.constant 3 : index
    %swap3A_113 = arith.constant 0 : index
    %swap3A_114 = vector.load %arg1[%swap3A_112, %swap3A_113] : memref<16x10000xf32, #tpu.memory_space<vmem>>, vector<1x10000xf32>
    tpu.vector_store %arg1[%swap3A_112, %swap3A_113], %pad3A_111 {strides = array<i32>} : memref<16x10000xf32, #tpu.memory_space<vmem>>, vector<1x10000xf32>,
    %jit3A_115 = arith.constant 0 : i32
    %convert_element_type3A_116 = arith.sitofp %jit3A_115 : i32 to f32
    %pad3A_117 = vector.broadcast %convert_element_type3A_116 : f32 to vector<1x1xf32>
    %pad3A_118 = tpu.concatenate %pad3A_117, %mul3A_54 in 1 : vector<1x1xf32>, vector<1x9997xf32> -> vector<1x9998xf32>
    %pad3A_119 = vector.broadcast %convert_element_type3A_116 : f32 to vector<1x2xf32>
    %pad3A_120 = tpu.concatenate %pad3A_118, %pad3A_119 in 1 : vector<1x9998xf32>, vector<1x2xf32> -> vector<1x10000xf32>
    %swap3A_121 = arith.constant 4 : index
    %swap3A_122 = arith.constant 0 : index
    %swap3A_123 = vector.load %arg1[%swap3A_121, %swap3A_122] : memref<16x10000xf32, #tpu.memory_space<vmem>>, vector<1x10000xf32>
    tpu.vector_store %arg1[%swap3A_121, %swap3A_122], %pad3A_120 {strides = array<i32>} : memref<16x10000xf32, #tpu.memory_space<vmem>>, vector<1x10000xf32>,
    %jit3A_124 = arith.constant 0 : i32
    %convert_element_type3A_125 = arith.sitofp %jit3A_124 : i32 to f32
    %pad3A_126 = vector.broadcast %convert_element_type3A_125 : f32 to vector<1x1xf32>
    %pad3A_127 = tpu.concatenate %pad3A_126, %mul3A_55 in 1 : vector<1x1xf32>, vector<1x9997xf32> -> vector<1x9998xf32>
    %pad3A_128 = vector.broadcast %convert_element_type3A_125 : f32 to vector<1x2xf32>
    %pad3A_129 = tpu.concatenate %pad3A_127, %pad3A_128 in 1 : vector<1x9998xf32>, vector<1x2xf32> -> vector<1x10000xf32>
    %swap3A_130 = arith.constant 5 : index
    %swap3A_131 = arith.constant 0 : index
    %swap3A_132 = vector.load %arg1[%swap3A_130, %swap3A_131] : memref<16x10000xf32, #tpu.memory_space<vmem>>, vector<1x10000xf32>
    tpu.vector_store %arg1[%swap3A_130, %swap3A_131], %pad3A_129 {strides = array<i32>} : memref<16x10000xf32, #tpu.memory_space<vmem>>, vector<1x10000xf32>,
    %jit3A_133 = arith.constant 0 : i32
    %convert_element_type3A_134 = arith.sitofp %jit3A_133 : i32 to f32
    %pad3A_135 = vector.broadcast %convert_element_type3A_134 : f32 to vector<1x1xf32>
    %pad3A_136 = tpu.concatenate %pad3A_135, %sub3A_76 in 1 : vector<1x1xf32>, vector<1x9997xf32> -> vector<1x9998xf32>
    %pad3A_137 = vector.broadcast %convert_element_type3A_134 : f32 to vector<1x2xf32>
    %pad3A_138 = tpu.concatenate %pad3A_136, %pad3A_137 in 1 : vector<1x9998xf32>, vector<1x2xf32> -> vector<1x10000xf32>
    %swap3A_139 = arith.constant 6 : index
    %swap3A_140 = arith.constant 0 : index
    %swap3A_141 = vector.load %arg1[%swap3A_139, %swap3A_140] : memref<16x10000xf32, #tpu.memory_space<vmem>>, vector<1x10000xf32>
    tpu.vector_store %arg1[%swap3A_139, %swap3A_140], %pad3A_138 {strides = array<i32>} : memref<16x10000xf32, #tpu.memory_space<vmem>>, vector<1x10000xf32>,
    %jit3A_142 = arith.constant 0 : i32
    %convert_element_type3A_143 = arith.sitofp %jit3A_142 : i32 to f32
    %pad3A_144 = vector.broadcast %convert_element_type3A_143 : f32 to vector<1x1xf32>
    %pad3A_145 = tpu.concatenate %pad3A_144, %sub3A_79 in 1 : vector<1x1xf32>, vector<1x9997xf32> -> vector<1x9998xf32>
    %pad3A_146 = vector.broadcast %convert_element_type3A_143 : f32 to vector<1x2xf32>
    %pad3A_147 = tpu.concatenate %pad3A_145, %pad3A_146 in 1 : vector<1x9998xf32>, vector<1x2xf32> -> vector<1x10000xf32>
    %swap3A_148 = arith.constant 7 : index
    %swap3A_149 = arith.constant 0 : index
    %swap3A_150 = vector.load %arg1[%swap3A_148, %swap3A_149] : memref<16x10000xf32, #tpu.memory_space<vmem>>, vector<1x10000xf32>
    tpu.vector_store %arg1[%swap3A_148, %swap3A_149], %pad3A_147 {strides = array<i32>} : memref<16x10000xf32, #tpu.memory_space<vmem>>, vector<1x10000xf32>,
    %jit3A_151 = arith.constant 0 : i32
    %convert_element_type3A_152 = arith.sitofp %jit3A_151 : i32 to f32
    %pad3A_153 = vector.broadcast %convert_element_type3A_152 : f32 to vector<1x1xf32>
    %pad3A_154 = tpu.concatenate %pad3A_153, %sub3A_82 in 1 : vector<1x1xf32>, vector<1x9997xf32> -> vector<1x9998xf32>
    %pad3A_155 = vector.broadcast %convert_element_type3A_152 : f32 to vector<1x2xf32>
    %pad3A_156 = tpu.concatenate %pad3A_154, %pad3A_155 in 1 : vector<1x9998xf32>, vector<1x2xf32> -> vector<1x10000xf32>
    %swap3A_157 = arith.constant 8 : index
    %swap3A_158 = arith.constant 0 : index
    %swap3A_159 = vector.load %arg1[%swap3A_157, %swap3A_158] : memref<16x10000xf32, #tpu.memory_space<vmem>>, vector<1x10000xf32>
    tpu.vector_store %arg1[%swap3A_157, %swap3A_158], %pad3A_156 {strides = array<i32>} : memref<16x10000xf32, #tpu.memory_space<vmem>>, vector<1x10000xf32>,
    %swap3A_160 = arith.constant 9 : index
    %swap3A_161 = arith.constant 0 : index
    %swap3A_162 = vector.load %arg1[%swap3A_160, %swap3A_161] : memref<16x10000xf32, #tpu.memory_space<vmem>>, vector<1x10000xf32>
    tpu.vector_store %arg1[%swap3A_160, %swap3A_161], %get3A_1 {strides = array<i32>} : memref<16x10000xf32, #tpu.memory_space<vmem>>, vector<1x10000xf32>,
    %swap3A_163 = arith.constant 10 : index
    %swap3A_164 = arith.constant 0 : index
    %swap3A_165 = vector.load %arg1[%swap3A_163, %swap3A_164] : memref<16x10000xf32, #tpu.memory_space<vmem>>, vector<1x10000xf32>
    tpu.vector_store %arg1[%swap3A_163, %swap3A_164], %get3A_4 {strides = array<i32>} : memref<16x10000xf32, #tpu.memory_space<vmem>>, vector<1x10000xf32>,
    %swap3A_166 = arith.constant 11 : index
    %swap3A_167 = arith.constant 0 : index
    %swap3A_168 = vector.load %arg1[%swap3A_166, %swap3A_167] : memref<16x10000xf32, #tpu.memory_space<vmem>>, vector<1x10000xf32>
    tpu.vector_store %arg1[%swap3A_166, %swap3A_167], %get3A_7 {strides = array<i32>} : memref<16x10000xf32, #tpu.memory_space<vmem>>, vector<1x10000xf32>,
    %broadcast_in_dim3A = arith.constant 0.000000e+00 : f32
    %broadcast_in_dim3A_169 = vector.broadcast %broadcast_in_dim3A : f32 to vector<4x10000xf32>
    %swap3A_170 = arith.constant 12 : index
    %swap3A_171 = arith.constant 0 : index
    %swap3A_172 = vector.load %arg1[%swap3A_170, %swap3A_171] : memref<16x10000xf32, #tpu.memory_space<vmem>>, vector<4x10000xf32>
    tpu.vector_store %arg1[%swap3A_170, %swap3A_171], %broadcast_in_dim3A_169 {strides = array<i32>} : memref<16x10000xf32, #tpu.memory_space<vmem>>, vector<4x10000xf32>,
    return
  }
}

module attributes {stable_mosaic.version = 14 : i64} {
  func.func @_k3_body(%arg0: i32, %arg1: memref<1x16x100x128xf32, #tpu.memory_space<vmem>>, %arg2: memref<1x16x100x128xf32, #tpu.memory_space<vmem>>, %arg3: memref<1x100x128xi32, #tpu.memory_space<vmem>>, %arg4: memref<8xf32, #tpu.memory_space<smem>>, %arg5: memref<1xf32, #tpu.memory_space<smem>>, %arg6: memref<16x23xf32, #tpu.memory_space<smem>>, %arg7: memref<16xf32, #tpu.memory_space<smem>>, %arg8: memref<1x16x100x128xf32, #tpu.memory_space<vmem>>, %arg9: memref<16x128xf32, #tpu.memory_space<vmem>>) attributes {dimension_semantics = [#tpu.dimension_semantics<arbitrary>], iteration_bounds = array<i64: 25>, scalar_prefetch = 0 : i64, scratch_operands = 0 : i64, tpu.core_type = #tpu.core_type<tc>, window_params = [{transform_indices = @transform_0, window_bounds = array<i64: 1, 16, 100, 128>}, {transform_indices = @transform_1, window_bounds = array<i64: 1, 16, 100, 128>}, {transform_indices = @transform_2, window_bounds = array<i64: 1, 100, 128>}, {transform_indices = @transform_3, window_bounds = array<i64: 8>}, {transform_indices = @transform_4, window_bounds = array<i64: 1>}, {transform_indices = @transform_5, window_bounds = array<i64: 16, 23>}, {transform_indices = @transform_6, window_bounds = array<i64: 16>}, {transform_indices = @transform_7, window_bounds = array<i64: 1, 16, 100, 128>}, {pipeline_mode = #tpu.pipeline_mode<synchronous>, transform_indices = @transform_8, window_bounds = array<i64: 16, 128>}]} {
    %eq3A = arith.constant 0 : i32
    %eq3A_0 = arith.cmpi eq, %arg0, %eq3A : i32
    %convert_element_type3A = arith.extui %eq3A_0 : i1 to i32
    %cond3A = arith.constant 0 : i32
    %cond3A_1 = arith.cmpi ne, %convert_element_type3A, %cond3A : i32
    scf.if %cond3A_1 {
      %broadcast_in_dim3A_2916 = arith.constant 0.000000e+00 : f32
      %broadcast_in_dim3A_2917 = vector.broadcast %broadcast_in_dim3A_2916 : f32 to vector<16x128xf32>
      %swap3A_2918 = arith.constant 0 : index
      %swap3A_2919 = arith.constant 0 : index
      %swap3A_2920 = vector.load %arg9[%swap3A_2918, %swap3A_2919] : memref<16x128xf32, #tpu.memory_space<vmem>>, vector<16x128xf32>
      tpu.vector_store %arg9[%swap3A_2918, %swap3A_2919], %broadcast_in_dim3A_2917 {strides = array<i32>} : memref<16x128xf32, #tpu.memory_space<vmem>>, vector<16x128xf32>,
    } else {
    }
    %get3A = arith.constant 0 : index
    %get3A_2 = arith.constant 0 : index
    %get3A_3 = arith.constant 0 : index
    %get3A_4 = arith.constant 0 : index
    %get3A_5 = vector.load %arg1[%get3A, %get3A_2, %get3A_3, %get3A_4] : memref<1x16x100x128xf32, #tpu.memory_space<vmem>>, vector<1x16x100x128xf32>
    %get3A_6 = vector.shape_cast %get3A_5 : vector<1x16x100x128xf32> to vector<16x100x128xf32>
    %get3A_7 = arith.constant 0 : index
    %get3A_8 = arith.constant 0 : index
    %get3A_9 = arith.constant 0 : index
    %get3A_10 = arith.constant 0 : index
    %get3A_11 = vector.load %arg2[%get3A_7, %get3A_8, %get3A_9, %get3A_10] : memref<1x16x100x128xf32, #tpu.memory_space<vmem>>, vector<1x16x100x128xf32>
    %get3A_12 = vector.shape_cast %get3A_11 : vector<1x16x100x128xf32> to vector<16x100x128xf32>
    %slice3A = vector.extract_strided_slice %get3A_6 {offsets = [0, 0, 0], sizes = [1, 100, 128], strides = [1, 1, 1]} : vector<16x100x128xf32> to vector<1x100x128xf32>
    %squeeze3A = vector.shape_cast %slice3A : vector<1x100x128xf32> to vector<100x128xf32>
    %slice3A_13 = vector.extract_strided_slice %get3A_6 {offsets = [1, 0, 0], sizes = [1, 100, 128], strides = [1, 1, 1]} : vector<16x100x128xf32> to vector<1x100x128xf32>
    %squeeze3A_14 = vector.shape_cast %slice3A_13 : vector<1x100x128xf32> to vector<100x128xf32>
    %slice3A_15 = vector.extract_strided_slice %get3A_6 {offsets = [2, 0, 0], sizes = [1, 100, 128], strides = [1, 1, 1]} : vector<16x100x128xf32> to vector<1x100x128xf32>
    %squeeze3A_16 = vector.shape_cast %slice3A_15 : vector<1x100x128xf32> to vector<100x128xf32>
    %slice3A_17 = vector.extract_strided_slice %get3A_6 {offsets = [3, 0, 0], sizes = [1, 100, 128], strides = [1, 1, 1]} : vector<16x100x128xf32> to vector<1x100x128xf32>
    %squeeze3A_18 = vector.shape_cast %slice3A_17 : vector<1x100x128xf32> to vector<100x128xf32>
    %slice3A_19 = vector.extract_strided_slice %get3A_6 {offsets = [4, 0, 0], sizes = [1, 100, 128], strides = [1, 1, 1]} : vector<16x100x128xf32> to vector<1x100x128xf32>
    %squeeze3A_20 = vector.shape_cast %slice3A_19 : vector<1x100x128xf32> to vector<100x128xf32>
    %slice3A_21 = vector.extract_strided_slice %get3A_6 {offsets = [5, 0, 0], sizes = [1, 100, 128], strides = [1, 1, 1]} : vector<16x100x128xf32> to vector<1x100x128xf32>
    %squeeze3A_22 = vector.shape_cast %slice3A_21 : vector<1x100x128xf32> to vector<100x128xf32>
    %slice3A_23 = vector.extract_strided_slice %get3A_6 {offsets = [6, 0, 0], sizes = [1, 100, 128], strides = [1, 1, 1]} : vector<16x100x128xf32> to vector<1x100x128xf32>
    %squeeze3A_24 = vector.shape_cast %slice3A_23 : vector<1x100x128xf32> to vector<100x128xf32>
    %slice3A_25 = vector.extract_strided_slice %get3A_6 {offsets = [7, 0, 0], sizes = [1, 100, 128], strides = [1, 1, 1]} : vector<16x100x128xf32> to vector<1x100x128xf32>
    %squeeze3A_26 = vector.shape_cast %slice3A_25 : vector<1x100x128xf32> to vector<100x128xf32>
    %slice3A_27 = vector.extract_strided_slice %get3A_6 {offsets = [8, 0, 0], sizes = [1, 100, 128], strides = [1, 1, 1]} : vector<16x100x128xf32> to vector<1x100x128xf32>
    %squeeze3A_28 = vector.shape_cast %slice3A_27 : vector<1x100x128xf32> to vector<100x128xf32>
    %slice3A_29 = vector.extract_strided_slice %get3A_6 {offsets = [9, 0, 0], sizes = [1, 100, 128], strides = [1, 1, 1]} : vector<16x100x128xf32> to vector<1x100x128xf32>
    %squeeze3A_30 = vector.shape_cast %slice3A_29 : vector<1x100x128xf32> to vector<100x128xf32>
    %slice3A_31 = vector.extract_strided_slice %get3A_6 {offsets = [10, 0, 0], sizes = [1, 100, 128], strides = [1, 1, 1]} : vector<16x100x128xf32> to vector<1x100x128xf32>
    %squeeze3A_32 = vector.shape_cast %slice3A_31 : vector<1x100x128xf32> to vector<100x128xf32>
    %slice3A_33 = vector.extract_strided_slice %get3A_6 {offsets = [11, 0, 0], sizes = [1, 100, 128], strides = [1, 1, 1]} : vector<16x100x128xf32> to vector<1x100x128xf32>
    %squeeze3A_34 = vector.shape_cast %slice3A_33 : vector<1x100x128xf32> to vector<100x128xf32>
    %slice3A_35 = vector.extract_strided_slice %get3A_12 {offsets = [0, 0, 0], sizes = [1, 100, 128], strides = [1, 1, 1]} : vector<16x100x128xf32> to vector<1x100x128xf32>
    %squeeze3A_36 = vector.shape_cast %slice3A_35 : vector<1x100x128xf32> to vector<100x128xf32>
    %slice3A_37 = vector.extract_strided_slice %get3A_12 {offsets = [1, 0, 0], sizes = [1, 100, 128], strides = [1, 1, 1]} : vector<16x100x128xf32> to vector<1x100x128xf32>
    %squeeze3A_38 = vector.shape_cast %slice3A_37 : vector<1x100x128xf32> to vector<100x128xf32>
    %slice3A_39 = vector.extract_strided_slice %get3A_12 {offsets = [2, 0, 0], sizes = [1, 100, 128], strides = [1, 1, 1]} : vector<16x100x128xf32> to vector<1x100x128xf32>
    %squeeze3A_40 = vector.shape_cast %slice3A_39 : vector<1x100x128xf32> to vector<100x128xf32>
    %slice3A_41 = vector.extract_strided_slice %get3A_12 {offsets = [3, 0, 0], sizes = [1, 100, 128], strides = [1, 1, 1]} : vector<16x100x128xf32> to vector<1x100x128xf32>
    %squeeze3A_42 = vector.shape_cast %slice3A_41 : vector<1x100x128xf32> to vector<100x128xf32>
    %slice3A_43 = vector.extract_strided_slice %get3A_12 {offsets = [4, 0, 0], sizes = [1, 100, 128], strides = [1, 1, 1]} : vector<16x100x128xf32> to vector<1x100x128xf32>
    %squeeze3A_44 = vector.shape_cast %slice3A_43 : vector<1x100x128xf32> to vector<100x128xf32>
    %slice3A_45 = vector.extract_strided_slice %get3A_12 {offsets = [5, 0, 0], sizes = [1, 100, 128], strides = [1, 1, 1]} : vector<16x100x128xf32> to vector<1x100x128xf32>
    %squeeze3A_46 = vector.shape_cast %slice3A_45 : vector<1x100x128xf32> to vector<100x128xf32>
    %slice3A_47 = vector.extract_strided_slice %get3A_12 {offsets = [6, 0, 0], sizes = [1, 100, 128], strides = [1, 1, 1]} : vector<16x100x128xf32> to vector<1x100x128xf32>
    %squeeze3A_48 = vector.shape_cast %slice3A_47 : vector<1x100x128xf32> to vector<100x128xf32>
    %slice3A_49 = vector.extract_strided_slice %get3A_12 {offsets = [7, 0, 0], sizes = [1, 100, 128], strides = [1, 1, 1]} : vector<16x100x128xf32> to vector<1x100x128xf32>
    %squeeze3A_50 = vector.shape_cast %slice3A_49 : vector<1x100x128xf32> to vector<100x128xf32>
    %slice3A_51 = vector.extract_strided_slice %get3A_12 {offsets = [8, 0, 0], sizes = [1, 100, 128], strides = [1, 1, 1]} : vector<16x100x128xf32> to vector<1x100x128xf32>
    %squeeze3A_52 = vector.shape_cast %slice3A_51 : vector<1x100x128xf32> to vector<100x128xf32>
    %slice3A_53 = vector.extract_strided_slice %get3A_12 {offsets = [9, 0, 0], sizes = [1, 100, 128], strides = [1, 1, 1]} : vector<16x100x128xf32> to vector<1x100x128xf32>
    %squeeze3A_54 = vector.shape_cast %slice3A_53 : vector<1x100x128xf32> to vector<100x128xf32>
    %slice3A_55 = vector.extract_strided_slice %get3A_12 {offsets = [10, 0, 0], sizes = [1, 100, 128], strides = [1, 1, 1]} : vector<16x100x128xf32> to vector<1x100x128xf32>
    %squeeze3A_56 = vector.shape_cast %slice3A_55 : vector<1x100x128xf32> to vector<100x128xf32>
    %slice3A_57 = vector.extract_strided_slice %get3A_12 {offsets = [11, 0, 0], sizes = [1, 100, 128], strides = [1, 1, 1]} : vector<16x100x128xf32> to vector<1x100x128xf32>
    %squeeze3A_58 = vector.shape_cast %slice3A_57 : vector<1x100x128xf32> to vector<100x128xf32>
    %convert_element_type3A_59 = arith.truncf %squeeze3A_36 : vector<100x128xf32> to vector<100x128xbf16>
    %convert_element_type3A_60 = arith.extf %convert_element_type3A_59 : vector<100x128xbf16> to vector<100x128xf32>
    %convert_element_type3A_61 = arith.truncf %squeeze3A_38 : vector<100x128xf32> to vector<100x128xbf16>
    %convert_element_type3A_62 = arith.extf %convert_element_type3A_61 : vector<100x128xbf16> to vector<100x128xf32>
    %convert_element_type3A_63 = arith.truncf %squeeze3A_40 : vector<100x128xf32> to vector<100x128xbf16>
    %convert_element_type3A_64 = arith.extf %convert_element_type3A_63 : vector<100x128xbf16> to vector<100x128xf32>
    %convert_element_type3A_65 = arith.truncf %squeeze3A_42 : vector<100x128xf32> to vector<100x128xbf16>
    %convert_element_type3A_66 = arith.extf %convert_element_type3A_65 : vector<100x128xbf16> to vector<100x128xf32>
    %convert_element_type3A_67 = arith.truncf %squeeze3A_44 : vector<100x128xf32> to vector<100x128xbf16>
    %convert_element_type3A_68 = arith.extf %convert_element_type3A_67 : vector<100x128xbf16> to vector<100x128xf32>
    %convert_element_type3A_69 = arith.truncf %squeeze3A_46 : vector<100x128xf32> to vector<100x128xbf16>
    %convert_element_type3A_70 = arith.extf %convert_element_type3A_69 : vector<100x128xbf16> to vector<100x128xf32>
    %convert_element_type3A_71 = arith.truncf %squeeze3A_48 : vector<100x128xf32> to vector<100x128xbf16>
    %convert_element_type3A_72 = arith.extf %convert_element_type3A_71 : vector<100x128xbf16> to vector<100x128xf32>
    %convert_element_type3A_73 = arith.truncf %squeeze3A_50 : vector<100x128xf32> to vector<100x128xbf16>
    %convert_element_type3A_74 = arith.extf %convert_element_type3A_73 : vector<100x128xbf16> to vector<100x128xf32>
    %convert_element_type3A_75 = arith.truncf %squeeze3A_52 : vector<100x128xf32> to vector<100x128xbf16>
    %convert_element_type3A_76 = arith.extf %convert_element_type3A_75 : vector<100x128xbf16> to vector<100x128xf32>
    %convert_element_type3A_77 = arith.truncf %squeeze3A : vector<100x128xf32> to vector<100x128xbf16>
    %convert_element_type3A_78 = arith.extf %convert_element_type3A_77 : vector<100x128xbf16> to vector<100x128xf32>
    %convert_element_type3A_79 = arith.truncf %squeeze3A_14 : vector<100x128xf32> to vector<100x128xbf16>
    %convert_element_type3A_80 = arith.extf %convert_element_type3A_79 : vector<100x128xbf16> to vector<100x128xf32>
    %convert_element_type3A_81 = arith.truncf %squeeze3A_16 : vector<100x128xf32> to vector<100x128xbf16>
    %convert_element_type3A_82 = arith.extf %convert_element_type3A_81 : vector<100x128xbf16> to vector<100x128xf32>
    %convert_element_type3A_83 = arith.truncf %squeeze3A_18 : vector<100x128xf32> to vector<100x128xbf16>
    %convert_element_type3A_84 = arith.extf %convert_element_type3A_83 : vector<100x128xbf16> to vector<100x128xf32>
    %convert_element_type3A_85 = arith.truncf %squeeze3A_20 : vector<100x128xf32> to vector<100x128xbf16>
    %convert_element_type3A_86 = arith.extf %convert_element_type3A_85 : vector<100x128xbf16> to vector<100x128xf32>
    %convert_element_type3A_87 = arith.truncf %squeeze3A_22 : vector<100x128xf32> to vector<100x128xbf16>
    %convert_element_type3A_88 = arith.extf %convert_element_type3A_87 : vector<100x128xbf16> to vector<100x128xf32>
    %convert_element_type3A_89 = arith.truncf %squeeze3A_24 : vector<100x128xf32> to vector<100x128xbf16>
    %convert_element_type3A_90 = arith.extf %convert_element_type3A_89 : vector<100x128xbf16> to vector<100x128xf32>
    %convert_element_type3A_91 = arith.truncf %squeeze3A_26 : vector<100x128xf32> to vector<100x128xbf16>
    %convert_element_type3A_92 = arith.extf %convert_element_type3A_91 : vector<100x128xbf16> to vector<100x128xf32>
    %convert_element_type3A_93 = arith.truncf %squeeze3A_28 : vector<100x128xf32> to vector<100x128xbf16>
    %convert_element_type3A_94 = arith.extf %convert_element_type3A_93 : vector<100x128xbf16> to vector<100x128xf32>
    %sub3A = arith.subf %squeeze3A_30, %squeeze3A_54 : vector<100x128xf32>
    %convert_element_type3A_95 = arith.truncf %sub3A : vector<100x128xf32> to vector<100x128xbf16>
    %convert_element_type3A_96 = arith.extf %convert_element_type3A_95 : vector<100x128xbf16> to vector<100x128xf32>
    %sub3A_97 = arith.subf %squeeze3A_32, %squeeze3A_56 : vector<100x128xf32>
    %convert_element_type3A_98 = arith.truncf %sub3A_97 : vector<100x128xf32> to vector<100x128xbf16>
    %convert_element_type3A_99 = arith.extf %convert_element_type3A_98 : vector<100x128xbf16> to vector<100x128xf32>
    %sub3A_100 = arith.subf %squeeze3A_34, %squeeze3A_58 : vector<100x128xf32>
    %convert_element_type3A_101 = arith.truncf %sub3A_100 : vector<100x128xf32> to vector<100x128xbf16>
    %convert_element_type3A_102 = arith.extf %convert_element_type3A_101 : vector<100x128xbf16> to vector<100x128xf32>
    %mul3A = arith.mulf %convert_element_type3A_60, %convert_element_type3A_96 : vector<100x128xf32>
    %mul3A_103 = arith.mulf %convert_element_type3A_62, %convert_element_type3A_99 : vector<100x128xf32>
    %add3A = arith.addf %mul3A, %mul3A_103 : vector<100x128xf32>
    %mul3A_104 = arith.mulf %convert_element_type3A_64, %convert_element_type3A_102 : vector<100x128xf32>
    %add3A_105 = arith.addf %add3A, %mul3A_104 : vector<100x128xf32>
    %mul3A_106 = arith.mulf %convert_element_type3A_66, %convert_element_type3A_96 : vector<100x128xf32>
    %mul3A_107 = arith.mulf %convert_element_type3A_68, %convert_element_type3A_99 : vector<100x128xf32>
    %add3A_108 = arith.addf %mul3A_106, %mul3A_107 : vector<100x128xf32>
    %mul3A_109 = arith.mulf %convert_element_type3A_70, %convert_element_type3A_102 : vector<100x128xf32>
    %add3A_110 = arith.addf %add3A_108, %mul3A_109 : vector<100x128xf32>
    %mul3A_111 = arith.mulf %convert_element_type3A_72, %convert_element_type3A_96 : vector<100x128xf32>
    %mul3A_112 = arith.mulf %convert_element_type3A_74, %convert_element_type3A_99 : vector<100x128xf32>
    %add3A_113 = arith.addf %mul3A_111, %mul3A_112 : vector<100x128xf32>
    %mul3A_114 = arith.mulf %convert_element_type3A_76, %convert_element_type3A_102 : vector<100x128xf32>
    %add3A_115 = arith.addf %add3A_113, %mul3A_114 : vector<100x128xf32>
    %mul3A_116 = arith.mulf %add3A_105, %add3A_105 : vector<100x128xf32>
    %mul3A_117 = arith.mulf %add3A_110, %add3A_110 : vector<100x128xf32>
    %add3A_118 = arith.addf %mul3A_116, %mul3A_117 : vector<100x128xf32>
    %mul3A_119 = arith.mulf %add3A_115, %add3A_115 : vector<100x128xf32>
    %add3A_120 = arith.addf %add3A_118, %mul3A_119 : vector<100x128xf32>
    %add3A_121 = arith.constant 1.000000e-24 : f32
    %add3A_122 = vector.broadcast %add3A_121 : f32 to vector<100x128xf32>
    %add3A_123 = arith.addf %add3A_120, %add3A_122 : vector<100x128xf32>
    %sqrt3A = math.sqrt %add3A_123 : vector<100x128xf32>
    %div3A = arith.constant 1.000000e+00 : f32
    %div3A_124 = vector.broadcast %div3A : f32 to vector<100x128xf32>
    %div3A_125 = arith.divf %div3A_124, %sqrt3A : vector<100x128xf32>
    %mul3A_126 = arith.mulf %add3A_105, %div3A_125 : vector<100x128xf32>
    %mul3A_127 = arith.mulf %add3A_110, %div3A_125 : vector<100x128xf32>
    %mul3A_128 = arith.mulf %add3A_115, %div3A_125 : vector<100x128xf32>
    %mul3A_129 = arith.mulf %convert_element_type3A_60, %convert_element_type3A_78 : vector<100x128xf32>
    %mul3A_130 = arith.mulf %convert_element_type3A_66, %convert_element_type3A_84 : vector<100x128xf32>
    %add3A_131 = arith.addf %mul3A_129, %mul3A_130 : vector<100x128xf32>
    %mul3A_132 = arith.mulf %convert_element_type3A_72, %convert_element_type3A_90 : vector<100x128xf32>
    %add3A_133 = arith.addf %add3A_131, %mul3A_132 : vector<100x128xf32>
    %mul3A_134 = arith.mulf %convert_element_type3A_62, %convert_element_type3A_80 : vector<100x128xf32>
    %mul3A_135 = arith.mulf %convert_element_type3A_68, %convert_element_type3A_86 : vector<100x128xf32>
    %add3A_136 = arith.addf %mul3A_134, %mul3A_135 : vector<100x128xf32>
    %mul3A_137 = arith.mulf %convert_element_type3A_74, %convert_element_type3A_92 : vector<100x128xf32>
    %add3A_138 = arith.addf %add3A_136, %mul3A_137 : vector<100x128xf32>
    %mul3A_139 = arith.mulf %convert_element_type3A_64, %convert_element_type3A_82 : vector<100x128xf32>
    %mul3A_140 = arith.mulf %convert_element_type3A_70, %convert_element_type3A_88 : vector<100x128xf32>
    %add3A_141 = arith.addf %mul3A_139, %mul3A_140 : vector<100x128xf32>
    %mul3A_142 = arith.mulf %convert_element_type3A_76, %convert_element_type3A_94 : vector<100x128xf32>
    %add3A_143 = arith.addf %add3A_141, %mul3A_142 : vector<100x128xf32>
    %mul3A_144 = arith.mulf %convert_element_type3A_64, %convert_element_type3A_80 : vector<100x128xf32>
    %mul3A_145 = arith.mulf %convert_element_type3A_70, %convert_element_type3A_86 : vector<100x128xf32>
    %add3A_146 = arith.addf %mul3A_144, %mul3A_145 : vector<100x128xf32>
    %mul3A_147 = arith.mulf %convert_element_type3A_76, %convert_element_type3A_92 : vector<100x128xf32>
    %add3A_148 = arith.addf %add3A_146, %mul3A_147 : vector<100x128xf32>
    %mul3A_149 = arith.mulf %convert_element_type3A_62, %convert_element_type3A_82 : vector<100x128xf32>
    %mul3A_150 = arith.mulf %convert_element_type3A_68, %convert_element_type3A_88 : vector<100x128xf32>
    %add3A_151 = arith.addf %mul3A_149, %mul3A_150 : vector<100x128xf32>
    %mul3A_152 = arith.mulf %convert_element_type3A_74, %convert_element_type3A_94 : vector<100x128xf32>
    %add3A_153 = arith.addf %add3A_151, %mul3A_152 : vector<100x128xf32>
    %sub3A_154 = arith.subf %add3A_148, %add3A_153 : vector<100x128xf32>
    %mul3A_155 = arith.mulf %convert_element_type3A_60, %convert_element_type3A_82 : vector<100x128xf32>
    %mul3A_156 = arith.mulf %convert_element_type3A_66, %convert_element_type3A_88 : vector<100x128xf32>
    %add3A_157 = arith.addf %mul3A_155, %mul3A_156 : vector<100x128xf32>
    %mul3A_158 = arith.mulf %convert_element_type3A_72, %convert_element_type3A_94 : vector<100x128xf32>
    %add3A_159 = arith.addf %add3A_157, %mul3A_158 : vector<100x128xf32>
    %mul3A_160 = arith.mulf %convert_element_type3A_64, %convert_element_type3A_78 : vector<100x128xf32>
    %mul3A_161 = arith.mulf %convert_element_type3A_70, %convert_element_type3A_84 : vector<100x128xf32>
    %add3A_162 = arith.addf %mul3A_160, %mul3A_161 : vector<100x128xf32>
    %mul3A_163 = arith.mulf %convert_element_type3A_76, %convert_element_type3A_90 : vector<100x128xf32>
    %add3A_164 = arith.addf %add3A_162, %mul3A_163 : vector<100x128xf32>
    %sub3A_165 = arith.subf %add3A_159, %add3A_164 : vector<100x128xf32>
    %mul3A_166 = arith.mulf %convert_element_type3A_62, %convert_element_type3A_78 : vector<100x128xf32>
    %mul3A_167 = arith.mulf %convert_element_type3A_68, %convert_element_type3A_84 : vector<100x128xf32>
    %add3A_168 = arith.addf %mul3A_166, %mul3A_167 : vector<100x128xf32>
    %mul3A_169 = arith.mulf %convert_element_type3A_74, %convert_element_type3A_90 : vector<100x128xf32>
    %add3A_170 = arith.addf %add3A_168, %mul3A_169 : vector<100x128xf32>
    %mul3A_171 = arith.mulf %convert_element_type3A_60, %convert_element_type3A_80 : vector<100x128xf32>
    %mul3A_172 = arith.mulf %convert_element_type3A_66, %convert_element_type3A_86 : vector<100x128xf32>
    %add3A_173 = arith.addf %mul3A_171, %mul3A_172 : vector<100x128xf32>
    %mul3A_174 = arith.mulf %convert_element_type3A_72, %convert_element_type3A_92 : vector<100x128xf32>
    %add3A_175 = arith.addf %add3A_173, %mul3A_174 : vector<100x128xf32>
    %sub3A_176 = arith.subf %add3A_170, %add3A_175 : vector<100x128xf32>
    %add3A_177 = arith.constant 1.000000e+00 : f32
    %add3A_178 = vector.broadcast %add3A_177 : f32 to vector<100x128xf32>
    %add3A_179 = arith.addf %add3A_178, %add3A_133 : vector<100x128xf32>
    %sub3A_180 = arith.subf %add3A_179, %add3A_138 : vector<100x128xf32>
    %sub3A_181 = arith.subf %sub3A_180, %add3A_143 : vector<100x128xf32>
    %abs3A = math.absf %sub3A_181 : vector<100x128xf32>
    %sqrt3A_182 = math.sqrt %abs3A : vector<100x128xf32>
    %mul3A_183 = arith.constant 5.000000e-01 : f32
    %mul3A_184 = vector.broadcast %mul3A_183 : f32 to vector<100x128xf32>
    %mul3A_185 = arith.mulf %mul3A_184, %sqrt3A_182 : vector<100x128xf32>
    %sub3A_186 = arith.constant 1.000000e+00 : f32
    %sub3A_187 = vector.broadcast %sub3A_186 : f32 to vector<100x128xf32>
    %sub3A_188 = arith.subf %sub3A_187, %add3A_133 : vector<100x128xf32>
    %add3A_189 = arith.addf %sub3A_188, %add3A_138 : vector<100x128xf32>
    %sub3A_190 = arith.subf %add3A_189, %add3A_143 : vector<100x128xf32>
    %abs3A_191 = math.absf %sub3A_190 : vector<100x128xf32>
    %sqrt3A_192 = math.sqrt %abs3A_191 : vector<100x128xf32>
    %mul3A_193 = arith.constant 5.000000e-01 : f32
    %mul3A_194 = vector.broadcast %mul3A_193 : f32 to vector<100x128xf32>
    %mul3A_195 = arith.mulf %mul3A_194, %sqrt3A_192 : vector<100x128xf32>
    %sub3A_196 = arith.constant 1.000000e+00 : f32
    %sub3A_197 = vector.broadcast %sub3A_196 : f32 to vector<100x128xf32>
    %sub3A_198 = arith.subf %sub3A_197, %add3A_133 : vector<100x128xf32>
    %sub3A_199 = arith.subf %sub3A_198, %add3A_138 : vector<100x128xf32>
    %add3A_200 = arith.addf %sub3A_199, %add3A_143 : vector<100x128xf32>
    %abs3A_201 = math.absf %add3A_200 : vector<100x128xf32>
    %sqrt3A_202 = math.sqrt %abs3A_201 : vector<100x128xf32>
    %mul3A_203 = arith.constant 5.000000e-01 : f32
    %mul3A_204 = vector.broadcast %mul3A_203 : f32 to vector<100x128xf32>
    %mul3A_205 = arith.mulf %mul3A_204, %sqrt3A_202 : vector<100x128xf32>
    %sign3A = tpu.bitcast %sub3A_154 : vector<100x128xf32> -> vector<100x128xi32>
    %sign3A_206 = arith.constant -2147483648 : i32
    %sign3A_207 = vector.broadcast %sign3A_206 : i32 to vector<100x128xi32>
    %sign3A_208 = arith.andi %sign3A, %sign3A_207 : vector<100x128xi32>
    %sign3A_209 = arith.constant 1065353216 : i32
    %sign3A_210 = vector.broadcast %sign3A_209 : i32 to vector<100x128xi32>
    %sign3A_211 = arith.ori %sign3A_210, %sign3A_208 : vector<100x128xi32>
    %sign3A_212 = tpu.bitcast %sign3A_211 : vector<100x128xi32> -> vector<100x128xf32>
    %sign3A_213 = math.absf %sub3A_154 : vector<100x128xf32>
    %sign3A_214 = arith.constant 0.000000e+00 : f32
    %sign3A_215 = vector.broadcast %sign3A_214 : f32 to vector<100x128xf32>
    %sign3A_216 = arith.cmpf ogt, %sign3A_213, %sign3A_215 : vector<100x128xf32>
    %sign3A_217 = arith.select %sign3A_216, %sign3A_212, %sub3A_154 : vector<100x128xi1>, vector<100x128xf32>
    %mul3A_218 = arith.mulf %sign3A_217, %mul3A_185 : vector<100x128xf32>
    %sign3A_219 = tpu.bitcast %sub3A_165 : vector<100x128xf32> -> vector<100x128xi32>
    %sign3A_220 = arith.constant -2147483648 : i32
    %sign3A_221 = vector.broadcast %sign3A_220 : i32 to vector<100x128xi32>
    %sign3A_222 = arith.andi %sign3A_219, %sign3A_221 : vector<100x128xi32>
    %sign3A_223 = arith.constant 1065353216 : i32
    %sign3A_224 = vector.broadcast %sign3A_223 : i32 to vector<100x128xi32>
    %sign3A_225 = arith.ori %sign3A_224, %sign3A_222 : vector<100x128xi32>
    %sign3A_226 = tpu.bitcast %sign3A_225 : vector<100x128xi32> -> vector<100x128xf32>
    %sign3A_227 = math.absf %sub3A_165 : vector<100x128xf32>
    %sign3A_228 = arith.constant 0.000000e+00 : f32
    %sign3A_229 = vector.broadcast %sign3A_228 : f32 to vector<100x128xf32>
    %sign3A_230 = arith.cmpf ogt, %sign3A_227, %sign3A_229 : vector<100x128xf32>
    %sign3A_231 = arith.select %sign3A_230, %sign3A_226, %sub3A_165 : vector<100x128xi1>, vector<100x128xf32>
    %mul3A_232 = arith.mulf %sign3A_231, %mul3A_195 : vector<100x128xf32>
    %sign3A_233 = tpu.bitcast %sub3A_176 : vector<100x128xf32> -> vector<100x128xi32>
    %sign3A_234 = arith.constant -2147483648 : i32
    %sign3A_235 = vector.broadcast %sign3A_234 : i32 to vector<100x128xi32>
    %sign3A_236 = arith.andi %sign3A_233, %sign3A_235 : vector<100x128xi32>
    %sign3A_237 = arith.constant 1065353216 : i32
    %sign3A_238 = vector.broadcast %sign3A_237 : i32 to vector<100x128xi32>
    %sign3A_239 = arith.ori %sign3A_238, %sign3A_236 : vector<100x128xi32>
    %sign3A_240 = tpu.bitcast %sign3A_239 : vector<100x128xi32> -> vector<100x128xf32>
    %sign3A_241 = math.absf %sub3A_176 : vector<100x128xf32>
    %sign3A_242 = arith.constant 0.000000e+00 : f32
    %sign3A_243 = vector.broadcast %sign3A_242 : f32 to vector<100x128xf32>
    %sign3A_244 = arith.cmpf ogt, %sign3A_241, %sign3A_243 : vector<100x128xf32>
    %sign3A_245 = arith.select %sign3A_244, %sign3A_240, %sub3A_176 : vector<100x128xi1>, vector<100x128xf32>
    %mul3A_246 = arith.mulf %sign3A_245, %mul3A_205 : vector<100x128xf32>
    %add3A_247 = arith.constant 1.000000e+00 : f32
    %add3A_248 = vector.broadcast %add3A_247 : f32 to vector<100x128xf32>
    %add3A_249 = arith.addf %add3A_248, %add3A_133 : vector<100x128xf32>
    %add3A_250 = arith.addf %add3A_249, %add3A_138 : vector<100x128xf32>
    %add3A_251 = arith.addf %add3A_250, %add3A_143 : vector<100x128xf32>
    %max3A = arith.constant 0.000000e+00 : f32
    %max3A_252 = vector.broadcast %max3A : f32 to vector<100x128xf32>
    %max3A_253 = arith.maximumf %add3A_251, %max3A_252 : vector<100x128xf32>
    %sqrt3A_254 = math.sqrt %max3A_253 : vector<100x128xf32>
    %mul3A_255 = arith.constant 5.000000e-01 : f32
    %mul3A_256 = vector.broadcast %mul3A_255 : f32 to vector<100x128xf32>
    %mul3A_257 = arith.mulf %mul3A_256, %sqrt3A_254 : vector<100x128xf32>
    %mul3A_258 = arith.mulf %mul3A_218, %mul3A_218 : vector<100x128xf32>
    %mul3A_259 = arith.mulf %mul3A_232, %mul3A_232 : vector<100x128xf32>
    %add3A_260 = arith.addf %mul3A_258, %mul3A_259 : vector<100x128xf32>
    %mul3A_261 = arith.mulf %mul3A_246, %mul3A_246 : vector<100x128xf32>
    %add3A_262 = arith.addf %add3A_260, %mul3A_261 : vector<100x128xf32>
    %mul3A_263 = arith.mulf %mul3A_257, %mul3A_257 : vector<100x128xf32>
    %add3A_264 = arith.addf %add3A_262, %mul3A_263 : vector<100x128xf32>
    %add3A_265 = arith.constant 1.000000e-24 : f32
    %add3A_266 = vector.broadcast %add3A_265 : f32 to vector<100x128xf32>
    %add3A_267 = arith.addf %add3A_264, %add3A_266 : vector<100x128xf32>
    %sqrt3A_268 = math.sqrt %add3A_267 : vector<100x128xf32>
    %div3A_269 = arith.constant 1.000000e+00 : f32
    %div3A_270 = vector.broadcast %div3A_269 : f32 to vector<100x128xf32>
    %div3A_271 = arith.divf %div3A_270, %sqrt3A_268 : vector<100x128xf32>
    %mul3A_272 = arith.mulf %mul3A_218, %div3A_271 : vector<100x128xf32>
    %mul3A_273 = arith.mulf %mul3A_232, %div3A_271 : vector<100x128xf32>
    %mul3A_274 = arith.mulf %mul3A_246, %div3A_271 : vector<100x128xf32>
    %mul3A_275 = arith.mulf %mul3A_257, %div3A_271 : vector<100x128xf32>
    %get3A_276 = arith.constant 0 : index
    %get3A_277 = arith.constant 0 : index
    %get3A_278 = arith.constant 0 : index
    %get3A_279 = vector.load %arg3[%get3A_276, %get3A_277, %get3A_278] : memref<1x100x128xi32, #tpu.memory_space<vmem>>, vector<1x100x128xi32>
    %get3A_280 = vector.shape_cast %get3A_279 : vector<1x100x128xi32> to vector<100x128xi32>
    %convert_element_type3A_281 = arith.sitofp %get3A_280 : vector<100x128xi32> to vector<100x128xf32>
    %iota3A = tpu.iota {dimensions = array<i32: 0>} : vector<100x128xi32>
    %iota3A_282 = tpu.iota {dimensions = array<i32: 1>} : vector<100x128xi32>
    %mul3A_283 = arith.constant 400 : i32
    %mul3A_284 = arith.muli %arg0, %mul3A_283 : i32
    %mul3A_285 = arith.constant 4 : i32
    %mul3A_286 = vector.broadcast %mul3A_285 : i32 to vector<100x128xi32>
    %mul3A_287 = arith.muli %iota3A, %mul3A_286 : vector<100x128xi32>
    %add3A_288 = vector.broadcast %mul3A_284 : i32 to vector<100x128xi32>
    %add3A_289 = arith.addi %add3A_288, %mul3A_287 : vector<100x128xi32>
    %jit3A = arith.constant 32 : i32
    %div3A_290 = vector.broadcast %jit3A : i32 to vector<100x128xi32>
    %div3A_291 = arith.divsi %iota3A_282, %div3A_290 : vector<100x128xi32>
    %sign3A_292 = arith.constant 0 : i32
    %sign3A_293 = vector.broadcast %sign3A_292 : i32 to vector<100x128xi32>
    %sign3A_294 = arith.cmpi sgt, %iota3A_282, %sign3A_293 : vector<100x128xi32>
    %sign3A_295 = arith.extui %sign3A_294 : vector<100x128xi1> to vector<100x128xi32>
    %sign3A_296 = arith.constant 0 : i32
    %sign3A_297 = vector.broadcast %sign3A_296 : i32 to vector<100x128xi32>
    %sign3A_298 = arith.cmpi slt, %iota3A_282, %sign3A_297 : vector<100x128xi32>
    %sign3A_299 = arith.extui %sign3A_298 : vector<100x128xi1> to vector<100x128xi32>
    %sign3A_300 = arith.subi %sign3A_295, %sign3A_299 : vector<100x128xi32>
    %sign3A_301 = arith.constant 0 : i32
    %sign3A_302 = arith.cmpi sgt, %jit3A, %sign3A_301 : i32
    %sign3A_303 = arith.extui %sign3A_302 : i1 to i32
    %sign3A_304 = arith.constant 0 : i32
    %sign3A_305 = arith.cmpi slt, %jit3A, %sign3A_304 : i32
    %sign3A_306 = arith.extui %sign3A_305 : i1 to i32
    %sign3A_307 = arith.subi %sign3A_303, %sign3A_306 : i32
    %ne3A = vector.broadcast %sign3A_307 : i32 to vector<100x128xi32>
    %ne3A_308 = arith.cmpi ne, %sign3A_300, %ne3A : vector<100x128xi32>
    %rem3A = vector.broadcast %jit3A : i32 to vector<100x128xi32>
    %rem3A_309 = arith.remsi %iota3A_282, %rem3A : vector<100x128xi32>
    %ne3A_310 = arith.constant 0 : i32
    %ne3A_311 = vector.broadcast %ne3A_310 : i32 to vector<100x128xi32>
    %ne3A_312 = arith.cmpi ne, %rem3A_309, %ne3A_311 : vector<100x128xi32>
    %and3A = arith.andi %ne3A_308, %ne3A_312 : vector<100x128xi1>
    %sub3A_313 = arith.constant 1 : i32
    %sub3A_314 = vector.broadcast %sub3A_313 : i32 to vector<100x128xi32>
    %sub3A_315 = arith.subi %div3A_291, %sub3A_314 : vector<100x128xi32>
    %select_n3A = arith.select %and3A, %sub3A_315, %div3A_291 : vector<100x128xi1>, vector<100x128xi32>
    %add3A_316 = arith.addi %add3A_289, %select_n3A : vector<100x128xi32>
    %convert_element_type3A_317 = arith.sitofp %add3A_316 : vector<100x128xi32> to vector<100x128xf32>
    %sub3A_318 = arith.subf %convert_element_type3A_281, %convert_element_type3A_317 : vector<100x128xf32>
    %get3A_319 = arith.constant 0 : index
    %get3A_320 = memref.load %arg5[%get3A_319] : memref<1xf32, #tpu.memory_space<smem>>
    %get3A_321 = arith.constant 0 : index
    %get3A_322 = memref.load %arg4[%get3A_321] : memref<8xf32, #tpu.memory_space<smem>>
    %mul3A_323 = arith.mulf %get3A_322, %get3A_320 : f32
    %mul3A_324 = vector.broadcast %mul3A_323 : f32 to vector<100x128xf32>
    %mul3A_325 = arith.mulf %sub3A_318, %mul3A_324 : vector<100x128xf32>
    %sin3A = math.sin %mul3A_325 : vector<100x128xf32>
    %cos3A = math.cos %mul3A_325 : vector<100x128xf32>
    %get3A_326 = arith.constant 1 : index
    %get3A_327 = memref.load %arg4[%get3A_326] : memref<8xf32, #tpu.memory_space<smem>>
    %mul3A_328 = arith.mulf %get3A_327, %get3A_320 : f32
    %mul3A_329 = vector.broadcast %mul3A_328 : f32 to vector<100x128xf32>
    %mul3A_330 = arith.mulf %sub3A_318, %mul3A_329 : vector<100x128xf32>
    %sin3A_331 = math.sin %mul3A_330 : vector<100x128xf32>
    %cos3A_332 = math.cos %mul3A_330 : vector<100x128xf32>
    %get3A_333 = arith.constant 2 : index
    %get3A_334 = memref.load %arg4[%get3A_333] : memref<8xf32, #tpu.memory_space<smem>>
    %mul3A_335 = arith.mulf %get3A_334, %get3A_320 : f32
    %mul3A_336 = vector.broadcast %mul3A_335 : f32 to vector<100x128xf32>
    %mul3A_337 = arith.mulf %sub3A_318, %mul3A_336 : vector<100x128xf32>
    %sin3A_338 = math.sin %mul3A_337 : vector<100x128xf32>
    %cos3A_339 = math.cos %mul3A_337 : vector<100x128xf32>
    %get3A_340 = arith.constant 3 : index
    %get3A_341 = memref.load %arg4[%get3A_340] : memref<8xf32, #tpu.memory_space<smem>>
    %mul3A_342 = arith.mulf %get3A_341, %get3A_320 : f32
    %mul3A_343 = vector.broadcast %mul3A_342 : f32 to vector<100x128xf32>
    %mul3A_344 = arith.mulf %sub3A_318, %mul3A_343 : vector<100x128xf32>
    %sin3A_345 = math.sin %mul3A_344 : vector<100x128xf32>
    %cos3A_346 = math.cos %mul3A_344 : vector<100x128xf32>
    %get3A_347 = arith.constant 4 : index
    %get3A_348 = memref.load %arg4[%get3A_347] : memref<8xf32, #tpu.memory_space<smem>>
    %mul3A_349 = arith.mulf %get3A_348, %get3A_320 : f32
    %mul3A_350 = vector.broadcast %mul3A_349 : f32 to vector<100x128xf32>
    %mul3A_351 = arith.mulf %sub3A_318, %mul3A_350 : vector<100x128xf32>
    %sin3A_352 = math.sin %mul3A_351 : vector<100x128xf32>
    %cos3A_353 = math.cos %mul3A_351 : vector<100x128xf32>
    %get3A_354 = arith.constant 5 : index
    %get3A_355 = memref.load %arg4[%get3A_354] : memref<8xf32, #tpu.memory_space<smem>>
    %mul3A_356 = arith.mulf %get3A_355, %get3A_320 : f32
    %mul3A_357 = vector.broadcast %mul3A_356 : f32 to vector<100x128xf32>
    %mul3A_358 = arith.mulf %sub3A_318, %mul3A_357 : vector<100x128xf32>
    %sin3A_359 = math.sin %mul3A_358 : vector<100x128xf32>
    %cos3A_360 = math.cos %mul3A_358 : vector<100x128xf32>
    %get3A_361 = arith.constant 6 : index
    %get3A_362 = memref.load %arg4[%get3A_361] : memref<8xf32, #tpu.memory_space<smem>>
    %mul3A_363 = arith.mulf %get3A_362, %get3A_320 : f32
    %mul3A_364 = vector.broadcast %mul3A_363 : f32 to vector<100x128xf32>
    %mul3A_365 = arith.mulf %sub3A_318, %mul3A_364 : vector<100x128xf32>
    %sin3A_366 = math.sin %mul3A_365 : vector<100x128xf32>
    %cos3A_367 = math.cos %mul3A_365 : vector<100x128xf32>
    %get3A_368 = arith.constant 7 : index
    %get3A_369 = memref.load %arg4[%get3A_368] : memref<8xf32, #tpu.memory_space<smem>>
    %mul3A_370 = arith.mulf %get3A_369, %get3A_320 : f32
    %mul3A_371 = vector.broadcast %mul3A_370 : f32 to vector<100x128xf32>
    %mul3A_372 = arith.mulf %sub3A_318, %mul3A_371 : vector<100x128xf32>
    %sin3A_373 = math.sin %mul3A_372 : vector<100x128xf32>
    %cos3A_374 = math.cos %mul3A_372 : vector<100x128xf32>
    %get3A_375 = arith.constant 0 : index
    %get3A_376 = memref.load %arg7[%get3A_375] : memref<16xf32, #tpu.memory_space<smem>>
    %broadcast_in_dim3A = vector.broadcast %get3A_376 : f32 to vector<100x128xf32>
    %get3A_377 = arith.constant 0 : index
    %get3A_378 = arith.constant 0 : index
    %get3A_379 = memref.load %arg6[%get3A_377, %get3A_378] : memref<16x23xf32, #tpu.memory_space<smem>>
    %mul3A_380 = vector.broadcast %get3A_379 : f32 to vector<100x128xf32>
    %mul3A_381 = arith.mulf %mul3A_380, %sin3A : vector<100x128xf32>
    %add3A_382 = arith.addf %broadcast_in_dim3A, %mul3A_381 : vector<100x128xf32>
    %get3A_383 = arith.constant 0 : index
    %get3A_384 = arith.constant 1 : index
    %get3A_385 = memref.load %arg6[%get3A_383, %get3A_384] : memref<16x23xf32, #tpu.memory_space<smem>>
    %mul3A_386 = vector.broadcast %get3A_385 : f32 to vector<100x128xf32>
    %mul3A_387 = arith.mulf %mul3A_386, %sin3A_331 : vector<100x128xf32>
    %add3A_388 = arith.addf %add3A_382, %mul3A_387 : vector<100x128xf32>
    %get3A_389 = arith.constant 0 : index
    %get3A_390 = arith.constant 2 : index
    %get3A_391 = memref.load %arg6[%get3A_389, %get3A_390] : memref<16x23xf32, #tpu.memory_space<smem>>
    %mul3A_392 = vector.broadcast %get3A_391 : f32 to vector<100x128xf32>
    %mul3A_393 = arith.mulf %mul3A_392, %sin3A_338 : vector<100x128xf32>
    %add3A_394 = arith.addf %add3A_388, %mul3A_393 : vector<100x128xf32>
    %get3A_395 = arith.constant 0 : index
    %get3A_396 = arith.constant 3 : index
    %get3A_397 = memref.load %arg6[%get3A_395, %get3A_396] : memref<16x23xf32, #tpu.memory_space<smem>>
    %mul3A_398 = vector.broadcast %get3A_397 : f32 to vector<100x128xf32>
    %mul3A_399 = arith.mulf %mul3A_398, %sin3A_345 : vector<100x128xf32>
    %add3A_400 = arith.addf %add3A_394, %mul3A_399 : vector<100x128xf32>
    %get3A_401 = arith.constant 0 : index
    %get3A_402 = arith.constant 4 : index
    %get3A_403 = memref.load %arg6[%get3A_401, %get3A_402] : memref<16x23xf32, #tpu.memory_space<smem>>
    %mul3A_404 = vector.broadcast %get3A_403 : f32 to vector<100x128xf32>
    %mul3A_405 = arith.mulf %mul3A_404, %sin3A_352 : vector<100x128xf32>
    %add3A_406 = arith.addf %add3A_400, %mul3A_405 : vector<100x128xf32>
    %get3A_407 = arith.constant 0 : index
    %get3A_408 = arith.constant 5 : index
    %get3A_409 = memref.load %arg6[%get3A_407, %get3A_408] : memref<16x23xf32, #tpu.memory_space<smem>>
    %mul3A_410 = vector.broadcast %get3A_409 : f32 to vector<100x128xf32>
    %mul3A_411 = arith.mulf %mul3A_410, %sin3A_359 : vector<100x128xf32>
    %add3A_412 = arith.addf %add3A_406, %mul3A_411 : vector<100x128xf32>
    %get3A_413 = arith.constant 0 : index
    %get3A_414 = arith.constant 6 : index
    %get3A_415 = memref.load %arg6[%get3A_413, %get3A_414] : memref<16x23xf32, #tpu.memory_space<smem>>
    %mul3A_416 = vector.broadcast %get3A_415 : f32 to vector<100x128xf32>
    %mul3A_417 = arith.mulf %mul3A_416, %sin3A_366 : vector<100x128xf32>
    %add3A_418 = arith.addf %add3A_412, %mul3A_417 : vector<100x128xf32>
    %get3A_419 = arith.constant 0 : index
    %get3A_420 = arith.constant 7 : index
    %get3A_421 = memref.load %arg6[%get3A_419, %get3A_420] : memref<16x23xf32, #tpu.memory_space<smem>>
    %mul3A_422 = vector.broadcast %get3A_421 : f32 to vector<100x128xf32>
    %mul3A_423 = arith.mulf %mul3A_422, %sin3A_373 : vector<100x128xf32>
    %add3A_424 = arith.addf %add3A_418, %mul3A_423 : vector<100x128xf32>
    %get3A_425 = arith.constant 0 : index
    %get3A_426 = arith.constant 8 : index
    %get3A_427 = memref.load %arg6[%get3A_425, %get3A_426] : memref<16x23xf32, #tpu.memory_space<smem>>
    %mul3A_428 = vector.broadcast %get3A_427 : f32 to vector<100x128xf32>
    %mul3A_429 = arith.mulf %mul3A_428, %cos3A : vector<100x128xf32>
    %add3A_430 = arith.addf %add3A_424, %mul3A_429 : vector<100x128xf32>
    %get3A_431 = arith.constant 0 : index
    %get3A_432 = arith.constant 9 : index
    %get3A_433 = memref.load %arg6[%get3A_431, %get3A_432] : memref<16x23xf32, #tpu.memory_space<smem>>
    %mul3A_434 = vector.broadcast %get3A_433 : f32 to vector<100x128xf32>
    %mul3A_435 = arith.mulf %mul3A_434, %cos3A_332 : vector<100x128xf32>
    %add3A_436 = arith.addf %add3A_430, %mul3A_435 : vector<100x128xf32>
    %get3A_437 = arith.constant 0 : index
    %get3A_438 = arith.constant 10 : index
    %get3A_439 = memref.load %arg6[%get3A_437, %get3A_438] : memref<16x23xf32, #tpu.memory_space<smem>>
    %mul3A_440 = vector.broadcast %get3A_439 : f32 to vector<100x128xf32>
    %mul3A_441 = arith.mulf %mul3A_440, %cos3A_339 : vector<100x128xf32>
    %add3A_442 = arith.addf %add3A_436, %mul3A_441 : vector<100x128xf32>
    %get3A_443 = arith.constant 0 : index
    %get3A_444 = arith.constant 11 : index
    %get3A_445 = memref.load %arg6[%get3A_443, %get3A_444] : memref<16x23xf32, #tpu.memory_space<smem>>
    %mul3A_446 = vector.broadcast %get3A_445 : f32 to vector<100x128xf32>
    %mul3A_447 = arith.mulf %mul3A_446, %cos3A_346 : vector<100x128xf32>
    %add3A_448 = arith.addf %add3A_442, %mul3A_447 : vector<100x128xf32>
    %get3A_449 = arith.constant 0 : index
    %get3A_450 = arith.constant 12 : index
    %get3A_451 = memref.load %arg6[%get3A_449, %get3A_450] : memref<16x23xf32, #tpu.memory_space<smem>>
    %mul3A_452 = vector.broadcast %get3A_451 : f32 to vector<100x128xf32>
    %mul3A_453 = arith.mulf %mul3A_452, %cos3A_353 : vector<100x128xf32>
    %add3A_454 = arith.addf %add3A_448, %mul3A_453 : vector<100x128xf32>
    %get3A_455 = arith.constant 0 : index
    %get3A_456 = arith.constant 13 : index
    %get3A_457 = memref.load %arg6[%get3A_455, %get3A_456] : memref<16x23xf32, #tpu.memory_space<smem>>
    %mul3A_458 = vector.broadcast %get3A_457 : f32 to vector<100x128xf32>
    %mul3A_459 = arith.mulf %mul3A_458, %cos3A_360 : vector<100x128xf32>
    %add3A_460 = arith.addf %add3A_454, %mul3A_459 : vector<100x128xf32>
    %get3A_461 = arith.constant 0 : index
    %get3A_462 = arith.constant 14 : index
    %get3A_463 = memref.load %arg6[%get3A_461, %get3A_462] : memref<16x23xf32, #tpu.memory_space<smem>>
    %mul3A_464 = vector.broadcast %get3A_463 : f32 to vector<100x128xf32>
    %mul3A_465 = arith.mulf %mul3A_464, %cos3A_367 : vector<100x128xf32>
    %add3A_466 = arith.addf %add3A_460, %mul3A_465 : vector<100x128xf32>
    %get3A_467 = arith.constant 0 : index
    %get3A_468 = arith.constant 15 : index
    %get3A_469 = memref.load %arg6[%get3A_467, %get3A_468] : memref<16x23xf32, #tpu.memory_space<smem>>
    %mul3A_470 = vector.broadcast %get3A_469 : f32 to vector<100x128xf32>
    %mul3A_471 = arith.mulf %mul3A_470, %cos3A_374 : vector<100x128xf32>
    %add3A_472 = arith.addf %add3A_466, %mul3A_471 : vector<100x128xf32>
    %get3A_473 = arith.constant 0 : index
    %get3A_474 = arith.constant 16 : index
    %get3A_475 = memref.load %arg6[%get3A_473, %get3A_474] : memref<16x23xf32, #tpu.memory_space<smem>>
    %mul3A_476 = vector.broadcast %get3A_475 : f32 to vector<100x128xf32>
    %mul3A_477 = arith.mulf %mul3A_476, %mul3A_126 : vector<100x128xf32>
    %add3A_478 = arith.addf %add3A_472, %mul3A_477 : vector<100x128xf32>
    %get3A_479 = arith.constant 0 : index
    %get3A_480 = arith.constant 17 : index
    %get3A_481 = memref.load %arg6[%get3A_479, %get3A_480] : memref<16x23xf32, #tpu.memory_space<smem>>
    %mul3A_482 = vector.broadcast %get3A_481 : f32 to vector<100x128xf32>
    %mul3A_483 = arith.mulf %mul3A_482, %mul3A_127 : vector<100x128xf32>
    %add3A_484 = arith.addf %add3A_478, %mul3A_483 : vector<100x128xf32>
    %get3A_485 = arith.constant 0 : index
    %get3A_486 = arith.constant 18 : index
    %get3A_487 = memref.load %arg6[%get3A_485, %get3A_486] : memref<16x23xf32, #tpu.memory_space<smem>>
    %mul3A_488 = vector.broadcast %get3A_487 : f32 to vector<100x128xf32>
    %mul3A_489 = arith.mulf %mul3A_488, %mul3A_128 : vector<100x128xf32>
    %add3A_490 = arith.addf %add3A_484, %mul3A_489 : vector<100x128xf32>
    %get3A_491 = arith.constant 0 : index
    %get3A_492 = arith.constant 19 : index
    %get3A_493 = memref.load %arg6[%get3A_491, %get3A_492] : memref<16x23xf32, #tpu.memory_space<smem>>
    %mul3A_494 = vector.broadcast %get3A_493 : f32 to vector<100x128xf32>
    %mul3A_495 = arith.mulf %mul3A_494, %mul3A_272 : vector<100x128xf32>
    %add3A_496 = arith.addf %add3A_490, %mul3A_495 : vector<100x128xf32>
    %get3A_497 = arith.constant 0 : index
    %get3A_498 = arith.constant 20 : index
    %get3A_499 = memref.load %arg6[%get3A_497, %get3A_498] : memref<16x23xf32, #tpu.memory_space<smem>>
    %mul3A_500 = vector.broadcast %get3A_499 : f32 to vector<100x128xf32>
    %mul3A_501 = arith.mulf %mul3A_500, %mul3A_273 : vector<100x128xf32>
    %add3A_502 = arith.addf %add3A_496, %mul3A_501 : vector<100x128xf32>
    %get3A_503 = arith.constant 0 : index
    %get3A_504 = arith.constant 21 : index
    %get3A_505 = memref.load %arg6[%get3A_503, %get3A_504] : memref<16x23xf32, #tpu.memory_space<smem>>
    %mul3A_506 = vector.broadcast %get3A_505 : f32 to vector<100x128xf32>
    %mul3A_507 = arith.mulf %mul3A_506, %mul3A_274 : vector<100x128xf32>
    %add3A_508 = arith.addf %add3A_502, %mul3A_507 : vector<100x128xf32>
    %get3A_509 = arith.constant 0 : index
    %get3A_510 = arith.constant 22 : index
    %get3A_511 = memref.load %arg6[%get3A_509, %get3A_510] : memref<16x23xf32, #tpu.memory_space<smem>>
    %mul3A_512 = vector.broadcast %get3A_511 : f32 to vector<100x128xf32>
    %mul3A_513 = arith.mulf %mul3A_512, %mul3A_275 : vector<100x128xf32>
    %add3A_514 = arith.addf %add3A_508, %mul3A_513 : vector<100x128xf32>
    %swap3A = arith.constant 0 : index
    %swap3A_515 = arith.constant 0 : index
    %swap3A_516 = arith.constant 0 : index
    %swap3A_517 = arith.constant 0 : index
    %swap3A_518 = vector.load %arg8[%swap3A, %swap3A_515, %swap3A_516, %swap3A_517] : memref<1x16x100x128xf32, #tpu.memory_space<vmem>>, vector<1x1x100x128xf32>
    %swap3A_519 = vector.shape_cast %swap3A_518 : vector<1x1x100x128xf32> to vector<100x128xf32>
    %swap3A_520 = vector.shape_cast %add3A_514 : vector<100x128xf32> to vector<1x1x100x128xf32>
    tpu.vector_store %arg8[%swap3A, %swap3A_515, %swap3A_516, %swap3A_517], %swap3A_520 {strides = array<i32>} : memref<1x16x100x128xf32, #tpu.memory_space<vmem>>, vector<1x1x100x128xf32>,
    %get3A_521 = arith.constant 0 : index
    %get3A_522 = arith.constant 0 : index
    %get3A_523 = vector.load %arg9[%get3A_521, %get3A_522] : memref<16x128xf32, #tpu.memory_space<vmem>>, vector<1x128xf32>
    %mul3A_524 = arith.mulf %add3A_514, %add3A_514 : vector<100x128xf32>
    %reduce_sum3A = arith.constant dense<0.000000e+00> : vector<128xf32>
    %reduce_sum3A_525 = vector.multi_reduction <add>, %mul3A_524, %reduce_sum3A [0] : vector<100x128xf32> to vector<128xf32>
    %broadcast_in_dim3A_526 = vector.shape_cast %reduce_sum3A_525 : vector<128xf32> to vector<1x128xf32>
    %add3A_527 = arith.addf %get3A_523, %broadcast_in_dim3A_526 : vector<1x128xf32>
    %swap3A_528 = arith.constant 0 : index
    %swap3A_529 = arith.constant 0 : index
    %swap3A_530 = vector.load %arg9[%swap3A_528, %swap3A_529] : memref<16x128xf32, #tpu.memory_space<vmem>>, vector<1x128xf32>
    tpu.vector_store %arg9[%swap3A_528, %swap3A_529], %add3A_527 {strides = array<i32>} : memref<16x128xf32, #tpu.memory_space<vmem>>, vector<1x128xf32>,
    %get3A_531 = arith.constant 1 : index
    %get3A_532 = memref.load %arg7[%get3A_531] : memref<16xf32, #tpu.memory_space<smem>>
    %broadcast_in_dim3A_533 = vector.broadcast %get3A_532 : f32 to vector<100x128xf32>
    %get3A_534 = arith.constant 1 : index
    %get3A_535 = arith.constant 0 : index
    %get3A_536 = memref.load %arg6[%get3A_534, %get3A_535] : memref<16x23xf32, #tpu.memory_space<smem>>
    %mul3A_537 = vector.broadcast %get3A_536 : f32 to vector<100x128xf32>
    %mul3A_538 = arith.mulf %mul3A_537, %sin3A : vector<100x128xf32>
    %add3A_539 = arith.addf %broadcast_in_dim3A_533, %mul3A_538 : vector<100x128xf32>
    %get3A_540 = arith.constant 1 : index
    %get3A_541 = arith.constant 1 : index
    %get3A_542 = memref.load %arg6[%get3A_540, %get3A_541] : memref<16x23xf32, #tpu.memory_space<smem>>
    %mul3A_543 = vector.broadcast %get3A_542 : f32 to vector<100x128xf32>
    %mul3A_544 = arith.mulf %mul3A_543, %sin3A_331 : vector<100x128xf32>
    %add3A_545 = arith.addf %add3A_539, %mul3A_544 : vector<100x128xf32>
    %get3A_546 = arith.constant 1 : index
    %get3A_547 = arith.constant 2 : index
    %get3A_548 = memref.load %arg6[%get3A_546, %get3A_547] : memref<16x23xf32, #tpu.memory_space<smem>>
    %mul3A_549 = vector.broadcast %get3A_548 : f32 to vector<100x128xf32>
    %mul3A_550 = arith.mulf %mul3A_549, %sin3A_338 : vector<100x128xf32>
    %add3A_551 = arith.addf %add3A_545, %mul3A_550 : vector<100x128xf32>
    %get3A_552 = arith.constant 1 : index
    %get3A_553 = arith.constant 3 : index
    %get3A_554 = memref.load %arg6[%get3A_552, %get3A_553] : memref<16x23xf32, #tpu.memory_space<smem>>
    %mul3A_555 = vector.broadcast %get3A_554 : f32 to vector<100x128xf32>
    %mul3A_556 = arith.mulf %mul3A_555, %sin3A_345 : vector<100x128xf32>
    %add3A_557 = arith.addf %add3A_551, %mul3A_556 : vector<100x128xf32>
    %get3A_558 = arith.constant 1 : index
    %get3A_559 = arith.constant 4 : index
    %get3A_560 = memref.load %arg6[%get3A_558, %get3A_559] : memref<16x23xf32, #tpu.memory_space<smem>>
    %mul3A_561 = vector.broadcast %get3A_560 : f32 to vector<100x128xf32>
    %mul3A_562 = arith.mulf %mul3A_561, %sin3A_352 : vector<100x128xf32>
    %add3A_563 = arith.addf %add3A_557, %mul3A_562 : vector<100x128xf32>
    %get3A_564 = arith.constant 1 : index
    %get3A_565 = arith.constant 5 : index
    %get3A_566 = memref.load %arg6[%get3A_564, %get3A_565] : memref<16x23xf32, #tpu.memory_space<smem>>
    %mul3A_567 = vector.broadcast %get3A_566 : f32 to vector<100x128xf32>
    %mul3A_568 = arith.mulf %mul3A_567, %sin3A_359 : vector<100x128xf32>
    %add3A_569 = arith.addf %add3A_563, %mul3A_568 : vector<100x128xf32>
    %get3A_570 = arith.constant 1 : index
    %get3A_571 = arith.constant 6 : index
    %get3A_572 = memref.load %arg6[%get3A_570, %get3A_571] : memref<16x23xf32, #tpu.memory_space<smem>>
    %mul3A_573 = vector.broadcast %get3A_572 : f32 to vector<100x128xf32>
    %mul3A_574 = arith.mulf %mul3A_573, %sin3A_366 : vector<100x128xf32>
    %add3A_575 = arith.addf %add3A_569, %mul3A_574 : vector<100x128xf32>
    %get3A_576 = arith.constant 1 : index
    %get3A_577 = arith.constant 7 : index
    %get3A_578 = memref.load %arg6[%get3A_576, %get3A_577] : memref<16x23xf32, #tpu.memory_space<smem>>
    %mul3A_579 = vector.broadcast %get3A_578 : f32 to vector<100x128xf32>
    %mul3A_580 = arith.mulf %mul3A_579, %sin3A_373 : vector<100x128xf32>
    %add3A_581 = arith.addf %add3A_575, %mul3A_580 : vector<100x128xf32>
    %get3A_582 = arith.constant 1 : index
    %get3A_583 = arith.constant 8 : index
    %get3A_584 = memref.load %arg6[%get3A_582, %get3A_583] : memref<16x23xf32, #tpu.memory_space<smem>>
    %mul3A_585 = vector.broadcast %get3A_584 : f32 to vector<100x128xf32>
    %mul3A_586 = arith.mulf %mul3A_585, %cos3A : vector<100x128xf32>
    %add3A_587 = arith.addf %add3A_581, %mul3A_586 : vector<100x128xf32>
    %get3A_588 = arith.constant 1 : index
    %get3A_589 = arith.constant 9 : index
    %get3A_590 = memref.load %arg6[%get3A_588, %get3A_589] : memref<16x23xf32, #tpu.memory_space<smem>>
    %mul3A_591 = vector.broadcast %get3A_590 : f32 to vector<100x128xf32>
    %mul3A_592 = arith.mulf %mul3A_591, %cos3A_332 : vector<100x128xf32>
    %add3A_593 = arith.addf %add3A_587, %mul3A_592 : vector<100x128xf32>
    %get3A_594 = arith.constant 1 : index
    %get3A_595 = arith.constant 10 : index
    %get3A_596 = memref.load %arg6[%get3A_594, %get3A_595] : memref<16x23xf32, #tpu.memory_space<smem>>
    %mul3A_597 = vector.broadcast %get3A_596 : f32 to vector<100x128xf32>
    %mul3A_598 = arith.mulf %mul3A_597, %cos3A_339 : vector<100x128xf32>
    %add3A_599 = arith.addf %add3A_593, %mul3A_598 : vector<100x128xf32>
    %get3A_600 = arith.constant 1 : index
    %get3A_601 = arith.constant 11 : index
    %get3A_602 = memref.load %arg6[%get3A_600, %get3A_601] : memref<16x23xf32, #tpu.memory_space<smem>>
    %mul3A_603 = vector.broadcast %get3A_602 : f32 to vector<100x128xf32>
    %mul3A_604 = arith.mulf %mul3A_603, %cos3A_346 : vector<100x128xf32>
    %add3A_605 = arith.addf %add3A_599, %mul3A_604 : vector<100x128xf32>
    %get3A_606 = arith.constant 1 : index
    %get3A_607 = arith.constant 12 : index
    %get3A_608 = memref.load %arg6[%get3A_606, %get3A_607] : memref<16x23xf32, #tpu.memory_space<smem>>
    %mul3A_609 = vector.broadcast %get3A_608 : f32 to vector<100x128xf32>
    %mul3A_610 = arith.mulf %mul3A_609, %cos3A_353 : vector<100x128xf32>
    %add3A_611 = arith.addf %add3A_605, %mul3A_610 : vector<100x128xf32>
    %get3A_612 = arith.constant 1 : index
    %get3A_613 = arith.constant 13 : index
    %get3A_614 = memref.load %arg6[%get3A_612, %get3A_613] : memref<16x23xf32, #tpu.memory_space<smem>>
    %mul3A_615 = vector.broadcast %get3A_614 : f32 to vector<100x128xf32>
    %mul3A_616 = arith.mulf %mul3A_615, %cos3A_360 : vector<100x128xf32>
    %add3A_617 = arith.addf %add3A_611, %mul3A_616 : vector<100x128xf32>
    %get3A_618 = arith.constant 1 : index
    %get3A_619 = arith.constant 14 : index
    %get3A_620 = memref.load %arg6[%get3A_618, %get3A_619] : memref<16x23xf32, #tpu.memory_space<smem>>
    %mul3A_621 = vector.broadcast %get3A_620 : f32 to vector<100x128xf32>
    %mul3A_622 = arith.mulf %mul3A_621, %cos3A_367 : vector<100x128xf32>
    %add3A_623 = arith.addf %add3A_617, %mul3A_622 : vector<100x128xf32>
    %get3A_624 = arith.constant 1 : index
    %get3A_625 = arith.constant 15 : index
    %get3A_626 = memref.load %arg6[%get3A_624, %get3A_625] : memref<16x23xf32, #tpu.memory_space<smem>>
    %mul3A_627 = vector.broadcast %get3A_626 : f32 to vector<100x128xf32>
    %mul3A_628 = arith.mulf %mul3A_627, %cos3A_374 : vector<100x128xf32>
    %add3A_629 = arith.addf %add3A_623, %mul3A_628 : vector<100x128xf32>
    %get3A_630 = arith.constant 1 : index
    %get3A_631 = arith.constant 16 : index
    %get3A_632 = memref.load %arg6[%get3A_630, %get3A_631] : memref<16x23xf32, #tpu.memory_space<smem>>
    %mul3A_633 = vector.broadcast %get3A_632 : f32 to vector<100x128xf32>
    %mul3A_634 = arith.mulf %mul3A_633, %mul3A_126 : vector<100x128xf32>
    %add3A_635 = arith.addf %add3A_629, %mul3A_634 : vector<100x128xf32>
    %get3A_636 = arith.constant 1 : index
    %get3A_637 = arith.constant 17 : index
    %get3A_638 = memref.load %arg6[%get3A_636, %get3A_637] : memref<16x23xf32, #tpu.memory_space<smem>>
    %mul3A_639 = vector.broadcast %get3A_638 : f32 to vector<100x128xf32>
    %mul3A_640 = arith.mulf %mul3A_639, %mul3A_127 : vector<100x128xf32>
    %add3A_641 = arith.addf %add3A_635, %mul3A_640 : vector<100x128xf32>
    %get3A_642 = arith.constant 1 : index
    %get3A_643 = arith.constant 18 : index
    %get3A_644 = memref.load %arg6[%get3A_642, %get3A_643] : memref<16x23xf32, #tpu.memory_space<smem>>
    %mul3A_645 = vector.broadcast %get3A_644 : f32 to vector<100x128xf32>
    %mul3A_646 = arith.mulf %mul3A_645, %mul3A_128 : vector<100x128xf32>
    %add3A_647 = arith.addf %add3A_641, %mul3A_646 : vector<100x128xf32>
    %get3A_648 = arith.constant 1 : index
    %get3A_649 = arith.constant 19 : index
    %get3A_650 = memref.load %arg6[%get3A_648, %get3A_649] : memref<16x23xf32, #tpu.memory_space<smem>>
    %mul3A_651 = vector.broadcast %get3A_650 : f32 to vector<100x128xf32>
    %mul3A_652 = arith.mulf %mul3A_651, %mul3A_272 : vector<100x128xf32>
    %add3A_653 = arith.addf %add3A_647, %mul3A_652 : vector<100x128xf32>
    %get3A_654 = arith.constant 1 : index
    %get3A_655 = arith.constant 20 : index
    %get3A_656 = memref.load %arg6[%get3A_654, %get3A_655] : memref<16x23xf32, #tpu.memory_space<smem>>
    %mul3A_657 = vector.broadcast %get3A_656 : f32 to vector<100x128xf32>
    %mul3A_658 = arith.mulf %mul3A_657, %mul3A_273 : vector<100x128xf32>
    %add3A_659 = arith.addf %add3A_653, %mul3A_658 : vector<100x128xf32>
    %get3A_660 = arith.constant 1 : index
    %get3A_661 = arith.constant 21 : index
    %get3A_662 = memref.load %arg6[%get3A_660, %get3A_661] : memref<16x23xf32, #tpu.memory_space<smem>>
    %mul3A_663 = vector.broadcast %get3A_662 : f32 to vector<100x128xf32>
    %mul3A_664 = arith.mulf %mul3A_663, %mul3A_274 : vector<100x128xf32>
    %add3A_665 = arith.addf %add3A_659, %mul3A_664 : vector<100x128xf32>
    %get3A_666 = arith.constant 1 : index
    %get3A_667 = arith.constant 22 : index
    %get3A_668 = memref.load %arg6[%get3A_666, %get3A_667] : memref<16x23xf32, #tpu.memory_space<smem>>
    %mul3A_669 = vector.broadcast %get3A_668 : f32 to vector<100x128xf32>
    %mul3A_670 = arith.mulf %mul3A_669, %mul3A_275 : vector<100x128xf32>
    %add3A_671 = arith.addf %add3A_665, %mul3A_670 : vector<100x128xf32>
    %swap3A_672 = arith.constant 0 : index
    %swap3A_673 = arith.constant 1 : index
    %swap3A_674 = arith.constant 0 : index
    %swap3A_675 = arith.constant 0 : index
    %swap3A_676 = vector.load %arg8[%swap3A_672, %swap3A_673, %swap3A_674, %swap3A_675] : memref<1x16x100x128xf32, #tpu.memory_space<vmem>>, vector<1x1x100x128xf32>
    %swap3A_677 = vector.shape_cast %swap3A_676 : vector<1x1x100x128xf32> to vector<100x128xf32>
    %swap3A_678 = vector.shape_cast %add3A_671 : vector<100x128xf32> to vector<1x1x100x128xf32>
    tpu.vector_store %arg8[%swap3A_672, %swap3A_673, %swap3A_674, %swap3A_675], %swap3A_678 {strides = array<i32>} : memref<1x16x100x128xf32, #tpu.memory_space<vmem>>, vector<1x1x100x128xf32>,
    %get3A_679 = arith.constant 1 : index
    %get3A_680 = arith.constant 0 : index
    %get3A_681 = vector.load %arg9[%get3A_679, %get3A_680] : memref<16x128xf32, #tpu.memory_space<vmem>>, vector<1x128xf32>
    %mul3A_682 = arith.mulf %add3A_671, %add3A_671 : vector<100x128xf32>
    %reduce_sum3A_683 = arith.constant dense<0.000000e+00> : vector<128xf32>
    %reduce_sum3A_684 = vector.multi_reduction <add>, %mul3A_682, %reduce_sum3A_683 [0] : vector<100x128xf32> to vector<128xf32>
    %broadcast_in_dim3A_685 = vector.shape_cast %reduce_sum3A_684 : vector<128xf32> to vector<1x128xf32>
    %add3A_686 = arith.addf %get3A_681, %broadcast_in_dim3A_685 : vector<1x128xf32>
    %swap3A_687 = arith.constant 1 : index
    %swap3A_688 = arith.constant 0 : index
    %swap3A_689 = vector.load %arg9[%swap3A_687, %swap3A_688] : memref<16x128xf32, #tpu.memory_space<vmem>>, vector<1x128xf32>
    tpu.vector_store %arg9[%swap3A_687, %swap3A_688], %add3A_686 {strides = array<i32>} : memref<16x128xf32, #tpu.memory_space<vmem>>, vector<1x128xf32>,
    %get3A_690 = arith.constant 2 : index
    %get3A_691 = memref.load %arg7[%get3A_690] : memref<16xf32, #tpu.memory_space<smem>>
    %broadcast_in_dim3A_692 = vector.broadcast %get3A_691 : f32 to vector<100x128xf32>
    %get3A_693 = arith.constant 2 : index
    %get3A_694 = arith.constant 0 : index
    %get3A_695 = memref.load %arg6[%get3A_693, %get3A_694] : memref<16x23xf32, #tpu.memory_space<smem>>
    %mul3A_696 = vector.broadcast %get3A_695 : f32 to vector<100x128xf32>
    %mul3A_697 = arith.mulf %mul3A_696, %sin3A : vector<100x128xf32>
    %add3A_698 = arith.addf %broadcast_in_dim3A_692, %mul3A_697 : vector<100x128xf32>
    %get3A_699 = arith.constant 2 : index
    %get3A_700 = arith.constant 1 : index
    %get3A_701 = memref.load %arg6[%get3A_699, %get3A_700] : memref<16x23xf32, #tpu.memory_space<smem>>
    %mul3A_702 = vector.broadcast %get3A_701 : f32 to vector<100x128xf32>
    %mul3A_703 = arith.mulf %mul3A_702, %sin3A_331 : vector<100x128xf32>
    %add3A_704 = arith.addf %add3A_698, %mul3A_703 : vector<100x128xf32>
    %get3A_705 = arith.constant 2 : index
    %get3A_706 = arith.constant 2 : index
    %get3A_707 = memref.load %arg6[%get3A_705, %get3A_706] : memref<16x23xf32, #tpu.memory_space<smem>>
    %mul3A_708 = vector.broadcast %get3A_707 : f32 to vector<100x128xf32>
    %mul3A_709 = arith.mulf %mul3A_708, %sin3A_338 : vector<100x128xf32>
    %add3A_710 = arith.addf %add3A_704, %mul3A_709 : vector<100x128xf32>
    %get3A_711 = arith.constant 2 : index
    %get3A_712 = arith.constant 3 : index
    %get3A_713 = memref.load %arg6[%get3A_711, %get3A_712] : memref<16x23xf32, #tpu.memory_space<smem>>
    %mul3A_714 = vector.broadcast %get3A_713 : f32 to vector<100x128xf32>
    %mul3A_715 = arith.mulf %mul3A_714, %sin3A_345 : vector<100x128xf32>
    %add3A_716 = arith.addf %add3A_710, %mul3A_715 : vector<100x128xf32>
    %get3A_717 = arith.constant 2 : index
    %get3A_718 = arith.constant 4 : index
    %get3A_719 = memref.load %arg6[%get3A_717, %get3A_718] : memref<16x23xf32, #tpu.memory_space<smem>>
    %mul3A_720 = vector.broadcast %get3A_719 : f32 to vector<100x128xf32>
    %mul3A_721 = arith.mulf %mul3A_720, %sin3A_352 : vector<100x128xf32>
    %add3A_722 = arith.addf %add3A_716, %mul3A_721 : vector<100x128xf32>
    %get3A_723 = arith.constant 2 : index
    %get3A_724 = arith.constant 5 : index
    %get3A_725 = memref.load %arg6[%get3A_723, %get3A_724] : memref<16x23xf32, #tpu.memory_space<smem>>
    %mul3A_726 = vector.broadcast %get3A_725 : f32 to vector<100x128xf32>
    %mul3A_727 = arith.mulf %mul3A_726, %sin3A_359 : vector<100x128xf32>
    %add3A_728 = arith.addf %add3A_722, %mul3A_727 : vector<100x128xf32>
    %get3A_729 = arith.constant 2 : index
    %get3A_730 = arith.constant 6 : index
    %get3A_731 = memref.load %arg6[%get3A_729, %get3A_730] : memref<16x23xf32, #tpu.memory_space<smem>>
    %mul3A_732 = vector.broadcast %get3A_731 : f32 to vector<100x128xf32>
    %mul3A_733 = arith.mulf %mul3A_732, %sin3A_366 : vector<100x128xf32>
    %add3A_734 = arith.addf %add3A_728, %mul3A_733 : vector<100x128xf32>
    %get3A_735 = arith.constant 2 : index
    %get3A_736 = arith.constant 7 : index
    %get3A_737 = memref.load %arg6[%get3A_735, %get3A_736] : memref<16x23xf32, #tpu.memory_space<smem>>
    %mul3A_738 = vector.broadcast %get3A_737 : f32 to vector<100x128xf32>
    %mul3A_739 = arith.mulf %mul3A_738, %sin3A_373 : vector<100x128xf32>
    %add3A_740 = arith.addf %add3A_734, %mul3A_739 : vector<100x128xf32>
    %get3A_741 = arith.constant 2 : index
    %get3A_742 = arith.constant 8 : index
    %get3A_743 = memref.load %arg6[%get3A_741, %get3A_742] : memref<16x23xf32, #tpu.memory_space<smem>>
    %mul3A_744 = vector.broadcast %get3A_743 : f32 to vector<100x128xf32>
    %mul3A_745 = arith.mulf %mul3A_744, %cos3A : vector<100x128xf32>
    %add3A_746 = arith.addf %add3A_740, %mul3A_745 : vector<100x128xf32>
    %get3A_747 = arith.constant 2 : index
    %get3A_748 = arith.constant 9 : index
    %get3A_749 = memref.load %arg6[%get3A_747, %get3A_748] : memref<16x23xf32, #tpu.memory_space<smem>>
    %mul3A_750 = vector.broadcast %get3A_749 : f32 to vector<100x128xf32>
    %mul3A_751 = arith.mulf %mul3A_750, %cos3A_332 : vector<100x128xf32>
    %add3A_752 = arith.addf %add3A_746, %mul3A_751 : vector<100x128xf32>
    %get3A_753 = arith.constant 2 : index
    %get3A_754 = arith.constant 10 : index
    %get3A_755 = memref.load %arg6[%get3A_753, %get3A_754] : memref<16x23xf32, #tpu.memory_space<smem>>
    %mul3A_756 = vector.broadcast %get3A_755 : f32 to vector<100x128xf32>
    %mul3A_757 = arith.mulf %mul3A_756, %cos3A_339 : vector<100x128xf32>
    %add3A_758 = arith.addf %add3A_752, %mul3A_757 : vector<100x128xf32>
    %get3A_759 = arith.constant 2 : index
    %get3A_760 = arith.constant 11 : index
    %get3A_761 = memref.load %arg6[%get3A_759, %get3A_760] : memref<16x23xf32, #tpu.memory_space<smem>>
    %mul3A_762 = vector.broadcast %get3A_761 : f32 to vector<100x128xf32>
    %mul3A_763 = arith.mulf %mul3A_762, %cos3A_346 : vector<100x128xf32>
    %add3A_764 = arith.addf %add3A_758, %mul3A_763 : vector<100x128xf32>
    %get3A_765 = arith.constant 2 : index
    %get3A_766 = arith.constant 12 : index
    %get3A_767 = memref.load %arg6[%get3A_765, %get3A_766] : memref<16x23xf32, #tpu.memory_space<smem>>
    %mul3A_768 = vector.broadcast %get3A_767 : f32 to vector<100x128xf32>
    %mul3A_769 = arith.mulf %mul3A_768, %cos3A_353 : vector<100x128xf32>
    %add3A_770 = arith.addf %add3A_764, %mul3A_769 : vector<100x128xf32>
    %get3A_771 = arith.constant 2 : index
    %get3A_772 = arith.constant 13 : index
    %get3A_773 = memref.load %arg6[%get3A_771, %get3A_772] : memref<16x23xf32, #tpu.memory_space<smem>>
    %mul3A_774 = vector.broadcast %get3A_773 : f32 to vector<100x128xf32>
    %mul3A_775 = arith.mulf %mul3A_774, %cos3A_360 : vector<100x128xf32>
    %add3A_776 = arith.addf %add3A_770, %mul3A_775 : vector<100x128xf32>
    %get3A_777 = arith.constant 2 : index
    %get3A_778 = arith.constant 14 : index
    %get3A_779 = memref.load %arg6[%get3A_777, %get3A_778] : memref<16x23xf32, #tpu.memory_space<smem>>
    %mul3A_780 = vector.broadcast %get3A_779 : f32 to vector<100x128xf32>
    %mul3A_781 = arith.mulf %mul3A_780, %cos3A_367 : vector<100x128xf32>
    %add3A_782 = arith.addf %add3A_776, %mul3A_781 : vector<100x128xf32>
    %get3A_783 = arith.constant 2 : index
    %get3A_784 = arith.constant 15 : index
    %get3A_785 = memref.load %arg6[%get3A_783, %get3A_784] : memref<16x23xf32, #tpu.memory_space<smem>>
    %mul3A_786 = vector.broadcast %get3A_785 : f32 to vector<100x128xf32>
    %mul3A_787 = arith.mulf %mul3A_786, %cos3A_374 : vector<100x128xf32>
    %add3A_788 = arith.addf %add3A_782, %mul3A_787 : vector<100x128xf32>
    %get3A_789 = arith.constant 2 : index
    %get3A_790 = arith.constant 16 : index
    %get3A_791 = memref.load %arg6[%get3A_789, %get3A_790] : memref<16x23xf32, #tpu.memory_space<smem>>
    %mul3A_792 = vector.broadcast %get3A_791 : f32 to vector<100x128xf32>
    %mul3A_793 = arith.mulf %mul3A_792, %mul3A_126 : vector<100x128xf32>
    %add3A_794 = arith.addf %add3A_788, %mul3A_793 : vector<100x128xf32>
    %get3A_795 = arith.constant 2 : index
    %get3A_796 = arith.constant 17 : index
    %get3A_797 = memref.load %arg6[%get3A_795, %get3A_796] : memref<16x23xf32, #tpu.memory_space<smem>>
    %mul3A_798 = vector.broadcast %get3A_797 : f32 to vector<100x128xf32>
    %mul3A_799 = arith.mulf %mul3A_798, %mul3A_127 : vector<100x128xf32>
    %add3A_800 = arith.addf %add3A_794, %mul3A_799 : vector<100x128xf32>
    %get3A_801 = arith.constant 2 : index
    %get3A_802 = arith.constant 18 : index
    %get3A_803 = memref.load %arg6[%get3A_801, %get3A_802] : memref<16x23xf32, #tpu.memory_space<smem>>
    %mul3A_804 = vector.broadcast %get3A_803 : f32 to vector<100x128xf32>
    %mul3A_805 = arith.mulf %mul3A_804, %mul3A_128 : vector<100x128xf32>
    %add3A_806 = arith.addf %add3A_800, %mul3A_805 : vector<100x128xf32>
    %get3A_807 = arith.constant 2 : index
    %get3A_808 = arith.constant 19 : index
    %get3A_809 = memref.load %arg6[%get3A_807, %get3A_808] : memref<16x23xf32, #tpu.memory_space<smem>>
    %mul3A_810 = vector.broadcast %get3A_809 : f32 to vector<100x128xf32>
    %mul3A_811 = arith.mulf %mul3A_810, %mul3A_272 : vector<100x128xf32>
    %add3A_812 = arith.addf %add3A_806, %mul3A_811 : vector<100x128xf32>
    %get3A_813 = arith.constant 2 : index
    %get3A_814 = arith.constant 20 : index
    %get3A_815 = memref.load %arg6[%get3A_813, %get3A_814] : memref<16x23xf32, #tpu.memory_space<smem>>
    %mul3A_816 = vector.broadcast %get3A_815 : f32 to vector<100x128xf32>
    %mul3A_817 = arith.mulf %mul3A_816, %mul3A_273 : vector<100x128xf32>
    %add3A_818 = arith.addf %add3A_812, %mul3A_817 : vector<100x128xf32>
    %get3A_819 = arith.constant 2 : index
    %get3A_820 = arith.constant 21 : index
    %get3A_821 = memref.load %arg6[%get3A_819, %get3A_820] : memref<16x23xf32, #tpu.memory_space<smem>>
    %mul3A_822 = vector.broadcast %get3A_821 : f32 to vector<100x128xf32>
    %mul3A_823 = arith.mulf %mul3A_822, %mul3A_274 : vector<100x128xf32>
    %add3A_824 = arith.addf %add3A_818, %mul3A_823 : vector<100x128xf32>
    %get3A_825 = arith.constant 2 : index
    %get3A_826 = arith.constant 22 : index
    %get3A_827 = memref.load %arg6[%get3A_825, %get3A_826] : memref<16x23xf32, #tpu.memory_space<smem>>
    %mul3A_828 = vector.broadcast %get3A_827 : f32 to vector<100x128xf32>
    %mul3A_829 = arith.mulf %mul3A_828, %mul3A_275 : vector<100x128xf32>
    %add3A_830 = arith.addf %add3A_824, %mul3A_829 : vector<100x128xf32>
    %swap3A_831 = arith.constant 0 : index
    %swap3A_832 = arith.constant 2 : index
    %swap3A_833 = arith.constant 0 : index
    %swap3A_834 = arith.constant 0 : index
    %swap3A_835 = vector.load %arg8[%swap3A_831, %swap3A_832, %swap3A_833, %swap3A_834] : memref<1x16x100x128xf32, #tpu.memory_space<vmem>>, vector<1x1x100x128xf32>
    %swap3A_836 = vector.shape_cast %swap3A_835 : vector<1x1x100x128xf32> to vector<100x128xf32>
    %swap3A_837 = vector.shape_cast %add3A_830 : vector<100x128xf32> to vector<1x1x100x128xf32>
    tpu.vector_store %arg8[%swap3A_831, %swap3A_832, %swap3A_833, %swap3A_834], %swap3A_837 {strides = array<i32>} : memref<1x16x100x128xf32, #tpu.memory_space<vmem>>, vector<1x1x100x128xf32>,
    %get3A_838 = arith.constant 2 : index
    %get3A_839 = arith.constant 0 : index
    %get3A_840 = vector.load %arg9[%get3A_838, %get3A_839] : memref<16x128xf32, #tpu.memory_space<vmem>>, vector<1x128xf32>
    %mul3A_841 = arith.mulf %add3A_830, %add3A_830 : vector<100x128xf32>
    %reduce_sum3A_842 = arith.constant dense<0.000000e+00> : vector<128xf32>
    %reduce_sum3A_843 = vector.multi_reduction <add>, %mul3A_841, %reduce_sum3A_842 [0] : vector<100x128xf32> to vector<128xf32>
    %broadcast_in_dim3A_844 = vector.shape_cast %reduce_sum3A_843 : vector<128xf32> to vector<1x128xf32>
    %add3A_845 = arith.addf %get3A_840, %broadcast_in_dim3A_844 : vector<1x128xf32>
    %swap3A_846 = arith.constant 2 : index
    %swap3A_847 = arith.constant 0 : index
    %swap3A_848 = vector.load %arg9[%swap3A_846, %swap3A_847] : memref<16x128xf32, #tpu.memory_space<vmem>>, vector<1x128xf32>
    tpu.vector_store %arg9[%swap3A_846, %swap3A_847], %add3A_845 {strides = array<i32>} : memref<16x128xf32, #tpu.memory_space<vmem>>, vector<1x128xf32>,
    %get3A_849 = arith.constant 3 : index
    %get3A_850 = memref.load %arg7[%get3A_849] : memref<16xf32, #tpu.memory_space<smem>>
    %broadcast_in_dim3A_851 = vector.broadcast %get3A_850 : f32 to vector<100x128xf32>
    %get3A_852 = arith.constant 3 : index
    %get3A_853 = arith.constant 0 : index
    %get3A_854 = memref.load %arg6[%get3A_852, %get3A_853] : memref<16x23xf32, #tpu.memory_space<smem>>
    %mul3A_855 = vector.broadcast %get3A_854 : f32 to vector<100x128xf32>
    %mul3A_856 = arith.mulf %mul3A_855, %sin3A : vector<100x128xf32>
    %add3A_857 = arith.addf %broadcast_in_dim3A_851, %mul3A_856 : vector<100x128xf32>
    %get3A_858 = arith.constant 3 : index
    %get3A_859 = arith.constant 1 : index
    %get3A_860 = memref.load %arg6[%get3A_858, %get3A_859] : memref<16x23xf32, #tpu.memory_space<smem>>
    %mul3A_861 = vector.broadcast %get3A_860 : f32 to vector<100x128xf32>
    %mul3A_862 = arith.mulf %mul3A_861, %sin3A_331 : vector<100x128xf32>
    %add3A_863 = arith.addf %add3A_857, %mul3A_862 : vector<100x128xf32>
    %get3A_864 = arith.constant 3 : index
    %get3A_865 = arith.constant 2 : index
    %get3A_866 = memref.load %arg6[%get3A_864, %get3A_865] : memref<16x23xf32, #tpu.memory_space<smem>>
    %mul3A_867 = vector.broadcast %get3A_866 : f32 to vector<100x128xf32>
    %mul3A_868 = arith.mulf %mul3A_867, %sin3A_338 : vector<100x128xf32>
    %add3A_869 = arith.addf %add3A_863, %mul3A_868 : vector<100x128xf32>
    %get3A_870 = arith.constant 3 : index
    %get3A_871 = arith.constant 3 : index
    %get3A_872 = memref.load %arg6[%get3A_870, %get3A_871] : memref<16x23xf32, #tpu.memory_space<smem>>
    %mul3A_873 = vector.broadcast %get3A_872 : f32 to vector<100x128xf32>
    %mul3A_874 = arith.mulf %mul3A_873, %sin3A_345 : vector<100x128xf32>
    %add3A_875 = arith.addf %add3A_869, %mul3A_874 : vector<100x128xf32>
    %get3A_876 = arith.constant 3 : index
    %get3A_877 = arith.constant 4 : index
    %get3A_878 = memref.load %arg6[%get3A_876, %get3A_877] : memref<16x23xf32, #tpu.memory_space<smem>>
    %mul3A_879 = vector.broadcast %get3A_878 : f32 to vector<100x128xf32>
    %mul3A_880 = arith.mulf %mul3A_879, %sin3A_352 : vector<100x128xf32>
    %add3A_881 = arith.addf %add3A_875, %mul3A_880 : vector<100x128xf32>
    %get3A_882 = arith.constant 3 : index
    %get3A_883 = arith.constant 5 : index
    %get3A_884 = memref.load %arg6[%get3A_882, %get3A_883] : memref<16x23xf32, #tpu.memory_space<smem>>
    %mul3A_885 = vector.broadcast %get3A_884 : f32 to vector<100x128xf32>
    %mul3A_886 = arith.mulf %mul3A_885, %sin3A_359 : vector<100x128xf32>
    %add3A_887 = arith.addf %add3A_881, %mul3A_886 : vector<100x128xf32>
    %get3A_888 = arith.constant 3 : index
    %get3A_889 = arith.constant 6 : index
    %get3A_890 = memref.load %arg6[%get3A_888, %get3A_889] : memref<16x23xf32, #tpu.memory_space<smem>>
    %mul3A_891 = vector.broadcast %get3A_890 : f32 to vector<100x128xf32>
    %mul3A_892 = arith.mulf %mul3A_891, %sin3A_366 : vector<100x128xf32>
    %add3A_893 = arith.addf %add3A_887, %mul3A_892 : vector<100x128xf32>
    %get3A_894 = arith.constant 3 : index
    %get3A_895 = arith.constant 7 : index
    %get3A_896 = memref.load %arg6[%get3A_894, %get3A_895] : memref<16x23xf32, #tpu.memory_space<smem>>
    %mul3A_897 = vector.broadcast %get3A_896 : f32 to vector<100x128xf32>
    %mul3A_898 = arith.mulf %mul3A_897, %sin3A_373 : vector<100x128xf32>
    %add3A_899 = arith.addf %add3A_893, %mul3A_898 : vector<100x128xf32>
    %get3A_900 = arith.constant 3 : index
    %get3A_901 = arith.constant 8 : index
    %get3A_902 = memref.load %arg6[%get3A_900, %get3A_901] : memref<16x23xf32, #tpu.memory_space<smem>>
    %mul3A_903 = vector.broadcast %get3A_902 : f32 to vector<100x128xf32>
    %mul3A_904 = arith.mulf %mul3A_903, %cos3A : vector<100x128xf32>
    %add3A_905 = arith.addf %add3A_899, %mul3A_904 : vector<100x128xf32>
    %get3A_906 = arith.constant 3 : index
    %get3A_907 = arith.constant 9 : index
    %get3A_908 = memref.load %arg6[%get3A_906, %get3A_907] : memref<16x23xf32, #tpu.memory_space<smem>>
    %mul3A_909 = vector.broadcast %get3A_908 : f32 to vector<100x128xf32>
    %mul3A_910 = arith.mulf %mul3A_909, %cos3A_332 : vector<100x128xf32>
    %add3A_911 = arith.addf %add3A_905, %mul3A_910 : vector<100x128xf32>
    %get3A_912 = arith.constant 3 : index
    %get3A_913 = arith.constant 10 : index
    %get3A_914 = memref.load %arg6[%get3A_912, %get3A_913] : memref<16x23xf32, #tpu.memory_space<smem>>
    %mul3A_915 = vector.broadcast %get3A_914 : f32 to vector<100x128xf32>
    %mul3A_916 = arith.mulf %mul3A_915, %cos3A_339 : vector<100x128xf32>
    %add3A_917 = arith.addf %add3A_911, %mul3A_916 : vector<100x128xf32>
    %get3A_918 = arith.constant 3 : index
    %get3A_919 = arith.constant 11 : index
    %get3A_920 = memref.load %arg6[%get3A_918, %get3A_919] : memref<16x23xf32, #tpu.memory_space<smem>>
    %mul3A_921 = vector.broadcast %get3A_920 : f32 to vector<100x128xf32>
    %mul3A_922 = arith.mulf %mul3A_921, %cos3A_346 : vector<100x128xf32>
    %add3A_923 = arith.addf %add3A_917, %mul3A_922 : vector<100x128xf32>
    %get3A_924 = arith.constant 3 : index
    %get3A_925 = arith.constant 12 : index
    %get3A_926 = memref.load %arg6[%get3A_924, %get3A_925] : memref<16x23xf32, #tpu.memory_space<smem>>
    %mul3A_927 = vector.broadcast %get3A_926 : f32 to vector<100x128xf32>
    %mul3A_928 = arith.mulf %mul3A_927, %cos3A_353 : vector<100x128xf32>
    %add3A_929 = arith.addf %add3A_923, %mul3A_928 : vector<100x128xf32>
    %get3A_930 = arith.constant 3 : index
    %get3A_931 = arith.constant 13 : index
    %get3A_932 = memref.load %arg6[%get3A_930, %get3A_931] : memref<16x23xf32, #tpu.memory_space<smem>>
    %mul3A_933 = vector.broadcast %get3A_932 : f32 to vector<100x128xf32>
    %mul3A_934 = arith.mulf %mul3A_933, %cos3A_360 : vector<100x128xf32>
    %add3A_935 = arith.addf %add3A_929, %mul3A_934 : vector<100x128xf32>
    %get3A_936 = arith.constant 3 : index
    %get3A_937 = arith.constant 14 : index
    %get3A_938 = memref.load %arg6[%get3A_936, %get3A_937] : memref<16x23xf32, #tpu.memory_space<smem>>
    %mul3A_939 = vector.broadcast %get3A_938 : f32 to vector<100x128xf32>
    %mul3A_940 = arith.mulf %mul3A_939, %cos3A_367 : vector<100x128xf32>
    %add3A_941 = arith.addf %add3A_935, %mul3A_940 : vector<100x128xf32>
    %get3A_942 = arith.constant 3 : index
    %get3A_943 = arith.constant 15 : index
    %get3A_944 = memref.load %arg6[%get3A_942, %get3A_943] : memref<16x23xf32, #tpu.memory_space<smem>>
    %mul3A_945 = vector.broadcast %get3A_944 : f32 to vector<100x128xf32>
    %mul3A_946 = arith.mulf %mul3A_945, %cos3A_374 : vector<100x128xf32>
    %add3A_947 = arith.addf %add3A_941, %mul3A_946 : vector<100x128xf32>
    %get3A_948 = arith.constant 3 : index
    %get3A_949 = arith.constant 16 : index
    %get3A_950 = memref.load %arg6[%get3A_948, %get3A_949] : memref<16x23xf32, #tpu.memory_space<smem>>
    %mul3A_951 = vector.broadcast %get3A_950 : f32 to vector<100x128xf32>
    %mul3A_952 = arith.mulf %mul3A_951, %mul3A_126 : vector<100x128xf32>
    %add3A_953 = arith.addf %add3A_947, %mul3A_952 : vector<100x128xf32>
    %get3A_954 = arith.constant 3 : index
    %get3A_955 = arith.constant 17 : index
    %get3A_956 = memref.load %arg6[%get3A_954, %get3A_955] : memref<16x23xf32, #tpu.memory_space<smem>>
    %mul3A_957 = vector.broadcast %get3A_956 : f32 to vector<100x128xf32>
    %mul3A_958 = arith.mulf %mul3A_957, %mul3A_127 : vector<100x128xf32>
    %add3A_959 = arith.addf %add3A_953, %mul3A_958 : vector<100x128xf32>
    %get3A_960 = arith.constant 3 : index
    %get3A_961 = arith.constant 18 : index
    %get3A_962 = memref.load %arg6[%get3A_960, %get3A_961] : memref<16x23xf32, #tpu.memory_space<smem>>
    %mul3A_963 = vector.broadcast %get3A_962 : f32 to vector<100x128xf32>
    %mul3A_964 = arith.mulf %mul3A_963, %mul3A_128 : vector<100x128xf32>
    %add3A_965 = arith.addf %add3A_959, %mul3A_964 : vector<100x128xf32>
    %get3A_966 = arith.constant 3 : index
    %get3A_967 = arith.constant 19 : index
    %get3A_968 = memref.load %arg6[%get3A_966, %get3A_967] : memref<16x23xf32, #tpu.memory_space<smem>>
    %mul3A_969 = vector.broadcast %get3A_968 : f32 to vector<100x128xf32>
    %mul3A_970 = arith.mulf %mul3A_969, %mul3A_272 : vector<100x128xf32>
    %add3A_971 = arith.addf %add3A_965, %mul3A_970 : vector<100x128xf32>
    %get3A_972 = arith.constant 3 : index
    %get3A_973 = arith.constant 20 : index
    %get3A_974 = memref.load %arg6[%get3A_972, %get3A_973] : memref<16x23xf32, #tpu.memory_space<smem>>
    %mul3A_975 = vector.broadcast %get3A_974 : f32 to vector<100x128xf32>
    %mul3A_976 = arith.mulf %mul3A_975, %mul3A_273 : vector<100x128xf32>
    %add3A_977 = arith.addf %add3A_971, %mul3A_976 : vector<100x128xf32>
    %get3A_978 = arith.constant 3 : index
    %get3A_979 = arith.constant 21 : index
    %get3A_980 = memref.load %arg6[%get3A_978, %get3A_979] : memref<16x23xf32, #tpu.memory_space<smem>>
    %mul3A_981 = vector.broadcast %get3A_980 : f32 to vector<100x128xf32>
    %mul3A_982 = arith.mulf %mul3A_981, %mul3A_274 : vector<100x128xf32>
    %add3A_983 = arith.addf %add3A_977, %mul3A_982 : vector<100x128xf32>
    %get3A_984 = arith.constant 3 : index
    %get3A_985 = arith.constant 22 : index
    %get3A_986 = memref.load %arg6[%get3A_984, %get3A_985] : memref<16x23xf32, #tpu.memory_space<smem>>
    %mul3A_987 = vector.broadcast %get3A_986 : f32 to vector<100x128xf32>
    %mul3A_988 = arith.mulf %mul3A_987, %mul3A_275 : vector<100x128xf32>
    %add3A_989 = arith.addf %add3A_983, %mul3A_988 : vector<100x128xf32>
    %swap3A_990 = arith.constant 0 : index
    %swap3A_991 = arith.constant 3 : index
    %swap3A_992 = arith.constant 0 : index
    %swap3A_993 = arith.constant 0 : index
    %swap3A_994 = vector.load %arg8[%swap3A_990, %swap3A_991, %swap3A_992, %swap3A_993] : memref<1x16x100x128xf32, #tpu.memory_space<vmem>>, vector<1x1x100x128xf32>
    %swap3A_995 = vector.shape_cast %swap3A_994 : vector<1x1x100x128xf32> to vector<100x128xf32>
    %swap3A_996 = vector.shape_cast %add3A_989 : vector<100x128xf32> to vector<1x1x100x128xf32>
    tpu.vector_store %arg8[%swap3A_990, %swap3A_991, %swap3A_992, %swap3A_993], %swap3A_996 {strides = array<i32>} : memref<1x16x100x128xf32, #tpu.memory_space<vmem>>, vector<1x1x100x128xf32>,
    %get3A_997 = arith.constant 3 : index
    %get3A_998 = arith.constant 0 : index
    %get3A_999 = vector.load %arg9[%get3A_997, %get3A_998] : memref<16x128xf32, #tpu.memory_space<vmem>>, vector<1x128xf32>
    %mul3A_1000 = arith.mulf %add3A_989, %add3A_989 : vector<100x128xf32>
    %reduce_sum3A_1001 = arith.constant dense<0.000000e+00> : vector<128xf32>
    %reduce_sum3A_1002 = vector.multi_reduction <add>, %mul3A_1000, %reduce_sum3A_1001 [0] : vector<100x128xf32> to vector<128xf32>
    %broadcast_in_dim3A_1003 = vector.shape_cast %reduce_sum3A_1002 : vector<128xf32> to vector<1x128xf32>
    %add3A_1004 = arith.addf %get3A_999, %broadcast_in_dim3A_1003 : vector<1x128xf32>
    %swap3A_1005 = arith.constant 3 : index
    %swap3A_1006 = arith.constant 0 : index
    %swap3A_1007 = vector.load %arg9[%swap3A_1005, %swap3A_1006] : memref<16x128xf32, #tpu.memory_space<vmem>>, vector<1x128xf32>
    tpu.vector_store %arg9[%swap3A_1005, %swap3A_1006], %add3A_1004 {strides = array<i32>} : memref<16x128xf32, #tpu.memory_space<vmem>>, vector<1x128xf32>,
    %get3A_1008 = arith.constant 4 : index
    %get3A_1009 = memref.load %arg7[%get3A_1008] : memref<16xf32, #tpu.memory_space<smem>>
    %broadcast_in_dim3A_1010 = vector.broadcast %get3A_1009 : f32 to vector<100x128xf32>
    %get3A_1011 = arith.constant 4 : index
    %get3A_1012 = arith.constant 0 : index
    %get3A_1013 = memref.load %arg6[%get3A_1011, %get3A_1012] : memref<16x23xf32, #tpu.memory_space<smem>>
    %mul3A_1014 = vector.broadcast %get3A_1013 : f32 to vector<100x128xf32>
    %mul3A_1015 = arith.mulf %mul3A_1014, %sin3A : vector<100x128xf32>
    %add3A_1016 = arith.addf %broadcast_in_dim3A_1010, %mul3A_1015 : vector<100x128xf32>
    %get3A_1017 = arith.constant 4 : index
    %get3A_1018 = arith.constant 1 : index
    %get3A_1019 = memref.load %arg6[%get3A_1017, %get3A_1018] : memref<16x23xf32, #tpu.memory_space<smem>>
    %mul3A_1020 = vector.broadcast %get3A_1019 : f32 to vector<100x128xf32>
    %mul3A_1021 = arith.mulf %mul3A_1020, %sin3A_331 : vector<100x128xf32>
    %add3A_1022 = arith.addf %add3A_1016, %mul3A_1021 : vector<100x128xf32>
    %get3A_1023 = arith.constant 4 : index
    %get3A_1024 = arith.constant 2 : index
    %get3A_1025 = memref.load %arg6[%get3A_1023, %get3A_1024] : memref<16x23xf32, #tpu.memory_space<smem>>
    %mul3A_1026 = vector.broadcast %get3A_1025 : f32 to vector<100x128xf32>
    %mul3A_1027 = arith.mulf %mul3A_1026, %sin3A_338 : vector<100x128xf32>
    %add3A_1028 = arith.addf %add3A_1022, %mul3A_1027 : vector<100x128xf32>
    %get3A_1029 = arith.constant 4 : index
    %get3A_1030 = arith.constant 3 : index
    %get3A_1031 = memref.load %arg6[%get3A_1029, %get3A_1030] : memref<16x23xf32, #tpu.memory_space<smem>>
    %mul3A_1032 = vector.broadcast %get3A_1031 : f32 to vector<100x128xf32>
    %mul3A_1033 = arith.mulf %mul3A_1032, %sin3A_345 : vector<100x128xf32>
    %add3A_1034 = arith.addf %add3A_1028, %mul3A_1033 : vector<100x128xf32>
    %get3A_1035 = arith.constant 4 : index
    %get3A_1036 = arith.constant 4 : index
    %get3A_1037 = memref.load %arg6[%get3A_1035, %get3A_1036] : memref<16x23xf32, #tpu.memory_space<smem>>
    %mul3A_1038 = vector.broadcast %get3A_1037 : f32 to vector<100x128xf32>
    %mul3A_1039 = arith.mulf %mul3A_1038, %sin3A_352 : vector<100x128xf32>
    %add3A_1040 = arith.addf %add3A_1034, %mul3A_1039 : vector<100x128xf32>
    %get3A_1041 = arith.constant 4 : index
    %get3A_1042 = arith.constant 5 : index
    %get3A_1043 = memref.load %arg6[%get3A_1041, %get3A_1042] : memref<16x23xf32, #tpu.memory_space<smem>>
    %mul3A_1044 = vector.broadcast %get3A_1043 : f32 to vector<100x128xf32>
    %mul3A_1045 = arith.mulf %mul3A_1044, %sin3A_359 : vector<100x128xf32>
    %add3A_1046 = arith.addf %add3A_1040, %mul3A_1045 : vector<100x128xf32>
    %get3A_1047 = arith.constant 4 : index
    %get3A_1048 = arith.constant 6 : index
    %get3A_1049 = memref.load %arg6[%get3A_1047, %get3A_1048] : memref<16x23xf32, #tpu.memory_space<smem>>
    %mul3A_1050 = vector.broadcast %get3A_1049 : f32 to vector<100x128xf32>
    %mul3A_1051 = arith.mulf %mul3A_1050, %sin3A_366 : vector<100x128xf32>
    %add3A_1052 = arith.addf %add3A_1046, %mul3A_1051 : vector<100x128xf32>
    %get3A_1053 = arith.constant 4 : index
    %get3A_1054 = arith.constant 7 : index
    %get3A_1055 = memref.load %arg6[%get3A_1053, %get3A_1054] : memref<16x23xf32, #tpu.memory_space<smem>>
    %mul3A_1056 = vector.broadcast %get3A_1055 : f32 to vector<100x128xf32>
    %mul3A_1057 = arith.mulf %mul3A_1056, %sin3A_373 : vector<100x128xf32>
    %add3A_1058 = arith.addf %add3A_1052, %mul3A_1057 : vector<100x128xf32>
    %get3A_1059 = arith.constant 4 : index
    %get3A_1060 = arith.constant 8 : index
    %get3A_1061 = memref.load %arg6[%get3A_1059, %get3A_1060] : memref<16x23xf32, #tpu.memory_space<smem>>
    %mul3A_1062 = vector.broadcast %get3A_1061 : f32 to vector<100x128xf32>
    %mul3A_1063 = arith.mulf %mul3A_1062, %cos3A : vector<100x128xf32>
    %add3A_1064 = arith.addf %add3A_1058, %mul3A_1063 : vector<100x128xf32>
    %get3A_1065 = arith.constant 4 : index
    %get3A_1066 = arith.constant 9 : index
    %get3A_1067 = memref.load %arg6[%get3A_1065, %get3A_1066] : memref<16x23xf32, #tpu.memory_space<smem>>
    %mul3A_1068 = vector.broadcast %get3A_1067 : f32 to vector<100x128xf32>
    %mul3A_1069 = arith.mulf %mul3A_1068, %cos3A_332 : vector<100x128xf32>
    %add3A_1070 = arith.addf %add3A_1064, %mul3A_1069 : vector<100x128xf32>
    %get3A_1071 = arith.constant 4 : index
    %get3A_1072 = arith.constant 10 : index
    %get3A_1073 = memref.load %arg6[%get3A_1071, %get3A_1072] : memref<16x23xf32, #tpu.memory_space<smem>>
    %mul3A_1074 = vector.broadcast %get3A_1073 : f32 to vector<100x128xf32>
    %mul3A_1075 = arith.mulf %mul3A_1074, %cos3A_339 : vector<100x128xf32>
    %add3A_1076 = arith.addf %add3A_1070, %mul3A_1075 : vector<100x128xf32>
    %get3A_1077 = arith.constant 4 : index
    %get3A_1078 = arith.constant 11 : index
    %get3A_1079 = memref.load %arg6[%get3A_1077, %get3A_1078] : memref<16x23xf32, #tpu.memory_space<smem>>
    %mul3A_1080 = vector.broadcast %get3A_1079 : f32 to vector<100x128xf32>
    %mul3A_1081 = arith.mulf %mul3A_1080, %cos3A_346 : vector<100x128xf32>
    %add3A_1082 = arith.addf %add3A_1076, %mul3A_1081 : vector<100x128xf32>
    %get3A_1083 = arith.constant 4 : index
    %get3A_1084 = arith.constant 12 : index
    %get3A_1085 = memref.load %arg6[%get3A_1083, %get3A_1084] : memref<16x23xf32, #tpu.memory_space<smem>>
    %mul3A_1086 = vector.broadcast %get3A_1085 : f32 to vector<100x128xf32>
    %mul3A_1087 = arith.mulf %mul3A_1086, %cos3A_353 : vector<100x128xf32>
    %add3A_1088 = arith.addf %add3A_1082, %mul3A_1087 : vector<100x128xf32>
    %get3A_1089 = arith.constant 4 : index
    %get3A_1090 = arith.constant 13 : index
    %get3A_1091 = memref.load %arg6[%get3A_1089, %get3A_1090] : memref<16x23xf32, #tpu.memory_space<smem>>
    %mul3A_1092 = vector.broadcast %get3A_1091 : f32 to vector<100x128xf32>
    %mul3A_1093 = arith.mulf %mul3A_1092, %cos3A_360 : vector<100x128xf32>
    %add3A_1094 = arith.addf %add3A_1088, %mul3A_1093 : vector<100x128xf32>
    %get3A_1095 = arith.constant 4 : index
    %get3A_1096 = arith.constant 14 : index
    %get3A_1097 = memref.load %arg6[%get3A_1095, %get3A_1096] : memref<16x23xf32, #tpu.memory_space<smem>>
    %mul3A_1098 = vector.broadcast %get3A_1097 : f32 to vector<100x128xf32>
    %mul3A_1099 = arith.mulf %mul3A_1098, %cos3A_367 : vector<100x128xf32>
    %add3A_1100 = arith.addf %add3A_1094, %mul3A_1099 : vector<100x128xf32>
    %get3A_1101 = arith.constant 4 : index
    %get3A_1102 = arith.constant 15 : index
    %get3A_1103 = memref.load %arg6[%get3A_1101, %get3A_1102] : memref<16x23xf32, #tpu.memory_space<smem>>
    %mul3A_1104 = vector.broadcast %get3A_1103 : f32 to vector<100x128xf32>
    %mul3A_1105 = arith.mulf %mul3A_1104, %cos3A_374 : vector<100x128xf32>
    %add3A_1106 = arith.addf %add3A_1100, %mul3A_1105 : vector<100x128xf32>
    %get3A_1107 = arith.constant 4 : index
    %get3A_1108 = arith.constant 16 : index
    %get3A_1109 = memref.load %arg6[%get3A_1107, %get3A_1108] : memref<16x23xf32, #tpu.memory_space<smem>>
    %mul3A_1110 = vector.broadcast %get3A_1109 : f32 to vector<100x128xf32>
    %mul3A_1111 = arith.mulf %mul3A_1110, %mul3A_126 : vector<100x128xf32>
    %add3A_1112 = arith.addf %add3A_1106, %mul3A_1111 : vector<100x128xf32>
    %get3A_1113 = arith.constant 4 : index
    %get3A_1114 = arith.constant 17 : index
    %get3A_1115 = memref.load %arg6[%get3A_1113, %get3A_1114] : memref<16x23xf32, #tpu.memory_space<smem>>
    %mul3A_1116 = vector.broadcast %get3A_1115 : f32 to vector<100x128xf32>
    %mul3A_1117 = arith.mulf %mul3A_1116, %mul3A_127 : vector<100x128xf32>
    %add3A_1118 = arith.addf %add3A_1112, %mul3A_1117 : vector<100x128xf32>
    %get3A_1119 = arith.constant 4 : index
    %get3A_1120 = arith.constant 18 : index
    %get3A_1121 = memref.load %arg6[%get3A_1119, %get3A_1120] : memref<16x23xf32, #tpu.memory_space<smem>>
    %mul3A_1122 = vector.broadcast %get3A_1121 : f32 to vector<100x128xf32>
    %mul3A_1123 = arith.mulf %mul3A_1122, %mul3A_128 : vector<100x128xf32>
    %add3A_1124 = arith.addf %add3A_1118, %mul3A_1123 : vector<100x128xf32>
    %get3A_1125 = arith.constant 4 : index
    %get3A_1126 = arith.constant 19 : index
    %get3A_1127 = memref.load %arg6[%get3A_1125, %get3A_1126] : memref<16x23xf32, #tpu.memory_space<smem>>
    %mul3A_1128 = vector.broadcast %get3A_1127 : f32 to vector<100x128xf32>
    %mul3A_1129 = arith.mulf %mul3A_1128, %mul3A_272 : vector<100x128xf32>
    %add3A_1130 = arith.addf %add3A_1124, %mul3A_1129 : vector<100x128xf32>
    %get3A_1131 = arith.constant 4 : index
    %get3A_1132 = arith.constant 20 : index
    %get3A_1133 = memref.load %arg6[%get3A_1131, %get3A_1132] : memref<16x23xf32, #tpu.memory_space<smem>>
    %mul3A_1134 = vector.broadcast %get3A_1133 : f32 to vector<100x128xf32>
    %mul3A_1135 = arith.mulf %mul3A_1134, %mul3A_273 : vector<100x128xf32>
    %add3A_1136 = arith.addf %add3A_1130, %mul3A_1135 : vector<100x128xf32>
    %get3A_1137 = arith.constant 4 : index
    %get3A_1138 = arith.constant 21 : index
    %get3A_1139 = memref.load %arg6[%get3A_1137, %get3A_1138] : memref<16x23xf32, #tpu.memory_space<smem>>
    %mul3A_1140 = vector.broadcast %get3A_1139 : f32 to vector<100x128xf32>
    %mul3A_1141 = arith.mulf %mul3A_1140, %mul3A_274 : vector<100x128xf32>
    %add3A_1142 = arith.addf %add3A_1136, %mul3A_1141 : vector<100x128xf32>
    %get3A_1143 = arith.constant 4 : index
    %get3A_1144 = arith.constant 22 : index
    %get3A_1145 = memref.load %arg6[%get3A_1143, %get3A_1144] : memref<16x23xf32, #tpu.memory_space<smem>>
    %mul3A_1146 = vector.broadcast %get3A_1145 : f32 to vector<100x128xf32>
    %mul3A_1147 = arith.mulf %mul3A_1146, %mul3A_275 : vector<100x128xf32>
    %add3A_1148 = arith.addf %add3A_1142, %mul3A_1147 : vector<100x128xf32>
    %swap3A_1149 = arith.constant 0 : index
    %swap3A_1150 = arith.constant 4 : index
    %swap3A_1151 = arith.constant 0 : index
    %swap3A_1152 = arith.constant 0 : index
    %swap3A_1153 = vector.load %arg8[%swap3A_1149, %swap3A_1150, %swap3A_1151, %swap3A_1152] : memref<1x16x100x128xf32, #tpu.memory_space<vmem>>, vector<1x1x100x128xf32>
    %swap3A_1154 = vector.shape_cast %swap3A_1153 : vector<1x1x100x128xf32> to vector<100x128xf32>
    %swap3A_1155 = vector.shape_cast %add3A_1148 : vector<100x128xf32> to vector<1x1x100x128xf32>
    tpu.vector_store %arg8[%swap3A_1149, %swap3A_1150, %swap3A_1151, %swap3A_1152], %swap3A_1155 {strides = array<i32>} : memref<1x16x100x128xf32, #tpu.memory_space<vmem>>, vector<1x1x100x128xf32>,
    %get3A_1156 = arith.constant 4 : index
    %get3A_1157 = arith.constant 0 : index
    %get3A_1158 = vector.load %arg9[%get3A_1156, %get3A_1157] : memref<16x128xf32, #tpu.memory_space<vmem>>, vector<1x128xf32>
    %mul3A_1159 = arith.mulf %add3A_1148, %add3A_1148 : vector<100x128xf32>
    %reduce_sum3A_1160 = arith.constant dense<0.000000e+00> : vector<128xf32>
    %reduce_sum3A_1161 = vector.multi_reduction <add>, %mul3A_1159, %reduce_sum3A_1160 [0] : vector<100x128xf32> to vector<128xf32>
    %broadcast_in_dim3A_1162 = vector.shape_cast %reduce_sum3A_1161 : vector<128xf32> to vector<1x128xf32>
    %add3A_1163 = arith.addf %get3A_1158, %broadcast_in_dim3A_1162 : vector<1x128xf32>
    %swap3A_1164 = arith.constant 4 : index
    %swap3A_1165 = arith.constant 0 : index
    %swap3A_1166 = vector.load %arg9[%swap3A_1164, %swap3A_1165] : memref<16x128xf32, #tpu.memory_space<vmem>>, vector<1x128xf32>
    tpu.vector_store %arg9[%swap3A_1164, %swap3A_1165], %add3A_1163 {strides = array<i32>} : memref<16x128xf32, #tpu.memory_space<vmem>>, vector<1x128xf32>,
    %get3A_1167 = arith.constant 5 : index
    %get3A_1168 = memref.load %arg7[%get3A_1167] : memref<16xf32, #tpu.memory_space<smem>>
    %broadcast_in_dim3A_1169 = vector.broadcast %get3A_1168 : f32 to vector<100x128xf32>
    %get3A_1170 = arith.constant 5 : index
    %get3A_1171 = arith.constant 0 : index
    %get3A_1172 = memref.load %arg6[%get3A_1170, %get3A_1171] : memref<16x23xf32, #tpu.memory_space<smem>>
    %mul3A_1173 = vector.broadcast %get3A_1172 : f32 to vector<100x128xf32>
    %mul3A_1174 = arith.mulf %mul3A_1173, %sin3A : vector<100x128xf32>
    %add3A_1175 = arith.addf %broadcast_in_dim3A_1169, %mul3A_1174 : vector<100x128xf32>
    %get3A_1176 = arith.constant 5 : index
    %get3A_1177 = arith.constant 1 : index
    %get3A_1178 = memref.load %arg6[%get3A_1176, %get3A_1177] : memref<16x23xf32, #tpu.memory_space<smem>>
    %mul3A_1179 = vector.broadcast %get3A_1178 : f32 to vector<100x128xf32>
    %mul3A_1180 = arith.mulf %mul3A_1179, %sin3A_331 : vector<100x128xf32>
    %add3A_1181 = arith.addf %add3A_1175, %mul3A_1180 : vector<100x128xf32>
    %get3A_1182 = arith.constant 5 : index
    %get3A_1183 = arith.constant 2 : index
    %get3A_1184 = memref.load %arg6[%get3A_1182, %get3A_1183] : memref<16x23xf32, #tpu.memory_space<smem>>
    %mul3A_1185 = vector.broadcast %get3A_1184 : f32 to vector<100x128xf32>
    %mul3A_1186 = arith.mulf %mul3A_1185, %sin3A_338 : vector<100x128xf32>
    %add3A_1187 = arith.addf %add3A_1181, %mul3A_1186 : vector<100x128xf32>
    %get3A_1188 = arith.constant 5 : index
    %get3A_1189 = arith.constant 3 : index
    %get3A_1190 = memref.load %arg6[%get3A_1188, %get3A_1189] : memref<16x23xf32, #tpu.memory_space<smem>>
    %mul3A_1191 = vector.broadcast %get3A_1190 : f32 to vector<100x128xf32>
    %mul3A_1192 = arith.mulf %mul3A_1191, %sin3A_345 : vector<100x128xf32>
    %add3A_1193 = arith.addf %add3A_1187, %mul3A_1192 : vector<100x128xf32>
    %get3A_1194 = arith.constant 5 : index
    %get3A_1195 = arith.constant 4 : index
    %get3A_1196 = memref.load %arg6[%get3A_1194, %get3A_1195] : memref<16x23xf32, #tpu.memory_space<smem>>
    %mul3A_1197 = vector.broadcast %get3A_1196 : f32 to vector<100x128xf32>
    %mul3A_1198 = arith.mulf %mul3A_1197, %sin3A_352 : vector<100x128xf32>
    %add3A_1199 = arith.addf %add3A_1193, %mul3A_1198 : vector<100x128xf32>
    %get3A_1200 = arith.constant 5 : index
    %get3A_1201 = arith.constant 5 : index
    %get3A_1202 = memref.load %arg6[%get3A_1200, %get3A_1201] : memref<16x23xf32, #tpu.memory_space<smem>>
    %mul3A_1203 = vector.broadcast %get3A_1202 : f32 to vector<100x128xf32>
    %mul3A_1204 = arith.mulf %mul3A_1203, %sin3A_359 : vector<100x128xf32>
    %add3A_1205 = arith.addf %add3A_1199, %mul3A_1204 : vector<100x128xf32>
    %get3A_1206 = arith.constant 5 : index
    %get3A_1207 = arith.constant 6 : index
    %get3A_1208 = memref.load %arg6[%get3A_1206, %get3A_1207] : memref<16x23xf32, #tpu.memory_space<smem>>
    %mul3A_1209 = vector.broadcast %get3A_1208 : f32 to vector<100x128xf32>
    %mul3A_1210 = arith.mulf %mul3A_1209, %sin3A_366 : vector<100x128xf32>
    %add3A_1211 = arith.addf %add3A_1205, %mul3A_1210 : vector<100x128xf32>
    %get3A_1212 = arith.constant 5 : index
    %get3A_1213 = arith.constant 7 : index
    %get3A_1214 = memref.load %arg6[%get3A_1212, %get3A_1213] : memref<16x23xf32, #tpu.memory_space<smem>>
    %mul3A_1215 = vector.broadcast %get3A_1214 : f32 to vector<100x128xf32>
    %mul3A_1216 = arith.mulf %mul3A_1215, %sin3A_373 : vector<100x128xf32>
    %add3A_1217 = arith.addf %add3A_1211, %mul3A_1216 : vector<100x128xf32>
    %get3A_1218 = arith.constant 5 : index
    %get3A_1219 = arith.constant 8 : index
    %get3A_1220 = memref.load %arg6[%get3A_1218, %get3A_1219] : memref<16x23xf32, #tpu.memory_space<smem>>
    %mul3A_1221 = vector.broadcast %get3A_1220 : f32 to vector<100x128xf32>
    %mul3A_1222 = arith.mulf %mul3A_1221, %cos3A : vector<100x128xf32>
    %add3A_1223 = arith.addf %add3A_1217, %mul3A_1222 : vector<100x128xf32>
    %get3A_1224 = arith.constant 5 : index
    %get3A_1225 = arith.constant 9 : index
    %get3A_1226 = memref.load %arg6[%get3A_1224, %get3A_1225] : memref<16x23xf32, #tpu.memory_space<smem>>
    %mul3A_1227 = vector.broadcast %get3A_1226 : f32 to vector<100x128xf32>
    %mul3A_1228 = arith.mulf %mul3A_1227, %cos3A_332 : vector<100x128xf32>
    %add3A_1229 = arith.addf %add3A_1223, %mul3A_1228 : vector<100x128xf32>
    %get3A_1230 = arith.constant 5 : index
    %get3A_1231 = arith.constant 10 : index
    %get3A_1232 = memref.load %arg6[%get3A_1230, %get3A_1231] : memref<16x23xf32, #tpu.memory_space<smem>>
    %mul3A_1233 = vector.broadcast %get3A_1232 : f32 to vector<100x128xf32>
    %mul3A_1234 = arith.mulf %mul3A_1233, %cos3A_339 : vector<100x128xf32>
    %add3A_1235 = arith.addf %add3A_1229, %mul3A_1234 : vector<100x128xf32>
    %get3A_1236 = arith.constant 5 : index
    %get3A_1237 = arith.constant 11 : index
    %get3A_1238 = memref.load %arg6[%get3A_1236, %get3A_1237] : memref<16x23xf32, #tpu.memory_space<smem>>
    %mul3A_1239 = vector.broadcast %get3A_1238 : f32 to vector<100x128xf32>
    %mul3A_1240 = arith.mulf %mul3A_1239, %cos3A_346 : vector<100x128xf32>
    %add3A_1241 = arith.addf %add3A_1235, %mul3A_1240 : vector<100x128xf32>
    %get3A_1242 = arith.constant 5 : index
    %get3A_1243 = arith.constant 12 : index
    %get3A_1244 = memref.load %arg6[%get3A_1242, %get3A_1243] : memref<16x23xf32, #tpu.memory_space<smem>>
    %mul3A_1245 = vector.broadcast %get3A_1244 : f32 to vector<100x128xf32>
    %mul3A_1246 = arith.mulf %mul3A_1245, %cos3A_353 : vector<100x128xf32>
    %add3A_1247 = arith.addf %add3A_1241, %mul3A_1246 : vector<100x128xf32>
    %get3A_1248 = arith.constant 5 : index
    %get3A_1249 = arith.constant 13 : index
    %get3A_1250 = memref.load %arg6[%get3A_1248, %get3A_1249] : memref<16x23xf32, #tpu.memory_space<smem>>
    %mul3A_1251 = vector.broadcast %get3A_1250 : f32 to vector<100x128xf32>
    %mul3A_1252 = arith.mulf %mul3A_1251, %cos3A_360 : vector<100x128xf32>
    %add3A_1253 = arith.addf %add3A_1247, %mul3A_1252 : vector<100x128xf32>
    %get3A_1254 = arith.constant 5 : index
    %get3A_1255 = arith.constant 14 : index
    %get3A_1256 = memref.load %arg6[%get3A_1254, %get3A_1255] : memref<16x23xf32, #tpu.memory_space<smem>>
    %mul3A_1257 = vector.broadcast %get3A_1256 : f32 to vector<100x128xf32>
    %mul3A_1258 = arith.mulf %mul3A_1257, %cos3A_367 : vector<100x128xf32>
    %add3A_1259 = arith.addf %add3A_1253, %mul3A_1258 : vector<100x128xf32>
    %get3A_1260 = arith.constant 5 : index
    %get3A_1261 = arith.constant 15 : index
    %get3A_1262 = memref.load %arg6[%get3A_1260, %get3A_1261] : memref<16x23xf32, #tpu.memory_space<smem>>
    %mul3A_1263 = vector.broadcast %get3A_1262 : f32 to vector<100x128xf32>
    %mul3A_1264 = arith.mulf %mul3A_1263, %cos3A_374 : vector<100x128xf32>
    %add3A_1265 = arith.addf %add3A_1259, %mul3A_1264 : vector<100x128xf32>
    %get3A_1266 = arith.constant 5 : index
    %get3A_1267 = arith.constant 16 : index
    %get3A_1268 = memref.load %arg6[%get3A_1266, %get3A_1267] : memref<16x23xf32, #tpu.memory_space<smem>>
    %mul3A_1269 = vector.broadcast %get3A_1268 : f32 to vector<100x128xf32>
    %mul3A_1270 = arith.mulf %mul3A_1269, %mul3A_126 : vector<100x128xf32>
    %add3A_1271 = arith.addf %add3A_1265, %mul3A_1270 : vector<100x128xf32>
    %get3A_1272 = arith.constant 5 : index
    %get3A_1273 = arith.constant 17 : index
    %get3A_1274 = memref.load %arg6[%get3A_1272, %get3A_1273] : memref<16x23xf32, #tpu.memory_space<smem>>
    %mul3A_1275 = vector.broadcast %get3A_1274 : f32 to vector<100x128xf32>
    %mul3A_1276 = arith.mulf %mul3A_1275, %mul3A_127 : vector<100x128xf32>
    %add3A_1277 = arith.addf %add3A_1271, %mul3A_1276 : vector<100x128xf32>
    %get3A_1278 = arith.constant 5 : index
    %get3A_1279 = arith.constant 18 : index
    %get3A_1280 = memref.load %arg6[%get3A_1278, %get3A_1279] : memref<16x23xf32, #tpu.memory_space<smem>>
    %mul3A_1281 = vector.broadcast %get3A_1280 : f32 to vector<100x128xf32>
    %mul3A_1282 = arith.mulf %mul3A_1281, %mul3A_128 : vector<100x128xf32>
    %add3A_1283 = arith.addf %add3A_1277, %mul3A_1282 : vector<100x128xf32>
    %get3A_1284 = arith.constant 5 : index
    %get3A_1285 = arith.constant 19 : index
    %get3A_1286 = memref.load %arg6[%get3A_1284, %get3A_1285] : memref<16x23xf32, #tpu.memory_space<smem>>
    %mul3A_1287 = vector.broadcast %get3A_1286 : f32 to vector<100x128xf32>
    %mul3A_1288 = arith.mulf %mul3A_1287, %mul3A_272 : vector<100x128xf32>
    %add3A_1289 = arith.addf %add3A_1283, %mul3A_1288 : vector<100x128xf32>
    %get3A_1290 = arith.constant 5 : index
    %get3A_1291 = arith.constant 20 : index
    %get3A_1292 = memref.load %arg6[%get3A_1290, %get3A_1291] : memref<16x23xf32, #tpu.memory_space<smem>>
    %mul3A_1293 = vector.broadcast %get3A_1292 : f32 to vector<100x128xf32>
    %mul3A_1294 = arith.mulf %mul3A_1293, %mul3A_273 : vector<100x128xf32>
    %add3A_1295 = arith.addf %add3A_1289, %mul3A_1294 : vector<100x128xf32>
    %get3A_1296 = arith.constant 5 : index
    %get3A_1297 = arith.constant 21 : index
    %get3A_1298 = memref.load %arg6[%get3A_1296, %get3A_1297] : memref<16x23xf32, #tpu.memory_space<smem>>
    %mul3A_1299 = vector.broadcast %get3A_1298 : f32 to vector<100x128xf32>
    %mul3A_1300 = arith.mulf %mul3A_1299, %mul3A_274 : vector<100x128xf32>
    %add3A_1301 = arith.addf %add3A_1295, %mul3A_1300 : vector<100x128xf32>
    %get3A_1302 = arith.constant 5 : index
    %get3A_1303 = arith.constant 22 : index
    %get3A_1304 = memref.load %arg6[%get3A_1302, %get3A_1303] : memref<16x23xf32, #tpu.memory_space<smem>>
    %mul3A_1305 = vector.broadcast %get3A_1304 : f32 to vector<100x128xf32>
    %mul3A_1306 = arith.mulf %mul3A_1305, %mul3A_275 : vector<100x128xf32>
    %add3A_1307 = arith.addf %add3A_1301, %mul3A_1306 : vector<100x128xf32>
    %swap3A_1308 = arith.constant 0 : index
    %swap3A_1309 = arith.constant 5 : index
    %swap3A_1310 = arith.constant 0 : index
    %swap3A_1311 = arith.constant 0 : index
    %swap3A_1312 = vector.load %arg8[%swap3A_1308, %swap3A_1309, %swap3A_1310, %swap3A_1311] : memref<1x16x100x128xf32, #tpu.memory_space<vmem>>, vector<1x1x100x128xf32>
    %swap3A_1313 = vector.shape_cast %swap3A_1312 : vector<1x1x100x128xf32> to vector<100x128xf32>
    %swap3A_1314 = vector.shape_cast %add3A_1307 : vector<100x128xf32> to vector<1x1x100x128xf32>
    tpu.vector_store %arg8[%swap3A_1308, %swap3A_1309, %swap3A_1310, %swap3A_1311], %swap3A_1314 {strides = array<i32>} : memref<1x16x100x128xf32, #tpu.memory_space<vmem>>, vector<1x1x100x128xf32>,
    %get3A_1315 = arith.constant 5 : index
    %get3A_1316 = arith.constant 0 : index
    %get3A_1317 = vector.load %arg9[%get3A_1315, %get3A_1316] : memref<16x128xf32, #tpu.memory_space<vmem>>, vector<1x128xf32>
    %mul3A_1318 = arith.mulf %add3A_1307, %add3A_1307 : vector<100x128xf32>
    %reduce_sum3A_1319 = arith.constant dense<0.000000e+00> : vector<128xf32>
    %reduce_sum3A_1320 = vector.multi_reduction <add>, %mul3A_1318, %reduce_sum3A_1319 [0] : vector<100x128xf32> to vector<128xf32>
    %broadcast_in_dim3A_1321 = vector.shape_cast %reduce_sum3A_1320 : vector<128xf32> to vector<1x128xf32>
    %add3A_1322 = arith.addf %get3A_1317, %broadcast_in_dim3A_1321 : vector<1x128xf32>
    %swap3A_1323 = arith.constant 5 : index
    %swap3A_1324 = arith.constant 0 : index
    %swap3A_1325 = vector.load %arg9[%swap3A_1323, %swap3A_1324] : memref<16x128xf32, #tpu.memory_space<vmem>>, vector<1x128xf32>
    tpu.vector_store %arg9[%swap3A_1323, %swap3A_1324], %add3A_1322 {strides = array<i32>} : memref<16x128xf32, #tpu.memory_space<vmem>>, vector<1x128xf32>,
    %get3A_1326 = arith.constant 6 : index
    %get3A_1327 = memref.load %arg7[%get3A_1326] : memref<16xf32, #tpu.memory_space<smem>>
    %broadcast_in_dim3A_1328 = vector.broadcast %get3A_1327 : f32 to vector<100x128xf32>
    %get3A_1329 = arith.constant 6 : index
    %get3A_1330 = arith.constant 0 : index
    %get3A_1331 = memref.load %arg6[%get3A_1329, %get3A_1330] : memref<16x23xf32, #tpu.memory_space<smem>>
    %mul3A_1332 = vector.broadcast %get3A_1331 : f32 to vector<100x128xf32>
    %mul3A_1333 = arith.mulf %mul3A_1332, %sin3A : vector<100x128xf32>
    %add3A_1334 = arith.addf %broadcast_in_dim3A_1328, %mul3A_1333 : vector<100x128xf32>
    %get3A_1335 = arith.constant 6 : index
    %get3A_1336 = arith.constant 1 : index
    %get3A_1337 = memref.load %arg6[%get3A_1335, %get3A_1336] : memref<16x23xf32, #tpu.memory_space<smem>>
    %mul3A_1338 = vector.broadcast %get3A_1337 : f32 to vector<100x128xf32>
    %mul3A_1339 = arith.mulf %mul3A_1338, %sin3A_331 : vector<100x128xf32>
    %add3A_1340 = arith.addf %add3A_1334, %mul3A_1339 : vector<100x128xf32>
    %get3A_1341 = arith.constant 6 : index
    %get3A_1342 = arith.constant 2 : index
    %get3A_1343 = memref.load %arg6[%get3A_1341, %get3A_1342] : memref<16x23xf32, #tpu.memory_space<smem>>
    %mul3A_1344 = vector.broadcast %get3A_1343 : f32 to vector<100x128xf32>
    %mul3A_1345 = arith.mulf %mul3A_1344, %sin3A_338 : vector<100x128xf32>
    %add3A_1346 = arith.addf %add3A_1340, %mul3A_1345 : vector<100x128xf32>
    %get3A_1347 = arith.constant 6 : index
    %get3A_1348 = arith.constant 3 : index
    %get3A_1349 = memref.load %arg6[%get3A_1347, %get3A_1348] : memref<16x23xf32, #tpu.memory_space<smem>>
    %mul3A_1350 = vector.broadcast %get3A_1349 : f32 to vector<100x128xf32>
    %mul3A_1351 = arith.mulf %mul3A_1350, %sin3A_345 : vector<100x128xf32>
    %add3A_1352 = arith.addf %add3A_1346, %mul3A_1351 : vector<100x128xf32>
    %get3A_1353 = arith.constant 6 : index
    %get3A_1354 = arith.constant 4 : index
    %get3A_1355 = memref.load %arg6[%get3A_1353, %get3A_1354] : memref<16x23xf32, #tpu.memory_space<smem>>
    %mul3A_1356 = vector.broadcast %get3A_1355 : f32 to vector<100x128xf32>
    %mul3A_1357 = arith.mulf %mul3A_1356, %sin3A_352 : vector<100x128xf32>
    %add3A_1358 = arith.addf %add3A_1352, %mul3A_1357 : vector<100x128xf32>
    %get3A_1359 = arith.constant 6 : index
    %get3A_1360 = arith.constant 5 : index
    %get3A_1361 = memref.load %arg6[%get3A_1359, %get3A_1360] : memref<16x23xf32, #tpu.memory_space<smem>>
    %mul3A_1362 = vector.broadcast %get3A_1361 : f32 to vector<100x128xf32>
    %mul3A_1363 = arith.mulf %mul3A_1362, %sin3A_359 : vector<100x128xf32>
    %add3A_1364 = arith.addf %add3A_1358, %mul3A_1363 : vector<100x128xf32>
    %get3A_1365 = arith.constant 6 : index
    %get3A_1366 = arith.constant 6 : index
    %get3A_1367 = memref.load %arg6[%get3A_1365, %get3A_1366] : memref<16x23xf32, #tpu.memory_space<smem>>
    %mul3A_1368 = vector.broadcast %get3A_1367 : f32 to vector<100x128xf32>
    %mul3A_1369 = arith.mulf %mul3A_1368, %sin3A_366 : vector<100x128xf32>
    %add3A_1370 = arith.addf %add3A_1364, %mul3A_1369 : vector<100x128xf32>
    %get3A_1371 = arith.constant 6 : index
    %get3A_1372 = arith.constant 7 : index
    %get3A_1373 = memref.load %arg6[%get3A_1371, %get3A_1372] : memref<16x23xf32, #tpu.memory_space<smem>>
    %mul3A_1374 = vector.broadcast %get3A_1373 : f32 to vector<100x128xf32>
    %mul3A_1375 = arith.mulf %mul3A_1374, %sin3A_373 : vector<100x128xf32>
    %add3A_1376 = arith.addf %add3A_1370, %mul3A_1375 : vector<100x128xf32>
    %get3A_1377 = arith.constant 6 : index
    %get3A_1378 = arith.constant 8 : index
    %get3A_1379 = memref.load %arg6[%get3A_1377, %get3A_1378] : memref<16x23xf32, #tpu.memory_space<smem>>
    %mul3A_1380 = vector.broadcast %get3A_1379 : f32 to vector<100x128xf32>
    %mul3A_1381 = arith.mulf %mul3A_1380, %cos3A : vector<100x128xf32>
    %add3A_1382 = arith.addf %add3A_1376, %mul3A_1381 : vector<100x128xf32>
    %get3A_1383 = arith.constant 6 : index
    %get3A_1384 = arith.constant 9 : index
    %get3A_1385 = memref.load %arg6[%get3A_1383, %get3A_1384] : memref<16x23xf32, #tpu.memory_space<smem>>
    %mul3A_1386 = vector.broadcast %get3A_1385 : f32 to vector<100x128xf32>
    %mul3A_1387 = arith.mulf %mul3A_1386, %cos3A_332 : vector<100x128xf32>
    %add3A_1388 = arith.addf %add3A_1382, %mul3A_1387 : vector<100x128xf32>
    %get3A_1389 = arith.constant 6 : index
    %get3A_1390 = arith.constant 10 : index
    %get3A_1391 = memref.load %arg6[%get3A_1389, %get3A_1390] : memref<16x23xf32, #tpu.memory_space<smem>>
    %mul3A_1392 = vector.broadcast %get3A_1391 : f32 to vector<100x128xf32>
    %mul3A_1393 = arith.mulf %mul3A_1392, %cos3A_339 : vector<100x128xf32>
    %add3A_1394 = arith.addf %add3A_1388, %mul3A_1393 : vector<100x128xf32>
    %get3A_1395 = arith.constant 6 : index
    %get3A_1396 = arith.constant 11 : index
    %get3A_1397 = memref.load %arg6[%get3A_1395, %get3A_1396] : memref<16x23xf32, #tpu.memory_space<smem>>
    %mul3A_1398 = vector.broadcast %get3A_1397 : f32 to vector<100x128xf32>
    %mul3A_1399 = arith.mulf %mul3A_1398, %cos3A_346 : vector<100x128xf32>
    %add3A_1400 = arith.addf %add3A_1394, %mul3A_1399 : vector<100x128xf32>
    %get3A_1401 = arith.constant 6 : index
    %get3A_1402 = arith.constant 12 : index
    %get3A_1403 = memref.load %arg6[%get3A_1401, %get3A_1402] : memref<16x23xf32, #tpu.memory_space<smem>>
    %mul3A_1404 = vector.broadcast %get3A_1403 : f32 to vector<100x128xf32>
    %mul3A_1405 = arith.mulf %mul3A_1404, %cos3A_353 : vector<100x128xf32>
    %add3A_1406 = arith.addf %add3A_1400, %mul3A_1405 : vector<100x128xf32>
    %get3A_1407 = arith.constant 6 : index
    %get3A_1408 = arith.constant 13 : index
    %get3A_1409 = memref.load %arg6[%get3A_1407, %get3A_1408] : memref<16x23xf32, #tpu.memory_space<smem>>
    %mul3A_1410 = vector.broadcast %get3A_1409 : f32 to vector<100x128xf32>
    %mul3A_1411 = arith.mulf %mul3A_1410, %cos3A_360 : vector<100x128xf32>
    %add3A_1412 = arith.addf %add3A_1406, %mul3A_1411 : vector<100x128xf32>
    %get3A_1413 = arith.constant 6 : index
    %get3A_1414 = arith.constant 14 : index
    %get3A_1415 = memref.load %arg6[%get3A_1413, %get3A_1414] : memref<16x23xf32, #tpu.memory_space<smem>>
    %mul3A_1416 = vector.broadcast %get3A_1415 : f32 to vector<100x128xf32>
    %mul3A_1417 = arith.mulf %mul3A_1416, %cos3A_367 : vector<100x128xf32>
    %add3A_1418 = arith.addf %add3A_1412, %mul3A_1417 : vector<100x128xf32>
    %get3A_1419 = arith.constant 6 : index
    %get3A_1420 = arith.constant 15 : index
    %get3A_1421 = memref.load %arg6[%get3A_1419, %get3A_1420] : memref<16x23xf32, #tpu.memory_space<smem>>
    %mul3A_1422 = vector.broadcast %get3A_1421 : f32 to vector<100x128xf32>
    %mul3A_1423 = arith.mulf %mul3A_1422, %cos3A_374 : vector<100x128xf32>
    %add3A_1424 = arith.addf %add3A_1418, %mul3A_1423 : vector<100x128xf32>
    %get3A_1425 = arith.constant 6 : index
    %get3A_1426 = arith.constant 16 : index
    %get3A_1427 = memref.load %arg6[%get3A_1425, %get3A_1426] : memref<16x23xf32, #tpu.memory_space<smem>>
    %mul3A_1428 = vector.broadcast %get3A_1427 : f32 to vector<100x128xf32>
    %mul3A_1429 = arith.mulf %mul3A_1428, %mul3A_126 : vector<100x128xf32>
    %add3A_1430 = arith.addf %add3A_1424, %mul3A_1429 : vector<100x128xf32>
    %get3A_1431 = arith.constant 6 : index
    %get3A_1432 = arith.constant 17 : index
    %get3A_1433 = memref.load %arg6[%get3A_1431, %get3A_1432] : memref<16x23xf32, #tpu.memory_space<smem>>
    %mul3A_1434 = vector.broadcast %get3A_1433 : f32 to vector<100x128xf32>
    %mul3A_1435 = arith.mulf %mul3A_1434, %mul3A_127 : vector<100x128xf32>
    %add3A_1436 = arith.addf %add3A_1430, %mul3A_1435 : vector<100x128xf32>
    %get3A_1437 = arith.constant 6 : index
    %get3A_1438 = arith.constant 18 : index
    %get3A_1439 = memref.load %arg6[%get3A_1437, %get3A_1438] : memref<16x23xf32, #tpu.memory_space<smem>>
    %mul3A_1440 = vector.broadcast %get3A_1439 : f32 to vector<100x128xf32>
    %mul3A_1441 = arith.mulf %mul3A_1440, %mul3A_128 : vector<100x128xf32>
    %add3A_1442 = arith.addf %add3A_1436, %mul3A_1441 : vector<100x128xf32>
    %get3A_1443 = arith.constant 6 : index
    %get3A_1444 = arith.constant 19 : index
    %get3A_1445 = memref.load %arg6[%get3A_1443, %get3A_1444] : memref<16x23xf32, #tpu.memory_space<smem>>
    %mul3A_1446 = vector.broadcast %get3A_1445 : f32 to vector<100x128xf32>
    %mul3A_1447 = arith.mulf %mul3A_1446, %mul3A_272 : vector<100x128xf32>
    %add3A_1448 = arith.addf %add3A_1442, %mul3A_1447 : vector<100x128xf32>
    %get3A_1449 = arith.constant 6 : index
    %get3A_1450 = arith.constant 20 : index
    %get3A_1451 = memref.load %arg6[%get3A_1449, %get3A_1450] : memref<16x23xf32, #tpu.memory_space<smem>>
    %mul3A_1452 = vector.broadcast %get3A_1451 : f32 to vector<100x128xf32>
    %mul3A_1453 = arith.mulf %mul3A_1452, %mul3A_273 : vector<100x128xf32>
    %add3A_1454 = arith.addf %add3A_1448, %mul3A_1453 : vector<100x128xf32>
    %get3A_1455 = arith.constant 6 : index
    %get3A_1456 = arith.constant 21 : index
    %get3A_1457 = memref.load %arg6[%get3A_1455, %get3A_1456] : memref<16x23xf32, #tpu.memory_space<smem>>
    %mul3A_1458 = vector.broadcast %get3A_1457 : f32 to vector<100x128xf32>
    %mul3A_1459 = arith.mulf %mul3A_1458, %mul3A_274 : vector<100x128xf32>
    %add3A_1460 = arith.addf %add3A_1454, %mul3A_1459 : vector<100x128xf32>
    %get3A_1461 = arith.constant 6 : index
    %get3A_1462 = arith.constant 22 : index
    %get3A_1463 = memref.load %arg6[%get3A_1461, %get3A_1462] : memref<16x23xf32, #tpu.memory_space<smem>>
    %mul3A_1464 = vector.broadcast %get3A_1463 : f32 to vector<100x128xf32>
    %mul3A_1465 = arith.mulf %mul3A_1464, %mul3A_275 : vector<100x128xf32>
    %add3A_1466 = arith.addf %add3A_1460, %mul3A_1465 : vector<100x128xf32>
    %swap3A_1467 = arith.constant 0 : index
    %swap3A_1468 = arith.constant 6 : index
    %swap3A_1469 = arith.constant 0 : index
    %swap3A_1470 = arith.constant 0 : index
    %swap3A_1471 = vector.load %arg8[%swap3A_1467, %swap3A_1468, %swap3A_1469, %swap3A_1470] : memref<1x16x100x128xf32, #tpu.memory_space<vmem>>, vector<1x1x100x128xf32>
    %swap3A_1472 = vector.shape_cast %swap3A_1471 : vector<1x1x100x128xf32> to vector<100x128xf32>
    %swap3A_1473 = vector.shape_cast %add3A_1466 : vector<100x128xf32> to vector<1x1x100x128xf32>
    tpu.vector_store %arg8[%swap3A_1467, %swap3A_1468, %swap3A_1469, %swap3A_1470], %swap3A_1473 {strides = array<i32>} : memref<1x16x100x128xf32, #tpu.memory_space<vmem>>, vector<1x1x100x128xf32>,
    %get3A_1474 = arith.constant 6 : index
    %get3A_1475 = arith.constant 0 : index
    %get3A_1476 = vector.load %arg9[%get3A_1474, %get3A_1475] : memref<16x128xf32, #tpu.memory_space<vmem>>, vector<1x128xf32>
    %mul3A_1477 = arith.mulf %add3A_1466, %add3A_1466 : vector<100x128xf32>
    %reduce_sum3A_1478 = arith.constant dense<0.000000e+00> : vector<128xf32>
    %reduce_sum3A_1479 = vector.multi_reduction <add>, %mul3A_1477, %reduce_sum3A_1478 [0] : vector<100x128xf32> to vector<128xf32>
    %broadcast_in_dim3A_1480 = vector.shape_cast %reduce_sum3A_1479 : vector<128xf32> to vector<1x128xf32>
    %add3A_1481 = arith.addf %get3A_1476, %broadcast_in_dim3A_1480 : vector<1x128xf32>
    %swap3A_1482 = arith.constant 6 : index
    %swap3A_1483 = arith.constant 0 : index
    %swap3A_1484 = vector.load %arg9[%swap3A_1482, %swap3A_1483] : memref<16x128xf32, #tpu.memory_space<vmem>>, vector<1x128xf32>
    tpu.vector_store %arg9[%swap3A_1482, %swap3A_1483], %add3A_1481 {strides = array<i32>} : memref<16x128xf32, #tpu.memory_space<vmem>>, vector<1x128xf32>,
    %get3A_1485 = arith.constant 7 : index
    %get3A_1486 = memref.load %arg7[%get3A_1485] : memref<16xf32, #tpu.memory_space<smem>>
    %broadcast_in_dim3A_1487 = vector.broadcast %get3A_1486 : f32 to vector<100x128xf32>
    %get3A_1488 = arith.constant 7 : index
    %get3A_1489 = arith.constant 0 : index
    %get3A_1490 = memref.load %arg6[%get3A_1488, %get3A_1489] : memref<16x23xf32, #tpu.memory_space<smem>>
    %mul3A_1491 = vector.broadcast %get3A_1490 : f32 to vector<100x128xf32>
    %mul3A_1492 = arith.mulf %mul3A_1491, %sin3A : vector<100x128xf32>
    %add3A_1493 = arith.addf %broadcast_in_dim3A_1487, %mul3A_1492 : vector<100x128xf32>
    %get3A_1494 = arith.constant 7 : index
    %get3A_1495 = arith.constant 1 : index
    %get3A_1496 = memref.load %arg6[%get3A_1494, %get3A_1495] : memref<16x23xf32, #tpu.memory_space<smem>>
    %mul3A_1497 = vector.broadcast %get3A_1496 : f32 to vector<100x128xf32>
    %mul3A_1498 = arith.mulf %mul3A_1497, %sin3A_331 : vector<100x128xf32>
    %add3A_1499 = arith.addf %add3A_1493, %mul3A_1498 : vector<100x128xf32>
    %get3A_1500 = arith.constant 7 : index
    %get3A_1501 = arith.constant 2 : index
    %get3A_1502 = memref.load %arg6[%get3A_1500, %get3A_1501] : memref<16x23xf32, #tpu.memory_space<smem>>
    %mul3A_1503 = vector.broadcast %get3A_1502 : f32 to vector<100x128xf32>
    %mul3A_1504 = arith.mulf %mul3A_1503, %sin3A_338 : vector<100x128xf32>
    %add3A_1505 = arith.addf %add3A_1499, %mul3A_1504 : vector<100x128xf32>
    %get3A_1506 = arith.constant 7 : index
    %get3A_1507 = arith.constant 3 : index
    %get3A_1508 = memref.load %arg6[%get3A_1506, %get3A_1507] : memref<16x23xf32, #tpu.memory_space<smem>>
    %mul3A_1509 = vector.broadcast %get3A_1508 : f32 to vector<100x128xf32>
    %mul3A_1510 = arith.mulf %mul3A_1509, %sin3A_345 : vector<100x128xf32>
    %add3A_1511 = arith.addf %add3A_1505, %mul3A_1510 : vector<100x128xf32>
    %get3A_1512 = arith.constant 7 : index
    %get3A_1513 = arith.constant 4 : index
    %get3A_1514 = memref.load %arg6[%get3A_1512, %get3A_1513] : memref<16x23xf32, #tpu.memory_space<smem>>
    %mul3A_1515 = vector.broadcast %get3A_1514 : f32 to vector<100x128xf32>
    %mul3A_1516 = arith.mulf %mul3A_1515, %sin3A_352 : vector<100x128xf32>
    %add3A_1517 = arith.addf %add3A_1511, %mul3A_1516 : vector<100x128xf32>
    %get3A_1518 = arith.constant 7 : index
    %get3A_1519 = arith.constant 5 : index
    %get3A_1520 = memref.load %arg6[%get3A_1518, %get3A_1519] : memref<16x23xf32, #tpu.memory_space<smem>>
    %mul3A_1521 = vector.broadcast %get3A_1520 : f32 to vector<100x128xf32>
    %mul3A_1522 = arith.mulf %mul3A_1521, %sin3A_359 : vector<100x128xf32>
    %add3A_1523 = arith.addf %add3A_1517, %mul3A_1522 : vector<100x128xf32>
    %get3A_1524 = arith.constant 7 : index
    %get3A_1525 = arith.constant 6 : index
    %get3A_1526 = memref.load %arg6[%get3A_1524, %get3A_1525] : memref<16x23xf32, #tpu.memory_space<smem>>
    %mul3A_1527 = vector.broadcast %get3A_1526 : f32 to vector<100x128xf32>
    %mul3A_1528 = arith.mulf %mul3A_1527, %sin3A_366 : vector<100x128xf32>
    %add3A_1529 = arith.addf %add3A_1523, %mul3A_1528 : vector<100x128xf32>
    %get3A_1530 = arith.constant 7 : index
    %get3A_1531 = arith.constant 7 : index
    %get3A_1532 = memref.load %arg6[%get3A_1530, %get3A_1531] : memref<16x23xf32, #tpu.memory_space<smem>>
    %mul3A_1533 = vector.broadcast %get3A_1532 : f32 to vector<100x128xf32>
    %mul3A_1534 = arith.mulf %mul3A_1533, %sin3A_373 : vector<100x128xf32>
    %add3A_1535 = arith.addf %add3A_1529, %mul3A_1534 : vector<100x128xf32>
    %get3A_1536 = arith.constant 7 : index
    %get3A_1537 = arith.constant 8 : index
    %get3A_1538 = memref.load %arg6[%get3A_1536, %get3A_1537] : memref<16x23xf32, #tpu.memory_space<smem>>
    %mul3A_1539 = vector.broadcast %get3A_1538 : f32 to vector<100x128xf32>
    %mul3A_1540 = arith.mulf %mul3A_1539, %cos3A : vector<100x128xf32>
    %add3A_1541 = arith.addf %add3A_1535, %mul3A_1540 : vector<100x128xf32>
    %get3A_1542 = arith.constant 7 : index
    %get3A_1543 = arith.constant 9 : index
    %get3A_1544 = memref.load %arg6[%get3A_1542, %get3A_1543] : memref<16x23xf32, #tpu.memory_space<smem>>
    %mul3A_1545 = vector.broadcast %get3A_1544 : f32 to vector<100x128xf32>
    %mul3A_1546 = arith.mulf %mul3A_1545, %cos3A_332 : vector<100x128xf32>
    %add3A_1547 = arith.addf %add3A_1541, %mul3A_1546 : vector<100x128xf32>
    %get3A_1548 = arith.constant 7 : index
    %get3A_1549 = arith.constant 10 : index
    %get3A_1550 = memref.load %arg6[%get3A_1548, %get3A_1549] : memref<16x23xf32, #tpu.memory_space<smem>>
    %mul3A_1551 = vector.broadcast %get3A_1550 : f32 to vector<100x128xf32>
    %mul3A_1552 = arith.mulf %mul3A_1551, %cos3A_339 : vector<100x128xf32>
    %add3A_1553 = arith.addf %add3A_1547, %mul3A_1552 : vector<100x128xf32>
    %get3A_1554 = arith.constant 7 : index
    %get3A_1555 = arith.constant 11 : index
    %get3A_1556 = memref.load %arg6[%get3A_1554, %get3A_1555] : memref<16x23xf32, #tpu.memory_space<smem>>
    %mul3A_1557 = vector.broadcast %get3A_1556 : f32 to vector<100x128xf32>
    %mul3A_1558 = arith.mulf %mul3A_1557, %cos3A_346 : vector<100x128xf32>
    %add3A_1559 = arith.addf %add3A_1553, %mul3A_1558 : vector<100x128xf32>
    %get3A_1560 = arith.constant 7 : index
    %get3A_1561 = arith.constant 12 : index
    %get3A_1562 = memref.load %arg6[%get3A_1560, %get3A_1561] : memref<16x23xf32, #tpu.memory_space<smem>>
    %mul3A_1563 = vector.broadcast %get3A_1562 : f32 to vector<100x128xf32>
    %mul3A_1564 = arith.mulf %mul3A_1563, %cos3A_353 : vector<100x128xf32>
    %add3A_1565 = arith.addf %add3A_1559, %mul3A_1564 : vector<100x128xf32>
    %get3A_1566 = arith.constant 7 : index
    %get3A_1567 = arith.constant 13 : index
    %get3A_1568 = memref.load %arg6[%get3A_1566, %get3A_1567] : memref<16x23xf32, #tpu.memory_space<smem>>
    %mul3A_1569 = vector.broadcast %get3A_1568 : f32 to vector<100x128xf32>
    %mul3A_1570 = arith.mulf %mul3A_1569, %cos3A_360 : vector<100x128xf32>
    %add3A_1571 = arith.addf %add3A_1565, %mul3A_1570 : vector<100x128xf32>
    %get3A_1572 = arith.constant 7 : index
    %get3A_1573 = arith.constant 14 : index
    %get3A_1574 = memref.load %arg6[%get3A_1572, %get3A_1573] : memref<16x23xf32, #tpu.memory_space<smem>>
    %mul3A_1575 = vector.broadcast %get3A_1574 : f32 to vector<100x128xf32>
    %mul3A_1576 = arith.mulf %mul3A_1575, %cos3A_367 : vector<100x128xf32>
    %add3A_1577 = arith.addf %add3A_1571, %mul3A_1576 : vector<100x128xf32>
    %get3A_1578 = arith.constant 7 : index
    %get3A_1579 = arith.constant 15 : index
    %get3A_1580 = memref.load %arg6[%get3A_1578, %get3A_1579] : memref<16x23xf32, #tpu.memory_space<smem>>
    %mul3A_1581 = vector.broadcast %get3A_1580 : f32 to vector<100x128xf32>
    %mul3A_1582 = arith.mulf %mul3A_1581, %cos3A_374 : vector<100x128xf32>
    %add3A_1583 = arith.addf %add3A_1577, %mul3A_1582 : vector<100x128xf32>
    %get3A_1584 = arith.constant 7 : index
    %get3A_1585 = arith.constant 16 : index
    %get3A_1586 = memref.load %arg6[%get3A_1584, %get3A_1585] : memref<16x23xf32, #tpu.memory_space<smem>>
    %mul3A_1587 = vector.broadcast %get3A_1586 : f32 to vector<100x128xf32>
    %mul3A_1588 = arith.mulf %mul3A_1587, %mul3A_126 : vector<100x128xf32>
    %add3A_1589 = arith.addf %add3A_1583, %mul3A_1588 : vector<100x128xf32>
    %get3A_1590 = arith.constant 7 : index
    %get3A_1591 = arith.constant 17 : index
    %get3A_1592 = memref.load %arg6[%get3A_1590, %get3A_1591] : memref<16x23xf32, #tpu.memory_space<smem>>
    %mul3A_1593 = vector.broadcast %get3A_1592 : f32 to vector<100x128xf32>
    %mul3A_1594 = arith.mulf %mul3A_1593, %mul3A_127 : vector<100x128xf32>
    %add3A_1595 = arith.addf %add3A_1589, %mul3A_1594 : vector<100x128xf32>
    %get3A_1596 = arith.constant 7 : index
    %get3A_1597 = arith.constant 18 : index
    %get3A_1598 = memref.load %arg6[%get3A_1596, %get3A_1597] : memref<16x23xf32, #tpu.memory_space<smem>>
    %mul3A_1599 = vector.broadcast %get3A_1598 : f32 to vector<100x128xf32>
    %mul3A_1600 = arith.mulf %mul3A_1599, %mul3A_128 : vector<100x128xf32>
    %add3A_1601 = arith.addf %add3A_1595, %mul3A_1600 : vector<100x128xf32>
    %get3A_1602 = arith.constant 7 : index
    %get3A_1603 = arith.constant 19 : index
    %get3A_1604 = memref.load %arg6[%get3A_1602, %get3A_1603] : memref<16x23xf32, #tpu.memory_space<smem>>
    %mul3A_1605 = vector.broadcast %get3A_1604 : f32 to vector<100x128xf32>
    %mul3A_1606 = arith.mulf %mul3A_1605, %mul3A_272 : vector<100x128xf32>
    %add3A_1607 = arith.addf %add3A_1601, %mul3A_1606 : vector<100x128xf32>
    %get3A_1608 = arith.constant 7 : index
    %get3A_1609 = arith.constant 20 : index
    %get3A_1610 = memref.load %arg6[%get3A_1608, %get3A_1609] : memref<16x23xf32, #tpu.memory_space<smem>>
    %mul3A_1611 = vector.broadcast %get3A_1610 : f32 to vector<100x128xf32>
    %mul3A_1612 = arith.mulf %mul3A_1611, %mul3A_273 : vector<100x128xf32>
    %add3A_1613 = arith.addf %add3A_1607, %mul3A_1612 : vector<100x128xf32>
    %get3A_1614 = arith.constant 7 : index
    %get3A_1615 = arith.constant 21 : index
    %get3A_1616 = memref.load %arg6[%get3A_1614, %get3A_1615] : memref<16x23xf32, #tpu.memory_space<smem>>
    %mul3A_1617 = vector.broadcast %get3A_1616 : f32 to vector<100x128xf32>
    %mul3A_1618 = arith.mulf %mul3A_1617, %mul3A_274 : vector<100x128xf32>
    %add3A_1619 = arith.addf %add3A_1613, %mul3A_1618 : vector<100x128xf32>
    %get3A_1620 = arith.constant 7 : index
    %get3A_1621 = arith.constant 22 : index
    %get3A_1622 = memref.load %arg6[%get3A_1620, %get3A_1621] : memref<16x23xf32, #tpu.memory_space<smem>>
    %mul3A_1623 = vector.broadcast %get3A_1622 : f32 to vector<100x128xf32>
    %mul3A_1624 = arith.mulf %mul3A_1623, %mul3A_275 : vector<100x128xf32>
    %add3A_1625 = arith.addf %add3A_1619, %mul3A_1624 : vector<100x128xf32>
    %swap3A_1626 = arith.constant 0 : index
    %swap3A_1627 = arith.constant 7 : index
    %swap3A_1628 = arith.constant 0 : index
    %swap3A_1629 = arith.constant 0 : index
    %swap3A_1630 = vector.load %arg8[%swap3A_1626, %swap3A_1627, %swap3A_1628, %swap3A_1629] : memref<1x16x100x128xf32, #tpu.memory_space<vmem>>, vector<1x1x100x128xf32>
    %swap3A_1631 = vector.shape_cast %swap3A_1630 : vector<1x1x100x128xf32> to vector<100x128xf32>
    %swap3A_1632 = vector.shape_cast %add3A_1625 : vector<100x128xf32> to vector<1x1x100x128xf32>
    tpu.vector_store %arg8[%swap3A_1626, %swap3A_1627, %swap3A_1628, %swap3A_1629], %swap3A_1632 {strides = array<i32>} : memref<1x16x100x128xf32, #tpu.memory_space<vmem>>, vector<1x1x100x128xf32>,
    %get3A_1633 = arith.constant 7 : index
    %get3A_1634 = arith.constant 0 : index
    %get3A_1635 = vector.load %arg9[%get3A_1633, %get3A_1634] : memref<16x128xf32, #tpu.memory_space<vmem>>, vector<1x128xf32>
    %mul3A_1636 = arith.mulf %add3A_1625, %add3A_1625 : vector<100x128xf32>
    %reduce_sum3A_1637 = arith.constant dense<0.000000e+00> : vector<128xf32>
    %reduce_sum3A_1638 = vector.multi_reduction <add>, %mul3A_1636, %reduce_sum3A_1637 [0] : vector<100x128xf32> to vector<128xf32>
    %broadcast_in_dim3A_1639 = vector.shape_cast %reduce_sum3A_1638 : vector<128xf32> to vector<1x128xf32>
    %add3A_1640 = arith.addf %get3A_1635, %broadcast_in_dim3A_1639 : vector<1x128xf32>
    %swap3A_1641 = arith.constant 7 : index
    %swap3A_1642 = arith.constant 0 : index
    %swap3A_1643 = vector.load %arg9[%swap3A_1641, %swap3A_1642] : memref<16x128xf32, #tpu.memory_space<vmem>>, vector<1x128xf32>
    tpu.vector_store %arg9[%swap3A_1641, %swap3A_1642], %add3A_1640 {strides = array<i32>} : memref<16x128xf32, #tpu.memory_space<vmem>>, vector<1x128xf32>,
    %get3A_1644 = arith.constant 8 : index
    %get3A_1645 = memref.load %arg7[%get3A_1644] : memref<16xf32, #tpu.memory_space<smem>>
    %broadcast_in_dim3A_1646 = vector.broadcast %get3A_1645 : f32 to vector<100x128xf32>
    %get3A_1647 = arith.constant 8 : index
    %get3A_1648 = arith.constant 0 : index
    %get3A_1649 = memref.load %arg6[%get3A_1647, %get3A_1648] : memref<16x23xf32, #tpu.memory_space<smem>>
    %mul3A_1650 = vector.broadcast %get3A_1649 : f32 to vector<100x128xf32>
    %mul3A_1651 = arith.mulf %mul3A_1650, %sin3A : vector<100x128xf32>
    %add3A_1652 = arith.addf %broadcast_in_dim3A_1646, %mul3A_1651 : vector<100x128xf32>
    %get3A_1653 = arith.constant 8 : index
    %get3A_1654 = arith.constant 1 : index
    %get3A_1655 = memref.load %arg6[%get3A_1653, %get3A_1654] : memref<16x23xf32, #tpu.memory_space<smem>>
    %mul3A_1656 = vector.broadcast %get3A_1655 : f32 to vector<100x128xf32>
    %mul3A_1657 = arith.mulf %mul3A_1656, %sin3A_331 : vector<100x128xf32>
    %add3A_1658 = arith.addf %add3A_1652, %mul3A_1657 : vector<100x128xf32>
    %get3A_1659 = arith.constant 8 : index
    %get3A_1660 = arith.constant 2 : index
    %get3A_1661 = memref.load %arg6[%get3A_1659, %get3A_1660] : memref<16x23xf32, #tpu.memory_space<smem>>
    %mul3A_1662 = vector.broadcast %get3A_1661 : f32 to vector<100x128xf32>
    %mul3A_1663 = arith.mulf %mul3A_1662, %sin3A_338 : vector<100x128xf32>
    %add3A_1664 = arith.addf %add3A_1658, %mul3A_1663 : vector<100x128xf32>
    %get3A_1665 = arith.constant 8 : index
    %get3A_1666 = arith.constant 3 : index
    %get3A_1667 = memref.load %arg6[%get3A_1665, %get3A_1666] : memref<16x23xf32, #tpu.memory_space<smem>>
    %mul3A_1668 = vector.broadcast %get3A_1667 : f32 to vector<100x128xf32>
    %mul3A_1669 = arith.mulf %mul3A_1668, %sin3A_345 : vector<100x128xf32>
    %add3A_1670 = arith.addf %add3A_1664, %mul3A_1669 : vector<100x128xf32>
    %get3A_1671 = arith.constant 8 : index
    %get3A_1672 = arith.constant 4 : index
    %get3A_1673 = memref.load %arg6[%get3A_1671, %get3A_1672] : memref<16x23xf32, #tpu.memory_space<smem>>
    %mul3A_1674 = vector.broadcast %get3A_1673 : f32 to vector<100x128xf32>
    %mul3A_1675 = arith.mulf %mul3A_1674, %sin3A_352 : vector<100x128xf32>
    %add3A_1676 = arith.addf %add3A_1670, %mul3A_1675 : vector<100x128xf32>
    %get3A_1677 = arith.constant 8 : index
    %get3A_1678 = arith.constant 5 : index
    %get3A_1679 = memref.load %arg6[%get3A_1677, %get3A_1678] : memref<16x23xf32, #tpu.memory_space<smem>>
    %mul3A_1680 = vector.broadcast %get3A_1679 : f32 to vector<100x128xf32>
    %mul3A_1681 = arith.mulf %mul3A_1680, %sin3A_359 : vector<100x128xf32>
    %add3A_1682 = arith.addf %add3A_1676, %mul3A_1681 : vector<100x128xf32>
    %get3A_1683 = arith.constant 8 : index
    %get3A_1684 = arith.constant 6 : index
    %get3A_1685 = memref.load %arg6[%get3A_1683, %get3A_1684] : memref<16x23xf32, #tpu.memory_space<smem>>
    %mul3A_1686 = vector.broadcast %get3A_1685 : f32 to vector<100x128xf32>
    %mul3A_1687 = arith.mulf %mul3A_1686, %sin3A_366 : vector<100x128xf32>
    %add3A_1688 = arith.addf %add3A_1682, %mul3A_1687 : vector<100x128xf32>
    %get3A_1689 = arith.constant 8 : index
    %get3A_1690 = arith.constant 7 : index
    %get3A_1691 = memref.load %arg6[%get3A_1689, %get3A_1690] : memref<16x23xf32, #tpu.memory_space<smem>>
    %mul3A_1692 = vector.broadcast %get3A_1691 : f32 to vector<100x128xf32>
    %mul3A_1693 = arith.mulf %mul3A_1692, %sin3A_373 : vector<100x128xf32>
    %add3A_1694 = arith.addf %add3A_1688, %mul3A_1693 : vector<100x128xf32>
    %get3A_1695 = arith.constant 8 : index
    %get3A_1696 = arith.constant 8 : index
    %get3A_1697 = memref.load %arg6[%get3A_1695, %get3A_1696] : memref<16x23xf32, #tpu.memory_space<smem>>
    %mul3A_1698 = vector.broadcast %get3A_1697 : f32 to vector<100x128xf32>
    %mul3A_1699 = arith.mulf %mul3A_1698, %cos3A : vector<100x128xf32>
    %add3A_1700 = arith.addf %add3A_1694, %mul3A_1699 : vector<100x128xf32>
    %get3A_1701 = arith.constant 8 : index
    %get3A_1702 = arith.constant 9 : index
    %get3A_1703 = memref.load %arg6[%get3A_1701, %get3A_1702] : memref<16x23xf32, #tpu.memory_space<smem>>
    %mul3A_1704 = vector.broadcast %get3A_1703 : f32 to vector<100x128xf32>
    %mul3A_1705 = arith.mulf %mul3A_1704, %cos3A_332 : vector<100x128xf32>
    %add3A_1706 = arith.addf %add3A_1700, %mul3A_1705 : vector<100x128xf32>
    %get3A_1707 = arith.constant 8 : index
    %get3A_1708 = arith.constant 10 : index
    %get3A_1709 = memref.load %arg6[%get3A_1707, %get3A_1708] : memref<16x23xf32, #tpu.memory_space<smem>>
    %mul3A_1710 = vector.broadcast %get3A_1709 : f32 to vector<100x128xf32>
    %mul3A_1711 = arith.mulf %mul3A_1710, %cos3A_339 : vector<100x128xf32>
    %add3A_1712 = arith.addf %add3A_1706, %mul3A_1711 : vector<100x128xf32>
    %get3A_1713 = arith.constant 8 : index
    %get3A_1714 = arith.constant 11 : index
    %get3A_1715 = memref.load %arg6[%get3A_1713, %get3A_1714] : memref<16x23xf32, #tpu.memory_space<smem>>
    %mul3A_1716 = vector.broadcast %get3A_1715 : f32 to vector<100x128xf32>
    %mul3A_1717 = arith.mulf %mul3A_1716, %cos3A_346 : vector<100x128xf32>
    %add3A_1718 = arith.addf %add3A_1712, %mul3A_1717 : vector<100x128xf32>
    %get3A_1719 = arith.constant 8 : index
    %get3A_1720 = arith.constant 12 : index
    %get3A_1721 = memref.load %arg6[%get3A_1719, %get3A_1720] : memref<16x23xf32, #tpu.memory_space<smem>>
    %mul3A_1722 = vector.broadcast %get3A_1721 : f32 to vector<100x128xf32>
    %mul3A_1723 = arith.mulf %mul3A_1722, %cos3A_353 : vector<100x128xf32>
    %add3A_1724 = arith.addf %add3A_1718, %mul3A_1723 : vector<100x128xf32>
    %get3A_1725 = arith.constant 8 : index
    %get3A_1726 = arith.constant 13 : index
    %get3A_1727 = memref.load %arg6[%get3A_1725, %get3A_1726] : memref<16x23xf32, #tpu.memory_space<smem>>
    %mul3A_1728 = vector.broadcast %get3A_1727 : f32 to vector<100x128xf32>
    %mul3A_1729 = arith.mulf %mul3A_1728, %cos3A_360 : vector<100x128xf32>
    %add3A_1730 = arith.addf %add3A_1724, %mul3A_1729 : vector<100x128xf32>
    %get3A_1731 = arith.constant 8 : index
    %get3A_1732 = arith.constant 14 : index
    %get3A_1733 = memref.load %arg6[%get3A_1731, %get3A_1732] : memref<16x23xf32, #tpu.memory_space<smem>>
    %mul3A_1734 = vector.broadcast %get3A_1733 : f32 to vector<100x128xf32>
    %mul3A_1735 = arith.mulf %mul3A_1734, %cos3A_367 : vector<100x128xf32>
    %add3A_1736 = arith.addf %add3A_1730, %mul3A_1735 : vector<100x128xf32>
    %get3A_1737 = arith.constant 8 : index
    %get3A_1738 = arith.constant 15 : index
    %get3A_1739 = memref.load %arg6[%get3A_1737, %get3A_1738] : memref<16x23xf32, #tpu.memory_space<smem>>
    %mul3A_1740 = vector.broadcast %get3A_1739 : f32 to vector<100x128xf32>
    %mul3A_1741 = arith.mulf %mul3A_1740, %cos3A_374 : vector<100x128xf32>
    %add3A_1742 = arith.addf %add3A_1736, %mul3A_1741 : vector<100x128xf32>
    %get3A_1743 = arith.constant 8 : index
    %get3A_1744 = arith.constant 16 : index
    %get3A_1745 = memref.load %arg6[%get3A_1743, %get3A_1744] : memref<16x23xf32, #tpu.memory_space<smem>>
    %mul3A_1746 = vector.broadcast %get3A_1745 : f32 to vector<100x128xf32>
    %mul3A_1747 = arith.mulf %mul3A_1746, %mul3A_126 : vector<100x128xf32>
    %add3A_1748 = arith.addf %add3A_1742, %mul3A_1747 : vector<100x128xf32>
    %get3A_1749 = arith.constant 8 : index
    %get3A_1750 = arith.constant 17 : index
    %get3A_1751 = memref.load %arg6[%get3A_1749, %get3A_1750] : memref<16x23xf32, #tpu.memory_space<smem>>
    %mul3A_1752 = vector.broadcast %get3A_1751 : f32 to vector<100x128xf32>
    %mul3A_1753 = arith.mulf %mul3A_1752, %mul3A_127 : vector<100x128xf32>
    %add3A_1754 = arith.addf %add3A_1748, %mul3A_1753 : vector<100x128xf32>
    %get3A_1755 = arith.constant 8 : index
    %get3A_1756 = arith.constant 18 : index
    %get3A_1757 = memref.load %arg6[%get3A_1755, %get3A_1756] : memref<16x23xf32, #tpu.memory_space<smem>>
    %mul3A_1758 = vector.broadcast %get3A_1757 : f32 to vector<100x128xf32>
    %mul3A_1759 = arith.mulf %mul3A_1758, %mul3A_128 : vector<100x128xf32>
    %add3A_1760 = arith.addf %add3A_1754, %mul3A_1759 : vector<100x128xf32>
    %get3A_1761 = arith.constant 8 : index
    %get3A_1762 = arith.constant 19 : index
    %get3A_1763 = memref.load %arg6[%get3A_1761, %get3A_1762] : memref<16x23xf32, #tpu.memory_space<smem>>
    %mul3A_1764 = vector.broadcast %get3A_1763 : f32 to vector<100x128xf32>
    %mul3A_1765 = arith.mulf %mul3A_1764, %mul3A_272 : vector<100x128xf32>
    %add3A_1766 = arith.addf %add3A_1760, %mul3A_1765 : vector<100x128xf32>
    %get3A_1767 = arith.constant 8 : index
    %get3A_1768 = arith.constant 20 : index
    %get3A_1769 = memref.load %arg6[%get3A_1767, %get3A_1768] : memref<16x23xf32, #tpu.memory_space<smem>>
    %mul3A_1770 = vector.broadcast %get3A_1769 : f32 to vector<100x128xf32>
    %mul3A_1771 = arith.mulf %mul3A_1770, %mul3A_273 : vector<100x128xf32>
    %add3A_1772 = arith.addf %add3A_1766, %mul3A_1771 : vector<100x128xf32>
    %get3A_1773 = arith.constant 8 : index
    %get3A_1774 = arith.constant 21 : index
    %get3A_1775 = memref.load %arg6[%get3A_1773, %get3A_1774] : memref<16x23xf32, #tpu.memory_space<smem>>
    %mul3A_1776 = vector.broadcast %get3A_1775 : f32 to vector<100x128xf32>
    %mul3A_1777 = arith.mulf %mul3A_1776, %mul3A_274 : vector<100x128xf32>
    %add3A_1778 = arith.addf %add3A_1772, %mul3A_1777 : vector<100x128xf32>
    %get3A_1779 = arith.constant 8 : index
    %get3A_1780 = arith.constant 22 : index
    %get3A_1781 = memref.load %arg6[%get3A_1779, %get3A_1780] : memref<16x23xf32, #tpu.memory_space<smem>>
    %mul3A_1782 = vector.broadcast %get3A_1781 : f32 to vector<100x128xf32>
    %mul3A_1783 = arith.mulf %mul3A_1782, %mul3A_275 : vector<100x128xf32>
    %add3A_1784 = arith.addf %add3A_1778, %mul3A_1783 : vector<100x128xf32>
    %swap3A_1785 = arith.constant 0 : index
    %swap3A_1786 = arith.constant 8 : index
    %swap3A_1787 = arith.constant 0 : index
    %swap3A_1788 = arith.constant 0 : index
    %swap3A_1789 = vector.load %arg8[%swap3A_1785, %swap3A_1786, %swap3A_1787, %swap3A_1788] : memref<1x16x100x128xf32, #tpu.memory_space<vmem>>, vector<1x1x100x128xf32>
    %swap3A_1790 = vector.shape_cast %swap3A_1789 : vector<1x1x100x128xf32> to vector<100x128xf32>
    %swap3A_1791 = vector.shape_cast %add3A_1784 : vector<100x128xf32> to vector<1x1x100x128xf32>
    tpu.vector_store %arg8[%swap3A_1785, %swap3A_1786, %swap3A_1787, %swap3A_1788], %swap3A_1791 {strides = array<i32>} : memref<1x16x100x128xf32, #tpu.memory_space<vmem>>, vector<1x1x100x128xf32>,
    %get3A_1792 = arith.constant 8 : index
    %get3A_1793 = arith.constant 0 : index
    %get3A_1794 = vector.load %arg9[%get3A_1792, %get3A_1793] : memref<16x128xf32, #tpu.memory_space<vmem>>, vector<1x128xf32>
    %mul3A_1795 = arith.mulf %add3A_1784, %add3A_1784 : vector<100x128xf32>
    %reduce_sum3A_1796 = arith.constant dense<0.000000e+00> : vector<128xf32>
    %reduce_sum3A_1797 = vector.multi_reduction <add>, %mul3A_1795, %reduce_sum3A_1796 [0] : vector<100x128xf32> to vector<128xf32>
    %broadcast_in_dim3A_1798 = vector.shape_cast %reduce_sum3A_1797 : vector<128xf32> to vector<1x128xf32>
    %add3A_1799 = arith.addf %get3A_1794, %broadcast_in_dim3A_1798 : vector<1x128xf32>
    %swap3A_1800 = arith.constant 8 : index
    %swap3A_1801 = arith.constant 0 : index
    %swap3A_1802 = vector.load %arg9[%swap3A_1800, %swap3A_1801] : memref<16x128xf32, #tpu.memory_space<vmem>>, vector<1x128xf32>
    tpu.vector_store %arg9[%swap3A_1800, %swap3A_1801], %add3A_1799 {strides = array<i32>} : memref<16x128xf32, #tpu.memory_space<vmem>>, vector<1x128xf32>,
    %get3A_1803 = arith.constant 9 : index
    %get3A_1804 = memref.load %arg7[%get3A_1803] : memref<16xf32, #tpu.memory_space<smem>>
    %broadcast_in_dim3A_1805 = vector.broadcast %get3A_1804 : f32 to vector<100x128xf32>
    %get3A_1806 = arith.constant 9 : index
    %get3A_1807 = arith.constant 0 : index
    %get3A_1808 = memref.load %arg6[%get3A_1806, %get3A_1807] : memref<16x23xf32, #tpu.memory_space<smem>>
    %mul3A_1809 = vector.broadcast %get3A_1808 : f32 to vector<100x128xf32>
    %mul3A_1810 = arith.mulf %mul3A_1809, %sin3A : vector<100x128xf32>
    %add3A_1811 = arith.addf %broadcast_in_dim3A_1805, %mul3A_1810 : vector<100x128xf32>
    %get3A_1812 = arith.constant 9 : index
    %get3A_1813 = arith.constant 1 : index
    %get3A_1814 = memref.load %arg6[%get3A_1812, %get3A_1813] : memref<16x23xf32, #tpu.memory_space<smem>>
    %mul3A_1815 = vector.broadcast %get3A_1814 : f32 to vector<100x128xf32>
    %mul3A_1816 = arith.mulf %mul3A_1815, %sin3A_331 : vector<100x128xf32>
    %add3A_1817 = arith.addf %add3A_1811, %mul3A_1816 : vector<100x128xf32>
    %get3A_1818 = arith.constant 9 : index
    %get3A_1819 = arith.constant 2 : index
    %get3A_1820 = memref.load %arg6[%get3A_1818, %get3A_1819] : memref<16x23xf32, #tpu.memory_space<smem>>
    %mul3A_1821 = vector.broadcast %get3A_1820 : f32 to vector<100x128xf32>
    %mul3A_1822 = arith.mulf %mul3A_1821, %sin3A_338 : vector<100x128xf32>
    %add3A_1823 = arith.addf %add3A_1817, %mul3A_1822 : vector<100x128xf32>
    %get3A_1824 = arith.constant 9 : index
    %get3A_1825 = arith.constant 3 : index
    %get3A_1826 = memref.load %arg6[%get3A_1824, %get3A_1825] : memref<16x23xf32, #tpu.memory_space<smem>>
    %mul3A_1827 = vector.broadcast %get3A_1826 : f32 to vector<100x128xf32>
    %mul3A_1828 = arith.mulf %mul3A_1827, %sin3A_345 : vector<100x128xf32>
    %add3A_1829 = arith.addf %add3A_1823, %mul3A_1828 : vector<100x128xf32>
    %get3A_1830 = arith.constant 9 : index
    %get3A_1831 = arith.constant 4 : index
    %get3A_1832 = memref.load %arg6[%get3A_1830, %get3A_1831] : memref<16x23xf32, #tpu.memory_space<smem>>
    %mul3A_1833 = vector.broadcast %get3A_1832 : f32 to vector<100x128xf32>
    %mul3A_1834 = arith.mulf %mul3A_1833, %sin3A_352 : vector<100x128xf32>
    %add3A_1835 = arith.addf %add3A_1829, %mul3A_1834 : vector<100x128xf32>
    %get3A_1836 = arith.constant 9 : index
    %get3A_1837 = arith.constant 5 : index
    %get3A_1838 = memref.load %arg6[%get3A_1836, %get3A_1837] : memref<16x23xf32, #tpu.memory_space<smem>>
    %mul3A_1839 = vector.broadcast %get3A_1838 : f32 to vector<100x128xf32>
    %mul3A_1840 = arith.mulf %mul3A_1839, %sin3A_359 : vector<100x128xf32>
    %add3A_1841 = arith.addf %add3A_1835, %mul3A_1840 : vector<100x128xf32>
    %get3A_1842 = arith.constant 9 : index
    %get3A_1843 = arith.constant 6 : index
    %get3A_1844 = memref.load %arg6[%get3A_1842, %get3A_1843] : memref<16x23xf32, #tpu.memory_space<smem>>
    %mul3A_1845 = vector.broadcast %get3A_1844 : f32 to vector<100x128xf32>
    %mul3A_1846 = arith.mulf %mul3A_1845, %sin3A_366 : vector<100x128xf32>
    %add3A_1847 = arith.addf %add3A_1841, %mul3A_1846 : vector<100x128xf32>
    %get3A_1848 = arith.constant 9 : index
    %get3A_1849 = arith.constant 7 : index
    %get3A_1850 = memref.load %arg6[%get3A_1848, %get3A_1849] : memref<16x23xf32, #tpu.memory_space<smem>>
    %mul3A_1851 = vector.broadcast %get3A_1850 : f32 to vector<100x128xf32>
    %mul3A_1852 = arith.mulf %mul3A_1851, %sin3A_373 : vector<100x128xf32>
    %add3A_1853 = arith.addf %add3A_1847, %mul3A_1852 : vector<100x128xf32>
    %get3A_1854 = arith.constant 9 : index
    %get3A_1855 = arith.constant 8 : index
    %get3A_1856 = memref.load %arg6[%get3A_1854, %get3A_1855] : memref<16x23xf32, #tpu.memory_space<smem>>
    %mul3A_1857 = vector.broadcast %get3A_1856 : f32 to vector<100x128xf32>
    %mul3A_1858 = arith.mulf %mul3A_1857, %cos3A : vector<100x128xf32>
    %add3A_1859 = arith.addf %add3A_1853, %mul3A_1858 : vector<100x128xf32>
    %get3A_1860 = arith.constant 9 : index
    %get3A_1861 = arith.constant 9 : index
    %get3A_1862 = memref.load %arg6[%get3A_1860, %get3A_1861] : memref<16x23xf32, #tpu.memory_space<smem>>
    %mul3A_1863 = vector.broadcast %get3A_1862 : f32 to vector<100x128xf32>
    %mul3A_1864 = arith.mulf %mul3A_1863, %cos3A_332 : vector<100x128xf32>
    %add3A_1865 = arith.addf %add3A_1859, %mul3A_1864 : vector<100x128xf32>
    %get3A_1866 = arith.constant 9 : index
    %get3A_1867 = arith.constant 10 : index
    %get3A_1868 = memref.load %arg6[%get3A_1866, %get3A_1867] : memref<16x23xf32, #tpu.memory_space<smem>>
    %mul3A_1869 = vector.broadcast %get3A_1868 : f32 to vector<100x128xf32>
    %mul3A_1870 = arith.mulf %mul3A_1869, %cos3A_339 : vector<100x128xf32>
    %add3A_1871 = arith.addf %add3A_1865, %mul3A_1870 : vector<100x128xf32>
    %get3A_1872 = arith.constant 9 : index
    %get3A_1873 = arith.constant 11 : index
    %get3A_1874 = memref.load %arg6[%get3A_1872, %get3A_1873] : memref<16x23xf32, #tpu.memory_space<smem>>
    %mul3A_1875 = vector.broadcast %get3A_1874 : f32 to vector<100x128xf32>
    %mul3A_1876 = arith.mulf %mul3A_1875, %cos3A_346 : vector<100x128xf32>
    %add3A_1877 = arith.addf %add3A_1871, %mul3A_1876 : vector<100x128xf32>
    %get3A_1878 = arith.constant 9 : index
    %get3A_1879 = arith.constant 12 : index
    %get3A_1880 = memref.load %arg6[%get3A_1878, %get3A_1879] : memref<16x23xf32, #tpu.memory_space<smem>>
    %mul3A_1881 = vector.broadcast %get3A_1880 : f32 to vector<100x128xf32>
    %mul3A_1882 = arith.mulf %mul3A_1881, %cos3A_353 : vector<100x128xf32>
    %add3A_1883 = arith.addf %add3A_1877, %mul3A_1882 : vector<100x128xf32>
    %get3A_1884 = arith.constant 9 : index
    %get3A_1885 = arith.constant 13 : index
    %get3A_1886 = memref.load %arg6[%get3A_1884, %get3A_1885] : memref<16x23xf32, #tpu.memory_space<smem>>
    %mul3A_1887 = vector.broadcast %get3A_1886 : f32 to vector<100x128xf32>
    %mul3A_1888 = arith.mulf %mul3A_1887, %cos3A_360 : vector<100x128xf32>
    %add3A_1889 = arith.addf %add3A_1883, %mul3A_1888 : vector<100x128xf32>
    %get3A_1890 = arith.constant 9 : index
    %get3A_1891 = arith.constant 14 : index
    %get3A_1892 = memref.load %arg6[%get3A_1890, %get3A_1891] : memref<16x23xf32, #tpu.memory_space<smem>>
    %mul3A_1893 = vector.broadcast %get3A_1892 : f32 to vector<100x128xf32>
    %mul3A_1894 = arith.mulf %mul3A_1893, %cos3A_367 : vector<100x128xf32>
    %add3A_1895 = arith.addf %add3A_1889, %mul3A_1894 : vector<100x128xf32>
    %get3A_1896 = arith.constant 9 : index
    %get3A_1897 = arith.constant 15 : index
    %get3A_1898 = memref.load %arg6[%get3A_1896, %get3A_1897] : memref<16x23xf32, #tpu.memory_space<smem>>
    %mul3A_1899 = vector.broadcast %get3A_1898 : f32 to vector<100x128xf32>
    %mul3A_1900 = arith.mulf %mul3A_1899, %cos3A_374 : vector<100x128xf32>
    %add3A_1901 = arith.addf %add3A_1895, %mul3A_1900 : vector<100x128xf32>
    %get3A_1902 = arith.constant 9 : index
    %get3A_1903 = arith.constant 16 : index
    %get3A_1904 = memref.load %arg6[%get3A_1902, %get3A_1903] : memref<16x23xf32, #tpu.memory_space<smem>>
    %mul3A_1905 = vector.broadcast %get3A_1904 : f32 to vector<100x128xf32>
    %mul3A_1906 = arith.mulf %mul3A_1905, %mul3A_126 : vector<100x128xf32>
    %add3A_1907 = arith.addf %add3A_1901, %mul3A_1906 : vector<100x128xf32>
    %get3A_1908 = arith.constant 9 : index
    %get3A_1909 = arith.constant 17 : index
    %get3A_1910 = memref.load %arg6[%get3A_1908, %get3A_1909] : memref<16x23xf32, #tpu.memory_space<smem>>
    %mul3A_1911 = vector.broadcast %get3A_1910 : f32 to vector<100x128xf32>
    %mul3A_1912 = arith.mulf %mul3A_1911, %mul3A_127 : vector<100x128xf32>
    %add3A_1913 = arith.addf %add3A_1907, %mul3A_1912 : vector<100x128xf32>
    %get3A_1914 = arith.constant 9 : index
    %get3A_1915 = arith.constant 18 : index
    %get3A_1916 = memref.load %arg6[%get3A_1914, %get3A_1915] : memref<16x23xf32, #tpu.memory_space<smem>>
    %mul3A_1917 = vector.broadcast %get3A_1916 : f32 to vector<100x128xf32>
    %mul3A_1918 = arith.mulf %mul3A_1917, %mul3A_128 : vector<100x128xf32>
    %add3A_1919 = arith.addf %add3A_1913, %mul3A_1918 : vector<100x128xf32>
    %get3A_1920 = arith.constant 9 : index
    %get3A_1921 = arith.constant 19 : index
    %get3A_1922 = memref.load %arg6[%get3A_1920, %get3A_1921] : memref<16x23xf32, #tpu.memory_space<smem>>
    %mul3A_1923 = vector.broadcast %get3A_1922 : f32 to vector<100x128xf32>
    %mul3A_1924 = arith.mulf %mul3A_1923, %mul3A_272 : vector<100x128xf32>
    %add3A_1925 = arith.addf %add3A_1919, %mul3A_1924 : vector<100x128xf32>
    %get3A_1926 = arith.constant 9 : index
    %get3A_1927 = arith.constant 20 : index
    %get3A_1928 = memref.load %arg6[%get3A_1926, %get3A_1927] : memref<16x23xf32, #tpu.memory_space<smem>>
    %mul3A_1929 = vector.broadcast %get3A_1928 : f32 to vector<100x128xf32>
    %mul3A_1930 = arith.mulf %mul3A_1929, %mul3A_273 : vector<100x128xf32>
    %add3A_1931 = arith.addf %add3A_1925, %mul3A_1930 : vector<100x128xf32>
    %get3A_1932 = arith.constant 9 : index
    %get3A_1933 = arith.constant 21 : index
    %get3A_1934 = memref.load %arg6[%get3A_1932, %get3A_1933] : memref<16x23xf32, #tpu.memory_space<smem>>
    %mul3A_1935 = vector.broadcast %get3A_1934 : f32 to vector<100x128xf32>
    %mul3A_1936 = arith.mulf %mul3A_1935, %mul3A_274 : vector<100x128xf32>
    %add3A_1937 = arith.addf %add3A_1931, %mul3A_1936 : vector<100x128xf32>
    %get3A_1938 = arith.constant 9 : index
    %get3A_1939 = arith.constant 22 : index
    %get3A_1940 = memref.load %arg6[%get3A_1938, %get3A_1939] : memref<16x23xf32, #tpu.memory_space<smem>>
    %mul3A_1941 = vector.broadcast %get3A_1940 : f32 to vector<100x128xf32>
    %mul3A_1942 = arith.mulf %mul3A_1941, %mul3A_275 : vector<100x128xf32>
    %add3A_1943 = arith.addf %add3A_1937, %mul3A_1942 : vector<100x128xf32>
    %swap3A_1944 = arith.constant 0 : index
    %swap3A_1945 = arith.constant 9 : index
    %swap3A_1946 = arith.constant 0 : index
    %swap3A_1947 = arith.constant 0 : index
    %swap3A_1948 = vector.load %arg8[%swap3A_1944, %swap3A_1945, %swap3A_1946, %swap3A_1947] : memref<1x16x100x128xf32, #tpu.memory_space<vmem>>, vector<1x1x100x128xf32>
    %swap3A_1949 = vector.shape_cast %swap3A_1948 : vector<1x1x100x128xf32> to vector<100x128xf32>
    %swap3A_1950 = vector.shape_cast %add3A_1943 : vector<100x128xf32> to vector<1x1x100x128xf32>
    tpu.vector_store %arg8[%swap3A_1944, %swap3A_1945, %swap3A_1946, %swap3A_1947], %swap3A_1950 {strides = array<i32>} : memref<1x16x100x128xf32, #tpu.memory_space<vmem>>, vector<1x1x100x128xf32>,
    %get3A_1951 = arith.constant 9 : index
    %get3A_1952 = arith.constant 0 : index
    %get3A_1953 = vector.load %arg9[%get3A_1951, %get3A_1952] : memref<16x128xf32, #tpu.memory_space<vmem>>, vector<1x128xf32>
    %mul3A_1954 = arith.mulf %add3A_1943, %add3A_1943 : vector<100x128xf32>
    %reduce_sum3A_1955 = arith.constant dense<0.000000e+00> : vector<128xf32>
    %reduce_sum3A_1956 = vector.multi_reduction <add>, %mul3A_1954, %reduce_sum3A_1955 [0] : vector<100x128xf32> to vector<128xf32>
    %broadcast_in_dim3A_1957 = vector.shape_cast %reduce_sum3A_1956 : vector<128xf32> to vector<1x128xf32>
    %add3A_1958 = arith.addf %get3A_1953, %broadcast_in_dim3A_1957 : vector<1x128xf32>
    %swap3A_1959 = arith.constant 9 : index
    %swap3A_1960 = arith.constant 0 : index
    %swap3A_1961 = vector.load %arg9[%swap3A_1959, %swap3A_1960] : memref<16x128xf32, #tpu.memory_space<vmem>>, vector<1x128xf32>
    tpu.vector_store %arg9[%swap3A_1959, %swap3A_1960], %add3A_1958 {strides = array<i32>} : memref<16x128xf32, #tpu.memory_space<vmem>>, vector<1x128xf32>,
    %get3A_1962 = arith.constant 10 : index
    %get3A_1963 = memref.load %arg7[%get3A_1962] : memref<16xf32, #tpu.memory_space<smem>>
    %broadcast_in_dim3A_1964 = vector.broadcast %get3A_1963 : f32 to vector<100x128xf32>
    %get3A_1965 = arith.constant 10 : index
    %get3A_1966 = arith.constant 0 : index
    %get3A_1967 = memref.load %arg6[%get3A_1965, %get3A_1966] : memref<16x23xf32, #tpu.memory_space<smem>>
    %mul3A_1968 = vector.broadcast %get3A_1967 : f32 to vector<100x128xf32>
    %mul3A_1969 = arith.mulf %mul3A_1968, %sin3A : vector<100x128xf32>
    %add3A_1970 = arith.addf %broadcast_in_dim3A_1964, %mul3A_1969 : vector<100x128xf32>
    %get3A_1971 = arith.constant 10 : index
    %get3A_1972 = arith.constant 1 : index
    %get3A_1973 = memref.load %arg6[%get3A_1971, %get3A_1972] : memref<16x23xf32, #tpu.memory_space<smem>>
    %mul3A_1974 = vector.broadcast %get3A_1973 : f32 to vector<100x128xf32>
    %mul3A_1975 = arith.mulf %mul3A_1974, %sin3A_331 : vector<100x128xf32>
    %add3A_1976 = arith.addf %add3A_1970, %mul3A_1975 : vector<100x128xf32>
    %get3A_1977 = arith.constant 10 : index
    %get3A_1978 = arith.constant 2 : index
    %get3A_1979 = memref.load %arg6[%get3A_1977, %get3A_1978] : memref<16x23xf32, #tpu.memory_space<smem>>
    %mul3A_1980 = vector.broadcast %get3A_1979 : f32 to vector<100x128xf32>
    %mul3A_1981 = arith.mulf %mul3A_1980, %sin3A_338 : vector<100x128xf32>
    %add3A_1982 = arith.addf %add3A_1976, %mul3A_1981 : vector<100x128xf32>
    %get3A_1983 = arith.constant 10 : index
    %get3A_1984 = arith.constant 3 : index
    %get3A_1985 = memref.load %arg6[%get3A_1983, %get3A_1984] : memref<16x23xf32, #tpu.memory_space<smem>>
    %mul3A_1986 = vector.broadcast %get3A_1985 : f32 to vector<100x128xf32>
    %mul3A_1987 = arith.mulf %mul3A_1986, %sin3A_345 : vector<100x128xf32>
    %add3A_1988 = arith.addf %add3A_1982, %mul3A_1987 : vector<100x128xf32>
    %get3A_1989 = arith.constant 10 : index
    %get3A_1990 = arith.constant 4 : index
    %get3A_1991 = memref.load %arg6[%get3A_1989, %get3A_1990] : memref<16x23xf32, #tpu.memory_space<smem>>
    %mul3A_1992 = vector.broadcast %get3A_1991 : f32 to vector<100x128xf32>
    %mul3A_1993 = arith.mulf %mul3A_1992, %sin3A_352 : vector<100x128xf32>
    %add3A_1994 = arith.addf %add3A_1988, %mul3A_1993 : vector<100x128xf32>
    %get3A_1995 = arith.constant 10 : index
    %get3A_1996 = arith.constant 5 : index
    %get3A_1997 = memref.load %arg6[%get3A_1995, %get3A_1996] : memref<16x23xf32, #tpu.memory_space<smem>>
    %mul3A_1998 = vector.broadcast %get3A_1997 : f32 to vector<100x128xf32>
    %mul3A_1999 = arith.mulf %mul3A_1998, %sin3A_359 : vector<100x128xf32>
    %add3A_2000 = arith.addf %add3A_1994, %mul3A_1999 : vector<100x128xf32>
    %get3A_2001 = arith.constant 10 : index
    %get3A_2002 = arith.constant 6 : index
    %get3A_2003 = memref.load %arg6[%get3A_2001, %get3A_2002] : memref<16x23xf32, #tpu.memory_space<smem>>
    %mul3A_2004 = vector.broadcast %get3A_2003 : f32 to vector<100x128xf32>
    %mul3A_2005 = arith.mulf %mul3A_2004, %sin3A_366 : vector<100x128xf32>
    %add3A_2006 = arith.addf %add3A_2000, %mul3A_2005 : vector<100x128xf32>
    %get3A_2007 = arith.constant 10 : index
    %get3A_2008 = arith.constant 7 : index
    %get3A_2009 = memref.load %arg6[%get3A_2007, %get3A_2008] : memref<16x23xf32, #tpu.memory_space<smem>>
    %mul3A_2010 = vector.broadcast %get3A_2009 : f32 to vector<100x128xf32>
    %mul3A_2011 = arith.mulf %mul3A_2010, %sin3A_373 : vector<100x128xf32>
    %add3A_2012 = arith.addf %add3A_2006, %mul3A_2011 : vector<100x128xf32>
    %get3A_2013 = arith.constant 10 : index
    %get3A_2014 = arith.constant 8 : index
    %get3A_2015 = memref.load %arg6[%get3A_2013, %get3A_2014] : memref<16x23xf32, #tpu.memory_space<smem>>
    %mul3A_2016 = vector.broadcast %get3A_2015 : f32 to vector<100x128xf32>
    %mul3A_2017 = arith.mulf %mul3A_2016, %cos3A : vector<100x128xf32>
    %add3A_2018 = arith.addf %add3A_2012, %mul3A_2017 : vector<100x128xf32>
    %get3A_2019 = arith.constant 10 : index
    %get3A_2020 = arith.constant 9 : index
    %get3A_2021 = memref.load %arg6[%get3A_2019, %get3A_2020] : memref<16x23xf32, #tpu.memory_space<smem>>
    %mul3A_2022 = vector.broadcast %get3A_2021 : f32 to vector<100x128xf32>
    %mul3A_2023 = arith.mulf %mul3A_2022, %cos3A_332 : vector<100x128xf32>
    %add3A_2024 = arith.addf %add3A_2018, %mul3A_2023 : vector<100x128xf32>
    %get3A_2025 = arith.constant 10 : index
    %get3A_2026 = arith.constant 10 : index
    %get3A_2027 = memref.load %arg6[%get3A_2025, %get3A_2026] : memref<16x23xf32, #tpu.memory_space<smem>>
    %mul3A_2028 = vector.broadcast %get3A_2027 : f32 to vector<100x128xf32>
    %mul3A_2029 = arith.mulf %mul3A_2028, %cos3A_339 : vector<100x128xf32>
    %add3A_2030 = arith.addf %add3A_2024, %mul3A_2029 : vector<100x128xf32>
    %get3A_2031 = arith.constant 10 : index
    %get3A_2032 = arith.constant 11 : index
    %get3A_2033 = memref.load %arg6[%get3A_2031, %get3A_2032] : memref<16x23xf32, #tpu.memory_space<smem>>
    %mul3A_2034 = vector.broadcast %get3A_2033 : f32 to vector<100x128xf32>
    %mul3A_2035 = arith.mulf %mul3A_2034, %cos3A_346 : vector<100x128xf32>
    %add3A_2036 = arith.addf %add3A_2030, %mul3A_2035 : vector<100x128xf32>
    %get3A_2037 = arith.constant 10 : index
    %get3A_2038 = arith.constant 12 : index
    %get3A_2039 = memref.load %arg6[%get3A_2037, %get3A_2038] : memref<16x23xf32, #tpu.memory_space<smem>>
    %mul3A_2040 = vector.broadcast %get3A_2039 : f32 to vector<100x128xf32>
    %mul3A_2041 = arith.mulf %mul3A_2040, %cos3A_353 : vector<100x128xf32>
    %add3A_2042 = arith.addf %add3A_2036, %mul3A_2041 : vector<100x128xf32>
    %get3A_2043 = arith.constant 10 : index
    %get3A_2044 = arith.constant 13 : index
    %get3A_2045 = memref.load %arg6[%get3A_2043, %get3A_2044] : memref<16x23xf32, #tpu.memory_space<smem>>
    %mul3A_2046 = vector.broadcast %get3A_2045 : f32 to vector<100x128xf32>
    %mul3A_2047 = arith.mulf %mul3A_2046, %cos3A_360 : vector<100x128xf32>
    %add3A_2048 = arith.addf %add3A_2042, %mul3A_2047 : vector<100x128xf32>
    %get3A_2049 = arith.constant 10 : index
    %get3A_2050 = arith.constant 14 : index
    %get3A_2051 = memref.load %arg6[%get3A_2049, %get3A_2050] : memref<16x23xf32, #tpu.memory_space<smem>>
    %mul3A_2052 = vector.broadcast %get3A_2051 : f32 to vector<100x128xf32>
    %mul3A_2053 = arith.mulf %mul3A_2052, %cos3A_367 : vector<100x128xf32>
    %add3A_2054 = arith.addf %add3A_2048, %mul3A_2053 : vector<100x128xf32>
    %get3A_2055 = arith.constant 10 : index
    %get3A_2056 = arith.constant 15 : index
    %get3A_2057 = memref.load %arg6[%get3A_2055, %get3A_2056] : memref<16x23xf32, #tpu.memory_space<smem>>
    %mul3A_2058 = vector.broadcast %get3A_2057 : f32 to vector<100x128xf32>
    %mul3A_2059 = arith.mulf %mul3A_2058, %cos3A_374 : vector<100x128xf32>
    %add3A_2060 = arith.addf %add3A_2054, %mul3A_2059 : vector<100x128xf32>
    %get3A_2061 = arith.constant 10 : index
    %get3A_2062 = arith.constant 16 : index
    %get3A_2063 = memref.load %arg6[%get3A_2061, %get3A_2062] : memref<16x23xf32, #tpu.memory_space<smem>>
    %mul3A_2064 = vector.broadcast %get3A_2063 : f32 to vector<100x128xf32>
    %mul3A_2065 = arith.mulf %mul3A_2064, %mul3A_126 : vector<100x128xf32>
    %add3A_2066 = arith.addf %add3A_2060, %mul3A_2065 : vector<100x128xf32>
    %get3A_2067 = arith.constant 10 : index
    %get3A_2068 = arith.constant 17 : index
    %get3A_2069 = memref.load %arg6[%get3A_2067, %get3A_2068] : memref<16x23xf32, #tpu.memory_space<smem>>
    %mul3A_2070 = vector.broadcast %get3A_2069 : f32 to vector<100x128xf32>
    %mul3A_2071 = arith.mulf %mul3A_2070, %mul3A_127 : vector<100x128xf32>
    %add3A_2072 = arith.addf %add3A_2066, %mul3A_2071 : vector<100x128xf32>
    %get3A_2073 = arith.constant 10 : index
    %get3A_2074 = arith.constant 18 : index
    %get3A_2075 = memref.load %arg6[%get3A_2073, %get3A_2074] : memref<16x23xf32, #tpu.memory_space<smem>>
    %mul3A_2076 = vector.broadcast %get3A_2075 : f32 to vector<100x128xf32>
    %mul3A_2077 = arith.mulf %mul3A_2076, %mul3A_128 : vector<100x128xf32>
    %add3A_2078 = arith.addf %add3A_2072, %mul3A_2077 : vector<100x128xf32>
    %get3A_2079 = arith.constant 10 : index
    %get3A_2080 = arith.constant 19 : index
    %get3A_2081 = memref.load %arg6[%get3A_2079, %get3A_2080] : memref<16x23xf32, #tpu.memory_space<smem>>
    %mul3A_2082 = vector.broadcast %get3A_2081 : f32 to vector<100x128xf32>
    %mul3A_2083 = arith.mulf %mul3A_2082, %mul3A_272 : vector<100x128xf32>
    %add3A_2084 = arith.addf %add3A_2078, %mul3A_2083 : vector<100x128xf32>
    %get3A_2085 = arith.constant 10 : index
    %get3A_2086 = arith.constant 20 : index
    %get3A_2087 = memref.load %arg6[%get3A_2085, %get3A_2086] : memref<16x23xf32, #tpu.memory_space<smem>>
    %mul3A_2088 = vector.broadcast %get3A_2087 : f32 to vector<100x128xf32>
    %mul3A_2089 = arith.mulf %mul3A_2088, %mul3A_273 : vector<100x128xf32>
    %add3A_2090 = arith.addf %add3A_2084, %mul3A_2089 : vector<100x128xf32>
    %get3A_2091 = arith.constant 10 : index
    %get3A_2092 = arith.constant 21 : index
    %get3A_2093 = memref.load %arg6[%get3A_2091, %get3A_2092] : memref<16x23xf32, #tpu.memory_space<smem>>
    %mul3A_2094 = vector.broadcast %get3A_2093 : f32 to vector<100x128xf32>
    %mul3A_2095 = arith.mulf %mul3A_2094, %mul3A_274 : vector<100x128xf32>
    %add3A_2096 = arith.addf %add3A_2090, %mul3A_2095 : vector<100x128xf32>
    %get3A_2097 = arith.constant 10 : index
    %get3A_2098 = arith.constant 22 : index
    %get3A_2099 = memref.load %arg6[%get3A_2097, %get3A_2098] : memref<16x23xf32, #tpu.memory_space<smem>>
    %mul3A_2100 = vector.broadcast %get3A_2099 : f32 to vector<100x128xf32>
    %mul3A_2101 = arith.mulf %mul3A_2100, %mul3A_275 : vector<100x128xf32>
    %add3A_2102 = arith.addf %add3A_2096, %mul3A_2101 : vector<100x128xf32>
    %swap3A_2103 = arith.constant 0 : index
    %swap3A_2104 = arith.constant 10 : index
    %swap3A_2105 = arith.constant 0 : index
    %swap3A_2106 = arith.constant 0 : index
    %swap3A_2107 = vector.load %arg8[%swap3A_2103, %swap3A_2104, %swap3A_2105, %swap3A_2106] : memref<1x16x100x128xf32, #tpu.memory_space<vmem>>, vector<1x1x100x128xf32>
    %swap3A_2108 = vector.shape_cast %swap3A_2107 : vector<1x1x100x128xf32> to vector<100x128xf32>
    %swap3A_2109 = vector.shape_cast %add3A_2102 : vector<100x128xf32> to vector<1x1x100x128xf32>
    tpu.vector_store %arg8[%swap3A_2103, %swap3A_2104, %swap3A_2105, %swap3A_2106], %swap3A_2109 {strides = array<i32>} : memref<1x16x100x128xf32, #tpu.memory_space<vmem>>, vector<1x1x100x128xf32>,
    %get3A_2110 = arith.constant 10 : index
    %get3A_2111 = arith.constant 0 : index
    %get3A_2112 = vector.load %arg9[%get3A_2110, %get3A_2111] : memref<16x128xf32, #tpu.memory_space<vmem>>, vector<1x128xf32>
    %mul3A_2113 = arith.mulf %add3A_2102, %add3A_2102 : vector<100x128xf32>
    %reduce_sum3A_2114 = arith.constant dense<0.000000e+00> : vector<128xf32>
    %reduce_sum3A_2115 = vector.multi_reduction <add>, %mul3A_2113, %reduce_sum3A_2114 [0] : vector<100x128xf32> to vector<128xf32>
    %broadcast_in_dim3A_2116 = vector.shape_cast %reduce_sum3A_2115 : vector<128xf32> to vector<1x128xf32>
    %add3A_2117 = arith.addf %get3A_2112, %broadcast_in_dim3A_2116 : vector<1x128xf32>
    %swap3A_2118 = arith.constant 10 : index
    %swap3A_2119 = arith.constant 0 : index
    %swap3A_2120 = vector.load %arg9[%swap3A_2118, %swap3A_2119] : memref<16x128xf32, #tpu.memory_space<vmem>>, vector<1x128xf32>
    tpu.vector_store %arg9[%swap3A_2118, %swap3A_2119], %add3A_2117 {strides = array<i32>} : memref<16x128xf32, #tpu.memory_space<vmem>>, vector<1x128xf32>,
    %get3A_2121 = arith.constant 11 : index
    %get3A_2122 = memref.load %arg7[%get3A_2121] : memref<16xf32, #tpu.memory_space<smem>>
    %broadcast_in_dim3A_2123 = vector.broadcast %get3A_2122 : f32 to vector<100x128xf32>
    %get3A_2124 = arith.constant 11 : index
    %get3A_2125 = arith.constant 0 : index
    %get3A_2126 = memref.load %arg6[%get3A_2124, %get3A_2125] : memref<16x23xf32, #tpu.memory_space<smem>>
    %mul3A_2127 = vector.broadcast %get3A_2126 : f32 to vector<100x128xf32>
    %mul3A_2128 = arith.mulf %mul3A_2127, %sin3A : vector<100x128xf32>
    %add3A_2129 = arith.addf %broadcast_in_dim3A_2123, %mul3A_2128 : vector<100x128xf32>
    %get3A_2130 = arith.constant 11 : index
    %get3A_2131 = arith.constant 1 : index
    %get3A_2132 = memref.load %arg6[%get3A_2130, %get3A_2131] : memref<16x23xf32, #tpu.memory_space<smem>>
    %mul3A_2133 = vector.broadcast %get3A_2132 : f32 to vector<100x128xf32>
    %mul3A_2134 = arith.mulf %mul3A_2133, %sin3A_331 : vector<100x128xf32>
    %add3A_2135 = arith.addf %add3A_2129, %mul3A_2134 : vector<100x128xf32>
    %get3A_2136 = arith.constant 11 : index
    %get3A_2137 = arith.constant 2 : index
    %get3A_2138 = memref.load %arg6[%get3A_2136, %get3A_2137] : memref<16x23xf32, #tpu.memory_space<smem>>
    %mul3A_2139 = vector.broadcast %get3A_2138 : f32 to vector<100x128xf32>
    %mul3A_2140 = arith.mulf %mul3A_2139, %sin3A_338 : vector<100x128xf32>
    %add3A_2141 = arith.addf %add3A_2135, %mul3A_2140 : vector<100x128xf32>
    %get3A_2142 = arith.constant 11 : index
    %get3A_2143 = arith.constant 3 : index
    %get3A_2144 = memref.load %arg6[%get3A_2142, %get3A_2143] : memref<16x23xf32, #tpu.memory_space<smem>>
    %mul3A_2145 = vector.broadcast %get3A_2144 : f32 to vector<100x128xf32>
    %mul3A_2146 = arith.mulf %mul3A_2145, %sin3A_345 : vector<100x128xf32>
    %add3A_2147 = arith.addf %add3A_2141, %mul3A_2146 : vector<100x128xf32>
    %get3A_2148 = arith.constant 11 : index
    %get3A_2149 = arith.constant 4 : index
    %get3A_2150 = memref.load %arg6[%get3A_2148, %get3A_2149] : memref<16x23xf32, #tpu.memory_space<smem>>
    %mul3A_2151 = vector.broadcast %get3A_2150 : f32 to vector<100x128xf32>
    %mul3A_2152 = arith.mulf %mul3A_2151, %sin3A_352 : vector<100x128xf32>
    %add3A_2153 = arith.addf %add3A_2147, %mul3A_2152 : vector<100x128xf32>
    %get3A_2154 = arith.constant 11 : index
    %get3A_2155 = arith.constant 5 : index
    %get3A_2156 = memref.load %arg6[%get3A_2154, %get3A_2155] : memref<16x23xf32, #tpu.memory_space<smem>>
    %mul3A_2157 = vector.broadcast %get3A_2156 : f32 to vector<100x128xf32>
    %mul3A_2158 = arith.mulf %mul3A_2157, %sin3A_359 : vector<100x128xf32>
    %add3A_2159 = arith.addf %add3A_2153, %mul3A_2158 : vector<100x128xf32>
    %get3A_2160 = arith.constant 11 : index
    %get3A_2161 = arith.constant 6 : index
    %get3A_2162 = memref.load %arg6[%get3A_2160, %get3A_2161] : memref<16x23xf32, #tpu.memory_space<smem>>
    %mul3A_2163 = vector.broadcast %get3A_2162 : f32 to vector<100x128xf32>
    %mul3A_2164 = arith.mulf %mul3A_2163, %sin3A_366 : vector<100x128xf32>
    %add3A_2165 = arith.addf %add3A_2159, %mul3A_2164 : vector<100x128xf32>
    %get3A_2166 = arith.constant 11 : index
    %get3A_2167 = arith.constant 7 : index
    %get3A_2168 = memref.load %arg6[%get3A_2166, %get3A_2167] : memref<16x23xf32, #tpu.memory_space<smem>>
    %mul3A_2169 = vector.broadcast %get3A_2168 : f32 to vector<100x128xf32>
    %mul3A_2170 = arith.mulf %mul3A_2169, %sin3A_373 : vector<100x128xf32>
    %add3A_2171 = arith.addf %add3A_2165, %mul3A_2170 : vector<100x128xf32>
    %get3A_2172 = arith.constant 11 : index
    %get3A_2173 = arith.constant 8 : index
    %get3A_2174 = memref.load %arg6[%get3A_2172, %get3A_2173] : memref<16x23xf32, #tpu.memory_space<smem>>
    %mul3A_2175 = vector.broadcast %get3A_2174 : f32 to vector<100x128xf32>
    %mul3A_2176 = arith.mulf %mul3A_2175, %cos3A : vector<100x128xf32>
    %add3A_2177 = arith.addf %add3A_2171, %mul3A_2176 : vector<100x128xf32>
    %get3A_2178 = arith.constant 11 : index
    %get3A_2179 = arith.constant 9 : index
    %get3A_2180 = memref.load %arg6[%get3A_2178, %get3A_2179] : memref<16x23xf32, #tpu.memory_space<smem>>
    %mul3A_2181 = vector.broadcast %get3A_2180 : f32 to vector<100x128xf32>
    %mul3A_2182 = arith.mulf %mul3A_2181, %cos3A_332 : vector<100x128xf32>
    %add3A_2183 = arith.addf %add3A_2177, %mul3A_2182 : vector<100x128xf32>
    %get3A_2184 = arith.constant 11 : index
    %get3A_2185 = arith.constant 10 : index
    %get3A_2186 = memref.load %arg6[%get3A_2184, %get3A_2185] : memref<16x23xf32, #tpu.memory_space<smem>>
    %mul3A_2187 = vector.broadcast %get3A_2186 : f32 to vector<100x128xf32>
    %mul3A_2188 = arith.mulf %mul3A_2187, %cos3A_339 : vector<100x128xf32>
    %add3A_2189 = arith.addf %add3A_2183, %mul3A_2188 : vector<100x128xf32>
    %get3A_2190 = arith.constant 11 : index
    %get3A_2191 = arith.constant 11 : index
    %get3A_2192 = memref.load %arg6[%get3A_2190, %get3A_2191] : memref<16x23xf32, #tpu.memory_space<smem>>
    %mul3A_2193 = vector.broadcast %get3A_2192 : f32 to vector<100x128xf32>
    %mul3A_2194 = arith.mulf %mul3A_2193, %cos3A_346 : vector<100x128xf32>
    %add3A_2195 = arith.addf %add3A_2189, %mul3A_2194 : vector<100x128xf32>
    %get3A_2196 = arith.constant 11 : index
    %get3A_2197 = arith.constant 12 : index
    %get3A_2198 = memref.load %arg6[%get3A_2196, %get3A_2197] : memref<16x23xf32, #tpu.memory_space<smem>>
    %mul3A_2199 = vector.broadcast %get3A_2198 : f32 to vector<100x128xf32>
    %mul3A_2200 = arith.mulf %mul3A_2199, %cos3A_353 : vector<100x128xf32>
    %add3A_2201 = arith.addf %add3A_2195, %mul3A_2200 : vector<100x128xf32>
    %get3A_2202 = arith.constant 11 : index
    %get3A_2203 = arith.constant 13 : index
    %get3A_2204 = memref.load %arg6[%get3A_2202, %get3A_2203] : memref<16x23xf32, #tpu.memory_space<smem>>
    %mul3A_2205 = vector.broadcast %get3A_2204 : f32 to vector<100x128xf32>
    %mul3A_2206 = arith.mulf %mul3A_2205, %cos3A_360 : vector<100x128xf32>
    %add3A_2207 = arith.addf %add3A_2201, %mul3A_2206 : vector<100x128xf32>
    %get3A_2208 = arith.constant 11 : index
    %get3A_2209 = arith.constant 14 : index
    %get3A_2210 = memref.load %arg6[%get3A_2208, %get3A_2209] : memref<16x23xf32, #tpu.memory_space<smem>>
    %mul3A_2211 = vector.broadcast %get3A_2210 : f32 to vector<100x128xf32>
    %mul3A_2212 = arith.mulf %mul3A_2211, %cos3A_367 : vector<100x128xf32>
    %add3A_2213 = arith.addf %add3A_2207, %mul3A_2212 : vector<100x128xf32>
    %get3A_2214 = arith.constant 11 : index
    %get3A_2215 = arith.constant 15 : index
    %get3A_2216 = memref.load %arg6[%get3A_2214, %get3A_2215] : memref<16x23xf32, #tpu.memory_space<smem>>
    %mul3A_2217 = vector.broadcast %get3A_2216 : f32 to vector<100x128xf32>
    %mul3A_2218 = arith.mulf %mul3A_2217, %cos3A_374 : vector<100x128xf32>
    %add3A_2219 = arith.addf %add3A_2213, %mul3A_2218 : vector<100x128xf32>
    %get3A_2220 = arith.constant 11 : index
    %get3A_2221 = arith.constant 16 : index
    %get3A_2222 = memref.load %arg6[%get3A_2220, %get3A_2221] : memref<16x23xf32, #tpu.memory_space<smem>>
    %mul3A_2223 = vector.broadcast %get3A_2222 : f32 to vector<100x128xf32>
    %mul3A_2224 = arith.mulf %mul3A_2223, %mul3A_126 : vector<100x128xf32>
    %add3A_2225 = arith.addf %add3A_2219, %mul3A_2224 : vector<100x128xf32>
    %get3A_2226 = arith.constant 11 : index
    %get3A_2227 = arith.constant 17 : index
    %get3A_2228 = memref.load %arg6[%get3A_2226, %get3A_2227] : memref<16x23xf32, #tpu.memory_space<smem>>
    %mul3A_2229 = vector.broadcast %get3A_2228 : f32 to vector<100x128xf32>
    %mul3A_2230 = arith.mulf %mul3A_2229, %mul3A_127 : vector<100x128xf32>
    %add3A_2231 = arith.addf %add3A_2225, %mul3A_2230 : vector<100x128xf32>
    %get3A_2232 = arith.constant 11 : index
    %get3A_2233 = arith.constant 18 : index
    %get3A_2234 = memref.load %arg6[%get3A_2232, %get3A_2233] : memref<16x23xf32, #tpu.memory_space<smem>>
    %mul3A_2235 = vector.broadcast %get3A_2234 : f32 to vector<100x128xf32>
    %mul3A_2236 = arith.mulf %mul3A_2235, %mul3A_128 : vector<100x128xf32>
    %add3A_2237 = arith.addf %add3A_2231, %mul3A_2236 : vector<100x128xf32>
    %get3A_2238 = arith.constant 11 : index
    %get3A_2239 = arith.constant 19 : index
    %get3A_2240 = memref.load %arg6[%get3A_2238, %get3A_2239] : memref<16x23xf32, #tpu.memory_space<smem>>
    %mul3A_2241 = vector.broadcast %get3A_2240 : f32 to vector<100x128xf32>
    %mul3A_2242 = arith.mulf %mul3A_2241, %mul3A_272 : vector<100x128xf32>
    %add3A_2243 = arith.addf %add3A_2237, %mul3A_2242 : vector<100x128xf32>
    %get3A_2244 = arith.constant 11 : index
    %get3A_2245 = arith.constant 20 : index
    %get3A_2246 = memref.load %arg6[%get3A_2244, %get3A_2245] : memref<16x23xf32, #tpu.memory_space<smem>>
    %mul3A_2247 = vector.broadcast %get3A_2246 : f32 to vector<100x128xf32>
    %mul3A_2248 = arith.mulf %mul3A_2247, %mul3A_273 : vector<100x128xf32>
    %add3A_2249 = arith.addf %add3A_2243, %mul3A_2248 : vector<100x128xf32>
    %get3A_2250 = arith.constant 11 : index
    %get3A_2251 = arith.constant 21 : index
    %get3A_2252 = memref.load %arg6[%get3A_2250, %get3A_2251] : memref<16x23xf32, #tpu.memory_space<smem>>
    %mul3A_2253 = vector.broadcast %get3A_2252 : f32 to vector<100x128xf32>
    %mul3A_2254 = arith.mulf %mul3A_2253, %mul3A_274 : vector<100x128xf32>
    %add3A_2255 = arith.addf %add3A_2249, %mul3A_2254 : vector<100x128xf32>
    %get3A_2256 = arith.constant 11 : index
    %get3A_2257 = arith.constant 22 : index
    %get3A_2258 = memref.load %arg6[%get3A_2256, %get3A_2257] : memref<16x23xf32, #tpu.memory_space<smem>>
    %mul3A_2259 = vector.broadcast %get3A_2258 : f32 to vector<100x128xf32>
    %mul3A_2260 = arith.mulf %mul3A_2259, %mul3A_275 : vector<100x128xf32>
    %add3A_2261 = arith.addf %add3A_2255, %mul3A_2260 : vector<100x128xf32>
    %swap3A_2262 = arith.constant 0 : index
    %swap3A_2263 = arith.constant 11 : index
    %swap3A_2264 = arith.constant 0 : index
    %swap3A_2265 = arith.constant 0 : index
    %swap3A_2266 = vector.load %arg8[%swap3A_2262, %swap3A_2263, %swap3A_2264, %swap3A_2265] : memref<1x16x100x128xf32, #tpu.memory_space<vmem>>, vector<1x1x100x128xf32>
    %swap3A_2267 = vector.shape_cast %swap3A_2266 : vector<1x1x100x128xf32> to vector<100x128xf32>
    %swap3A_2268 = vector.shape_cast %add3A_2261 : vector<100x128xf32> to vector<1x1x100x128xf32>
    tpu.vector_store %arg8[%swap3A_2262, %swap3A_2263, %swap3A_2264, %swap3A_2265], %swap3A_2268 {strides = array<i32>} : memref<1x16x100x128xf32, #tpu.memory_space<vmem>>, vector<1x1x100x128xf32>,
    %get3A_2269 = arith.constant 11 : index
    %get3A_2270 = arith.constant 0 : index
    %get3A_2271 = vector.load %arg9[%get3A_2269, %get3A_2270] : memref<16x128xf32, #tpu.memory_space<vmem>>, vector<1x128xf32>
    %mul3A_2272 = arith.mulf %add3A_2261, %add3A_2261 : vector<100x128xf32>
    %reduce_sum3A_2273 = arith.constant dense<0.000000e+00> : vector<128xf32>
    %reduce_sum3A_2274 = vector.multi_reduction <add>, %mul3A_2272, %reduce_sum3A_2273 [0] : vector<100x128xf32> to vector<128xf32>
    %broadcast_in_dim3A_2275 = vector.shape_cast %reduce_sum3A_2274 : vector<128xf32> to vector<1x128xf32>
    %add3A_2276 = arith.addf %get3A_2271, %broadcast_in_dim3A_2275 : vector<1x128xf32>
    %swap3A_2277 = arith.constant 11 : index
    %swap3A_2278 = arith.constant 0 : index
    %swap3A_2279 = vector.load %arg9[%swap3A_2277, %swap3A_2278] : memref<16x128xf32, #tpu.memory_space<vmem>>, vector<1x128xf32>
    tpu.vector_store %arg9[%swap3A_2277, %swap3A_2278], %add3A_2276 {strides = array<i32>} : memref<16x128xf32, #tpu.memory_space<vmem>>, vector<1x128xf32>,
    %get3A_2280 = arith.constant 12 : index
    %get3A_2281 = memref.load %arg7[%get3A_2280] : memref<16xf32, #tpu.memory_space<smem>>
    %broadcast_in_dim3A_2282 = vector.broadcast %get3A_2281 : f32 to vector<100x128xf32>
    %get3A_2283 = arith.constant 12 : index
    %get3A_2284 = arith.constant 0 : index
    %get3A_2285 = memref.load %arg6[%get3A_2283, %get3A_2284] : memref<16x23xf32, #tpu.memory_space<smem>>
    %mul3A_2286 = vector.broadcast %get3A_2285 : f32 to vector<100x128xf32>
    %mul3A_2287 = arith.mulf %mul3A_2286, %sin3A : vector<100x128xf32>
    %add3A_2288 = arith.addf %broadcast_in_dim3A_2282, %mul3A_2287 : vector<100x128xf32>
    %get3A_2289 = arith.constant 12 : index
    %get3A_2290 = arith.constant 1 : index
    %get3A_2291 = memref.load %arg6[%get3A_2289, %get3A_2290] : memref<16x23xf32, #tpu.memory_space<smem>>
    %mul3A_2292 = vector.broadcast %get3A_2291 : f32 to vector<100x128xf32>
    %mul3A_2293 = arith.mulf %mul3A_2292, %sin3A_331 : vector<100x128xf32>
    %add3A_2294 = arith.addf %add3A_2288, %mul3A_2293 : vector<100x128xf32>
    %get3A_2295 = arith.constant 12 : index
    %get3A_2296 = arith.constant 2 : index
    %get3A_2297 = memref.load %arg6[%get3A_2295, %get3A_2296] : memref<16x23xf32, #tpu.memory_space<smem>>
    %mul3A_2298 = vector.broadcast %get3A_2297 : f32 to vector<100x128xf32>
    %mul3A_2299 = arith.mulf %mul3A_2298, %sin3A_338 : vector<100x128xf32>
    %add3A_2300 = arith.addf %add3A_2294, %mul3A_2299 : vector<100x128xf32>
    %get3A_2301 = arith.constant 12 : index
    %get3A_2302 = arith.constant 3 : index
    %get3A_2303 = memref.load %arg6[%get3A_2301, %get3A_2302] : memref<16x23xf32, #tpu.memory_space<smem>>
    %mul3A_2304 = vector.broadcast %get3A_2303 : f32 to vector<100x128xf32>
    %mul3A_2305 = arith.mulf %mul3A_2304, %sin3A_345 : vector<100x128xf32>
    %add3A_2306 = arith.addf %add3A_2300, %mul3A_2305 : vector<100x128xf32>
    %get3A_2307 = arith.constant 12 : index
    %get3A_2308 = arith.constant 4 : index
    %get3A_2309 = memref.load %arg6[%get3A_2307, %get3A_2308] : memref<16x23xf32, #tpu.memory_space<smem>>
    %mul3A_2310 = vector.broadcast %get3A_2309 : f32 to vector<100x128xf32>
    %mul3A_2311 = arith.mulf %mul3A_2310, %sin3A_352 : vector<100x128xf32>
    %add3A_2312 = arith.addf %add3A_2306, %mul3A_2311 : vector<100x128xf32>
    %get3A_2313 = arith.constant 12 : index
    %get3A_2314 = arith.constant 5 : index
    %get3A_2315 = memref.load %arg6[%get3A_2313, %get3A_2314] : memref<16x23xf32, #tpu.memory_space<smem>>
    %mul3A_2316 = vector.broadcast %get3A_2315 : f32 to vector<100x128xf32>
    %mul3A_2317 = arith.mulf %mul3A_2316, %sin3A_359 : vector<100x128xf32>
    %add3A_2318 = arith.addf %add3A_2312, %mul3A_2317 : vector<100x128xf32>
    %get3A_2319 = arith.constant 12 : index
    %get3A_2320 = arith.constant 6 : index
    %get3A_2321 = memref.load %arg6[%get3A_2319, %get3A_2320] : memref<16x23xf32, #tpu.memory_space<smem>>
    %mul3A_2322 = vector.broadcast %get3A_2321 : f32 to vector<100x128xf32>
    %mul3A_2323 = arith.mulf %mul3A_2322, %sin3A_366 : vector<100x128xf32>
    %add3A_2324 = arith.addf %add3A_2318, %mul3A_2323 : vector<100x128xf32>
    %get3A_2325 = arith.constant 12 : index
    %get3A_2326 = arith.constant 7 : index
    %get3A_2327 = memref.load %arg6[%get3A_2325, %get3A_2326] : memref<16x23xf32, #tpu.memory_space<smem>>
    %mul3A_2328 = vector.broadcast %get3A_2327 : f32 to vector<100x128xf32>
    %mul3A_2329 = arith.mulf %mul3A_2328, %sin3A_373 : vector<100x128xf32>
    %add3A_2330 = arith.addf %add3A_2324, %mul3A_2329 : vector<100x128xf32>
    %get3A_2331 = arith.constant 12 : index
    %get3A_2332 = arith.constant 8 : index
    %get3A_2333 = memref.load %arg6[%get3A_2331, %get3A_2332] : memref<16x23xf32, #tpu.memory_space<smem>>
    %mul3A_2334 = vector.broadcast %get3A_2333 : f32 to vector<100x128xf32>
    %mul3A_2335 = arith.mulf %mul3A_2334, %cos3A : vector<100x128xf32>
    %add3A_2336 = arith.addf %add3A_2330, %mul3A_2335 : vector<100x128xf32>
    %get3A_2337 = arith.constant 12 : index
    %get3A_2338 = arith.constant 9 : index
    %get3A_2339 = memref.load %arg6[%get3A_2337, %get3A_2338] : memref<16x23xf32, #tpu.memory_space<smem>>
    %mul3A_2340 = vector.broadcast %get3A_2339 : f32 to vector<100x128xf32>
    %mul3A_2341 = arith.mulf %mul3A_2340, %cos3A_332 : vector<100x128xf32>
    %add3A_2342 = arith.addf %add3A_2336, %mul3A_2341 : vector<100x128xf32>
    %get3A_2343 = arith.constant 12 : index
    %get3A_2344 = arith.constant 10 : index
    %get3A_2345 = memref.load %arg6[%get3A_2343, %get3A_2344] : memref<16x23xf32, #tpu.memory_space<smem>>
    %mul3A_2346 = vector.broadcast %get3A_2345 : f32 to vector<100x128xf32>
    %mul3A_2347 = arith.mulf %mul3A_2346, %cos3A_339 : vector<100x128xf32>
    %add3A_2348 = arith.addf %add3A_2342, %mul3A_2347 : vector<100x128xf32>
    %get3A_2349 = arith.constant 12 : index
    %get3A_2350 = arith.constant 11 : index
    %get3A_2351 = memref.load %arg6[%get3A_2349, %get3A_2350] : memref<16x23xf32, #tpu.memory_space<smem>>
    %mul3A_2352 = vector.broadcast %get3A_2351 : f32 to vector<100x128xf32>
    %mul3A_2353 = arith.mulf %mul3A_2352, %cos3A_346 : vector<100x128xf32>
    %add3A_2354 = arith.addf %add3A_2348, %mul3A_2353 : vector<100x128xf32>
    %get3A_2355 = arith.constant 12 : index
    %get3A_2356 = arith.constant 12 : index
    %get3A_2357 = memref.load %arg6[%get3A_2355, %get3A_2356] : memref<16x23xf32, #tpu.memory_space<smem>>
    %mul3A_2358 = vector.broadcast %get3A_2357 : f32 to vector<100x128xf32>
    %mul3A_2359 = arith.mulf %mul3A_2358, %cos3A_353 : vector<100x128xf32>
    %add3A_2360 = arith.addf %add3A_2354, %mul3A_2359 : vector<100x128xf32>
    %get3A_2361 = arith.constant 12 : index
    %get3A_2362 = arith.constant 13 : index
    %get3A_2363 = memref.load %arg6[%get3A_2361, %get3A_2362] : memref<16x23xf32, #tpu.memory_space<smem>>
    %mul3A_2364 = vector.broadcast %get3A_2363 : f32 to vector<100x128xf32>
    %mul3A_2365 = arith.mulf %mul3A_2364, %cos3A_360 : vector<100x128xf32>
    %add3A_2366 = arith.addf %add3A_2360, %mul3A_2365 : vector<100x128xf32>
    %get3A_2367 = arith.constant 12 : index
    %get3A_2368 = arith.constant 14 : index
    %get3A_2369 = memref.load %arg6[%get3A_2367, %get3A_2368] : memref<16x23xf32, #tpu.memory_space<smem>>
    %mul3A_2370 = vector.broadcast %get3A_2369 : f32 to vector<100x128xf32>
    %mul3A_2371 = arith.mulf %mul3A_2370, %cos3A_367 : vector<100x128xf32>
    %add3A_2372 = arith.addf %add3A_2366, %mul3A_2371 : vector<100x128xf32>
    %get3A_2373 = arith.constant 12 : index
    %get3A_2374 = arith.constant 15 : index
    %get3A_2375 = memref.load %arg6[%get3A_2373, %get3A_2374] : memref<16x23xf32, #tpu.memory_space<smem>>
    %mul3A_2376 = vector.broadcast %get3A_2375 : f32 to vector<100x128xf32>
    %mul3A_2377 = arith.mulf %mul3A_2376, %cos3A_374 : vector<100x128xf32>
    %add3A_2378 = arith.addf %add3A_2372, %mul3A_2377 : vector<100x128xf32>
    %get3A_2379 = arith.constant 12 : index
    %get3A_2380 = arith.constant 16 : index
    %get3A_2381 = memref.load %arg6[%get3A_2379, %get3A_2380] : memref<16x23xf32, #tpu.memory_space<smem>>
    %mul3A_2382 = vector.broadcast %get3A_2381 : f32 to vector<100x128xf32>
    %mul3A_2383 = arith.mulf %mul3A_2382, %mul3A_126 : vector<100x128xf32>
    %add3A_2384 = arith.addf %add3A_2378, %mul3A_2383 : vector<100x128xf32>
    %get3A_2385 = arith.constant 12 : index
    %get3A_2386 = arith.constant 17 : index
    %get3A_2387 = memref.load %arg6[%get3A_2385, %get3A_2386] : memref<16x23xf32, #tpu.memory_space<smem>>
    %mul3A_2388 = vector.broadcast %get3A_2387 : f32 to vector<100x128xf32>
    %mul3A_2389 = arith.mulf %mul3A_2388, %mul3A_127 : vector<100x128xf32>
    %add3A_2390 = arith.addf %add3A_2384, %mul3A_2389 : vector<100x128xf32>
    %get3A_2391 = arith.constant 12 : index
    %get3A_2392 = arith.constant 18 : index
    %get3A_2393 = memref.load %arg6[%get3A_2391, %get3A_2392] : memref<16x23xf32, #tpu.memory_space<smem>>
    %mul3A_2394 = vector.broadcast %get3A_2393 : f32 to vector<100x128xf32>
    %mul3A_2395 = arith.mulf %mul3A_2394, %mul3A_128 : vector<100x128xf32>
    %add3A_2396 = arith.addf %add3A_2390, %mul3A_2395 : vector<100x128xf32>
    %get3A_2397 = arith.constant 12 : index
    %get3A_2398 = arith.constant 19 : index
    %get3A_2399 = memref.load %arg6[%get3A_2397, %get3A_2398] : memref<16x23xf32, #tpu.memory_space<smem>>
    %mul3A_2400 = vector.broadcast %get3A_2399 : f32 to vector<100x128xf32>
    %mul3A_2401 = arith.mulf %mul3A_2400, %mul3A_272 : vector<100x128xf32>
    %add3A_2402 = arith.addf %add3A_2396, %mul3A_2401 : vector<100x128xf32>
    %get3A_2403 = arith.constant 12 : index
    %get3A_2404 = arith.constant 20 : index
    %get3A_2405 = memref.load %arg6[%get3A_2403, %get3A_2404] : memref<16x23xf32, #tpu.memory_space<smem>>
    %mul3A_2406 = vector.broadcast %get3A_2405 : f32 to vector<100x128xf32>
    %mul3A_2407 = arith.mulf %mul3A_2406, %mul3A_273 : vector<100x128xf32>
    %add3A_2408 = arith.addf %add3A_2402, %mul3A_2407 : vector<100x128xf32>
    %get3A_2409 = arith.constant 12 : index
    %get3A_2410 = arith.constant 21 : index
    %get3A_2411 = memref.load %arg6[%get3A_2409, %get3A_2410] : memref<16x23xf32, #tpu.memory_space<smem>>
    %mul3A_2412 = vector.broadcast %get3A_2411 : f32 to vector<100x128xf32>
    %mul3A_2413 = arith.mulf %mul3A_2412, %mul3A_274 : vector<100x128xf32>
    %add3A_2414 = arith.addf %add3A_2408, %mul3A_2413 : vector<100x128xf32>
    %get3A_2415 = arith.constant 12 : index
    %get3A_2416 = arith.constant 22 : index
    %get3A_2417 = memref.load %arg6[%get3A_2415, %get3A_2416] : memref<16x23xf32, #tpu.memory_space<smem>>
    %mul3A_2418 = vector.broadcast %get3A_2417 : f32 to vector<100x128xf32>
    %mul3A_2419 = arith.mulf %mul3A_2418, %mul3A_275 : vector<100x128xf32>
    %add3A_2420 = arith.addf %add3A_2414, %mul3A_2419 : vector<100x128xf32>
    %swap3A_2421 = arith.constant 0 : index
    %swap3A_2422 = arith.constant 12 : index
    %swap3A_2423 = arith.constant 0 : index
    %swap3A_2424 = arith.constant 0 : index
    %swap3A_2425 = vector.load %arg8[%swap3A_2421, %swap3A_2422, %swap3A_2423, %swap3A_2424] : memref<1x16x100x128xf32, #tpu.memory_space<vmem>>, vector<1x1x100x128xf32>
    %swap3A_2426 = vector.shape_cast %swap3A_2425 : vector<1x1x100x128xf32> to vector<100x128xf32>
    %swap3A_2427 = vector.shape_cast %add3A_2420 : vector<100x128xf32> to vector<1x1x100x128xf32>
    tpu.vector_store %arg8[%swap3A_2421, %swap3A_2422, %swap3A_2423, %swap3A_2424], %swap3A_2427 {strides = array<i32>} : memref<1x16x100x128xf32, #tpu.memory_space<vmem>>, vector<1x1x100x128xf32>,
    %get3A_2428 = arith.constant 12 : index
    %get3A_2429 = arith.constant 0 : index
    %get3A_2430 = vector.load %arg9[%get3A_2428, %get3A_2429] : memref<16x128xf32, #tpu.memory_space<vmem>>, vector<1x128xf32>
    %mul3A_2431 = arith.mulf %add3A_2420, %add3A_2420 : vector<100x128xf32>
    %reduce_sum3A_2432 = arith.constant dense<0.000000e+00> : vector<128xf32>
    %reduce_sum3A_2433 = vector.multi_reduction <add>, %mul3A_2431, %reduce_sum3A_2432 [0] : vector<100x128xf32> to vector<128xf32>
    %broadcast_in_dim3A_2434 = vector.shape_cast %reduce_sum3A_2433 : vector<128xf32> to vector<1x128xf32>
    %add3A_2435 = arith.addf %get3A_2430, %broadcast_in_dim3A_2434 : vector<1x128xf32>
    %swap3A_2436 = arith.constant 12 : index
    %swap3A_2437 = arith.constant 0 : index
    %swap3A_2438 = vector.load %arg9[%swap3A_2436, %swap3A_2437] : memref<16x128xf32, #tpu.memory_space<vmem>>, vector<1x128xf32>
    tpu.vector_store %arg9[%swap3A_2436, %swap3A_2437], %add3A_2435 {strides = array<i32>} : memref<16x128xf32, #tpu.memory_space<vmem>>, vector<1x128xf32>,
    %get3A_2439 = arith.constant 13 : index
    %get3A_2440 = memref.load %arg7[%get3A_2439] : memref<16xf32, #tpu.memory_space<smem>>
    %broadcast_in_dim3A_2441 = vector.broadcast %get3A_2440 : f32 to vector<100x128xf32>
    %get3A_2442 = arith.constant 13 : index
    %get3A_2443 = arith.constant 0 : index
    %get3A_2444 = memref.load %arg6[%get3A_2442, %get3A_2443] : memref<16x23xf32, #tpu.memory_space<smem>>
    %mul3A_2445 = vector.broadcast %get3A_2444 : f32 to vector<100x128xf32>
    %mul3A_2446 = arith.mulf %mul3A_2445, %sin3A : vector<100x128xf32>
    %add3A_2447 = arith.addf %broadcast_in_dim3A_2441, %mul3A_2446 : vector<100x128xf32>
    %get3A_2448 = arith.constant 13 : index
    %get3A_2449 = arith.constant 1 : index
    %get3A_2450 = memref.load %arg6[%get3A_2448, %get3A_2449] : memref<16x23xf32, #tpu.memory_space<smem>>
    %mul3A_2451 = vector.broadcast %get3A_2450 : f32 to vector<100x128xf32>
    %mul3A_2452 = arith.mulf %mul3A_2451, %sin3A_331 : vector<100x128xf32>
    %add3A_2453 = arith.addf %add3A_2447, %mul3A_2452 : vector<100x128xf32>
    %get3A_2454 = arith.constant 13 : index
    %get3A_2455 = arith.constant 2 : index
    %get3A_2456 = memref.load %arg6[%get3A_2454, %get3A_2455] : memref<16x23xf32, #tpu.memory_space<smem>>
    %mul3A_2457 = vector.broadcast %get3A_2456 : f32 to vector<100x128xf32>
    %mul3A_2458 = arith.mulf %mul3A_2457, %sin3A_338 : vector<100x128xf32>
    %add3A_2459 = arith.addf %add3A_2453, %mul3A_2458 : vector<100x128xf32>
    %get3A_2460 = arith.constant 13 : index
    %get3A_2461 = arith.constant 3 : index
    %get3A_2462 = memref.load %arg6[%get3A_2460, %get3A_2461] : memref<16x23xf32, #tpu.memory_space<smem>>
    %mul3A_2463 = vector.broadcast %get3A_2462 : f32 to vector<100x128xf32>
    %mul3A_2464 = arith.mulf %mul3A_2463, %sin3A_345 : vector<100x128xf32>
    %add3A_2465 = arith.addf %add3A_2459, %mul3A_2464 : vector<100x128xf32>
    %get3A_2466 = arith.constant 13 : index
    %get3A_2467 = arith.constant 4 : index
    %get3A_2468 = memref.load %arg6[%get3A_2466, %get3A_2467] : memref<16x23xf32, #tpu.memory_space<smem>>
    %mul3A_2469 = vector.broadcast %get3A_2468 : f32 to vector<100x128xf32>
    %mul3A_2470 = arith.mulf %mul3A_2469, %sin3A_352 : vector<100x128xf32>
    %add3A_2471 = arith.addf %add3A_2465, %mul3A_2470 : vector<100x128xf32>
    %get3A_2472 = arith.constant 13 : index
    %get3A_2473 = arith.constant 5 : index
    %get3A_2474 = memref.load %arg6[%get3A_2472, %get3A_2473] : memref<16x23xf32, #tpu.memory_space<smem>>
    %mul3A_2475 = vector.broadcast %get3A_2474 : f32 to vector<100x128xf32>
    %mul3A_2476 = arith.mulf %mul3A_2475, %sin3A_359 : vector<100x128xf32>
    %add3A_2477 = arith.addf %add3A_2471, %mul3A_2476 : vector<100x128xf32>
    %get3A_2478 = arith.constant 13 : index
    %get3A_2479 = arith.constant 6 : index
    %get3A_2480 = memref.load %arg6[%get3A_2478, %get3A_2479] : memref<16x23xf32, #tpu.memory_space<smem>>
    %mul3A_2481 = vector.broadcast %get3A_2480 : f32 to vector<100x128xf32>
    %mul3A_2482 = arith.mulf %mul3A_2481, %sin3A_366 : vector<100x128xf32>
    %add3A_2483 = arith.addf %add3A_2477, %mul3A_2482 : vector<100x128xf32>
    %get3A_2484 = arith.constant 13 : index
    %get3A_2485 = arith.constant 7 : index
    %get3A_2486 = memref.load %arg6[%get3A_2484, %get3A_2485] : memref<16x23xf32, #tpu.memory_space<smem>>
    %mul3A_2487 = vector.broadcast %get3A_2486 : f32 to vector<100x128xf32>
    %mul3A_2488 = arith.mulf %mul3A_2487, %sin3A_373 : vector<100x128xf32>
    %add3A_2489 = arith.addf %add3A_2483, %mul3A_2488 : vector<100x128xf32>
    %get3A_2490 = arith.constant 13 : index
    %get3A_2491 = arith.constant 8 : index
    %get3A_2492 = memref.load %arg6[%get3A_2490, %get3A_2491] : memref<16x23xf32, #tpu.memory_space<smem>>
    %mul3A_2493 = vector.broadcast %get3A_2492 : f32 to vector<100x128xf32>
    %mul3A_2494 = arith.mulf %mul3A_2493, %cos3A : vector<100x128xf32>
    %add3A_2495 = arith.addf %add3A_2489, %mul3A_2494 : vector<100x128xf32>
    %get3A_2496 = arith.constant 13 : index
    %get3A_2497 = arith.constant 9 : index
    %get3A_2498 = memref.load %arg6[%get3A_2496, %get3A_2497] : memref<16x23xf32, #tpu.memory_space<smem>>
    %mul3A_2499 = vector.broadcast %get3A_2498 : f32 to vector<100x128xf32>
    %mul3A_2500 = arith.mulf %mul3A_2499, %cos3A_332 : vector<100x128xf32>
    %add3A_2501 = arith.addf %add3A_2495, %mul3A_2500 : vector<100x128xf32>
    %get3A_2502 = arith.constant 13 : index
    %get3A_2503 = arith.constant 10 : index
    %get3A_2504 = memref.load %arg6[%get3A_2502, %get3A_2503] : memref<16x23xf32, #tpu.memory_space<smem>>
    %mul3A_2505 = vector.broadcast %get3A_2504 : f32 to vector<100x128xf32>
    %mul3A_2506 = arith.mulf %mul3A_2505, %cos3A_339 : vector<100x128xf32>
    %add3A_2507 = arith.addf %add3A_2501, %mul3A_2506 : vector<100x128xf32>
    %get3A_2508 = arith.constant 13 : index
    %get3A_2509 = arith.constant 11 : index
    %get3A_2510 = memref.load %arg6[%get3A_2508, %get3A_2509] : memref<16x23xf32, #tpu.memory_space<smem>>
    %mul3A_2511 = vector.broadcast %get3A_2510 : f32 to vector<100x128xf32>
    %mul3A_2512 = arith.mulf %mul3A_2511, %cos3A_346 : vector<100x128xf32>
    %add3A_2513 = arith.addf %add3A_2507, %mul3A_2512 : vector<100x128xf32>
    %get3A_2514 = arith.constant 13 : index
    %get3A_2515 = arith.constant 12 : index
    %get3A_2516 = memref.load %arg6[%get3A_2514, %get3A_2515] : memref<16x23xf32, #tpu.memory_space<smem>>
    %mul3A_2517 = vector.broadcast %get3A_2516 : f32 to vector<100x128xf32>
    %mul3A_2518 = arith.mulf %mul3A_2517, %cos3A_353 : vector<100x128xf32>
    %add3A_2519 = arith.addf %add3A_2513, %mul3A_2518 : vector<100x128xf32>
    %get3A_2520 = arith.constant 13 : index
    %get3A_2521 = arith.constant 13 : index
    %get3A_2522 = memref.load %arg6[%get3A_2520, %get3A_2521] : memref<16x23xf32, #tpu.memory_space<smem>>
    %mul3A_2523 = vector.broadcast %get3A_2522 : f32 to vector<100x128xf32>
    %mul3A_2524 = arith.mulf %mul3A_2523, %cos3A_360 : vector<100x128xf32>
    %add3A_2525 = arith.addf %add3A_2519, %mul3A_2524 : vector<100x128xf32>
    %get3A_2526 = arith.constant 13 : index
    %get3A_2527 = arith.constant 14 : index
    %get3A_2528 = memref.load %arg6[%get3A_2526, %get3A_2527] : memref<16x23xf32, #tpu.memory_space<smem>>
    %mul3A_2529 = vector.broadcast %get3A_2528 : f32 to vector<100x128xf32>
    %mul3A_2530 = arith.mulf %mul3A_2529, %cos3A_367 : vector<100x128xf32>
    %add3A_2531 = arith.addf %add3A_2525, %mul3A_2530 : vector<100x128xf32>
    %get3A_2532 = arith.constant 13 : index
    %get3A_2533 = arith.constant 15 : index
    %get3A_2534 = memref.load %arg6[%get3A_2532, %get3A_2533] : memref<16x23xf32, #tpu.memory_space<smem>>
    %mul3A_2535 = vector.broadcast %get3A_2534 : f32 to vector<100x128xf32>
    %mul3A_2536 = arith.mulf %mul3A_2535, %cos3A_374 : vector<100x128xf32>
    %add3A_2537 = arith.addf %add3A_2531, %mul3A_2536 : vector<100x128xf32>
    %get3A_2538 = arith.constant 13 : index
    %get3A_2539 = arith.constant 16 : index
    %get3A_2540 = memref.load %arg6[%get3A_2538, %get3A_2539] : memref<16x23xf32, #tpu.memory_space<smem>>
    %mul3A_2541 = vector.broadcast %get3A_2540 : f32 to vector<100x128xf32>
    %mul3A_2542 = arith.mulf %mul3A_2541, %mul3A_126 : vector<100x128xf32>
    %add3A_2543 = arith.addf %add3A_2537, %mul3A_2542 : vector<100x128xf32>
    %get3A_2544 = arith.constant 13 : index
    %get3A_2545 = arith.constant 17 : index
    %get3A_2546 = memref.load %arg6[%get3A_2544, %get3A_2545] : memref<16x23xf32, #tpu.memory_space<smem>>
    %mul3A_2547 = vector.broadcast %get3A_2546 : f32 to vector<100x128xf32>
    %mul3A_2548 = arith.mulf %mul3A_2547, %mul3A_127 : vector<100x128xf32>
    %add3A_2549 = arith.addf %add3A_2543, %mul3A_2548 : vector<100x128xf32>
    %get3A_2550 = arith.constant 13 : index
    %get3A_2551 = arith.constant 18 : index
    %get3A_2552 = memref.load %arg6[%get3A_2550, %get3A_2551] : memref<16x23xf32, #tpu.memory_space<smem>>
    %mul3A_2553 = vector.broadcast %get3A_2552 : f32 to vector<100x128xf32>
    %mul3A_2554 = arith.mulf %mul3A_2553, %mul3A_128 : vector<100x128xf32>
    %add3A_2555 = arith.addf %add3A_2549, %mul3A_2554 : vector<100x128xf32>
    %get3A_2556 = arith.constant 13 : index
    %get3A_2557 = arith.constant 19 : index
    %get3A_2558 = memref.load %arg6[%get3A_2556, %get3A_2557] : memref<16x23xf32, #tpu.memory_space<smem>>
    %mul3A_2559 = vector.broadcast %get3A_2558 : f32 to vector<100x128xf32>
    %mul3A_2560 = arith.mulf %mul3A_2559, %mul3A_272 : vector<100x128xf32>
    %add3A_2561 = arith.addf %add3A_2555, %mul3A_2560 : vector<100x128xf32>
    %get3A_2562 = arith.constant 13 : index
    %get3A_2563 = arith.constant 20 : index
    %get3A_2564 = memref.load %arg6[%get3A_2562, %get3A_2563] : memref<16x23xf32, #tpu.memory_space<smem>>
    %mul3A_2565 = vector.broadcast %get3A_2564 : f32 to vector<100x128xf32>
    %mul3A_2566 = arith.mulf %mul3A_2565, %mul3A_273 : vector<100x128xf32>
    %add3A_2567 = arith.addf %add3A_2561, %mul3A_2566 : vector<100x128xf32>
    %get3A_2568 = arith.constant 13 : index
    %get3A_2569 = arith.constant 21 : index
    %get3A_2570 = memref.load %arg6[%get3A_2568, %get3A_2569] : memref<16x23xf32, #tpu.memory_space<smem>>
    %mul3A_2571 = vector.broadcast %get3A_2570 : f32 to vector<100x128xf32>
    %mul3A_2572 = arith.mulf %mul3A_2571, %mul3A_274 : vector<100x128xf32>
    %add3A_2573 = arith.addf %add3A_2567, %mul3A_2572 : vector<100x128xf32>
    %get3A_2574 = arith.constant 13 : index
    %get3A_2575 = arith.constant 22 : index
    %get3A_2576 = memref.load %arg6[%get3A_2574, %get3A_2575] : memref<16x23xf32, #tpu.memory_space<smem>>
    %mul3A_2577 = vector.broadcast %get3A_2576 : f32 to vector<100x128xf32>
    %mul3A_2578 = arith.mulf %mul3A_2577, %mul3A_275 : vector<100x128xf32>
    %add3A_2579 = arith.addf %add3A_2573, %mul3A_2578 : vector<100x128xf32>
    %swap3A_2580 = arith.constant 0 : index
    %swap3A_2581 = arith.constant 13 : index
    %swap3A_2582 = arith.constant 0 : index
    %swap3A_2583 = arith.constant 0 : index
    %swap3A_2584 = vector.load %arg8[%swap3A_2580, %swap3A_2581, %swap3A_2582, %swap3A_2583] : memref<1x16x100x128xf32, #tpu.memory_space<vmem>>, vector<1x1x100x128xf32>
    %swap3A_2585 = vector.shape_cast %swap3A_2584 : vector<1x1x100x128xf32> to vector<100x128xf32>
    %swap3A_2586 = vector.shape_cast %add3A_2579 : vector<100x128xf32> to vector<1x1x100x128xf32>
    tpu.vector_store %arg8[%swap3A_2580, %swap3A_2581, %swap3A_2582, %swap3A_2583], %swap3A_2586 {strides = array<i32>} : memref<1x16x100x128xf32, #tpu.memory_space<vmem>>, vector<1x1x100x128xf32>,
    %get3A_2587 = arith.constant 13 : index
    %get3A_2588 = arith.constant 0 : index
    %get3A_2589 = vector.load %arg9[%get3A_2587, %get3A_2588] : memref<16x128xf32, #tpu.memory_space<vmem>>, vector<1x128xf32>
    %mul3A_2590 = arith.mulf %add3A_2579, %add3A_2579 : vector<100x128xf32>
    %reduce_sum3A_2591 = arith.constant dense<0.000000e+00> : vector<128xf32>
    %reduce_sum3A_2592 = vector.multi_reduction <add>, %mul3A_2590, %reduce_sum3A_2591 [0] : vector<100x128xf32> to vector<128xf32>
    %broadcast_in_dim3A_2593 = vector.shape_cast %reduce_sum3A_2592 : vector<128xf32> to vector<1x128xf32>
    %add3A_2594 = arith.addf %get3A_2589, %broadcast_in_dim3A_2593 : vector<1x128xf32>
    %swap3A_2595 = arith.constant 13 : index
    %swap3A_2596 = arith.constant 0 : index
    %swap3A_2597 = vector.load %arg9[%swap3A_2595, %swap3A_2596] : memref<16x128xf32, #tpu.memory_space<vmem>>, vector<1x128xf32>
    tpu.vector_store %arg9[%swap3A_2595, %swap3A_2596], %add3A_2594 {strides = array<i32>} : memref<16x128xf32, #tpu.memory_space<vmem>>, vector<1x128xf32>,
    %get3A_2598 = arith.constant 14 : index
    %get3A_2599 = memref.load %arg7[%get3A_2598] : memref<16xf32, #tpu.memory_space<smem>>
    %broadcast_in_dim3A_2600 = vector.broadcast %get3A_2599 : f32 to vector<100x128xf32>
    %get3A_2601 = arith.constant 14 : index
    %get3A_2602 = arith.constant 0 : index
    %get3A_2603 = memref.load %arg6[%get3A_2601, %get3A_2602] : memref<16x23xf32, #tpu.memory_space<smem>>
    %mul3A_2604 = vector.broadcast %get3A_2603 : f32 to vector<100x128xf32>
    %mul3A_2605 = arith.mulf %mul3A_2604, %sin3A : vector<100x128xf32>
    %add3A_2606 = arith.addf %broadcast_in_dim3A_2600, %mul3A_2605 : vector<100x128xf32>
    %get3A_2607 = arith.constant 14 : index
    %get3A_2608 = arith.constant 1 : index
    %get3A_2609 = memref.load %arg6[%get3A_2607, %get3A_2608] : memref<16x23xf32, #tpu.memory_space<smem>>
    %mul3A_2610 = vector.broadcast %get3A_2609 : f32 to vector<100x128xf32>
    %mul3A_2611 = arith.mulf %mul3A_2610, %sin3A_331 : vector<100x128xf32>
    %add3A_2612 = arith.addf %add3A_2606, %mul3A_2611 : vector<100x128xf32>
    %get3A_2613 = arith.constant 14 : index
    %get3A_2614 = arith.constant 2 : index
    %get3A_2615 = memref.load %arg6[%get3A_2613, %get3A_2614] : memref<16x23xf32, #tpu.memory_space<smem>>
    %mul3A_2616 = vector.broadcast %get3A_2615 : f32 to vector<100x128xf32>
    %mul3A_2617 = arith.mulf %mul3A_2616, %sin3A_338 : vector<100x128xf32>
    %add3A_2618 = arith.addf %add3A_2612, %mul3A_2617 : vector<100x128xf32>
    %get3A_2619 = arith.constant 14 : index
    %get3A_2620 = arith.constant 3 : index
    %get3A_2621 = memref.load %arg6[%get3A_2619, %get3A_2620] : memref<16x23xf32, #tpu.memory_space<smem>>
    %mul3A_2622 = vector.broadcast %get3A_2621 : f32 to vector<100x128xf32>
    %mul3A_2623 = arith.mulf %mul3A_2622, %sin3A_345 : vector<100x128xf32>
    %add3A_2624 = arith.addf %add3A_2618, %mul3A_2623 : vector<100x128xf32>
    %get3A_2625 = arith.constant 14 : index
    %get3A_2626 = arith.constant 4 : index
    %get3A_2627 = memref.load %arg6[%get3A_2625, %get3A_2626] : memref<16x23xf32, #tpu.memory_space<smem>>
    %mul3A_2628 = vector.broadcast %get3A_2627 : f32 to vector<100x128xf32>
    %mul3A_2629 = arith.mulf %mul3A_2628, %sin3A_352 : vector<100x128xf32>
    %add3A_2630 = arith.addf %add3A_2624, %mul3A_2629 : vector<100x128xf32>
    %get3A_2631 = arith.constant 14 : index
    %get3A_2632 = arith.constant 5 : index
    %get3A_2633 = memref.load %arg6[%get3A_2631, %get3A_2632] : memref<16x23xf32, #tpu.memory_space<smem>>
    %mul3A_2634 = vector.broadcast %get3A_2633 : f32 to vector<100x128xf32>
    %mul3A_2635 = arith.mulf %mul3A_2634, %sin3A_359 : vector<100x128xf32>
    %add3A_2636 = arith.addf %add3A_2630, %mul3A_2635 : vector<100x128xf32>
    %get3A_2637 = arith.constant 14 : index
    %get3A_2638 = arith.constant 6 : index
    %get3A_2639 = memref.load %arg6[%get3A_2637, %get3A_2638] : memref<16x23xf32, #tpu.memory_space<smem>>
    %mul3A_2640 = vector.broadcast %get3A_2639 : f32 to vector<100x128xf32>
    %mul3A_2641 = arith.mulf %mul3A_2640, %sin3A_366 : vector<100x128xf32>
    %add3A_2642 = arith.addf %add3A_2636, %mul3A_2641 : vector<100x128xf32>
    %get3A_2643 = arith.constant 14 : index
    %get3A_2644 = arith.constant 7 : index
    %get3A_2645 = memref.load %arg6[%get3A_2643, %get3A_2644] : memref<16x23xf32, #tpu.memory_space<smem>>
    %mul3A_2646 = vector.broadcast %get3A_2645 : f32 to vector<100x128xf32>
    %mul3A_2647 = arith.mulf %mul3A_2646, %sin3A_373 : vector<100x128xf32>
    %add3A_2648 = arith.addf %add3A_2642, %mul3A_2647 : vector<100x128xf32>
    %get3A_2649 = arith.constant 14 : index
    %get3A_2650 = arith.constant 8 : index
    %get3A_2651 = memref.load %arg6[%get3A_2649, %get3A_2650] : memref<16x23xf32, #tpu.memory_space<smem>>
    %mul3A_2652 = vector.broadcast %get3A_2651 : f32 to vector<100x128xf32>
    %mul3A_2653 = arith.mulf %mul3A_2652, %cos3A : vector<100x128xf32>
    %add3A_2654 = arith.addf %add3A_2648, %mul3A_2653 : vector<100x128xf32>
    %get3A_2655 = arith.constant 14 : index
    %get3A_2656 = arith.constant 9 : index
    %get3A_2657 = memref.load %arg6[%get3A_2655, %get3A_2656] : memref<16x23xf32, #tpu.memory_space<smem>>
    %mul3A_2658 = vector.broadcast %get3A_2657 : f32 to vector<100x128xf32>
    %mul3A_2659 = arith.mulf %mul3A_2658, %cos3A_332 : vector<100x128xf32>
    %add3A_2660 = arith.addf %add3A_2654, %mul3A_2659 : vector<100x128xf32>
    %get3A_2661 = arith.constant 14 : index
    %get3A_2662 = arith.constant 10 : index
    %get3A_2663 = memref.load %arg6[%get3A_2661, %get3A_2662] : memref<16x23xf32, #tpu.memory_space<smem>>
    %mul3A_2664 = vector.broadcast %get3A_2663 : f32 to vector<100x128xf32>
    %mul3A_2665 = arith.mulf %mul3A_2664, %cos3A_339 : vector<100x128xf32>
    %add3A_2666 = arith.addf %add3A_2660, %mul3A_2665 : vector<100x128xf32>
    %get3A_2667 = arith.constant 14 : index
    %get3A_2668 = arith.constant 11 : index
    %get3A_2669 = memref.load %arg6[%get3A_2667, %get3A_2668] : memref<16x23xf32, #tpu.memory_space<smem>>
    %mul3A_2670 = vector.broadcast %get3A_2669 : f32 to vector<100x128xf32>
    %mul3A_2671 = arith.mulf %mul3A_2670, %cos3A_346 : vector<100x128xf32>
    %add3A_2672 = arith.addf %add3A_2666, %mul3A_2671 : vector<100x128xf32>
    %get3A_2673 = arith.constant 14 : index
    %get3A_2674 = arith.constant 12 : index
    %get3A_2675 = memref.load %arg6[%get3A_2673, %get3A_2674] : memref<16x23xf32, #tpu.memory_space<smem>>
    %mul3A_2676 = vector.broadcast %get3A_2675 : f32 to vector<100x128xf32>
    %mul3A_2677 = arith.mulf %mul3A_2676, %cos3A_353 : vector<100x128xf32>
    %add3A_2678 = arith.addf %add3A_2672, %mul3A_2677 : vector<100x128xf32>
    %get3A_2679 = arith.constant 14 : index
    %get3A_2680 = arith.constant 13 : index
    %get3A_2681 = memref.load %arg6[%get3A_2679, %get3A_2680] : memref<16x23xf32, #tpu.memory_space<smem>>
    %mul3A_2682 = vector.broadcast %get3A_2681 : f32 to vector<100x128xf32>
    %mul3A_2683 = arith.mulf %mul3A_2682, %cos3A_360 : vector<100x128xf32>
    %add3A_2684 = arith.addf %add3A_2678, %mul3A_2683 : vector<100x128xf32>
    %get3A_2685 = arith.constant 14 : index
    %get3A_2686 = arith.constant 14 : index
    %get3A_2687 = memref.load %arg6[%get3A_2685, %get3A_2686] : memref<16x23xf32, #tpu.memory_space<smem>>
    %mul3A_2688 = vector.broadcast %get3A_2687 : f32 to vector<100x128xf32>
    %mul3A_2689 = arith.mulf %mul3A_2688, %cos3A_367 : vector<100x128xf32>
    %add3A_2690 = arith.addf %add3A_2684, %mul3A_2689 : vector<100x128xf32>
    %get3A_2691 = arith.constant 14 : index
    %get3A_2692 = arith.constant 15 : index
    %get3A_2693 = memref.load %arg6[%get3A_2691, %get3A_2692] : memref<16x23xf32, #tpu.memory_space<smem>>
    %mul3A_2694 = vector.broadcast %get3A_2693 : f32 to vector<100x128xf32>
    %mul3A_2695 = arith.mulf %mul3A_2694, %cos3A_374 : vector<100x128xf32>
    %add3A_2696 = arith.addf %add3A_2690, %mul3A_2695 : vector<100x128xf32>
    %get3A_2697 = arith.constant 14 : index
    %get3A_2698 = arith.constant 16 : index
    %get3A_2699 = memref.load %arg6[%get3A_2697, %get3A_2698] : memref<16x23xf32, #tpu.memory_space<smem>>
    %mul3A_2700 = vector.broadcast %get3A_2699 : f32 to vector<100x128xf32>
    %mul3A_2701 = arith.mulf %mul3A_2700, %mul3A_126 : vector<100x128xf32>
    %add3A_2702 = arith.addf %add3A_2696, %mul3A_2701 : vector<100x128xf32>
    %get3A_2703 = arith.constant 14 : index
    %get3A_2704 = arith.constant 17 : index
    %get3A_2705 = memref.load %arg6[%get3A_2703, %get3A_2704] : memref<16x23xf32, #tpu.memory_space<smem>>
    %mul3A_2706 = vector.broadcast %get3A_2705 : f32 to vector<100x128xf32>
    %mul3A_2707 = arith.mulf %mul3A_2706, %mul3A_127 : vector<100x128xf32>
    %add3A_2708 = arith.addf %add3A_2702, %mul3A_2707 : vector<100x128xf32>
    %get3A_2709 = arith.constant 14 : index
    %get3A_2710 = arith.constant 18 : index
    %get3A_2711 = memref.load %arg6[%get3A_2709, %get3A_2710] : memref<16x23xf32, #tpu.memory_space<smem>>
    %mul3A_2712 = vector.broadcast %get3A_2711 : f32 to vector<100x128xf32>
    %mul3A_2713 = arith.mulf %mul3A_2712, %mul3A_128 : vector<100x128xf32>
    %add3A_2714 = arith.addf %add3A_2708, %mul3A_2713 : vector<100x128xf32>
    %get3A_2715 = arith.constant 14 : index
    %get3A_2716 = arith.constant 19 : index
    %get3A_2717 = memref.load %arg6[%get3A_2715, %get3A_2716] : memref<16x23xf32, #tpu.memory_space<smem>>
    %mul3A_2718 = vector.broadcast %get3A_2717 : f32 to vector<100x128xf32>
    %mul3A_2719 = arith.mulf %mul3A_2718, %mul3A_272 : vector<100x128xf32>
    %add3A_2720 = arith.addf %add3A_2714, %mul3A_2719 : vector<100x128xf32>
    %get3A_2721 = arith.constant 14 : index
    %get3A_2722 = arith.constant 20 : index
    %get3A_2723 = memref.load %arg6[%get3A_2721, %get3A_2722] : memref<16x23xf32, #tpu.memory_space<smem>>
    %mul3A_2724 = vector.broadcast %get3A_2723 : f32 to vector<100x128xf32>
    %mul3A_2725 = arith.mulf %mul3A_2724, %mul3A_273 : vector<100x128xf32>
    %add3A_2726 = arith.addf %add3A_2720, %mul3A_2725 : vector<100x128xf32>
    %get3A_2727 = arith.constant 14 : index
    %get3A_2728 = arith.constant 21 : index
    %get3A_2729 = memref.load %arg6[%get3A_2727, %get3A_2728] : memref<16x23xf32, #tpu.memory_space<smem>>
    %mul3A_2730 = vector.broadcast %get3A_2729 : f32 to vector<100x128xf32>
    %mul3A_2731 = arith.mulf %mul3A_2730, %mul3A_274 : vector<100x128xf32>
    %add3A_2732 = arith.addf %add3A_2726, %mul3A_2731 : vector<100x128xf32>
    %get3A_2733 = arith.constant 14 : index
    %get3A_2734 = arith.constant 22 : index
    %get3A_2735 = memref.load %arg6[%get3A_2733, %get3A_2734] : memref<16x23xf32, #tpu.memory_space<smem>>
    %mul3A_2736 = vector.broadcast %get3A_2735 : f32 to vector<100x128xf32>
    %mul3A_2737 = arith.mulf %mul3A_2736, %mul3A_275 : vector<100x128xf32>
    %add3A_2738 = arith.addf %add3A_2732, %mul3A_2737 : vector<100x128xf32>
    %swap3A_2739 = arith.constant 0 : index
    %swap3A_2740 = arith.constant 14 : index
    %swap3A_2741 = arith.constant 0 : index
    %swap3A_2742 = arith.constant 0 : index
    %swap3A_2743 = vector.load %arg8[%swap3A_2739, %swap3A_2740, %swap3A_2741, %swap3A_2742] : memref<1x16x100x128xf32, #tpu.memory_space<vmem>>, vector<1x1x100x128xf32>
    %swap3A_2744 = vector.shape_cast %swap3A_2743 : vector<1x1x100x128xf32> to vector<100x128xf32>
    %swap3A_2745 = vector.shape_cast %add3A_2738 : vector<100x128xf32> to vector<1x1x100x128xf32>
    tpu.vector_store %arg8[%swap3A_2739, %swap3A_2740, %swap3A_2741, %swap3A_2742], %swap3A_2745 {strides = array<i32>} : memref<1x16x100x128xf32, #tpu.memory_space<vmem>>, vector<1x1x100x128xf32>,
    %get3A_2746 = arith.constant 14 : index
    %get3A_2747 = arith.constant 0 : index
    %get3A_2748 = vector.load %arg9[%get3A_2746, %get3A_2747] : memref<16x128xf32, #tpu.memory_space<vmem>>, vector<1x128xf32>
    %mul3A_2749 = arith.mulf %add3A_2738, %add3A_2738 : vector<100x128xf32>
    %reduce_sum3A_2750 = arith.constant dense<0.000000e+00> : vector<128xf32>
    %reduce_sum3A_2751 = vector.multi_reduction <add>, %mul3A_2749, %reduce_sum3A_2750 [0] : vector<100x128xf32> to vector<128xf32>
    %broadcast_in_dim3A_2752 = vector.shape_cast %reduce_sum3A_2751 : vector<128xf32> to vector<1x128xf32>
    %add3A_2753 = arith.addf %get3A_2748, %broadcast_in_dim3A_2752 : vector<1x128xf32>
    %swap3A_2754 = arith.constant 14 : index
    %swap3A_2755 = arith.constant 0 : index
    %swap3A_2756 = vector.load %arg9[%swap3A_2754, %swap3A_2755] : memref<16x128xf32, #tpu.memory_space<vmem>>, vector<1x128xf32>
    tpu.vector_store %arg9[%swap3A_2754, %swap3A_2755], %add3A_2753 {strides = array<i32>} : memref<16x128xf32, #tpu.memory_space<vmem>>, vector<1x128xf32>,
    %get3A_2757 = arith.constant 15 : index
    %get3A_2758 = memref.load %arg7[%get3A_2757] : memref<16xf32, #tpu.memory_space<smem>>
    %broadcast_in_dim3A_2759 = vector.broadcast %get3A_2758 : f32 to vector<100x128xf32>
    %get3A_2760 = arith.constant 15 : index
    %get3A_2761 = arith.constant 0 : index
    %get3A_2762 = memref.load %arg6[%get3A_2760, %get3A_2761] : memref<16x23xf32, #tpu.memory_space<smem>>
    %mul3A_2763 = vector.broadcast %get3A_2762 : f32 to vector<100x128xf32>
    %mul3A_2764 = arith.mulf %mul3A_2763, %sin3A : vector<100x128xf32>
    %add3A_2765 = arith.addf %broadcast_in_dim3A_2759, %mul3A_2764 : vector<100x128xf32>
    %get3A_2766 = arith.constant 15 : index
    %get3A_2767 = arith.constant 1 : index
    %get3A_2768 = memref.load %arg6[%get3A_2766, %get3A_2767] : memref<16x23xf32, #tpu.memory_space<smem>>
    %mul3A_2769 = vector.broadcast %get3A_2768 : f32 to vector<100x128xf32>
    %mul3A_2770 = arith.mulf %mul3A_2769, %sin3A_331 : vector<100x128xf32>
    %add3A_2771 = arith.addf %add3A_2765, %mul3A_2770 : vector<100x128xf32>
    %get3A_2772 = arith.constant 15 : index
    %get3A_2773 = arith.constant 2 : index
    %get3A_2774 = memref.load %arg6[%get3A_2772, %get3A_2773] : memref<16x23xf32, #tpu.memory_space<smem>>
    %mul3A_2775 = vector.broadcast %get3A_2774 : f32 to vector<100x128xf32>
    %mul3A_2776 = arith.mulf %mul3A_2775, %sin3A_338 : vector<100x128xf32>
    %add3A_2777 = arith.addf %add3A_2771, %mul3A_2776 : vector<100x128xf32>
    %get3A_2778 = arith.constant 15 : index
    %get3A_2779 = arith.constant 3 : index
    %get3A_2780 = memref.load %arg6[%get3A_2778, %get3A_2779] : memref<16x23xf32, #tpu.memory_space<smem>>
    %mul3A_2781 = vector.broadcast %get3A_2780 : f32 to vector<100x128xf32>
    %mul3A_2782 = arith.mulf %mul3A_2781, %sin3A_345 : vector<100x128xf32>
    %add3A_2783 = arith.addf %add3A_2777, %mul3A_2782 : vector<100x128xf32>
    %get3A_2784 = arith.constant 15 : index
    %get3A_2785 = arith.constant 4 : index
    %get3A_2786 = memref.load %arg6[%get3A_2784, %get3A_2785] : memref<16x23xf32, #tpu.memory_space<smem>>
    %mul3A_2787 = vector.broadcast %get3A_2786 : f32 to vector<100x128xf32>
    %mul3A_2788 = arith.mulf %mul3A_2787, %sin3A_352 : vector<100x128xf32>
    %add3A_2789 = arith.addf %add3A_2783, %mul3A_2788 : vector<100x128xf32>
    %get3A_2790 = arith.constant 15 : index
    %get3A_2791 = arith.constant 5 : index
    %get3A_2792 = memref.load %arg6[%get3A_2790, %get3A_2791] : memref<16x23xf32, #tpu.memory_space<smem>>
    %mul3A_2793 = vector.broadcast %get3A_2792 : f32 to vector<100x128xf32>
    %mul3A_2794 = arith.mulf %mul3A_2793, %sin3A_359 : vector<100x128xf32>
    %add3A_2795 = arith.addf %add3A_2789, %mul3A_2794 : vector<100x128xf32>
    %get3A_2796 = arith.constant 15 : index
    %get3A_2797 = arith.constant 6 : index
    %get3A_2798 = memref.load %arg6[%get3A_2796, %get3A_2797] : memref<16x23xf32, #tpu.memory_space<smem>>
    %mul3A_2799 = vector.broadcast %get3A_2798 : f32 to vector<100x128xf32>
    %mul3A_2800 = arith.mulf %mul3A_2799, %sin3A_366 : vector<100x128xf32>
    %add3A_2801 = arith.addf %add3A_2795, %mul3A_2800 : vector<100x128xf32>
    %get3A_2802 = arith.constant 15 : index
    %get3A_2803 = arith.constant 7 : index
    %get3A_2804 = memref.load %arg6[%get3A_2802, %get3A_2803] : memref<16x23xf32, #tpu.memory_space<smem>>
    %mul3A_2805 = vector.broadcast %get3A_2804 : f32 to vector<100x128xf32>
    %mul3A_2806 = arith.mulf %mul3A_2805, %sin3A_373 : vector<100x128xf32>
    %add3A_2807 = arith.addf %add3A_2801, %mul3A_2806 : vector<100x128xf32>
    %get3A_2808 = arith.constant 15 : index
    %get3A_2809 = arith.constant 8 : index
    %get3A_2810 = memref.load %arg6[%get3A_2808, %get3A_2809] : memref<16x23xf32, #tpu.memory_space<smem>>
    %mul3A_2811 = vector.broadcast %get3A_2810 : f32 to vector<100x128xf32>
    %mul3A_2812 = arith.mulf %mul3A_2811, %cos3A : vector<100x128xf32>
    %add3A_2813 = arith.addf %add3A_2807, %mul3A_2812 : vector<100x128xf32>
    %get3A_2814 = arith.constant 15 : index
    %get3A_2815 = arith.constant 9 : index
    %get3A_2816 = memref.load %arg6[%get3A_2814, %get3A_2815] : memref<16x23xf32, #tpu.memory_space<smem>>
    %mul3A_2817 = vector.broadcast %get3A_2816 : f32 to vector<100x128xf32>
    %mul3A_2818 = arith.mulf %mul3A_2817, %cos3A_332 : vector<100x128xf32>
    %add3A_2819 = arith.addf %add3A_2813, %mul3A_2818 : vector<100x128xf32>
    %get3A_2820 = arith.constant 15 : index
    %get3A_2821 = arith.constant 10 : index
    %get3A_2822 = memref.load %arg6[%get3A_2820, %get3A_2821] : memref<16x23xf32, #tpu.memory_space<smem>>
    %mul3A_2823 = vector.broadcast %get3A_2822 : f32 to vector<100x128xf32>
    %mul3A_2824 = arith.mulf %mul3A_2823, %cos3A_339 : vector<100x128xf32>
    %add3A_2825 = arith.addf %add3A_2819, %mul3A_2824 : vector<100x128xf32>
    %get3A_2826 = arith.constant 15 : index
    %get3A_2827 = arith.constant 11 : index
    %get3A_2828 = memref.load %arg6[%get3A_2826, %get3A_2827] : memref<16x23xf32, #tpu.memory_space<smem>>
    %mul3A_2829 = vector.broadcast %get3A_2828 : f32 to vector<100x128xf32>
    %mul3A_2830 = arith.mulf %mul3A_2829, %cos3A_346 : vector<100x128xf32>
    %add3A_2831 = arith.addf %add3A_2825, %mul3A_2830 : vector<100x128xf32>
    %get3A_2832 = arith.constant 15 : index
    %get3A_2833 = arith.constant 12 : index
    %get3A_2834 = memref.load %arg6[%get3A_2832, %get3A_2833] : memref<16x23xf32, #tpu.memory_space<smem>>
    %mul3A_2835 = vector.broadcast %get3A_2834 : f32 to vector<100x128xf32>
    %mul3A_2836 = arith.mulf %mul3A_2835, %cos3A_353 : vector<100x128xf32>
    %add3A_2837 = arith.addf %add3A_2831, %mul3A_2836 : vector<100x128xf32>
    %get3A_2838 = arith.constant 15 : index
    %get3A_2839 = arith.constant 13 : index
    %get3A_2840 = memref.load %arg6[%get3A_2838, %get3A_2839] : memref<16x23xf32, #tpu.memory_space<smem>>
    %mul3A_2841 = vector.broadcast %get3A_2840 : f32 to vector<100x128xf32>
    %mul3A_2842 = arith.mulf %mul3A_2841, %cos3A_360 : vector<100x128xf32>
    %add3A_2843 = arith.addf %add3A_2837, %mul3A_2842 : vector<100x128xf32>
    %get3A_2844 = arith.constant 15 : index
    %get3A_2845 = arith.constant 14 : index
    %get3A_2846 = memref.load %arg6[%get3A_2844, %get3A_2845] : memref<16x23xf32, #tpu.memory_space<smem>>
    %mul3A_2847 = vector.broadcast %get3A_2846 : f32 to vector<100x128xf32>
    %mul3A_2848 = arith.mulf %mul3A_2847, %cos3A_367 : vector<100x128xf32>
    %add3A_2849 = arith.addf %add3A_2843, %mul3A_2848 : vector<100x128xf32>
    %get3A_2850 = arith.constant 15 : index
    %get3A_2851 = arith.constant 15 : index
    %get3A_2852 = memref.load %arg6[%get3A_2850, %get3A_2851] : memref<16x23xf32, #tpu.memory_space<smem>>
    %mul3A_2853 = vector.broadcast %get3A_2852 : f32 to vector<100x128xf32>
    %mul3A_2854 = arith.mulf %mul3A_2853, %cos3A_374 : vector<100x128xf32>
    %add3A_2855 = arith.addf %add3A_2849, %mul3A_2854 : vector<100x128xf32>
    %get3A_2856 = arith.constant 15 : index
    %get3A_2857 = arith.constant 16 : index
    %get3A_2858 = memref.load %arg6[%get3A_2856, %get3A_2857] : memref<16x23xf32, #tpu.memory_space<smem>>
    %mul3A_2859 = vector.broadcast %get3A_2858 : f32 to vector<100x128xf32>
    %mul3A_2860 = arith.mulf %mul3A_2859, %mul3A_126 : vector<100x128xf32>
    %add3A_2861 = arith.addf %add3A_2855, %mul3A_2860 : vector<100x128xf32>
    %get3A_2862 = arith.constant 15 : index
    %get3A_2863 = arith.constant 17 : index
    %get3A_2864 = memref.load %arg6[%get3A_2862, %get3A_2863] : memref<16x23xf32, #tpu.memory_space<smem>>
    %mul3A_2865 = vector.broadcast %get3A_2864 : f32 to vector<100x128xf32>
    %mul3A_2866 = arith.mulf %mul3A_2865, %mul3A_127 : vector<100x128xf32>
    %add3A_2867 = arith.addf %add3A_2861, %mul3A_2866 : vector<100x128xf32>
    %get3A_2868 = arith.constant 15 : index
    %get3A_2869 = arith.constant 18 : index
    %get3A_2870 = memref.load %arg6[%get3A_2868, %get3A_2869] : memref<16x23xf32, #tpu.memory_space<smem>>
    %mul3A_2871 = vector.broadcast %get3A_2870 : f32 to vector<100x128xf32>
    %mul3A_2872 = arith.mulf %mul3A_2871, %mul3A_128 : vector<100x128xf32>
    %add3A_2873 = arith.addf %add3A_2867, %mul3A_2872 : vector<100x128xf32>
    %get3A_2874 = arith.constant 15 : index
    %get3A_2875 = arith.constant 19 : index
    %get3A_2876 = memref.load %arg6[%get3A_2874, %get3A_2875] : memref<16x23xf32, #tpu.memory_space<smem>>
    %mul3A_2877 = vector.broadcast %get3A_2876 : f32 to vector<100x128xf32>
    %mul3A_2878 = arith.mulf %mul3A_2877, %mul3A_272 : vector<100x128xf32>
    %add3A_2879 = arith.addf %add3A_2873, %mul3A_2878 : vector<100x128xf32>
    %get3A_2880 = arith.constant 15 : index
    %get3A_2881 = arith.constant 20 : index
    %get3A_2882 = memref.load %arg6[%get3A_2880, %get3A_2881] : memref<16x23xf32, #tpu.memory_space<smem>>
    %mul3A_2883 = vector.broadcast %get3A_2882 : f32 to vector<100x128xf32>
    %mul3A_2884 = arith.mulf %mul3A_2883, %mul3A_273 : vector<100x128xf32>
    %add3A_2885 = arith.addf %add3A_2879, %mul3A_2884 : vector<100x128xf32>
    %get3A_2886 = arith.constant 15 : index
    %get3A_2887 = arith.constant 21 : index
    %get3A_2888 = memref.load %arg6[%get3A_2886, %get3A_2887] : memref<16x23xf32, #tpu.memory_space<smem>>
    %mul3A_2889 = vector.broadcast %get3A_2888 : f32 to vector<100x128xf32>
    %mul3A_2890 = arith.mulf %mul3A_2889, %mul3A_274 : vector<100x128xf32>
    %add3A_2891 = arith.addf %add3A_2885, %mul3A_2890 : vector<100x128xf32>
    %get3A_2892 = arith.constant 15 : index
    %get3A_2893 = arith.constant 22 : index
    %get3A_2894 = memref.load %arg6[%get3A_2892, %get3A_2893] : memref<16x23xf32, #tpu.memory_space<smem>>
    %mul3A_2895 = vector.broadcast %get3A_2894 : f32 to vector<100x128xf32>
    %mul3A_2896 = arith.mulf %mul3A_2895, %mul3A_275 : vector<100x128xf32>
    %add3A_2897 = arith.addf %add3A_2891, %mul3A_2896 : vector<100x128xf32>
    %swap3A_2898 = arith.constant 0 : index
    %swap3A_2899 = arith.constant 15 : index
    %swap3A_2900 = arith.constant 0 : index
    %swap3A_2901 = arith.constant 0 : index
    %swap3A_2902 = vector.load %arg8[%swap3A_2898, %swap3A_2899, %swap3A_2900, %swap3A_2901] : memref<1x16x100x128xf32, #tpu.memory_space<vmem>>, vector<1x1x100x128xf32>
    %swap3A_2903 = vector.shape_cast %swap3A_2902 : vector<1x1x100x128xf32> to vector<100x128xf32>
    %swap3A_2904 = vector.shape_cast %add3A_2897 : vector<100x128xf32> to vector<1x1x100x128xf32>
    tpu.vector_store %arg8[%swap3A_2898, %swap3A_2899, %swap3A_2900, %swap3A_2901], %swap3A_2904 {strides = array<i32>} : memref<1x16x100x128xf32, #tpu.memory_space<vmem>>, vector<1x1x100x128xf32>,
    %get3A_2905 = arith.constant 15 : index
    %get3A_2906 = arith.constant 0 : index
    %get3A_2907 = vector.load %arg9[%get3A_2905, %get3A_2906] : memref<16x128xf32, #tpu.memory_space<vmem>>, vector<1x128xf32>
    %mul3A_2908 = arith.mulf %add3A_2897, %add3A_2897 : vector<100x128xf32>
    %reduce_sum3A_2909 = arith.constant dense<0.000000e+00> : vector<128xf32>
    %reduce_sum3A_2910 = vector.multi_reduction <add>, %mul3A_2908, %reduce_sum3A_2909 [0] : vector<100x128xf32> to vector<128xf32>
    %broadcast_in_dim3A_2911 = vector.shape_cast %reduce_sum3A_2910 : vector<128xf32> to vector<1x128xf32>
    %add3A_2912 = arith.addf %get3A_2907, %broadcast_in_dim3A_2911 : vector<1x128xf32>
    %swap3A_2913 = arith.constant 15 : index
    %swap3A_2914 = arith.constant 0 : index
    %swap3A_2915 = vector.load %arg9[%swap3A_2913, %swap3A_2914] : memref<16x128xf32, #tpu.memory_space<vmem>>, vector<1x128xf32>
    tpu.vector_store %arg9[%swap3A_2913, %swap3A_2914], %add3A_2912 {strides = array<i32>} : memref<16x128xf32, #tpu.memory_space<vmem>>, vector<1x128xf32>,
    return
  }
  func.func @transform_0(%arg0: i32) -> (i32, i32, i32, i32) {
    %c0_i32 = arith.constant 0 : i32
    %c0_i32_0 = arith.constant 0 : i32
    %c0_i32_1 = arith.constant 0 : i32
    %c0_i32_2 = arith.constant 0 : i32
    return %arg0, %c0_i32, %c0_i32_0, %c0_i32_1 : i32, i32, i32, i32
  }
  func.func @transform_1(%arg0: i32) -> (i32, i32, i32, i32) {
    %c0_i32 = arith.constant 0 : i32
    %c0_i32_0 = arith.constant 0 : i32
    %c0_i32_1 = arith.constant 0 : i32
    %c0_i32_2 = arith.constant 0 : i32
    return %arg0, %c0_i32, %c0_i32_0, %c0_i32_1 : i32, i32, i32, i32
  }
  func.func @transform_2(%arg0: i32) -> (i32, i32, i32) {
    %c0_i32 = arith.constant 0 : i32
    %c0_i32_0 = arith.constant 0 : i32
    %c0_i32_1 = arith.constant 0 : i32
    return %arg0, %c0_i32, %c0_i32_0 : i32, i32, i32
  }
  func.func @transform_3(%arg0: i32) -> i32 {
    %c0_i32 = arith.constant 0 : i32
    %c0_i32_0 = arith.constant 0 : i32
    return %c0_i32 : i32
  }
  func.func @transform_4(%arg0: i32) -> i32 {
    %c0_i32 = arith.constant 0 : i32
    %c0_i32_0 = arith.constant 0 : i32
    return %c0_i32 : i32
  }
  func.func @transform_5(%arg0: i32) -> (i32, i32) {
    %c0_i32 = arith.constant 0 : i32
    %c0_i32_0 = arith.constant 0 : i32
    %c0_i32_1 = arith.constant 0 : i32
    return %c0_i32, %c0_i32_0 : i32, i32
  }
  func.func @transform_6(%arg0: i32) -> i32 {
    %c0_i32 = arith.constant 0 : i32
    %c0_i32_0 = arith.constant 0 : i32
    return %c0_i32 : i32
  }
  func.func @transform_7(%arg0: i32) -> (i32, i32, i32, i32) {
    %c0_i32 = arith.constant 0 : i32
    %c0_i32_0 = arith.constant 0 : i32
    %c0_i32_1 = arith.constant 0 : i32
    %c0_i32_2 = arith.constant 0 : i32
    return %arg0, %c0_i32, %c0_i32_0, %c0_i32_1 : i32, i32, i32, i32
  }
  func.func @transform_8(%arg0: i32) -> (i32, i32) {
    %c0_i32 = arith.constant 0 : i32
    %c0_i32_0 = arith.constant 0 : i32
    %c0_i32_1 = arith.constant 0 : i32
    return %c0_i32, %c0_i32_0 : i32, i32
  }
}

module attributes {stable_mosaic.version = 14 : i64} {
  func.func @_k4_body(%arg0: i32, %arg1: memref<1x16x100x128xf32, #tpu.memory_space<vmem>>, %arg2: memref<16x128xf32, #tpu.memory_space<vmem>>, %arg3: memref<1x16x100x128xf32, #tpu.memory_space<vmem>>) attributes {dimension_semantics = [#tpu.dimension_semantics<arbitrary>], iteration_bounds = array<i64: 25>, scalar_prefetch = 0 : i64, scratch_operands = 0 : i64, tpu.core_type = #tpu.core_type<tc>, window_params = [{transform_indices = @transform_0, window_bounds = array<i64: 1, 16, 100, 128>}, {pipeline_mode = #tpu.pipeline_mode<synchronous>, transform_indices = @transform_1, window_bounds = array<i64: 16, 128>}, {transform_indices = @transform_2, window_bounds = array<i64: 1, 16, 100, 128>}]} {
    %get3A = arith.constant 0 : index
    %get3A_0 = arith.constant 0 : index
    %get3A_1 = vector.load %arg2[%get3A, %get3A_0] : memref<16x128xf32, #tpu.memory_space<vmem>>, vector<16x128xf32>
    %slice3A = vector.extract_strided_slice %get3A_1 {offsets = [0, 0], sizes = [16, 32], strides = [1, 1]} : vector<16x128xf32> to vector<16x32xf32>
    %slice3A_2 = vector.extract_strided_slice %get3A_1 {offsets = [0, 32], sizes = [16, 32], strides = [1, 1]} : vector<16x128xf32> to vector<16x32xf32>
    %add3A = arith.addf %slice3A, %slice3A_2 : vector<16x32xf32>
    %slice3A_3 = vector.extract_strided_slice %get3A_1 {offsets = [0, 64], sizes = [16, 32], strides = [1, 1]} : vector<16x128xf32> to vector<16x32xf32>
    %add3A_4 = arith.addf %add3A, %slice3A_3 : vector<16x32xf32>
    %slice3A_5 = vector.extract_strided_slice %get3A_1 {offsets = [0, 96], sizes = [16, 32], strides = [1, 1]} : vector<16x128xf32> to vector<16x32xf32>
    %add3A_6 = arith.addf %add3A_4, %slice3A_5 : vector<16x32xf32>
    %add3A_7 = arith.constant 1.000000e-24 : f32
    %add3A_8 = vector.broadcast %add3A_7 : f32 to vector<16x32xf32>
    %add3A_9 = arith.addf %add3A_6, %add3A_8 : vector<16x32xf32>
    %sqrt3A = math.sqrt %add3A_9 : vector<16x32xf32>
    %max3A = arith.constant 9.99999996E-13 : f32
    %max3A_10 = vector.broadcast %max3A : f32 to vector<16x32xf32>
    %max3A_11 = arith.maximumf %sqrt3A, %max3A_10 : vector<16x32xf32>
    %div3A = arith.constant 1.000000e+00 : f32
    %div3A_12 = vector.broadcast %div3A : f32 to vector<16x32xf32>
    %div3A_13 = arith.divf %div3A_12, %max3A_11 : vector<16x32xf32>
    %concatenate3A = tpu.concatenate %div3A_13, %div3A_13, %div3A_13, %div3A_13 in 1 : vector<16x32xf32>, vector<16x32xf32>, vector<16x32xf32>, vector<16x32xf32> -> vector<16x128xf32>
    %get3A_14 = arith.constant 0 : index
    %get3A_15 = arith.constant 0 : index
    %get3A_16 = arith.constant 0 : index
    %get3A_17 = arith.constant 0 : index
    %get3A_18 = vector.load %arg1[%get3A_14, %get3A_15, %get3A_16, %get3A_17] : memref<1x16x100x128xf32, #tpu.memory_space<vmem>>, vector<1x1x100x128xf32>
    %get3A_19 = vector.shape_cast %get3A_18 : vector<1x1x100x128xf32> to vector<100x128xf32>
    %slice3A_20 = vector.extract_strided_slice %concatenate3A {offsets = [0, 0], sizes = [1, 128], strides = [1, 1]} : vector<16x128xf32> to vector<1x128xf32>
    %broadcast_in_dim3A = vector.shape_cast %slice3A_20 : vector<1x128xf32> to vector<1x128xf32>
    %broadcast_in_dim3A_21 = vector.broadcast %broadcast_in_dim3A : vector<1x128xf32> to vector<100x128xf32>
    %mul3A = arith.mulf %get3A_19, %broadcast_in_dim3A_21 : vector<100x128xf32>
    %swap3A = arith.constant 0 : index
    %swap3A_22 = arith.constant 0 : index
    %swap3A_23 = arith.constant 0 : index
    %swap3A_24 = arith.constant 0 : index
    %swap3A_25 = vector.load %arg3[%swap3A, %swap3A_22, %swap3A_23, %swap3A_24] : memref<1x16x100x128xf32, #tpu.memory_space<vmem>>, vector<1x1x100x128xf32>
    %swap3A_26 = vector.shape_cast %swap3A_25 : vector<1x1x100x128xf32> to vector<100x128xf32>
    %swap3A_27 = vector.shape_cast %mul3A : vector<100x128xf32> to vector<1x1x100x128xf32>
    tpu.vector_store %arg3[%swap3A, %swap3A_22, %swap3A_23, %swap3A_24], %swap3A_27 {strides = array<i32>} : memref<1x16x100x128xf32, #tpu.memory_space<vmem>>, vector<1x1x100x128xf32>,
    %get3A_28 = arith.constant 0 : index
    %get3A_29 = arith.constant 1 : index
    %get3A_30 = arith.constant 0 : index
    %get3A_31 = arith.constant 0 : index
    %get3A_32 = vector.load %arg1[%get3A_28, %get3A_29, %get3A_30, %get3A_31] : memref<1x16x100x128xf32, #tpu.memory_space<vmem>>, vector<1x1x100x128xf32>
    %get3A_33 = vector.shape_cast %get3A_32 : vector<1x1x100x128xf32> to vector<100x128xf32>
    %slice3A_34 = vector.extract_strided_slice %concatenate3A {offsets = [1, 0], sizes = [1, 128], strides = [1, 1]} : vector<16x128xf32> to vector<1x128xf32>
    %broadcast_in_dim3A_35 = vector.shape_cast %slice3A_34 : vector<1x128xf32> to vector<1x128xf32>
    %broadcast_in_dim3A_36 = vector.broadcast %broadcast_in_dim3A_35 : vector<1x128xf32> to vector<100x128xf32>
    %mul3A_37 = arith.mulf %get3A_33, %broadcast_in_dim3A_36 : vector<100x128xf32>
    %swap3A_38 = arith.constant 0 : index
    %swap3A_39 = arith.constant 1 : index
    %swap3A_40 = arith.constant 0 : index
    %swap3A_41 = arith.constant 0 : index
    %swap3A_42 = vector.load %arg3[%swap3A_38, %swap3A_39, %swap3A_40, %swap3A_41] : memref<1x16x100x128xf32, #tpu.memory_space<vmem>>, vector<1x1x100x128xf32>
    %swap3A_43 = vector.shape_cast %swap3A_42 : vector<1x1x100x128xf32> to vector<100x128xf32>
    %swap3A_44 = vector.shape_cast %mul3A_37 : vector<100x128xf32> to vector<1x1x100x128xf32>
    tpu.vector_store %arg3[%swap3A_38, %swap3A_39, %swap3A_40, %swap3A_41], %swap3A_44 {strides = array<i32>} : memref<1x16x100x128xf32, #tpu.memory_space<vmem>>, vector<1x1x100x128xf32>,
    %get3A_45 = arith.constant 0 : index
    %get3A_46 = arith.constant 2 : index
    %get3A_47 = arith.constant 0 : index
    %get3A_48 = arith.constant 0 : index
    %get3A_49 = vector.load %arg1[%get3A_45, %get3A_46, %get3A_47, %get3A_48] : memref<1x16x100x128xf32, #tpu.memory_space<vmem>>, vector<1x1x100x128xf32>
    %get3A_50 = vector.shape_cast %get3A_49 : vector<1x1x100x128xf32> to vector<100x128xf32>
    %slice3A_51 = vector.extract_strided_slice %concatenate3A {offsets = [2, 0], sizes = [1, 128], strides = [1, 1]} : vector<16x128xf32> to vector<1x128xf32>
    %broadcast_in_dim3A_52 = vector.shape_cast %slice3A_51 : vector<1x128xf32> to vector<1x128xf32>
    %broadcast_in_dim3A_53 = vector.broadcast %broadcast_in_dim3A_52 : vector<1x128xf32> to vector<100x128xf32>
    %mul3A_54 = arith.mulf %get3A_50, %broadcast_in_dim3A_53 : vector<100x128xf32>
    %swap3A_55 = arith.constant 0 : index
    %swap3A_56 = arith.constant 2 : index
    %swap3A_57 = arith.constant 0 : index
    %swap3A_58 = arith.constant 0 : index
    %swap3A_59 = vector.load %arg3[%swap3A_55, %swap3A_56, %swap3A_57, %swap3A_58] : memref<1x16x100x128xf32, #tpu.memory_space<vmem>>, vector<1x1x100x128xf32>
    %swap3A_60 = vector.shape_cast %swap3A_59 : vector<1x1x100x128xf32> to vector<100x128xf32>
    %swap3A_61 = vector.shape_cast %mul3A_54 : vector<100x128xf32> to vector<1x1x100x128xf32>
    tpu.vector_store %arg3[%swap3A_55, %swap3A_56, %swap3A_57, %swap3A_58], %swap3A_61 {strides = array<i32>} : memref<1x16x100x128xf32, #tpu.memory_space<vmem>>, vector<1x1x100x128xf32>,
    %get3A_62 = arith.constant 0 : index
    %get3A_63 = arith.constant 3 : index
    %get3A_64 = arith.constant 0 : index
    %get3A_65 = arith.constant 0 : index
    %get3A_66 = vector.load %arg1[%get3A_62, %get3A_63, %get3A_64, %get3A_65] : memref<1x16x100x128xf32, #tpu.memory_space<vmem>>, vector<1x1x100x128xf32>
    %get3A_67 = vector.shape_cast %get3A_66 : vector<1x1x100x128xf32> to vector<100x128xf32>
    %slice3A_68 = vector.extract_strided_slice %concatenate3A {offsets = [3, 0], sizes = [1, 128], strides = [1, 1]} : vector<16x128xf32> to vector<1x128xf32>
    %broadcast_in_dim3A_69 = vector.shape_cast %slice3A_68 : vector<1x128xf32> to vector<1x128xf32>
    %broadcast_in_dim3A_70 = vector.broadcast %broadcast_in_dim3A_69 : vector<1x128xf32> to vector<100x128xf32>
    %mul3A_71 = arith.mulf %get3A_67, %broadcast_in_dim3A_70 : vector<100x128xf32>
    %swap3A_72 = arith.constant 0 : index
    %swap3A_73 = arith.constant 3 : index
    %swap3A_74 = arith.constant 0 : index
    %swap3A_75 = arith.constant 0 : index
    %swap3A_76 = vector.load %arg3[%swap3A_72, %swap3A_73, %swap3A_74, %swap3A_75] : memref<1x16x100x128xf32, #tpu.memory_space<vmem>>, vector<1x1x100x128xf32>
    %swap3A_77 = vector.shape_cast %swap3A_76 : vector<1x1x100x128xf32> to vector<100x128xf32>
    %swap3A_78 = vector.shape_cast %mul3A_71 : vector<100x128xf32> to vector<1x1x100x128xf32>
    tpu.vector_store %arg3[%swap3A_72, %swap3A_73, %swap3A_74, %swap3A_75], %swap3A_78 {strides = array<i32>} : memref<1x16x100x128xf32, #tpu.memory_space<vmem>>, vector<1x1x100x128xf32>,
    %get3A_79 = arith.constant 0 : index
    %get3A_80 = arith.constant 4 : index
    %get3A_81 = arith.constant 0 : index
    %get3A_82 = arith.constant 0 : index
    %get3A_83 = vector.load %arg1[%get3A_79, %get3A_80, %get3A_81, %get3A_82] : memref<1x16x100x128xf32, #tpu.memory_space<vmem>>, vector<1x1x100x128xf32>
    %get3A_84 = vector.shape_cast %get3A_83 : vector<1x1x100x128xf32> to vector<100x128xf32>
    %slice3A_85 = vector.extract_strided_slice %concatenate3A {offsets = [4, 0], sizes = [1, 128], strides = [1, 1]} : vector<16x128xf32> to vector<1x128xf32>
    %broadcast_in_dim3A_86 = vector.shape_cast %slice3A_85 : vector<1x128xf32> to vector<1x128xf32>
    %broadcast_in_dim3A_87 = vector.broadcast %broadcast_in_dim3A_86 : vector<1x128xf32> to vector<100x128xf32>
    %mul3A_88 = arith.mulf %get3A_84, %broadcast_in_dim3A_87 : vector<100x128xf32>
    %swap3A_89 = arith.constant 0 : index
    %swap3A_90 = arith.constant 4 : index
    %swap3A_91 = arith.constant 0 : index
    %swap3A_92 = arith.constant 0 : index
    %swap3A_93 = vector.load %arg3[%swap3A_89, %swap3A_90, %swap3A_91, %swap3A_92] : memref<1x16x100x128xf32, #tpu.memory_space<vmem>>, vector<1x1x100x128xf32>
    %swap3A_94 = vector.shape_cast %swap3A_93 : vector<1x1x100x128xf32> to vector<100x128xf32>
    %swap3A_95 = vector.shape_cast %mul3A_88 : vector<100x128xf32> to vector<1x1x100x128xf32>
    tpu.vector_store %arg3[%swap3A_89, %swap3A_90, %swap3A_91, %swap3A_92], %swap3A_95 {strides = array<i32>} : memref<1x16x100x128xf32, #tpu.memory_space<vmem>>, vector<1x1x100x128xf32>,
    %get3A_96 = arith.constant 0 : index
    %get3A_97 = arith.constant 5 : index
    %get3A_98 = arith.constant 0 : index
    %get3A_99 = arith.constant 0 : index
    %get3A_100 = vector.load %arg1[%get3A_96, %get3A_97, %get3A_98, %get3A_99] : memref<1x16x100x128xf32, #tpu.memory_space<vmem>>, vector<1x1x100x128xf32>
    %get3A_101 = vector.shape_cast %get3A_100 : vector<1x1x100x128xf32> to vector<100x128xf32>
    %slice3A_102 = vector.extract_strided_slice %concatenate3A {offsets = [5, 0], sizes = [1, 128], strides = [1, 1]} : vector<16x128xf32> to vector<1x128xf32>
    %broadcast_in_dim3A_103 = vector.shape_cast %slice3A_102 : vector<1x128xf32> to vector<1x128xf32>
    %broadcast_in_dim3A_104 = vector.broadcast %broadcast_in_dim3A_103 : vector<1x128xf32> to vector<100x128xf32>
    %mul3A_105 = arith.mulf %get3A_101, %broadcast_in_dim3A_104 : vector<100x128xf32>
    %swap3A_106 = arith.constant 0 : index
    %swap3A_107 = arith.constant 5 : index
    %swap3A_108 = arith.constant 0 : index
    %swap3A_109 = arith.constant 0 : index
    %swap3A_110 = vector.load %arg3[%swap3A_106, %swap3A_107, %swap3A_108, %swap3A_109] : memref<1x16x100x128xf32, #tpu.memory_space<vmem>>, vector<1x1x100x128xf32>
    %swap3A_111 = vector.shape_cast %swap3A_110 : vector<1x1x100x128xf32> to vector<100x128xf32>
    %swap3A_112 = vector.shape_cast %mul3A_105 : vector<100x128xf32> to vector<1x1x100x128xf32>
    tpu.vector_store %arg3[%swap3A_106, %swap3A_107, %swap3A_108, %swap3A_109], %swap3A_112 {strides = array<i32>} : memref<1x16x100x128xf32, #tpu.memory_space<vmem>>, vector<1x1x100x128xf32>,
    %get3A_113 = arith.constant 0 : index
    %get3A_114 = arith.constant 6 : index
    %get3A_115 = arith.constant 0 : index
    %get3A_116 = arith.constant 0 : index
    %get3A_117 = vector.load %arg1[%get3A_113, %get3A_114, %get3A_115, %get3A_116] : memref<1x16x100x128xf32, #tpu.memory_space<vmem>>, vector<1x1x100x128xf32>
    %get3A_118 = vector.shape_cast %get3A_117 : vector<1x1x100x128xf32> to vector<100x128xf32>
    %slice3A_119 = vector.extract_strided_slice %concatenate3A {offsets = [6, 0], sizes = [1, 128], strides = [1, 1]} : vector<16x128xf32> to vector<1x128xf32>
    %broadcast_in_dim3A_120 = vector.shape_cast %slice3A_119 : vector<1x128xf32> to vector<1x128xf32>
    %broadcast_in_dim3A_121 = vector.broadcast %broadcast_in_dim3A_120 : vector<1x128xf32> to vector<100x128xf32>
    %mul3A_122 = arith.mulf %get3A_118, %broadcast_in_dim3A_121 : vector<100x128xf32>
    %swap3A_123 = arith.constant 0 : index
    %swap3A_124 = arith.constant 6 : index
    %swap3A_125 = arith.constant 0 : index
    %swap3A_126 = arith.constant 0 : index
    %swap3A_127 = vector.load %arg3[%swap3A_123, %swap3A_124, %swap3A_125, %swap3A_126] : memref<1x16x100x128xf32, #tpu.memory_space<vmem>>, vector<1x1x100x128xf32>
    %swap3A_128 = vector.shape_cast %swap3A_127 : vector<1x1x100x128xf32> to vector<100x128xf32>
    %swap3A_129 = vector.shape_cast %mul3A_122 : vector<100x128xf32> to vector<1x1x100x128xf32>
    tpu.vector_store %arg3[%swap3A_123, %swap3A_124, %swap3A_125, %swap3A_126], %swap3A_129 {strides = array<i32>} : memref<1x16x100x128xf32, #tpu.memory_space<vmem>>, vector<1x1x100x128xf32>,
    %get3A_130 = arith.constant 0 : index
    %get3A_131 = arith.constant 7 : index
    %get3A_132 = arith.constant 0 : index
    %get3A_133 = arith.constant 0 : index
    %get3A_134 = vector.load %arg1[%get3A_130, %get3A_131, %get3A_132, %get3A_133] : memref<1x16x100x128xf32, #tpu.memory_space<vmem>>, vector<1x1x100x128xf32>
    %get3A_135 = vector.shape_cast %get3A_134 : vector<1x1x100x128xf32> to vector<100x128xf32>
    %slice3A_136 = vector.extract_strided_slice %concatenate3A {offsets = [7, 0], sizes = [1, 128], strides = [1, 1]} : vector<16x128xf32> to vector<1x128xf32>
    %broadcast_in_dim3A_137 = vector.shape_cast %slice3A_136 : vector<1x128xf32> to vector<1x128xf32>
    %broadcast_in_dim3A_138 = vector.broadcast %broadcast_in_dim3A_137 : vector<1x128xf32> to vector<100x128xf32>
    %mul3A_139 = arith.mulf %get3A_135, %broadcast_in_dim3A_138 : vector<100x128xf32>
    %swap3A_140 = arith.constant 0 : index
    %swap3A_141 = arith.constant 7 : index
    %swap3A_142 = arith.constant 0 : index
    %swap3A_143 = arith.constant 0 : index
    %swap3A_144 = vector.load %arg3[%swap3A_140, %swap3A_141, %swap3A_142, %swap3A_143] : memref<1x16x100x128xf32, #tpu.memory_space<vmem>>, vector<1x1x100x128xf32>
    %swap3A_145 = vector.shape_cast %swap3A_144 : vector<1x1x100x128xf32> to vector<100x128xf32>
    %swap3A_146 = vector.shape_cast %mul3A_139 : vector<100x128xf32> to vector<1x1x100x128xf32>
    tpu.vector_store %arg3[%swap3A_140, %swap3A_141, %swap3A_142, %swap3A_143], %swap3A_146 {strides = array<i32>} : memref<1x16x100x128xf32, #tpu.memory_space<vmem>>, vector<1x1x100x128xf32>,
    %get3A_147 = arith.constant 0 : index
    %get3A_148 = arith.constant 8 : index
    %get3A_149 = arith.constant 0 : index
    %get3A_150 = arith.constant 0 : index
    %get3A_151 = vector.load %arg1[%get3A_147, %get3A_148, %get3A_149, %get3A_150] : memref<1x16x100x128xf32, #tpu.memory_space<vmem>>, vector<1x1x100x128xf32>
    %get3A_152 = vector.shape_cast %get3A_151 : vector<1x1x100x128xf32> to vector<100x128xf32>
    %slice3A_153 = vector.extract_strided_slice %concatenate3A {offsets = [8, 0], sizes = [1, 128], strides = [1, 1]} : vector<16x128xf32> to vector<1x128xf32>
    %broadcast_in_dim3A_154 = vector.shape_cast %slice3A_153 : vector<1x128xf32> to vector<1x128xf32>
    %broadcast_in_dim3A_155 = vector.broadcast %broadcast_in_dim3A_154 : vector<1x128xf32> to vector<100x128xf32>
    %mul3A_156 = arith.mulf %get3A_152, %broadcast_in_dim3A_155 : vector<100x128xf32>
    %swap3A_157 = arith.constant 0 : index
    %swap3A_158 = arith.constant 8 : index
    %swap3A_159 = arith.constant 0 : index
    %swap3A_160 = arith.constant 0 : index
    %swap3A_161 = vector.load %arg3[%swap3A_157, %swap3A_158, %swap3A_159, %swap3A_160] : memref<1x16x100x128xf32, #tpu.memory_space<vmem>>, vector<1x1x100x128xf32>
    %swap3A_162 = vector.shape_cast %swap3A_161 : vector<1x1x100x128xf32> to vector<100x128xf32>
    %swap3A_163 = vector.shape_cast %mul3A_156 : vector<100x128xf32> to vector<1x1x100x128xf32>
    tpu.vector_store %arg3[%swap3A_157, %swap3A_158, %swap3A_159, %swap3A_160], %swap3A_163 {strides = array<i32>} : memref<1x16x100x128xf32, #tpu.memory_space<vmem>>, vector<1x1x100x128xf32>,
    %get3A_164 = arith.constant 0 : index
    %get3A_165 = arith.constant 9 : index
    %get3A_166 = arith.constant 0 : index
    %get3A_167 = arith.constant 0 : index
    %get3A_168 = vector.load %arg1[%get3A_164, %get3A_165, %get3A_166, %get3A_167] : memref<1x16x100x128xf32, #tpu.memory_space<vmem>>, vector<1x1x100x128xf32>
    %get3A_169 = vector.shape_cast %get3A_168 : vector<1x1x100x128xf32> to vector<100x128xf32>
    %slice3A_170 = vector.extract_strided_slice %concatenate3A {offsets = [9, 0], sizes = [1, 128], strides = [1, 1]} : vector<16x128xf32> to vector<1x128xf32>
    %broadcast_in_dim3A_171 = vector.shape_cast %slice3A_170 : vector<1x128xf32> to vector<1x128xf32>
    %broadcast_in_dim3A_172 = vector.broadcast %broadcast_in_dim3A_171 : vector<1x128xf32> to vector<100x128xf32>
    %mul3A_173 = arith.mulf %get3A_169, %broadcast_in_dim3A_172 : vector<100x128xf32>
    %swap3A_174 = arith.constant 0 : index
    %swap3A_175 = arith.constant 9 : index
    %swap3A_176 = arith.constant 0 : index
    %swap3A_177 = arith.constant 0 : index
    %swap3A_178 = vector.load %arg3[%swap3A_174, %swap3A_175, %swap3A_176, %swap3A_177] : memref<1x16x100x128xf32, #tpu.memory_space<vmem>>, vector<1x1x100x128xf32>
    %swap3A_179 = vector.shape_cast %swap3A_178 : vector<1x1x100x128xf32> to vector<100x128xf32>
    %swap3A_180 = vector.shape_cast %mul3A_173 : vector<100x128xf32> to vector<1x1x100x128xf32>
    tpu.vector_store %arg3[%swap3A_174, %swap3A_175, %swap3A_176, %swap3A_177], %swap3A_180 {strides = array<i32>} : memref<1x16x100x128xf32, #tpu.memory_space<vmem>>, vector<1x1x100x128xf32>,
    %get3A_181 = arith.constant 0 : index
    %get3A_182 = arith.constant 10 : index
    %get3A_183 = arith.constant 0 : index
    %get3A_184 = arith.constant 0 : index
    %get3A_185 = vector.load %arg1[%get3A_181, %get3A_182, %get3A_183, %get3A_184] : memref<1x16x100x128xf32, #tpu.memory_space<vmem>>, vector<1x1x100x128xf32>
    %get3A_186 = vector.shape_cast %get3A_185 : vector<1x1x100x128xf32> to vector<100x128xf32>
    %slice3A_187 = vector.extract_strided_slice %concatenate3A {offsets = [10, 0], sizes = [1, 128], strides = [1, 1]} : vector<16x128xf32> to vector<1x128xf32>
    %broadcast_in_dim3A_188 = vector.shape_cast %slice3A_187 : vector<1x128xf32> to vector<1x128xf32>
    %broadcast_in_dim3A_189 = vector.broadcast %broadcast_in_dim3A_188 : vector<1x128xf32> to vector<100x128xf32>
    %mul3A_190 = arith.mulf %get3A_186, %broadcast_in_dim3A_189 : vector<100x128xf32>
    %swap3A_191 = arith.constant 0 : index
    %swap3A_192 = arith.constant 10 : index
    %swap3A_193 = arith.constant 0 : index
    %swap3A_194 = arith.constant 0 : index
    %swap3A_195 = vector.load %arg3[%swap3A_191, %swap3A_192, %swap3A_193, %swap3A_194] : memref<1x16x100x128xf32, #tpu.memory_space<vmem>>, vector<1x1x100x128xf32>
    %swap3A_196 = vector.shape_cast %swap3A_195 : vector<1x1x100x128xf32> to vector<100x128xf32>
    %swap3A_197 = vector.shape_cast %mul3A_190 : vector<100x128xf32> to vector<1x1x100x128xf32>
    tpu.vector_store %arg3[%swap3A_191, %swap3A_192, %swap3A_193, %swap3A_194], %swap3A_197 {strides = array<i32>} : memref<1x16x100x128xf32, #tpu.memory_space<vmem>>, vector<1x1x100x128xf32>,
    %get3A_198 = arith.constant 0 : index
    %get3A_199 = arith.constant 11 : index
    %get3A_200 = arith.constant 0 : index
    %get3A_201 = arith.constant 0 : index
    %get3A_202 = vector.load %arg1[%get3A_198, %get3A_199, %get3A_200, %get3A_201] : memref<1x16x100x128xf32, #tpu.memory_space<vmem>>, vector<1x1x100x128xf32>
    %get3A_203 = vector.shape_cast %get3A_202 : vector<1x1x100x128xf32> to vector<100x128xf32>
    %slice3A_204 = vector.extract_strided_slice %concatenate3A {offsets = [11, 0], sizes = [1, 128], strides = [1, 1]} : vector<16x128xf32> to vector<1x128xf32>
    %broadcast_in_dim3A_205 = vector.shape_cast %slice3A_204 : vector<1x128xf32> to vector<1x128xf32>
    %broadcast_in_dim3A_206 = vector.broadcast %broadcast_in_dim3A_205 : vector<1x128xf32> to vector<100x128xf32>
    %mul3A_207 = arith.mulf %get3A_203, %broadcast_in_dim3A_206 : vector<100x128xf32>
    %swap3A_208 = arith.constant 0 : index
    %swap3A_209 = arith.constant 11 : index
    %swap3A_210 = arith.constant 0 : index
    %swap3A_211 = arith.constant 0 : index
    %swap3A_212 = vector.load %arg3[%swap3A_208, %swap3A_209, %swap3A_210, %swap3A_211] : memref<1x16x100x128xf32, #tpu.memory_space<vmem>>, vector<1x1x100x128xf32>
    %swap3A_213 = vector.shape_cast %swap3A_212 : vector<1x1x100x128xf32> to vector<100x128xf32>
    %swap3A_214 = vector.shape_cast %mul3A_207 : vector<100x128xf32> to vector<1x1x100x128xf32>
    tpu.vector_store %arg3[%swap3A_208, %swap3A_209, %swap3A_210, %swap3A_211], %swap3A_214 {strides = array<i32>} : memref<1x16x100x128xf32, #tpu.memory_space<vmem>>, vector<1x1x100x128xf32>,
    %get3A_215 = arith.constant 0 : index
    %get3A_216 = arith.constant 12 : index
    %get3A_217 = arith.constant 0 : index
    %get3A_218 = arith.constant 0 : index
    %get3A_219 = vector.load %arg1[%get3A_215, %get3A_216, %get3A_217, %get3A_218] : memref<1x16x100x128xf32, #tpu.memory_space<vmem>>, vector<1x1x100x128xf32>
    %get3A_220 = vector.shape_cast %get3A_219 : vector<1x1x100x128xf32> to vector<100x128xf32>
    %slice3A_221 = vector.extract_strided_slice %concatenate3A {offsets = [12, 0], sizes = [1, 128], strides = [1, 1]} : vector<16x128xf32> to vector<1x128xf32>
    %broadcast_in_dim3A_222 = vector.shape_cast %slice3A_221 : vector<1x128xf32> to vector<1x128xf32>
    %broadcast_in_dim3A_223 = vector.broadcast %broadcast_in_dim3A_222 : vector<1x128xf32> to vector<100x128xf32>
    %mul3A_224 = arith.mulf %get3A_220, %broadcast_in_dim3A_223 : vector<100x128xf32>
    %swap3A_225 = arith.constant 0 : index
    %swap3A_226 = arith.constant 12 : index
    %swap3A_227 = arith.constant 0 : index
    %swap3A_228 = arith.constant 0 : index
    %swap3A_229 = vector.load %arg3[%swap3A_225, %swap3A_226, %swap3A_227, %swap3A_228] : memref<1x16x100x128xf32, #tpu.memory_space<vmem>>, vector<1x1x100x128xf32>
    %swap3A_230 = vector.shape_cast %swap3A_229 : vector<1x1x100x128xf32> to vector<100x128xf32>
    %swap3A_231 = vector.shape_cast %mul3A_224 : vector<100x128xf32> to vector<1x1x100x128xf32>
    tpu.vector_store %arg3[%swap3A_225, %swap3A_226, %swap3A_227, %swap3A_228], %swap3A_231 {strides = array<i32>} : memref<1x16x100x128xf32, #tpu.memory_space<vmem>>, vector<1x1x100x128xf32>,
    %get3A_232 = arith.constant 0 : index
    %get3A_233 = arith.constant 13 : index
    %get3A_234 = arith.constant 0 : index
    %get3A_235 = arith.constant 0 : index
    %get3A_236 = vector.load %arg1[%get3A_232, %get3A_233, %get3A_234, %get3A_235] : memref<1x16x100x128xf32, #tpu.memory_space<vmem>>, vector<1x1x100x128xf32>
    %get3A_237 = vector.shape_cast %get3A_236 : vector<1x1x100x128xf32> to vector<100x128xf32>
    %slice3A_238 = vector.extract_strided_slice %concatenate3A {offsets = [13, 0], sizes = [1, 128], strides = [1, 1]} : vector<16x128xf32> to vector<1x128xf32>
    %broadcast_in_dim3A_239 = vector.shape_cast %slice3A_238 : vector<1x128xf32> to vector<1x128xf32>
    %broadcast_in_dim3A_240 = vector.broadcast %broadcast_in_dim3A_239 : vector<1x128xf32> to vector<100x128xf32>
    %mul3A_241 = arith.mulf %get3A_237, %broadcast_in_dim3A_240 : vector<100x128xf32>
    %swap3A_242 = arith.constant 0 : index
    %swap3A_243 = arith.constant 13 : index
    %swap3A_244 = arith.constant 0 : index
    %swap3A_245 = arith.constant 0 : index
    %swap3A_246 = vector.load %arg3[%swap3A_242, %swap3A_243, %swap3A_244, %swap3A_245] : memref<1x16x100x128xf32, #tpu.memory_space<vmem>>, vector<1x1x100x128xf32>
    %swap3A_247 = vector.shape_cast %swap3A_246 : vector<1x1x100x128xf32> to vector<100x128xf32>
    %swap3A_248 = vector.shape_cast %mul3A_241 : vector<100x128xf32> to vector<1x1x100x128xf32>
    tpu.vector_store %arg3[%swap3A_242, %swap3A_243, %swap3A_244, %swap3A_245], %swap3A_248 {strides = array<i32>} : memref<1x16x100x128xf32, #tpu.memory_space<vmem>>, vector<1x1x100x128xf32>,
    %get3A_249 = arith.constant 0 : index
    %get3A_250 = arith.constant 14 : index
    %get3A_251 = arith.constant 0 : index
    %get3A_252 = arith.constant 0 : index
    %get3A_253 = vector.load %arg1[%get3A_249, %get3A_250, %get3A_251, %get3A_252] : memref<1x16x100x128xf32, #tpu.memory_space<vmem>>, vector<1x1x100x128xf32>
    %get3A_254 = vector.shape_cast %get3A_253 : vector<1x1x100x128xf32> to vector<100x128xf32>
    %slice3A_255 = vector.extract_strided_slice %concatenate3A {offsets = [14, 0], sizes = [1, 128], strides = [1, 1]} : vector<16x128xf32> to vector<1x128xf32>
    %broadcast_in_dim3A_256 = vector.shape_cast %slice3A_255 : vector<1x128xf32> to vector<1x128xf32>
    %broadcast_in_dim3A_257 = vector.broadcast %broadcast_in_dim3A_256 : vector<1x128xf32> to vector<100x128xf32>
    %mul3A_258 = arith.mulf %get3A_254, %broadcast_in_dim3A_257 : vector<100x128xf32>
    %swap3A_259 = arith.constant 0 : index
    %swap3A_260 = arith.constant 14 : index
    %swap3A_261 = arith.constant 0 : index
    %swap3A_262 = arith.constant 0 : index
    %swap3A_263 = vector.load %arg3[%swap3A_259, %swap3A_260, %swap3A_261, %swap3A_262] : memref<1x16x100x128xf32, #tpu.memory_space<vmem>>, vector<1x1x100x128xf32>
    %swap3A_264 = vector.shape_cast %swap3A_263 : vector<1x1x100x128xf32> to vector<100x128xf32>
    %swap3A_265 = vector.shape_cast %mul3A_258 : vector<100x128xf32> to vector<1x1x100x128xf32>
    tpu.vector_store %arg3[%swap3A_259, %swap3A_260, %swap3A_261, %swap3A_262], %swap3A_265 {strides = array<i32>} : memref<1x16x100x128xf32, #tpu.memory_space<vmem>>, vector<1x1x100x128xf32>,
    %get3A_266 = arith.constant 0 : index
    %get3A_267 = arith.constant 15 : index
    %get3A_268 = arith.constant 0 : index
    %get3A_269 = arith.constant 0 : index
    %get3A_270 = vector.load %arg1[%get3A_266, %get3A_267, %get3A_268, %get3A_269] : memref<1x16x100x128xf32, #tpu.memory_space<vmem>>, vector<1x1x100x128xf32>
    %get3A_271 = vector.shape_cast %get3A_270 : vector<1x1x100x128xf32> to vector<100x128xf32>
    %slice3A_272 = vector.extract_strided_slice %concatenate3A {offsets = [15, 0], sizes = [1, 128], strides = [1, 1]} : vector<16x128xf32> to vector<1x128xf32>
    %broadcast_in_dim3A_273 = vector.shape_cast %slice3A_272 : vector<1x128xf32> to vector<1x128xf32>
    %broadcast_in_dim3A_274 = vector.broadcast %broadcast_in_dim3A_273 : vector<1x128xf32> to vector<100x128xf32>
    %mul3A_275 = arith.mulf %get3A_271, %broadcast_in_dim3A_274 : vector<100x128xf32>
    %swap3A_276 = arith.constant 0 : index
    %swap3A_277 = arith.constant 15 : index
    %swap3A_278 = arith.constant 0 : index
    %swap3A_279 = arith.constant 0 : index
    %swap3A_280 = vector.load %arg3[%swap3A_276, %swap3A_277, %swap3A_278, %swap3A_279] : memref<1x16x100x128xf32, #tpu.memory_space<vmem>>, vector<1x1x100x128xf32>
    %swap3A_281 = vector.shape_cast %swap3A_280 : vector<1x1x100x128xf32> to vector<100x128xf32>
    %swap3A_282 = vector.shape_cast %mul3A_275 : vector<100x128xf32> to vector<1x1x100x128xf32>
    tpu.vector_store %arg3[%swap3A_276, %swap3A_277, %swap3A_278, %swap3A_279], %swap3A_282 {strides = array<i32>} : memref<1x16x100x128xf32, #tpu.memory_space<vmem>>, vector<1x1x100x128xf32>,
    return
  }
  func.func @transform_0(%arg0: i32) -> (i32, i32, i32, i32) {
    %c0_i32 = arith.constant 0 : i32
    %c0_i32_0 = arith.constant 0 : i32
    %c0_i32_1 = arith.constant 0 : i32
    %c0_i32_2 = arith.constant 0 : i32
    return %arg0, %c0_i32, %c0_i32_0, %c0_i32_1 : i32, i32, i32, i32
  }
  func.func @transform_1(%arg0: i32) -> (i32, i32) {
    %c0_i32 = arith.constant 0 : i32
    %c0_i32_0 = arith.constant 0 : i32
    %c0_i32_1 = arith.constant 0 : i32
    return %c0_i32, %c0_i32_0 : i32, i32
  }
  func.func @transform_2(%arg0: i32) -> (i32, i32, i32, i32) {
    %c0_i32 = arith.constant 0 : i32
    %c0_i32_0 = arith.constant 0 : i32
    %c0_i32_1 = arith.constant 0 : i32
    %c0_i32_2 = arith.constant 0 : i32
    return %arg0, %c0_i32, %c0_i32_0, %c0_i32_1 : i32, i32, i32, i32
  }
}

</mosaic_0001>

<sc_bundles>
// kernel: kernel.6.cloned.1.call-start
scs
__scs_entry_jumppad:
0x0: {  	(pc) =	sbr.rel $0x88, $3  }
0x1: {  	(tag) =	ssettag $0x0;
	lr =	simm.s32 $0x1  }
0x2: {  	[smem:$0x3F9B] =	sst lr;
	_ =	strace $0xD0000000  }
0x3: {  	_ = 	snop  }
0x4: {  	_ = 	snop  }
0x5: {  	_ = 	snop  }
0x6: {  	_ = 	snop  }
0x7: {  	_ = 	snop  }
__scs_overlays_trampoline_lowered:
0x8: {  	[smem:$0x3FAA] =	sst s0  }
0x9: {  	[smem:$0x3FAB] =	sst s1  }
0xa: {  	[smem:$0x3FAC] =	sst s2  }
0xb: {  	[smem:$0x3FAD] =	sst s3  }
0xc: {  	[smem:$0x3FAE] =	sst s4  }
0xd: {  	[smem:$0x3FAF] =	sst s5  }
0xe: {  	[smem:$0x3FB0] =	sst s6  }
0xf: {  	[smem:$0x3FB1] =	sst s7  }
0x10: {  	[smem:$0x3FB2] =	sst s8  }
0x11: {  	[smem:$0x3FB3] =	sst s9;
	s0 =	simm.s32 @!p0 $0x0  }
0x12: {  	s1 =	sld [smem:$0x3F99];
	s0 =	simm.s32 @p0 $0x1  }
0x13: {  	[smem:$0x3FB4] =	sst s0;
	s0 =	simm.s32 @!p1 $0x0  }
0x14: {  	s2 =	sld [smem:$0x3F98];
	s0 =	simm.s32 @p1 $0x1  }
0x15: {  	[smem:$0x3FB5] =	sst s0;
	s0 =	simm.s32 @!p2 $0x0  }
0x16: {  	s3 =	sld [smem:$0x3FDB];
	s0 =	simm.s32 @p2 $0x1  }
0x17: {  	s4 =	simm.s32 $0x1BF5;
	[smem:$0x3FB7] =	sst s0  }
0x18: {  	s0 =	sld [smem:$0x3F9A];
	_ =	swait.ge [sflag:s4], $0x0  }
0x19: {  	s7 =	sld [smem:$0x3F9B]  }
0x1a: {  	s8 =	sadd.s32 $0xFFFFE003, lr  }
0x1b: {  	s9 =	sadd.s32 $0xFFFFFEF7, lr;
	s5 =	simm.s32 $0xFFFFFFFF;
	p2 =	slt.u32 s8, $0xFFFFF086  }
0x1c: {  	p1 =	slt.u32 s9, $0xF7A;
	s5 =	simm.s32 @!p2 $0x0  }
0x1d: {  	s5 =	simm.s32 @p1 $0x1;
	p0 =	seq.s32 s7, s2  }
0x1e: {  	s7 =	smul.u32 @!p0 $0xF7A, s2;
	p2 =	seq.s32 @!p0 s5, $0x0  }
0x1f: {  	s9 =	smul.u32 $0xF7A, s1;
	s8 =	simm.s32 @!p0 $0x1BF5;
	p2 =	por !p2, p0  }
0x20: {  	[sflag:s8] =	ssyncset.s32 @!p0 $0xFFFFF086;
	s6 =	sadd.s32 @!p0 s3, s7;
	s7 =	simm.s32 @!p0 $0x108  }
0x21: {  	s3 =	sadd.s32 s3, s9;
	s6 =	sadd.s32 @!p0 $0x88, s6;
	s7 =	simm.s32 @p2 $0x1082  }
0x22: {  	[simem:s7], [sflag:s8] =	dma.local @!p0 [hbm:s6], $0xF7A  }
0x23: {  	s9 =	sor.u32 $0xD0000000, s2;
	s6 =	simm.s32 $0x108;
	_ =	swait.ge @!p0 [sflag:s8], $0x0  }
0x24: {  	s3 =	sadd.s32 $0x88, s3;
	s6 =	simm.s32 @!p1 $0x1082;
	[sflag:s4] =	ssyncset.s32 $0xFFFFF086  }
0x25: {  	[simem:s6], [sflag:s4] =	dma.local [hbm:s3], $0xF7A  }
0x26: {  	[smem:$0x3F9B] =	sst s1;
	(tag) =	ssettag s2;
	_ =	strace s9  }
0x27: {  	s1 =	sld [smem:$0x3FAB]  }
0x28: {  	s2 =	sld [smem:$0x3FAC]  }
0x29: {  	s4 =	sld [smem:$0x3FAE]  }
0x2a: {  	p0 =	seq.s32 s5, $0x0;
	s5 =	sld [smem:$0x3FAF]  }
0x2b: {  	s6 =	sld [smem:$0x3FB0]  }
0x2c: {  	s7 =	sld [smem:$0x3FB1]  }
0x2d: {  	s3 =	simm.s32 $0x108;
	s8 =	sld [smem:$0x3FB2]  }
0x2e: {  	s3 =	simm.s32 @!p0 $0x1082;
	s9 =	sld [smem:$0x3FB3]  }
0x2f: {  	lr =	sadd.s32 s0, s3;
	s0 =	sld [smem:$0x3FAA]  }
0x30: {  	s3 =	sld [smem:$0x3FAD]  }
0x31: {  	[smem:$0x3FB6] =	sst s10  }
0x32: {  	s10 =	sld [smem:$0x3FB4];
	_ =	sdelay $0x3  }
0x33: {  	p0 =	seq.s32 s10, $0x1;
	s10 =	sld [smem:$0x3FB6];
	_ =	sdelay $0x3  }
0x34: {  	[smem:$0x3FB6] =	sst s10  }
0x35: {  	s10 =	sld [smem:$0x3FB5];
	_ =	sdelay $0x3  }
0x36: {  	p1 =	seq.s32 s10, $0x1;
	s10 =	sld [smem:$0x3FB6];
	_ =	sdelay $0x3  }
0x37: {  	[smem:$0x3FB6] =	sst s10  }
0x38: {  	s10 =	sld [smem:$0x3FB7]  }
0x39: {  	_ = 	snop;
	(pc) =	sbr.ind lr, $3  }
0x3a: {  	_ = 	snop  }
0x3b: {  	_ = 	snop  }
0x3c: {  	p2 =	seq.s32 s10, $0x1;
	s10 =	sld [smem:$0x3FB6]  }
0x3d: {  	_ =	shalt  }
0x3e: {  	_ =	shalt  }
0x3f: {  	_ =	shalt  }
0x40: {  	_ =	shalt  }
0x41: {  	_ =	shalt  }
0x42: {  	_ =	shalt  }
0x43: {  	_ =	shalt  }
0x44: {  	_ =	shalt  }
0x45: {  	_ =	shalt  }
0x46: {  	_ =	shalt  }
0x47: {  	_ =	shalt  }
0x48: {  	_ =	shalt  }
0x49: {  	_ =	shalt  }
0x4a: {  	_ =	shalt  }
0x4b: {  	_ =	shalt  }
0x4c: {  	_ =	shalt  }
0x4d: {  	_ =	shalt  }
0x4e: {  	_ =	shalt  }
0x4f: {  	_ =	shalt  }
0x50: {  	_ =	shalt  }
0x51: {  	_ =	shalt  }
0x52: {  	_ =	shalt  }
0x53: {  	_ =	shalt  }
0x54: {  	_ =	shalt  }
0x55: {  	_ =	shalt  }
0x56: {  	_ =	shalt  }
0x57: {  	_ =	shalt  }
0x58: {  	_ =	shalt  }
0x59: {  	_ =	shalt  }
0x5a: {  	_ =	shalt  }
0x5b: {  	_ =	shalt  }
0x5c: {  	_ =	shalt  }
0x5d: {  	_ =	shalt  }
0x5e: {  	_ =	shalt  }
0x5f: {  	_ =	shalt  }
0x60: {  	_ =	shalt  }
0x61: {  	_ =	shalt  }
0x62: {  	_ =	shalt  }
0x63: {  	_ =	shalt  }
0x64: {  	_ =	shalt  }
0x65: {  	_ =	shalt  }
0x66: {  	_ =	shalt  }
0x67: {  	_ =	shalt  }
0x68: {  	_ =	shalt  }
0x69: {  	_ =	shalt  }
0x6a: {  	_ =	shalt  }
0x6b: {  	_ =	shalt  }
0x6c: {  	_ =	shalt  }
0x6d: {  	_ =	shalt  }
0x6e: {  	_ =	shalt  }
0x6f: {  	_ =	shalt  }
0x70: {  	_ =	shalt  }
0x71: {  	_ =	shalt  }
0x72: {  	_ =	shalt  }
0x73: {  	_ =	shalt  }
0x74: {  	_ =	shalt  }
0x75: {  	_ =	shalt  }
0x76: {  	_ =	shalt  }
0x77: {  	_ =	shalt  }
0x78: {  	_ =	shalt  }
0x79: {  	_ =	shalt  }
0x7a: {  	_ =	shalt  }
0x7b: {  	_ =	shalt  }
0x7c: {  	_ =	shalt  }
0x7d: {  	_ =	shalt  }
0x7e: {  	_ =	shalt  }
0x7f: {  	_ =	shalt  }
0x80: {  	_ =	shalt  }
0x81: {  	_ =	shalt  }
0x82: {  	_ =	shalt  }
0x83: {  	_ =	shalt  }
0x84: {  	_ =	shalt  }
0x85: {  	_ =	shalt  }
0x86: {  	_ =	shalt  }
0x87: {  	_ =	shalt  }
.Lfunc_end0:
.L_simem_size_0:
called_computation_lowered:
.L_overlay_start_0:
0x88: {  	s2 =	sld [smem:$0x3FD9]  }
0x89: {  	s3 =	sld [smem:$0x3FFE];
	_ =	sdelay $0x1  }
0x8a: {  	s1 =	srdreg.scid  }
0x8b: {  	s0 =	sand.u32 $0x1, s1  }
0x8c: {  	s17 =	sshll.u32 s0, $0xA;
	s2 =	sadd.s32 s3, s2  }
0x8d: {  	s2 =	sadd.s32 s2, s17  }
0x8e: {  	[smem:$0x3FC2] =	sst s2  }
0x8f: {  	_ = 	snop  }
0x90: {  	s2 =	sld [smem:$0x3FD0];
	(tm) =	ssettm $0x1  }
0x91: {  	s18 =	sld [smem:$0x3FFB];
	_ =	sdelay $0x3  }
0x92: {  	_ =	strace s18  }
0x93: {  	s3 =	sld [smem:$0x3FFC];
	_ =	sdelay $0x3  }
0x94: {  	_ =	strace s3  }
0x95: {  	s3 =	sld [smem:$0x3FFD];
	_ =	sdelay $0x3  }
0x96: {  	_ =	strace s3  }
0x97: {  	_ =	strace $0x8FFFFFFF  }
0x98: {  	s19 =	sld [smem:$0x3FDB];
	_ =	sdelay $0x1  }
0x99: {  	s4 =	simm.s32 $_scs_section_size  }
0x9a: {  	s5 =	simm.s32 $_size__tile_overlayer_lowered;
	s6 =	simm.s32 $_tile_overlayer_lowered  }
0x9b: {  	s22 =	simm.s32 $0x1BFF;
	s21 =	sshll.u32 s6, $0x1;
	s3 =	sadd.s32 s4, s19  }
0x9c: {  	s7 =	simm.s32 $0x0;
	s20 =	sshll.u32 s5, $0x1;
	s5 =	sadd.s32 s21, s3  }
0x9d: {  	[timem:s7], [sflag:s22] =	dma.local [hbm:s5], s20  }
0x9e: {  	_ =	swait.ge [sflag:s22], s20  }
0x9f: {  	s4 =	ssub.s32 $0x0, s20;
	[sflag:s22] =	ssyncset.done $0x0  }
0xa0: {  	[sflag:s22] =	ssyncadd.s32 s4;
	_ =	sdelay $0x1  }
0xa1: {  	s23 =	simm.s32 $0x1B8B  }
0xa2: {  	_ =	swait.ge [sflag:s23], $0x1  }
0xa3: {  	[sflag:s23] =	ssyncset.done $0x0  }
0xa4: {  	s25 =	simm.s32 $0x1B8E;
	s24 =	sld [smem:$0x3FFE];
	[sflag:s23] =	ssyncadd.s32 $0xFFFFFFFF  }
0xa5: {  	s26 =	simm.s32 $execute0_lowered;
	[smem:$0x3FD2] =	sst s25  }
0xa6: {  	s5 =	sshll.u32 s26, $0x1;
	_ =	strace $0x80000046;
	[dreg:$0x1] =	wrdreg $0xFFFFFFFF  }
0xa7: {  	s28 =	simm.s32 $_size_execute0_lowered;
	s3 =	sadd.s32 s3, s5;
	[dreg:$0x0] =	wrdreg $0x0  }
0xa8: {  	s5 =	sshll.u32 s28, $0x1;
	[dreg:$0x2] =	wrdreg s3  }
0xa9: {  	[dreg:$0x3] =	wrdreg s5  }
0xaa: {  	[dreg:$0x4] =	wrdreg $0xC0  }
0xab: {  	_ =	task [dreg:s7], $0x5FFFF  }
0xac: {  	[dreg:$0x1] =	wrdreg $0xFFFFFFFF  }
0xad: {  	[dreg:$0x0] =	wrdreg $0x60  }
0xae: {  	[dreg:$0x2] =	wrdreg s24  }
0xaf: {  	[dreg:$0x3] =	wrdreg s2  }
0xb0: {  	[dreg:$0x4] =	wrdreg $0x9  }
0xb1: {  	_ =	task.clear_ibuf [dreg:s7], $0x5FFFF;
	_ =	strace $0x90000046  }
0xb2: {  	s29 =	simm.s32 $0x9;
	_ =	strace $0x80000048  }
0xb3: {  	_ =	swait.ge [sflag:s29], $0x1  }
0xb4: {  	[sflag:s29] =	ssyncadd.s32 $0xFFFFFFFF  }
0xb5: {  	_ =	strace $0x90000048  }
0xb6: {  	_ =	sfence  }
0xb7: {  	s30 =	sld [smem:$0x0];
	_ =	sdelay $0x2  }
0xb8: {  	s31 =	sshll.u32 s1, $0xD;
	s1 =	sshrl.u32 s1, $0x2  }
0xb9: {  	s3 =	sand.u32 $0x4000, s31;
	s1 =	sadd.s32 s1, s30  }
0xba: {  	s0 =	sor.u32 s3, s0;
	s1 =	sshll.u32 s1, $0x11  }
0xbb: {  	s0 =	sor.u32 s1, s0  }
0xbc: {  	s0 =	sadd.s32 $0x8F2B, s0  }
0xbd: {  	[sflag:s0] =	ssyncadd.remote.s32 $0x1  }
0xbe: {  	_ =	sfence.sel $0xFFFF  }
0xbf: {  	[dreg:$0x0] =	wrdreg $0xFFFFFFFF;
	(pc) =	sbr.abs _section_cstart, $3  }
0xc0: {  	[dreg:$0x1] =	wrdreg $0xFFFFFFFF  }
0xc1: {  	_ =	task.clear_ibuf [dreg:s7], $0x2FFFF;
	_ =	strace $0x9FFFFFFF  }
0xc2: {  	(tm) =	ssettm $0x7FFFFFFF  }
0xc3: {  	_ =	shalt  }
tec
execute0_lowered:
.L_overlay_start_1:
0x0: {  	(tag) =	ssettag $0x1  }
0x1: {  	s1 =	srdreg.scid;
	s0 =	stileid.u32  }
0x2: {  	s29 =	sand.u32 $0x1, s1;
	s0 =	sshll.u32 s0, $0x1  }
0x3: {  	s1 =	sor.u32 s29, s0  }
0x4: {  	s13 =	rddreg [dreg:$0x0];
	s28 =	smul.u32 $0x2710, s1  }
0x5: {  	s30 =	rddreg [dreg:$0x1];
	s2 =	simm.s32 $0x0  }
0x6: {  	[smem:$0x7FF] =	sst s2;
	s26 =	sadd.s32 $0x10800, s13;
	s5 =	sshrl.u32 s28, $0x3  }
0x7: {  	s3 =	simm.s32 $0x3;
	_ =	strace $0x80000047;
	s4 =	sadd.s32 s26, s5  }
0x8: {  	[tilespmem:s2], [sflag:$0x3] =	stream.linear.gather [hbm4b:s4+s2], $0x7D0, $0x38;
	[tilespmem:$0x109A0] =	vst v63  }
0x9: {  	_ =	swait.ge [sflag:s3], $0x7D0  }
0xa: {  	s31 =	sadd.s32 $0x1A00, s13;
	[sflag:s3] =	ssyncset.done $0x0  }
0xb: {  	s6 =	simm.s32 $0x7D0;
	s5 =	sadd.s32 s31, s5;
	[sflag:s3] =	ssyncadd.s32 $0xFFFFF830  }
0xc: {  	[tilespmem:s6], [sflag:$0x3] =	stream.linear.gather [hbm4b:s5+s2], $0x7D0, $0x38;
	[tilespmem:$0x109A0] =	vst v63  }
0xd: {  	_ =	swait.ge [sflag:s3], $0x7D0  }
0xe: {  	[sflag:s3] =	ssyncset.done $0x0  }
0xf: {  	s8 =	simm.s32 $0xFA0;
	s7 =	sadd.s32 $0xB800, s13;
	[sflag:s3] =	ssyncadd.s32 $0xFFFFF830  }
0x10: {  	[tilespmem:s8], [sflag:$0x1] =	stream.indirect.gather [hbm4b:s7+s6], $0x10, s2, s6, $0xb8;
	[tilespmem:$0x109A0] =	vst v63  }
0x11: {  	s9 =	simm.s32 $0x8CA0;
	s10 =	simm.s32 $0x1  }
0x12: {  	[tilespmem:s9], [sflag:$0x2] =	stream.indirect.gather [hbm4b:s7+s6], $0x10, s6, s6, $0xb8;
	[tilespmem:$0x109A0] =	vst v63  }
0x13: {  	_ =	swait.ge [sflag:s10], $0x7D00  }
0x14: {  	[sflag:s10] =	ssyncset.done $0x0  }
0x15: {  	s11 =	simm.s32 $0x2;
	[sflag:s10] =	ssyncadd.s32 $0xFFFF8300  }
0x16: {  	s14 =	smul.u32 $0x4E20, s1;
	_ =	swait.ge [sflag:s11], $0x7D00  }
0x17: {  	[sflag:s11] =	ssyncset.done $0x0  }
0x18: {  	s12 =	sadd.s32 s30, s14;
	[sflag:s11] =	ssyncadd.s32 $0xFFFF8300  }
0x19: {  	[hbm4b:s12+s2] =	stream.linear.scatter [tilespmem:s8], [sflag:$0x3], $0x7D00, $0x38;
	[tilespmem:$0x109A0] =	vst v63  }
0x1a: {  	_ =	swait.ge [sflag:s3], $0x7D00  }
0x1b: {  	s1 =	sadd.s32 $0x1A600, s13;
	[sflag:s3] =	ssyncset.done $0x0  }
0x1c: {  	s13 =	sadd.s32 s1, s14;
	[sflag:s3] =	ssyncadd.s32 $0xFFFF8300  }
0x1d: {  	[hbm4b:s13+s2] =	stream.linear.scatter [tilespmem:s9], [sflag:$0x3], $0x7D00, $0x38;
	[tilespmem:$0x109A0] =	vst v63  }
0x1e: {  	s16 =	sadd.s32 $0x7D0, s28;
	_ =	swait.ge [sflag:s3], $0x7D00  }
0x1f: {  	s15 =	sshrl.u32 s16, $0x3;
	[sflag:s3] =	ssyncset.done $0x0  }
0x20: {  	s14 =	sadd.s32 s26, s15;
	[sflag:s3] =	ssyncadd.s32 $0xFFFF8300  }
0x21: {  	[tilespmem:s2], [sflag:$0x3] =	stream.linear.gather [hbm4b:s14+s2], $0x7D0, $0x38;
	[tilespmem:$0x109A0] =	vst v63  }
0x22: {  	_ =	swait.ge [sflag:s3], $0x7D0  }
0x23: {  	[sflag:s3] =	ssyncset.done $0x0  }
0x24: {  	s15 =	sadd.s32 s31, s15;
	[sflag:s3] =	ssyncadd.s32 $0xFFFFF830  }
0x25: {  	[tilespmem:s6], [sflag:$0x3] =	stream.linear.gather [hbm4b:s15+s2], $0x7D0, $0x38;
	[tilespmem:$0x109A0] =	vst v63  }
0x26: {  	_ =	swait.ge [sflag:s3], $0x7D0  }
0x27: {  	[sflag:s3] =	ssyncset.done $0x0  }
0x28: {  	[sflag:s3] =	ssyncadd.s32 $0xFFFFF830  }
0x29: {  	[tilespmem:s8], [sflag:$0x1] =	stream.indirect.gather [hbm4b:s7+s6], $0x10, s2, s6, $0xb8;
	[tilespmem:$0x109A0] =	vst v63  }
0x2a: {  	_ = 	snop  }
0x2b: {  	[tilespmem:s9], [sflag:$0x2] =	stream.indirect.gather [hbm4b:s7+s6], $0x10, s6, s6, $0xb8;
	[tilespmem:$0x109A0] =	vst v63  }
0x2c: {  	_ =	swait.ge [sflag:s10], $0x7D00  }
0x2d: {  	[sflag:s10] =	ssyncset.done $0x0  }
0x2e: {  	[sflag:s10] =	ssyncadd.s32 $0xFFFF8300  }
0x2f: {  	_ =	swait.ge [sflag:s11], $0x7D00  }
0x30: {  	s17 =	sshll.u32 s16, $0x1;
	[sflag:s11] =	ssyncset.done $0x0  }
0x31: {  	s16 =	sadd.s32 s30, s17;
	[sflag:s11] =	ssyncadd.s32 $0xFFFF8300  }
0x32: {  	[hbm4b:s16+s2] =	stream.linear.scatter [tilespmem:s8], [sflag:$0x3], $0x7D00, $0x38;
	[tilespmem:$0x109A0] =	vst v63  }
0x33: {  	_ =	swait.ge [sflag:s3], $0x7D00  }
0x34: {  	[sflag:s3] =	ssyncset.done $0x0  }
0x35: {  	s17 =	sadd.s32 s1, s17;
	[sflag:s3] =	ssyncadd.s32 $0xFFFF8300  }
0x36: {  	[hbm4b:s17+s2] =	stream.linear.scatter [tilespmem:s9], [sflag:$0x3], $0x7D00, $0x38;
	[tilespmem:$0x109A0] =	vst v63  }
0x37: {  	s20 =	sadd.s32 $0xFA0, s28;
	_ =	swait.ge [sflag:s3], $0x7D00  }
0x38: {  	s19 =	sshrl.u32 s20, $0x3;
	[sflag:s3] =	ssyncset.done $0x0  }
0x39: {  	s18 =	sadd.s32 s26, s19;
	[sflag:s3] =	ssyncadd.s32 $0xFFFF8300  }
0x3a: {  	[tilespmem:s2], [sflag:$0x3] =	stream.linear.gather [hbm4b:s18+s2], $0x7D0, $0x38;
	[tilespmem:$0x109A0] =	vst v63  }
0x3b: {  	_ =	swait.ge [sflag:s3], $0x7D0  }
0x3c: {  	[sflag:s3] =	ssyncset.done $0x0  }
0x3d: {  	s19 =	sadd.s32 s31, s19;
	[sflag:s3] =	ssyncadd.s32 $0xFFFFF830  }
0x3e: {  	[tilespmem:s6], [sflag:$0x3] =	stream.linear.gather [hbm4b:s19+s2], $0x7D0, $0x38;
	[tilespmem:$0x109A0] =	vst v63  }
0x3f: {  	_ =	swait.ge [sflag:s3], $0x7D0  }
0x40: {  	[sflag:s3] =	ssyncset.done $0x0  }
0x41: {  	[sflag:s3] =	ssyncadd.s32 $0xFFFFF830  }
0x42: {  	[tilespmem:s8], [sflag:$0x1] =	stream.indirect.gather [hbm4b:s7+s6], $0x10, s2, s6, $0xb8;
	[tilespmem:$0x109A0] =	vst v63  }
0x43: {  	_ = 	snop  }
0x44: {  	[tilespmem:s9], [sflag:$0x2] =	stream.indirect.gather [hbm4b:s7+s6], $0x10, s6, s6, $0xb8;
	[tilespmem:$0x109A0] =	vst v63  }
0x45: {  	_ =	swait.ge [sflag:s10], $0x7D00  }
0x46: {  	[sflag:s10] =	ssyncset.done $0x0  }
0x47: {  	[sflag:s10] =	ssyncadd.s32 $0xFFFF8300  }
0x48: {  	_ =	swait.ge [sflag:s11], $0x7D00  }
0x49: {  	s21 =	sshll.u32 s20, $0x1;
	[sflag:s11] =	ssyncset.done $0x0  }
0x4a: {  	s20 =	sadd.s32 s30, s21;
	[sflag:s11] =	ssyncadd.s32 $0xFFFF8300  }
0x4b: {  	[hbm4b:s20+s2] =	stream.linear.scatter [tilespmem:s8], [sflag:$0x3], $0x7D00, $0x38;
	[tilespmem:$0x109A0] =	vst v63  }
0x4c: {  	_ =	swait.ge [sflag:s3], $0x7D00  }
0x4d: {  	[sflag:s3] =	ssyncset.done $0x0  }
0x4e: {  	s21 =	sadd.s32 s1, s21;
	[sflag:s3] =	ssyncadd.s32 $0xFFFF8300  }
0x4f: {  	[hbm4b:s21+s2] =	stream.linear.scatter [tilespmem:s9], [sflag:$0x3], $0x7D00, $0x38;
	[tilespmem:$0x109A0] =	vst v63  }
0x50: {  	s24 =	sadd.s32 $0x1770, s28;
	_ =	swait.ge [sflag:s3], $0x7D00  }
0x51: {  	s23 =	sshrl.u32 s24, $0x3;
	[sflag:s3] =	ssyncset.done $0x0  }
0x52: {  	s22 =	sadd.s32 s26, s23;
	[sflag:s3] =	ssyncadd.s32 $0xFFFF8300  }
0x53: {  	[tilespmem:s2], [sflag:$0x3] =	stream.linear.gather [hbm4b:s22+s2], $0x7D0, $0x38;
	[tilespmem:$0x109A0] =	vst v63  }
0x54: {  	_ =	swait.ge [sflag:s3], $0x7D0  }
0x55: {  	[sflag:s3] =	ssyncset.done $0x0  }
0x56: {  	s23 =	sadd.s32 s31, s23;
	[sflag:s3] =	ssyncadd.s32 $0xFFFFF830  }
0x57: {  	[tilespmem:s6], [sflag:$0x3] =	stream.linear.gather [hbm4b:s23+s2], $0x7D0, $0x38;
	[tilespmem:$0x109A0] =	vst v63  }
0x58: {  	_ =	swait.ge [sflag:s3], $0x7D0  }
0x59: {  	[sflag:s3] =	ssyncset.done $0x0  }
0x5a: {  	[sflag:s3] =	ssyncadd.s32 $0xFFFFF830  }
0x5b: {  	[tilespmem:s8], [sflag:$0x1] =	stream.indirect.gather [hbm4b:s7+s6], $0x10, s2, s6, $0xb8;
	[tilespmem:$0x109A0] =	vst v63  }
0x5c: {  	_ = 	snop  }
0x5d: {  	[tilespmem:s9], [sflag:$0x2] =	stream.indirect.gather [hbm4b:s7+s6], $0x10, s6, s6, $0xb8;
	[tilespmem:$0x109A0] =	vst v63  }
0x5e: {  	_ =	swait.ge [sflag:s10], $0x7D00  }
0x5f: {  	[sflag:s10] =	ssyncset.done $0x0  }
0x60: {  	[sflag:s10] =	ssyncadd.s32 $0xFFFF8300  }
0x61: {  	_ =	swait.ge [sflag:s11], $0x7D00  }
0x62: {  	s25 =	sshll.u32 s24, $0x1;
	[sflag:s11] =	ssyncset.done $0x0  }
0x63: {  	s24 =	sadd.s32 s30, s25;
	[sflag:s11] =	ssyncadd.s32 $0xFFFF8300  }
0x64: {  	[hbm4b:s24+s2] =	stream.linear.scatter [tilespmem:s8], [sflag:$0x3], $0x7D00, $0x38;
	[tilespmem:$0x109A0] =	vst v63  }
0x65: {  	_ =	swait.ge [sflag:s3], $0x7D00  }
0x66: {  	[sflag:s3] =	ssyncset.done $0x0  }
0x67: {  	s25 =	sadd.s32 s1, s25;
	[sflag:s3] =	ssyncadd.s32 $0xFFFF8300  }
0x68: {  	[hbm4b:s25+s2] =	stream.linear.scatter [tilespmem:s9], [sflag:$0x3], $0x7D00, $0x38;
	[tilespmem:$0x109A0] =	vst v63  }
0x69: {  	s0 =	sadd.s32 $0x1F40, s28;
	_ =	swait.ge [sflag:s3], $0x7D00  }
0x6a: {  	s28 =	sshrl.u32 s0, $0x3;
	[sflag:s3] =	ssyncset.done $0x0  }
0x6b: {  	s26 =	sadd.s32 s26, s28;
	[sflag:s3] =	ssyncadd.s32 $0xFFFF8300  }
0x6c: {  	[tilespmem:s2], [sflag:$0x3] =	stream.linear.gather [hbm4b:s26+s2], $0x7D0, $0x38;
	[tilespmem:$0x109A0] =	vst v63  }
0x6d: {  	_ =	swait.ge [sflag:s3], $0x7D0  }
0x6e: {  	[sflag:s3] =	ssyncset.done $0x0  }
0x6f: {  	s28 =	sadd.s32 s31, s28;
	[sflag:s3] =	ssyncadd.s32 $0xFFFFF830  }
0x70: {  	[tilespmem:s6], [sflag:$0x3] =	stream.linear.gather [hbm4b:s28+s2], $0x7D0, $0x38;
	[tilespmem:$0x109A0] =	vst v63  }
0x71: {  	_ =	swait.ge [sflag:s3], $0x7D0  }
0x72: {  	[sflag:s3] =	ssyncset.done $0x0  }
0x73: {  	[sflag:s3] =	ssyncadd.s32 $0xFFFFF830  }
0x74: {  	[tilespmem:s8], [sflag:$0x1] =	stream.indirect.gather [hbm4b:s7+s6], $0x10, s2, s6, $0xb8;
	[tilespmem:$0x109A0] =	vst v63  }
0x75: {  	_ = 	snop  }
0x76: {  	[tilespmem:s9], [sflag:$0x2] =	stream.indirect.gather [hbm4b:s7+s6], $0x10, s6, s6, $0xb8;
	[tilespmem:$0x109A0] =	vst v63  }
0x77: {  	_ =	swait.ge [sflag:s10], $0x7D00  }
0x78: {  	[sflag:s10] =	ssyncset.done $0x0  }
0x79: {  	s0 =	sshll.u32 s0, $0x1;
	s31 =	ssub.s32 $0x2, s29;
	[sflag:s10] =	ssyncadd.s32 $0xFFFF8300  }
0x7a: {  	s29 =	sadd.s32 s30, s0;
	s30 =	sshrl.u32 s31, $0x1;
	_ =	swait.ge [sflag:s11], $0x7D00  }
0x7b: {  	s31 =	ssub.s32 s31, s30;
	[sflag:s11] =	ssyncset.done $0x0  }
0x7c: {  	s30 =	sadd.s32 s1, s0;
	s1 =	smax.u32 s31, $0x1;
	[sflag:s11] =	ssyncadd.s32 $0xFFFF8300  }
0x7d: {  	[hbm4b:s29+s2] =	stream.linear.scatter [tilespmem:s8], [sflag:$0x3], $0x7D00, $0x38;
	[tilespmem:$0x109A0] =	vst v63  }
0x7e: {  	p0 =	sne.s32 s1, $0x1;
	_ =	swait.ge [sflag:s3], $0x7D00  }
.Ltmp0:
0x7f: {  	[sflag:s3] =	ssyncset.done $0x0;
	(pc) =	sbr.rel @!p0 .LBB2_2-.Ltmp0, $4  }
0x80: {  	[sflag:s3] =	ssyncadd.s32 $0xFFFF8300  }
0x81: {  	[hbm4b:s30+s2] =	stream.linear.scatter [tilespmem:s9], [sflag:$0x3], $0x7D00, $0x38;
	[tilespmem:$0x109A0] =	vst v63  }
0x82: {  	_ =	swait.ge [sflag:s3], $0x7D00  }
0x83: {  	s31 =	sadd.s32 $0xFFFFFFFF, s1;
	[sflag:s3] =	ssyncset.done $0x0  }
.LBB2_1:
0x84: {  	p0 =	sne.s32 s31, $0x1;
	s31 =	sadd.s32 $0xFFFFFFFF, s31;
	[sflag:s3] =	ssyncadd.s32 $0xFFFF8300  }
0x85: {  	[tilespmem:s2], [sflag:$0x3] =	stream.linear.gather [hbm4b:s4+s2], $0x7D0, $0x38;
	[tilespmem:$0x109A0] =	vst v63  }
0x86: {  	_ =	swait.ge [sflag:s3], $0x7D0  }
0x87: {  	[sflag:s3] =	ssyncset.done $0x0  }
0x88: {  	[sflag:s3] =	ssyncadd.s32 $0xFFFFF830  }
0x89: {  	[tilespmem:s6], [sflag:$0x3] =	stream.linear.gather [hbm4b:s5+s2], $0x7D0, $0x38;
	[tilespmem:$0x109A0] =	vst v63  }
0x8a: {  	_ =	swait.ge [sflag:s3], $0x7D0  }
0x8b: {  	[sflag:s3] =	ssyncset.done $0x0  }
0x8c: {  	[sflag:s3] =	ssyncadd.s32 $0xFFFFF830  }
0x8d: {  	[tilespmem:s8], [sflag:$0x1] =	stream.indirect.gather [hbm4b:s7+s6], $0x10, s2, s6, $0xb8;
	[tilespmem:$0x109A0] =	vst v63  }
0x8e: {  	_ = 	snop  }
0x8f: {  	[tilespmem:s9], [sflag:$0x2] =	stream.indirect.gather [hbm4b:s7+s6], $0x10, s6, s6, $0xb8;
	[tilespmem:$0x109A0] =	vst v63  }
0x90: {  	_ =	swait.ge [sflag:s10], $0x7D00  }
0x91: {  	[sflag:s10] =	ssyncset.done $0x0  }
0x92: {  	[sflag:s10] =	ssyncadd.s32 $0xFFFF8300  }
0x93: {  	_ =	swait.ge [sflag:s11], $0x7D00  }
0x94: {  	[sflag:s11] =	ssyncset.done $0x0  }
0x95: {  	[sflag:s11] =	ssyncadd.s32 $0xFFFF8300  }
0x96: {  	[hbm4b:s12+s2] =	stream.linear.scatter [tilespmem:s8], [sflag:$0x3], $0x7D00, $0x38;
	[tilespmem:$0x109A0] =	vst v63  }
0x97: {  	_ =	swait.ge [sflag:s3], $0x7D00  }
0x98: {  	[sflag:s3] =	ssyncset.done $0x0  }
0x99: {  	[sflag:s3] =	ssyncadd.s32 $0xFFFF8300  }
0x9a: {  	[hbm4b:s13+s2] =	stream.linear.scatter [tilespmem:s9], [sflag:$0x3], $0x7D00, $0x38;
	[tilespmem:$0x109A0] =	vst v63  }
0x9b: {  	_ =	swait.ge [sflag:s3], $0x7D00  }
0x9c: {  	[sflag:s3] =	ssyncset.done $0x0  }
0x9d: {  	[sflag:s3] =	ssyncadd.s32 $0xFFFF8300  }
0x9e: {  	[tilespmem:s2], [sflag:$0x3] =	stream.linear.gather [hbm4b:s14+s2], $0x7D0, $0x38;
	[tilespmem:$0x109A0] =	vst v63  }
0x9f: {  	_ =	swait.ge [sflag:s3], $0x7D0  }
0xa0: {  	[sflag:s3] =	ssyncset.done $0x0  }
0xa1: {  	[sflag:s3] =	ssyncadd.s32 $0xFFFFF830  }
0xa2: {  	[tilespmem:s6], [sflag:$0x3] =	stream.linear.gather [hbm4b:s15+s2], $0x7D0, $0x38;
	[tilespmem:$0x109A0] =	vst v63  }
0xa3: {  	_ =	swait.ge [sflag:s3], $0x7D0  }
0xa4: {  	[sflag:s3] =	ssyncset.done $0x0  }
0xa5: {  	[sflag:s3] =	ssyncadd.s32 $0xFFFFF830  }
0xa6: {  	[tilespmem:s8], [sflag:$0x1] =	stream.indirect.gather [hbm4b:s7+s6], $0x10, s2, s6, $0xb8;
	[tilespmem:$0x109A0] =	vst v63  }
0xa7: {  	_ = 	snop  }
0xa8: {  	[tilespmem:s9], [sflag:$0x2] =	stream.indirect.gather [hbm4b:s7+s6], $0x10, s6, s6, $0xb8;
	[tilespmem:$0x109A0] =	vst v63  }
0xa9: {  	_ =	swait.ge [sflag:s10], $0x7D00  }
0xaa: {  	[sflag:s10] =	ssyncset.done $0x0  }
0xab: {  	[sflag:s10] =	ssyncadd.s32 $0xFFFF8300  }
0xac: {  	_ =	swait.ge [sflag:s11], $0x7D00  }
0xad: {  	[sflag:s11] =	ssyncset.done $0x0  }
0xae: {  	[sflag:s11] =	ssyncadd.s32 $0xFFFF8300  }
0xaf: {  	[hbm4b:s16+s2] =	stream.linear.scatter [tilespmem:s8], [sflag:$0x3], $0x7D00, $0x38;
	[tilespmem:$0x109A0] =	vst v63  }
0xb0: {  	_ =	swait.ge [sflag:s3], $0x7D00  }
0xb1: {  	[sflag:s3] =	ssyncset.done $0x0  }
0xb2: {  	[sflag:s3] =	ssyncadd.s32 $0xFFFF8300  }
0xb3: {  	[hbm4b:s17+s2] =	stream.linear.scatter [tilespmem:s9], [sflag:$0x3], $0x7D00, $0x38;
	[tilespmem:$0x109A0] =	vst v63  }
0xb4: {  	_ =	swait.ge [sflag:s3], $0x7D00  }
0xb5: {  	[sflag:s3] =	ssyncset.done $0x0  }
0xb6: {  	[sflag:s3] =	ssyncadd.s32 $0xFFFF8300  }
0xb7: {  	[tilespmem:s2], [sflag:$0x3] =	stream.linear.gather [hbm4b:s18+s2], $0x7D0, $0x38;
	[tilespmem:$0x109A0] =	vst v63  }
0xb8: {  	_ =	swait.ge [sflag:s3], $0x7D0  }
0xb9: {  	[sflag:s3] =	ssyncset.done $0x0  }
0xba: {  	[sflag:s3] =	ssyncadd.s32 $0xFFFFF830  }
0xbb: {  	[tilespmem:s6], [sflag:$0x3] =	stream.linear.gather [hbm4b:s19+s2], $0x7D0, $0x38;
	[tilespmem:$0x109A0] =	vst v63  }
0xbc: {  	_ =	swait.ge [sflag:s3], $0x7D0  }
0xbd: {  	[sflag:s3] =	ssyncset.done $0x0  }
0xbe: {  	[sflag:s3] =	ssyncadd.s32 $0xFFFFF830  }
0xbf: {  	[tilespmem:s8], [sflag:$0x1] =	stream.indirect.gather [hbm4b:s7+s6], $0x10, s2, s6, $0xb8;
	[tilespmem:$0x109A0] =	vst v63  }
0xc0: {  	_ = 	snop  }
0xc1: {  	[tilespmem:s9], [sflag:$0x2] =	stream.indirect.gather [hbm4b:s7+s6], $0x10, s6, s6, $0xb8;
	[tilespmem:$0x109A0] =	vst v63  }
0xc2: {  	_ =	swait.ge [sflag:s10], $0x7D00  }
0xc3: {  	[sflag:s10] =	ssyncset.done $0x0  }
0xc4: {  	[sflag:s10] =	ssyncadd.s32 $0xFFFF8300  }
0xc5: {  	_ =	swait.ge [sflag:s11], $0x7D00  }
0xc6: {  	[sflag:s11] =	ssyncset.done $0x0  }
0xc7: {  	[sflag:s11] =	ssyncadd.s32 $0xFFFF8300  }
0xc8: {  	[hbm4b:s20+s2] =	stream.linear.scatter [tilespmem:s8], [sflag:$0x3], $0x7D00, $0x38;
	[tilespmem:$0x109A0] =	vst v63  }
0xc9: {  	_ =	swait.ge [sflag:s3], $0x7D00  }
0xca: {  	[sflag:s3] =	ssyncset.done $0x0  }
0xcb: {  	[sflag:s3] =	ssyncadd.s32 $0xFFFF8300  }
0xcc: {  	[hbm4b:s21+s2] =	stream.linear.scatter [tilespmem:s9], [sflag:$0x3], $0x7D00, $0x38;
	[tilespmem:$0x109A0] =	vst v63  }
0xcd: {  	_ =	swait.ge [sflag:s3], $0x7D00  }
0xce: {  	[sflag:s3] =	ssyncset.done $0x0  }
0xcf: {  	[sflag:s3] =	ssyncadd.s32 $0xFFFF8300  }
0xd0: {  	[tilespmem:s2], [sflag:$0x3] =	stream.linear.gather [hbm4b:s22+s2], $0x7D0, $0x38;
	[tilespmem:$0x109A0] =	vst v63  }
0xd1: {  	_ =	swait.ge [sflag:s3], $0x7D0  }
0xd2: {  	[sflag:s3] =	ssyncset.done $0x0  }
0xd3: {  	[sflag:s3] =	ssyncadd.s32 $0xFFFFF830  }
0xd4: {  	[tilespmem:s6], [sflag:$0x3] =	stream.linear.gather [hbm4b:s23+s2], $0x7D0, $0x38;
	[tilespmem:$0x109A0] =	vst v63  }
0xd5: {  	_ =	swait.ge [sflag:s3], $0x7D0  }
0xd6: {  	[sflag:s3] =	ssyncset.done $0x0  }
0xd7: {  	[sflag:s3] =	ssyncadd.s32 $0xFFFFF830  }
0xd8: {  	[tilespmem:s8], [sflag:$0x1] =	stream.indirect.gather [hbm4b:s7+s6], $0x10, s2, s6, $0xb8;
	[tilespmem:$0x109A0] =	vst v63  }
0xd9: {  	_ = 	snop  }
0xda: {  	[tilespmem:s9], [sflag:$0x2] =	stream.indirect.gather [hbm4b:s7+s6], $0x10, s6, s6, $0xb8;
	[tilespmem:$0x109A0] =	vst v63  }
0xdb: {  	_ =	swait.ge [sflag:s10], $0x7D00  }
0xdc: {  	[sflag:s10] =	ssyncset.done $0x0  }
0xdd: {  	[sflag:s10] =	ssyncadd.s32 $0xFFFF8300  }
0xde: {  	_ =	swait.ge [sflag:s11], $0x7D00  }
0xdf: {  	[sflag:s11] =	ssyncset.done $0x0  }
0xe0: {  	[sflag:s11] =	ssyncadd.s32 $0xFFFF8300  }
0xe1: {  	[hbm4b:s24+s2] =	stream.linear.scatter [tilespmem:s8], [sflag:$0x3], $0x7D00, $0x38;
	[tilespmem:$0x109A0] =	vst v63  }
0xe2: {  	_ =	swait.ge [sflag:s3], $0x7D00  }
0xe3: {  	[sflag:s3] =	ssyncset.done $0x0  }
0xe4: {  	[sflag:s3] =	ssyncadd.s32 $0xFFFF8300  }
0xe5: {  	[hbm4b:s25+s2] =	stream.linear.scatter [tilespmem:s9], [sflag:$0x3], $0x7D00, $0x38;
	[tilespmem:$0x109A0] =	vst v63  }
0xe6: {  	_ =	swait.ge [sflag:s3], $0x7D00  }
0xe7: {  	[sflag:s3] =	ssyncset.done $0x0  }
0xe8: {  	[sflag:s3] =	ssyncadd.s32 $0xFFFF8300  }
0xe9: {  	[tilespmem:s2], [sflag:$0x3] =	stream.linear.gather [hbm4b:s26+s2], $0x7D0, $0x38;
	[tilespmem:$0x109A0] =	vst v63  }
0xea: {  	_ =	swait.ge [sflag:s3], $0x7D0  }
0xeb: {  	[sflag:s3] =	ssyncset.done $0x0  }
0xec: {  	[sflag:s3] =	ssyncadd.s32 $0xFFFFF830  }
0xed: {  	[tilespmem:s6], [sflag:$0x3] =	stream.linear.gather [hbm4b:s28+s2], $0x7D0, $0x38;
	[tilespmem:$0x109A0] =	vst v63  }
0xee: {  	_ =	swait.ge [sflag:s3], $0x7D0  }
0xef: {  	[sflag:s3] =	ssyncset.done $0x0  }
0xf0: {  	[sflag:s3] =	ssyncadd.s32 $0xFFFFF830  }
0xf1: {  	[tilespmem:s8], [sflag:$0x1] =	stream.indirect.gather [hbm4b:s7+s6], $0x10, s2, s6, $0xb8;
	[tilespmem:$0x109A0] =	vst v63  }
0xf2: {  	_ = 	snop  }
0xf3: {  	[tilespmem:s9], [sflag:$0x2] =	stream.indirect.gather [hbm4b:s7+s6], $0x10, s6, s6, $0xb8;
	[tilespmem:$0x109A0] =	vst v63  }
0xf4: {  	_ =	swait.ge [sflag:s10], $0x7D00  }
0xf5: {  	[sflag:s10] =	ssyncset.done $0x0  }
0xf6: {  	[sflag:s10] =	ssyncadd.s32 $0xFFFF8300  }
0xf7: {  	_ =	swait.ge [sflag:s11], $0x7D00  }
0xf8: {  	[sflag:s11] =	ssyncset.done $0x0  }
0xf9: {  	[sflag:s11] =	ssyncadd.s32 $0xFFFF8300  }
0xfa: {  	[hbm4b:s29+s2] =	stream.linear.scatter [tilespmem:s8], [sflag:$0x3], $0x7D00, $0x38;
	[tilespmem:$0x109A0] =	vst v63  }
0xfb: {  	_ =	swait.ge [sflag:s3], $0x7D00  }
.Ltmp1:
0xfc: {  	[sflag:s3] =	ssyncset.done $0x0;
	(pc) =	sbr.rel @p0 .LBB2_1-.Ltmp1, $4  }
0xfd: {  	[sflag:s3] =	ssyncadd.s32 $0xFFFF8300  }
0xfe: {  	[hbm4b:s30+s2] =	stream.linear.scatter [tilespmem:s9], [sflag:$0x3], $0x7D00, $0x38;
	[tilespmem:$0x109A0] =	vst v63  }
0xff: {  	_ =	swait.ge [sflag:s3], $0x7D00  }
0x100: {  	[sflag:s3] =	ssyncset.done $0x0  }
.LBB2_2:
0x101: {  	[sflag:s3] =	ssyncadd.s32 $0xFFFF8300  }
0x102: {  	_ =	sfence.sel $0x180000  }
0x103: {  	[bflag:$0x0] =	sbarrier.arrive $0xFFFF  }
0x104: {  	_ =	strace $0x90000047  }
0x105: {  	s0 =	stileid.u32;
	[bflag:$0x2] =	sbarrier.arrive $0xFFFF  }
0x106: {  	p0 =	sne.s32 s0, $0x0;
	s0 =	rddreg [dreg:$0x2]  }
0x107: {  	s0 =	sadd.s32 @!p0 $0x100000, s0  }
0x108: {  	[sflag:s0] =	ssyncadd.tile.s32 @!p0 $0x1;
	_ =	shalt  }
.Lfunc_end2:
_tile_overlayer_lowered:
.L_overlay_start_2:
0x109: {  	(tag) =	ssettag $0x2  }
0x10a: {  	s0 =	rddreg [dreg:$0x0];
	s2 =	stileid.u32  }
0x10b: {  	s1 =	rddreg [dreg:$0x1];
	p0 =	sne.s32 s2, $0x0  }
0x10c: {  	s3 =	rddreg [dreg:$0x2];
	[bflag:$0x3] =	sbarrier.arrive $0xFFFF;
	s2 =	simm.s32 @!p0 $0x1C03  }
0x10d: {  	[timem:s3], [sflag:s2] =	dma.local @!p0 [hbm:s0], s1  }
0x10e: {  	s0 =	simm.s32 @!p0 $0x3  }
0x10f: {  	_ =	swait.ge @!p0 [sflag:s0], s1  }
0x110: {  	s1 =	ssub.s32 @!p0 $0x0, s1;
	[sflag:s0] =	ssyncset.done @!p0 $0x0  }
0x111: {  	[sflag:s0] =	ssyncadd.s32 @!p0 s1  }
0x112: {  	[bflag:$0x3] =	sbarrier.arrive $0xFFFF  }
0x113: {  	_ =	shalt  }

</sc_bundles>
